<compile_context>
chip_gen: v7x
topology: tpu7x:2x2x1
jax: 0.10.2.dev20260603
libtpu: 0.0.44.dev20260713+nightly
codegen_flags: <defaults>
</compile_context>

<pallas_src>
import functools

import jax
import jax.numpy as jnp
from jax import lax
from jax.experimental import pallas as pl
from jax.experimental.pallas import tpu as pltpu
from jax.experimental.pallas import tpu_sc as plsc

N_NODES = 10000
N_EDGES = 320000
D_FEAT = 128
HIDDEN = 256
N_ACTIONS = 16

NC = 2
NS = 16
CH = 128

HALF = 5056
ACC_ROWS = 5120
LTRASH = HALF
RPT = ACC_ROWS // NS
STRIPE = (CH, CH, RPT - 2 * CH)
OUT_ROWS = 10240

EPT = 20224
NCHUNK = EPT // CH
E_PAD = NS * EPT
EPT_D = E_PAD // (NC * NS)
NCHUNK_D = EPT_D // CH


DEG_ROWS = 10240
DPT = DEG_ROWS // NS


def _deg_body(dst_d, zeros1, ones1, deg_out, didx, ones_v, buf, acc):
    c = lax.axis_index("c")
    s = lax.axis_index("s")
    pltpu.sync_copy(ones1, ones_v)
    pltpu.sync_copy(zeros1, buf)
    pltpu.sync_copy(buf, acc.at[pl.ds(s * DPT, DPT)])
    pltpu.sync_copy(dst_d.at[c, s], didx)
    plsc.subcore_barrier()

    def step(j, _):
        pltpu.sync_copy(ones_v, acc.at[didx.at[j]], add=True)
        return 0

    lax.fori_loop(0, NCHUNK_D, step, 0)
    plsc.subcore_barrier()
    pltpu.sync_copy(acc.at[pl.ds(s * DPT, DPT)], buf)
    pltpu.sync_copy(buf, deg_out.at[c, pl.ds(s * DPT, DPT)])


_deg_kernel = functools.partial(
    pl.kernel,
    out_type=jax.ShapeDtypeStruct((NC, DEG_ROWS), jnp.float32),
    mesh=plsc.VectorSubcoreMesh(core_axis_name="c", subcore_axis_name="s"),
    scratch_types=[
        pltpu.VMEM((NCHUNK_D, CH), jnp.int32),
        pltpu.VMEM((CH,), jnp.float32),
        pltpu.VMEM((DPT,), jnp.float32),
        pltpu.VMEM_SHARED((DEG_ROWS,), jnp.float32),
    ],
)(_deg_body)


def _scatter_body(hp, src_g, dst_gl, zeros128, out, sidx, didx, rows0, rows1,
                  sem0, sem1, acc):
    c = lax.axis_index("c")
    s = lax.axis_index("s")
    pltpu.sync_copy(src_g.at[c, s], sidx)
    for g in range(2):
        pltpu.sync_copy(zeros128, rows0)
        off = 0
        for sz in STRIPE:
            pltpu.sync_copy(rows0.at[pl.ds(0, sz)],
                            acc.at[pl.ds(s * RPT + off, sz)])
            off += sz
        pltpu.sync_copy(dst_gl.at[g, s], didx)
        plsc.subcore_barrier()

        def step(i, _):
            j0 = 2 * i
            j1 = 2 * i + 1
            cp0 = pltpu.async_copy(hp.at[sidx.at[j0]], rows0, sem0)
            cp1 = pltpu.async_copy(hp.at[sidx.at[j1]], rows1, sem1)
            cp0.wait()
            pltpu.sync_copy(rows0, acc.at[didx.at[j0]], add=True)
            cp1.wait()
            pltpu.sync_copy(rows1, acc.at[didx.at[j1]], add=True)
            return 0

        lax.fori_loop(0, NCHUNK // 2, step, 0)
        plsc.subcore_barrier()
        off = 0
        for sz in STRIPE:
            r0 = s * RPT + off
            pltpu.sync_copy(acc.at[pl.ds(r0, sz)], rows0.at[pl.ds(0, sz)])
            pltpu.sync_copy(rows0.at[pl.ds(0, sz)],
                            out.at[pl.ds(c * OUT_ROWS + g * HALF + r0, sz)])
            off += sz


_scatter_kernel = functools.partial(
    pl.kernel,
    out_type=jax.ShapeDtypeStruct((NC * OUT_ROWS, D_FEAT), jnp.float32),
    mesh=plsc.VectorSubcoreMesh(core_axis_name="c", subcore_axis_name="s"),
    scratch_types=[
        pltpu.VMEM((NCHUNK, CH), jnp.int32),
        pltpu.VMEM((NCHUNK, CH), jnp.int32),
        pltpu.VMEM((CH, D_FEAT), jnp.float32),
        pltpu.VMEM((CH, D_FEAT), jnp.float32),
        pltpu.SemaphoreType.DMA,
        pltpu.SemaphoreType.DMA,
        pltpu.VMEM_SHARED((ACC_ROWS, D_FEAT), jnp.float32),
    ],
)(_scatter_body)


BN = 1000
GRID = N_NODES // BN


def _prep_body(x_ref, w_ref, degp_ref, hp_ref, dis_ref):
    deg = degp_ref[0] + degp_ref[1] + 1.0
    dis = lax.rsqrt(deg)
    dis_ref[...] = dis
    h = jnp.dot(x_ref[...], w_ref[...], preferred_element_type=jnp.float32)
    hp = h * dis
    hp_ref[0] = hp[:, :D_FEAT]
    hp_ref[1] = hp[:, D_FEAT:]


_prep_call = pl.pallas_call(
    _prep_body,
    grid=(GRID,),
    in_specs=[
        pl.BlockSpec((BN, D_FEAT), lambda i: (i, 0)),
        pl.BlockSpec((D_FEAT, HIDDEN), lambda i: (0, 0)),
        pl.BlockSpec((NC, BN, 1), lambda i: (0, i, 0)),
    ],
    out_specs=[
        pl.BlockSpec((NC, BN, D_FEAT), lambda i: (0, i, 0)),
        pl.BlockSpec((BN, 1), lambda i: (i, 0)),
    ],
    out_shape=[
        jax.ShapeDtypeStruct((NC, N_NODES, D_FEAT), jnp.float32),
        jax.ShapeDtypeStruct((N_NODES, 1), jnp.float32),
    ],
)


def _mid_body(osc_ref, hp_ref, dis_ref, b_ref, w_ref, out_ref):
    disc = dis_ref[...]
    hp = jnp.concatenate([hp_ref[0], hp_ref[1]], axis=1)
    m = jnp.concatenate([osc_ref[0], osc_ref[1]], axis=1) + hp
    z = jnp.maximum(disc * m + b_ref[...], 0.0)
    h = jnp.dot(z, w_ref[...], preferred_element_type=jnp.float32)
    hpn = h * disc
    out_ref[0] = hpn[:, :D_FEAT]
    out_ref[1] = hpn[:, D_FEAT:]


_mid_call = pl.pallas_call(
    _mid_body,
    grid=(GRID,),
    in_specs=[
        pl.BlockSpec((NC, BN, D_FEAT), lambda i: (0, i, 0)),
        pl.BlockSpec((NC, BN, D_FEAT), lambda i: (0, i, 0)),
        pl.BlockSpec((BN, 1), lambda i: (i, 0)),
        pl.BlockSpec((1, HIDDEN), lambda i: (0, 0)),
        pl.BlockSpec((HIDDEN, HIDDEN), lambda i: (0, 0)),
    ],
    out_specs=pl.BlockSpec((NC, BN, D_FEAT), lambda i: (0, i, 0)),
    out_shape=jax.ShapeDtypeStruct((NC, N_NODES, D_FEAT), jnp.float32),
)


def _fin_body(osc_ref, hp_ref, dis_ref, b_ref, wlin_ref, blin_ref, out_ref,
              sum_ref, max_ref):
    i = pl.program_id(0)
    disc = dis_ref[...]
    hp = jnp.concatenate([hp_ref[0], hp_ref[1]], axis=1)
    m = jnp.concatenate([osc_ref[0], osc_ref[1]], axis=1) + hp
    z = jnp.maximum(disc * m + b_ref[...], 0.0)
    zs = jnp.sum(z, axis=0, keepdims=True)
    zm = jnp.max(z, axis=0, keepdims=True)

    @pl.when(i == 0)
    def _():
        sum_ref[...] = zs
        max_ref[...] = zm

    @pl.when(i > 0)
    def _():
        sum_ref[...] = sum_ref[...] + zs
        max_ref[...] = jnp.maximum(max_ref[...], zm)

    g = jnp.concatenate(
        [sum_ref[...] * (1.0 / N_NODES), max_ref[...], sum_ref[...]], axis=1)
    out_ref[...] = (
        jnp.dot(g, wlin_ref[...], preferred_element_type=jnp.float32)
        + blin_ref[...])


_fin_call = pl.pallas_call(
    _fin_body,
    grid=(GRID,),
    in_specs=[
        pl.BlockSpec((NC, BN, D_FEAT), lambda i: (0, i, 0)),
        pl.BlockSpec((NC, BN, D_FEAT), lambda i: (0, i, 0)),
        pl.BlockSpec((BN, 1), lambda i: (i, 0)),
        pl.BlockSpec((1, HIDDEN), lambda i: (0, 0)),
        pl.BlockSpec((HIDDEN * 3, N_ACTIONS), lambda i: (0, 0)),
        pl.BlockSpec((1, N_ACTIONS), lambda i: (0, 0)),
    ],
    out_specs=pl.BlockSpec((1, N_ACTIONS), lambda i: (0, 0)),
    out_shape=jax.ShapeDtypeStruct((1, N_ACTIONS), jnp.float32),
    scratch_shapes=[
        pltpu.VMEM((1, HIDDEN), jnp.float32),
        pltpu.VMEM((1, HIDDEN), jnp.float32),
    ],
)


def kernel(x, edge_index, pos, W1, b1, W2, b2, W3, b3, Wlin, blin):
    src = edge_index[0].astype(jnp.int32)
    dst = edge_index[1].astype(jnp.int32)
    pad = E_PAD - N_EDGES
    srcp = jnp.concatenate([src, jnp.zeros((pad,), jnp.int32)])
    dstp = jnp.concatenate([dst, jnp.full((pad,), 2 * HALF, jnp.int32)])
    src_r = srcp.reshape(NS, NCHUNK, CH)
    src_g = jnp.stack([src_r, src_r + N_NODES])
    dst_locs = []
    for g in range(2):
        loc = dstp - g * HALF
        loc = jnp.where((loc >= 0) & (loc < HALF), loc, LTRASH)
        dst_locs.append(loc)
    dst_gl = jnp.stack([l.reshape(NS, NCHUNK, CH) for l in dst_locs])
    dst_d = dstp.reshape(NC, NS, NCHUNK_D, CH)

    zeros1 = jnp.zeros((DPT,), jnp.float32)
    ones1 = jnp.ones((CH,), jnp.float32)
    zeros128 = jnp.zeros((CH, D_FEAT), jnp.float32)
    b1r = b1.reshape(1, HIDDEN)
    b2r = b2.reshape(1, HIDDEN)
    b3r = b3.reshape(1, HIDDEN)
    blinr = blin.reshape(1, N_ACTIONS)

    degp = _deg_kernel(dst_d, zeros1, ones1)
    hp1, dis = _prep_call(x, W1, degp.reshape(NC, DEG_ROWS, 1))
    osc1 = _scatter_kernel(hp1.reshape(NC * N_NODES, D_FEAT),
                           src_g, dst_gl, zeros128)
    hp2 = _mid_call(osc1.reshape(NC, OUT_ROWS, D_FEAT), hp1, dis, b1r, W2)
    osc2 = _scatter_kernel(hp2.reshape(NC * N_NODES, D_FEAT),
                           src_g, dst_gl, zeros128)
    hp3 = _mid_call(osc2.reshape(NC, OUT_ROWS, D_FEAT), hp2, dis, b2r, W3)
    osc3 = _scatter_kernel(hp3.reshape(NC * N_NODES, D_FEAT),
                           src_g, dst_gl, zeros128)
    return _fin_call(osc3.reshape(NC, OUT_ROWS, D_FEAT), hp3, dis, b3r,
                     Wlin, blinr)

# --- scband reference (transcript-rebuilt; emitter-appended) ---
"""Pipeline reference for scband-qfunction-11510512353972 (READ-ONLY COPY).

The authoritative reference and input builder live on the scoring server;
editing this copy changes nothing except your own understanding.
"""

import jax, jax.numpy as jnp
import numpy as np

N_NODES = 10000
N_EDGES = 320000
D_FEAT = 128
HIDDEN = 256
N_ACTIONS = 16


def _gcn_conv(x, src, dst, W, b):
    # PyG GCNConv with added self-loops (already concatenated into src/dst):
    # out = D^{-1/2} (A+I) D^{-1/2} X W + b, deg computed over dst with unit edge weights
    N = x.shape[0]
    deg = jnp.zeros((N,), x.dtype).at[dst].add(1.0)
    deg_inv_sqrt = jnp.where(deg > 0, deg ** -0.5, 0.0)
    norm = deg_inv_sqrt[src] * deg_inv_sqrt[dst]
    h = x @ W
    out = jnp.zeros((N, W.shape[1]), x.dtype).at[dst].add(h[src] * norm[:, None])
    return out + b


def setup_inputs(seed: int = 0) -> dict:
    key = jax.random.key(seed)
    ks = jax.random.split(key, 12)
    x = jax.random.normal(ks[0], (N_NODES, D_FEAT), dtype=jnp.float32)
    edge_index = jax.random.randint(ks[1], (2, N_EDGES), 0, N_NODES, dtype=jnp.int64)
    pos = jax.random.normal(ks[2], (N_NODES, 3), dtype=jnp.float32)
    W1 = jax.random.normal(ks[3], (D_FEAT, HIDDEN), dtype=jnp.float32) * (1.0 / np.sqrt(D_FEAT))
    b1 = jnp.zeros((HIDDEN,), dtype=jnp.float32)
    W2 = jax.random.normal(ks[4], (HIDDEN, HIDDEN), dtype=jnp.float32) * (1.0 / np.sqrt(HIDDEN))
    b2 = jnp.zeros((HIDDEN,), dtype=jnp.float32)
    W3 = jax.random.normal(ks[5], (HIDDEN, HIDDEN), dtype=jnp.float32) * (1.0 / np.sqrt(HIDDEN))
    b3 = jnp.zeros((HIDDEN,), dtype=jnp.float32)
    Wlin = jax.random.normal(ks[6], (HIDDEN * 3, N_ACTIONS), dtype=jnp.float32) * (1.0 / np.sqrt(HIDDEN * 3))
    blin = jnp.zeros((N_ACTIONS,), dtype=jnp.float32)
    return {"x": x, "edge_index": edge_index, "pos": pos,
            "W1": W1, "b1": b1, "W2": W2, "b2": b2, "W3": W3, "b3": b3,
            "Wlin": Wlin, "blin": blin}


def reference(x, edge_index, pos, W1, b1, W2, b2, W3, b3, Wlin, blin):
    # pos is read in the original forward but never used in the computation.
    # Eval-mode semantics: dropout is identity.
    N = x.shape[0]
    loop = jnp.arange(N, dtype=edge_index.dtype)
    src = jnp.concatenate([edge_index[0], loop])
    dst = jnp.concatenate([edge_index[1], loop])
    h = jax.nn.relu(_gcn_conv(x, src, dst, W1, b1))
    h = jax.nn.relu(_gcn_conv(h, src, dst, W2, b2))
    h = jax.nn.relu(_gcn_conv(h, src, dst, W3, b3))
    # batch is all-zeros -> single graph: global mean/max/add pools over all nodes
    g_mean = jnp.mean(h, axis=0, keepdims=True)
    g_max = jnp.max(h, axis=0, keepdims=True)
    g_sum = jnp.sum(h, axis=0, keepdims=True)
    g = jnp.concatenate([g_mean, g_max, g_sum], axis=1)
    return g @ Wlin + blin

if __name__ == "__main__":
    import jax
    _d = setup_inputs()
    print(jax.jit(kernel)(*tuple(_d.values())))

</pallas_src>

<mosaic_0001>
#map = affine_map<(d0, d1) -> (0, 0)>
#map1 = affine_map<(d0, d1) -> (0, 0, 0, 0)>
module attributes {stable_mosaic.version = 14 : i64} {
  func.func @_scatter_body(%arg0: i32, %arg1: i32, %arg2: memref<20000x128xf32, #tpu.memory_space<hbm>>, %arg3: memref<2x16x158x128xi32, #tpu.memory_space<hbm>>, %arg4: memref<2x16x158x128xi32, #tpu.memory_space<hbm>>, %arg5: memref<128x128xf32, #tpu.memory_space<hbm>>, %arg6: memref<20480x128xf32, #tpu.memory_space<hbm>>, %arg7: memref<158x128xi32, #tpu.memory_space<vmem>>, %arg8: memref<158x128xi32, #tpu.memory_space<vmem>>, %arg9: memref<128x128xf32, #tpu.memory_space<vmem>>, %arg10: memref<128x128xf32, #tpu.memory_space<vmem>>, %arg11: memref<!tpu.dma_semaphore, #tpu.memory_space<semaphore_mem>>, %arg12: memref<!tpu.dma_semaphore, #tpu.memory_space<semaphore_mem>>, %arg13: memref<5120x128xf32, #tpu.memory_space<vmem_shared>>) attributes {dimension_semantics = [#tpu.dimension_semantics<core_parallel>, #tpu.dimension_semantics<subcore_parallel>], iteration_bounds = array<i64: 2, 16>, scalar_prefetch = 0 : i64, scratch_operands = 7 : i64, tpu.core_type = #tpu.core_type<sc_vector_subcore>, window_params = [{transform_indices = #map}, {transform_indices = #map1}, {transform_indices = #map1}, {transform_indices = #map}, {transform_indices = #map}]} {
    "tpu.region"() ({
      %run_scoped3A_93 = tpu.sem_alloc : memref<!tpu.dma_semaphore, #tpu.memory_space<semaphore_mem>>
      %dma_start3A = arith.constant 0 : i32
      %dma_start3A_94 = arith.constant 0 : i32
      %dma_start3A_95 = tpu.memref_slice %arg3[%arg0, %arg1, %dma_start3A, %dma_start3A_94] : memref<2x16x158x128xi32, #tpu.memory_space<hbm>> -> memref<1x1x158x128xi32, #tpu.memory_space<hbm>>
      %dma_start3A_96 = tpu.memref_squeeze %dma_start3A_95 : memref<1x1x158x128xi32, #tpu.memory_space<hbm>> -> memref<158x128xi32, #tpu.memory_space<hbm>>
      %dma_start3A_97 = arith.constant 0 : i32
      %dma_start3A_98 = arith.constant 0 : i32
      %dma_start3A_99 = tpu.memref_slice %arg3[%arg0, %arg1, %dma_start3A_97, %dma_start3A_98] : memref<2x16x158x128xi32, #tpu.memory_space<hbm>> -> memref<1x1x158x128xi32, #tpu.memory_space<hbm>>
      %dma_start3A_100 = tpu.memref_squeeze %dma_start3A_99 : memref<1x1x158x128xi32, #tpu.memory_space<hbm>> -> memref<158x128xi32, #tpu.memory_space<hbm>>
      tpu.enqueue_dma source(%dma_start3A_100 : memref<158x128xi32, #tpu.memory_space<hbm>>) target(%arg7 : memref<158x128xi32, #tpu.memory_space<vmem>>) target_semaphore(%run_scoped3A_93 : memref<!tpu.dma_semaphore, #tpu.memory_space<semaphore_mem>>)
      %dma_wait3A = arith.constant 0 : i32
      %dma_wait3A_101 = arith.constant 0 : i32
      %dma_wait3A_102 = tpu.memref_slice %arg3[%arg0, %arg1, %dma_wait3A, %dma_wait3A_101] : memref<2x16x158x128xi32, #tpu.memory_space<hbm>> -> memref<1x1x158x128xi32, #tpu.memory_space<hbm>>
      %dma_wait3A_103 = tpu.memref_squeeze %dma_wait3A_102 : memref<1x1x158x128xi32, #tpu.memory_space<hbm>> -> memref<158x128xi32, #tpu.memory_space<hbm>>
      %dma_wait3A_104 = arith.constant 0 : i32
      %dma_wait3A_105 = arith.constant 0 : i32
      %dma_wait3A_106 = tpu.memref_slice %arg3[%arg0, %arg1, %dma_wait3A_104, %dma_wait3A_105] : memref<2x16x158x128xi32, #tpu.memory_space<hbm>> -> memref<1x1x158x128xi32, #tpu.memory_space<hbm>>
      %dma_wait3A_107 = tpu.memref_squeeze %dma_wait3A_106 : memref<1x1x158x128xi32, #tpu.memory_space<hbm>> -> memref<158x128xi32, #tpu.memory_space<hbm>>
      tpu.wait_dma2 semaphore(%run_scoped3A_93 : memref<!tpu.dma_semaphore, #tpu.memory_space<semaphore_mem>>) src(%dma_wait3A_107 : memref<158x128xi32, #tpu.memory_space<hbm>>) dst(%arg7 : memref<158x128xi32, #tpu.memory_space<vmem>>)
      tpu.yield
    }) : () -> ()
    "tpu.region"() ({
      %run_scoped3A_93 = tpu.sem_alloc : memref<!tpu.dma_semaphore, #tpu.memory_space<semaphore_mem>>
      tpu.enqueue_dma source(%arg5 : memref<128x128xf32, #tpu.memory_space<hbm>>) target(%arg9 : memref<128x128xf32, #tpu.memory_space<vmem>>) target_semaphore(%run_scoped3A_93 : memref<!tpu.dma_semaphore, #tpu.memory_space<semaphore_mem>>)
      tpu.wait_dma2 semaphore(%run_scoped3A_93 : memref<!tpu.dma_semaphore, #tpu.memory_space<semaphore_mem>>) src(%arg5 : memref<128x128xf32, #tpu.memory_space<hbm>>) dst(%arg9 : memref<128x128xf32, #tpu.memory_space<vmem>>)
      tpu.yield
    }) : () -> ()
    %mul3A = arith.constant 320 : i32
    %mul3A_0 = arith.muli %arg1, %mul3A : i32
    %add3A = arith.constant 0 : i32
    %add3A_1 = arith.addi %mul3A_0, %add3A : i32
    "tpu.region"() ({
      %run_scoped3A_93 = tpu.sem_alloc : memref<!tpu.dma_semaphore, #tpu.memory_space<semaphore_mem>>
      %dma_start3A = arith.constant 0 : i32
      %dma_start3A_94 = arith.constant 0 : i32
      %dma_start3A_95 = tpu.memref_slice %arg9[%dma_start3A, %dma_start3A_94] : memref<128x128xf32, #tpu.memory_space<vmem>> -> memref<128x128xf32, #tpu.memory_space<vmem>>
      %dma_start3A_96 = arith.constant 0 : i32
      %dma_start3A_97 = tpu.memref_slice %arg13[%add3A_1, %dma_start3A_96] : memref<5120x128xf32, #tpu.memory_space<vmem_shared>> -> memref<128x128xf32, #tpu.memory_space<vmem_shared>>
      %dma_start3A_98 = arith.constant 0 : i32
      %dma_start3A_99 = tpu.memref_slice %arg13[%add3A_1, %dma_start3A_98] : memref<5120x128xf32, #tpu.memory_space<vmem_shared>> -> memref<128x128xf32, #tpu.memory_space<vmem_shared>>
      %dma_start3A_100 = arith.constant 0 : i32
      %dma_start3A_101 = arith.constant 0 : i32
      %dma_start3A_102 = tpu.memref_slice %arg9[%dma_start3A_100, %dma_start3A_101] : memref<128x128xf32, #tpu.memory_space<vmem>> -> memref<128x128xf32, #tpu.memory_space<vmem>>
      tpu.enqueue_dma source(%dma_start3A_102 : memref<128x128xf32, #tpu.memory_space<vmem>>) target(%dma_start3A_99 : memref<128x128xf32, #tpu.memory_space<vmem_shared>>) target_semaphore(%run_scoped3A_93 : memref<!tpu.dma_semaphore, #tpu.memory_space<semaphore_mem>>)
      %dma_wait3A = arith.constant 0 : i32
      %dma_wait3A_103 = arith.constant 0 : i32
      %dma_wait3A_104 = tpu.memref_slice %arg9[%dma_wait3A, %dma_wait3A_103] : memref<128x128xf32, #tpu.memory_space<vmem>> -> memref<128x128xf32, #tpu.memory_space<vmem>>
      %dma_wait3A_105 = arith.constant 0 : i32
      %dma_wait3A_106 = tpu.memref_slice %arg13[%add3A_1, %dma_wait3A_105] : memref<5120x128xf32, #tpu.memory_space<vmem_shared>> -> memref<128x128xf32, #tpu.memory_space<vmem_shared>>
      %dma_wait3A_107 = arith.constant 0 : i32
      %dma_wait3A_108 = tpu.memref_slice %arg13[%add3A_1, %dma_wait3A_107] : memref<5120x128xf32, #tpu.memory_space<vmem_shared>> -> memref<128x128xf32, #tpu.memory_space<vmem_shared>>
      %dma_wait3A_109 = arith.constant 0 : i32
      %dma_wait3A_110 = arith.constant 0 : i32
      %dma_wait3A_111 = tpu.memref_slice %arg9[%dma_wait3A_109, %dma_wait3A_110] : memref<128x128xf32, #tpu.memory_space<vmem>> -> memref<128x128xf32, #tpu.memory_space<vmem>>
      tpu.wait_dma2 semaphore(%run_scoped3A_93 : memref<!tpu.dma_semaphore, #tpu.memory_space<semaphore_mem>>) src(%dma_wait3A_111 : memref<128x128xf32, #tpu.memory_space<vmem>>) dst(%dma_wait3A_108 : memref<128x128xf32, #tpu.memory_space<vmem_shared>>)
      tpu.yield
    }) : () -> ()
    %mul3A_2 = arith.constant 320 : i32
    %mul3A_3 = arith.muli %arg1, %mul3A_2 : i32
    %add3A_4 = arith.constant 128 : i32
    %add3A_5 = arith.addi %mul3A_3, %add3A_4 : i32
    "tpu.region"() ({
      %run_scoped3A_93 = tpu.sem_alloc : memref<!tpu.dma_semaphore, #tpu.memory_space<semaphore_mem>>
      %dma_start3A = arith.constant 0 : i32
      %dma_start3A_94 = arith.constant 0 : i32
      %dma_start3A_95 = tpu.memref_slice %arg9[%dma_start3A, %dma_start3A_94] : memref<128x128xf32, #tpu.memory_space<vmem>> -> memref<128x128xf32, #tpu.memory_space<vmem>>
      %dma_start3A_96 = arith.constant 0 : i32
      %dma_start3A_97 = tpu.memref_slice %arg13[%add3A_5, %dma_start3A_96] : memref<5120x128xf32, #tpu.memory_space<vmem_shared>> -> memref<128x128xf32, #tpu.memory_space<vmem_shared>>
      %dma_start3A_98 = arith.constant 0 : i32
      %dma_start3A_99 = tpu.memref_slice %arg13[%add3A_5, %dma_start3A_98] : memref<5120x128xf32, #tpu.memory_space<vmem_shared>> -> memref<128x128xf32, #tpu.memory_space<vmem_shared>>
      %dma_start3A_100 = arith.constant 0 : i32
      %dma_start3A_101 = arith.constant 0 : i32
      %dma_start3A_102 = tpu.memref_slice %arg9[%dma_start3A_100, %dma_start3A_101] : memref<128x128xf32, #tpu.memory_space<vmem>> -> memref<128x128xf32, #tpu.memory_space<vmem>>
      tpu.enqueue_dma source(%dma_start3A_102 : memref<128x128xf32, #tpu.memory_space<vmem>>) target(%dma_start3A_99 : memref<128x128xf32, #tpu.memory_space<vmem_shared>>) target_semaphore(%run_scoped3A_93 : memref<!tpu.dma_semaphore, #tpu.memory_space<semaphore_mem>>)
      %dma_wait3A = arith.constant 0 : i32
      %dma_wait3A_103 = arith.constant 0 : i32
      %dma_wait3A_104 = tpu.memref_slice %arg9[%dma_wait3A, %dma_wait3A_103] : memref<128x128xf32, #tpu.memory_space<vmem>> -> memref<128x128xf32, #tpu.memory_space<vmem>>
      %dma_wait3A_105 = arith.constant 0 : i32
      %dma_wait3A_106 = tpu.memref_slice %arg13[%add3A_5, %dma_wait3A_105] : memref<5120x128xf32, #tpu.memory_space<vmem_shared>> -> memref<128x128xf32, #tpu.memory_space<vmem_shared>>
      %dma_wait3A_107 = arith.constant 0 : i32
      %dma_wait3A_108 = tpu.memref_slice %arg13[%add3A_5, %dma_wait3A_107] : memref<5120x128xf32, #tpu.memory_space<vmem_shared>> -> memref<128x128xf32, #tpu.memory_space<vmem_shared>>
      %dma_wait3A_109 = arith.constant 0 : i32
      %dma_wait3A_110 = arith.constant 0 : i32
      %dma_wait3A_111 = tpu.memref_slice %arg9[%dma_wait3A_109, %dma_wait3A_110] : memref<128x128xf32, #tpu.memory_space<vmem>> -> memref<128x128xf32, #tpu.memory_space<vmem>>
      tpu.wait_dma2 semaphore(%run_scoped3A_93 : memref<!tpu.dma_semaphore, #tpu.memory_space<semaphore_mem>>) src(%dma_wait3A_111 : memref<128x128xf32, #tpu.memory_space<vmem>>) dst(%dma_wait3A_108 : memref<128x128xf32, #tpu.memory_space<vmem_shared>>)
      tpu.yield
    }) : () -> ()
    %mul3A_6 = arith.constant 320 : i32
    %mul3A_7 = arith.muli %arg1, %mul3A_6 : i32
    %add3A_8 = arith.constant 256 : i32
    %add3A_9 = arith.addi %mul3A_7, %add3A_8 : i32
    "tpu.region"() ({
      %run_scoped3A_93 = tpu.sem_alloc : memref<!tpu.dma_semaphore, #tpu.memory_space<semaphore_mem>>
      %dma_start3A = arith.constant 0 : i32
      %dma_start3A_94 = arith.constant 0 : i32
      %dma_start3A_95 = tpu.memref_slice %arg9[%dma_start3A, %dma_start3A_94] : memref<128x128xf32, #tpu.memory_space<vmem>> -> memref<64x128xf32, #tpu.memory_space<vmem>>
      %dma_start3A_96 = arith.constant 0 : i32
      %dma_start3A_97 = tpu.memref_slice %arg13[%add3A_9, %dma_start3A_96] : memref<5120x128xf32, #tpu.memory_space<vmem_shared>> -> memref<64x128xf32, #tpu.memory_space<vmem_shared>>
      %dma_start3A_98 = arith.constant 0 : i32
      %dma_start3A_99 = tpu.memref_slice %arg13[%add3A_9, %dma_start3A_98] : memref<5120x128xf32, #tpu.memory_space<vmem_shared>> -> memref<64x128xf32, #tpu.memory_space<vmem_shared>>
      %dma_start3A_100 = arith.constant 0 : i32
      %dma_start3A_101 = arith.constant 0 : i32
      %dma_start3A_102 = tpu.memref_slice %arg9[%dma_start3A_100, %dma_start3A_101] : memref<128x128xf32, #tpu.memory_space<vmem>> -> memref<64x128xf32, #tpu.memory_space<vmem>>
      tpu.enqueue_dma source(%dma_start3A_102 : memref<64x128xf32, #tpu.memory_space<vmem>>) target(%dma_start3A_99 : memref<64x128xf32, #tpu.memory_space<vmem_shared>>) target_semaphore(%run_scoped3A_93 : memref<!tpu.dma_semaphore, #tpu.memory_space<semaphore_mem>>)
      %dma_wait3A = arith.constant 0 : i32
      %dma_wait3A_103 = arith.constant 0 : i32
      %dma_wait3A_104 = tpu.memref_slice %arg9[%dma_wait3A, %dma_wait3A_103] : memref<128x128xf32, #tpu.memory_space<vmem>> -> memref<64x128xf32, #tpu.memory_space<vmem>>
      %dma_wait3A_105 = arith.constant 0 : i32
      %dma_wait3A_106 = tpu.memref_slice %arg13[%add3A_9, %dma_wait3A_105] : memref<5120x128xf32, #tpu.memory_space<vmem_shared>> -> memref<64x128xf32, #tpu.memory_space<vmem_shared>>
      %dma_wait3A_107 = arith.constant 0 : i32
      %dma_wait3A_108 = tpu.memref_slice %arg13[%add3A_9, %dma_wait3A_107] : memref<5120x128xf32, #tpu.memory_space<vmem_shared>> -> memref<64x128xf32, #tpu.memory_space<vmem_shared>>
      %dma_wait3A_109 = arith.constant 0 : i32
      %dma_wait3A_110 = arith.constant 0 : i32
      %dma_wait3A_111 = tpu.memref_slice %arg9[%dma_wait3A_109, %dma_wait3A_110] : memref<128x128xf32, #tpu.memory_space<vmem>> -> memref<64x128xf32, #tpu.memory_space<vmem>>
      tpu.wait_dma2 semaphore(%run_scoped3A_93 : memref<!tpu.dma_semaphore, #tpu.memory_space<semaphore_mem>>) src(%dma_wait3A_111 : memref<64x128xf32, #tpu.memory_space<vmem>>) dst(%dma_wait3A_108 : memref<64x128xf32, #tpu.memory_space<vmem_shared>>)
      tpu.yield
    }) : () -> ()
    %run_scoped3A = arith.constant 0 : i32
    "tpu.region"() ({
      %run_scoped3A_93 = tpu.sem_alloc : memref<!tpu.dma_semaphore, #tpu.memory_space<semaphore_mem>>
      %dma_start3A = arith.constant 0 : i32
      %dma_start3A_94 = arith.constant 0 : i32
      %dma_start3A_95 = tpu.memref_slice %arg4[%run_scoped3A, %arg1, %dma_start3A, %dma_start3A_94] : memref<2x16x158x128xi32, #tpu.memory_space<hbm>> -> memref<1x1x158x128xi32, #tpu.memory_space<hbm>>
      %dma_start3A_96 = tpu.memref_squeeze %dma_start3A_95 : memref<1x1x158x128xi32, #tpu.memory_space<hbm>> -> memref<158x128xi32, #tpu.memory_space<hbm>>
      %dma_start3A_97 = arith.constant 0 : i32
      %dma_start3A_98 = arith.constant 0 : i32
      %dma_start3A_99 = tpu.memref_slice %arg4[%run_scoped3A, %arg1, %dma_start3A_97, %dma_start3A_98] : memref<2x16x158x128xi32, #tpu.memory_space<hbm>> -> memref<1x1x158x128xi32, #tpu.memory_space<hbm>>
      %dma_start3A_100 = tpu.memref_squeeze %dma_start3A_99 : memref<1x1x158x128xi32, #tpu.memory_space<hbm>> -> memref<158x128xi32, #tpu.memory_space<hbm>>
      tpu.enqueue_dma source(%dma_start3A_100 : memref<158x128xi32, #tpu.memory_space<hbm>>) target(%arg8 : memref<158x128xi32, #tpu.memory_space<vmem>>) target_semaphore(%run_scoped3A_93 : memref<!tpu.dma_semaphore, #tpu.memory_space<semaphore_mem>>)
      %dma_wait3A = arith.constant 0 : i32
      %dma_wait3A_101 = arith.constant 0 : i32
      %dma_wait3A_102 = tpu.memref_slice %arg4[%run_scoped3A, %arg1, %dma_wait3A, %dma_wait3A_101] : memref<2x16x158x128xi32, #tpu.memory_space<hbm>> -> memref<1x1x158x128xi32, #tpu.memory_space<hbm>>
      %dma_wait3A_103 = tpu.memref_squeeze %dma_wait3A_102 : memref<1x1x158x128xi32, #tpu.memory_space<hbm>> -> memref<158x128xi32, #tpu.memory_space<hbm>>
      %dma_wait3A_104 = arith.constant 0 : i32
      %dma_wait3A_105 = arith.constant 0 : i32
      %dma_wait3A_106 = tpu.memref_slice %arg4[%run_scoped3A, %arg1, %dma_wait3A_104, %dma_wait3A_105] : memref<2x16x158x128xi32, #tpu.memory_space<hbm>> -> memref<1x1x158x128xi32, #tpu.memory_space<hbm>>
      %dma_wait3A_107 = tpu.memref_squeeze %dma_wait3A_106 : memref<1x1x158x128xi32, #tpu.memory_space<hbm>> -> memref<158x128xi32, #tpu.memory_space<hbm>>
      tpu.wait_dma2 semaphore(%run_scoped3A_93 : memref<!tpu.dma_semaphore, #tpu.memory_space<semaphore_mem>>) src(%dma_wait3A_107 : memref<158x128xi32, #tpu.memory_space<hbm>>) dst(%arg8 : memref<158x128xi32, #tpu.memory_space<vmem>>)
      tpu.yield
    }) : () -> ()
    %barrier3A = arith.constant 0 : index
    tpu.barrier barrier_id(%barrier3A)
    %scan3A = arith.constant 0 : i32
    %scan3A_10 = arith.constant 0 : i32
    %scan3A_11 = arith.constant 79 : i32
    %scan3A_12 = arith.addi %scan3A_10, %scan3A_11 : i32
    %scan3A_13 = arith.constant 1 : i32
    %scan3A_14 = scf.for %scan3A_93 = %scan3A_10 to %scan3A_12 step %scan3A_13 iter_args(%scan3A_94 = %scan3A) -> (i32)  : i32 {
      %mul3A_95 = arith.constant 2 : i32
      %mul3A_96 = arith.muli %mul3A_95, %scan3A_93 : i32
      %mul3A_97 = arith.constant 2 : i32
      %mul3A_98 = arith.muli %mul3A_97, %scan3A_93 : i32
      %add3A_99 = arith.constant 1 : i32
      %add3A_100 = arith.addi %mul3A_98, %add3A_99 : i32
      %dma_start3A = arith.constant 0 : i32
      %dma_start3A_101 = tpu.memref_slice %arg7[%mul3A_96, %dma_start3A] : memref<158x128xi32, #tpu.memory_space<vmem>> -> memref<1x128xi32, #tpu.memory_space<vmem>>
      %dma_start3A_102 = tpu.memref_squeeze %dma_start3A_101 : memref<1x128xi32, #tpu.memory_space<vmem>> -> memref<128xi32, #tpu.memory_space<vmem>>
      %dma_start3A_103 = arith.constant 0 : i32
      %dma_start3A_104 = arith.constant 0 : i32
      %dma_start3A_105 = tpu.memref_slice %arg2[%dma_start3A_103, %dma_start3A_104] : memref<20000x128xf32, #tpu.memory_space<hbm>> -> memref<20000x128xf32, #tpu.memory_space<hbm>>
      tpu.enqueue_indirect_dma source(%dma_start3A_105 : memref<20000x128xf32, #tpu.memory_space<hbm>>) target(%arg9 : memref<128x128xf32, #tpu.memory_space<vmem>>) offsets(%dma_start3A_102 : memref<128xi32, #tpu.memory_space<vmem>>) semaphore(%arg11 : memref<!tpu.dma_semaphore, #tpu.memory_space<semaphore_mem>>)
      %dma_start3A_106 = arith.constant 0 : i32
      %dma_start3A_107 = tpu.memref_slice %arg7[%add3A_100, %dma_start3A_106] : memref<158x128xi32, #tpu.memory_space<vmem>> -> memref<1x128xi32, #tpu.memory_space<vmem>>
      %dma_start3A_108 = tpu.memref_squeeze %dma_start3A_107 : memref<1x128xi32, #tpu.memory_space<vmem>> -> memref<128xi32, #tpu.memory_space<vmem>>
      %dma_start3A_109 = arith.constant 0 : i32
      %dma_start3A_110 = arith.constant 0 : i32
      %dma_start3A_111 = tpu.memref_slice %arg2[%dma_start3A_109, %dma_start3A_110] : memref<20000x128xf32, #tpu.memory_space<hbm>> -> memref<20000x128xf32, #tpu.memory_space<hbm>>
      tpu.enqueue_indirect_dma source(%dma_start3A_111 : memref<20000x128xf32, #tpu.memory_space<hbm>>) target(%arg10 : memref<128x128xf32, #tpu.memory_space<vmem>>) offsets(%dma_start3A_108 : memref<128xi32, #tpu.memory_space<vmem>>) semaphore(%arg12 : memref<!tpu.dma_semaphore, #tpu.memory_space<semaphore_mem>>)
      %dma_wait3A = arith.constant 0 : i32
      %dma_wait3A_112 = tpu.memref_slice %arg7[%mul3A_96, %dma_wait3A] : memref<158x128xi32, #tpu.memory_space<vmem>> -> memref<1x128xi32, #tpu.memory_space<vmem>>
      %dma_wait3A_113 = tpu.memref_squeeze %dma_wait3A_112 : memref<1x128xi32, #tpu.memory_space<vmem>> -> memref<128xi32, #tpu.memory_space<vmem>>
      %dma_wait3A_114 = arith.constant 0 : i32
      %dma_wait3A_115 = arith.constant 0 : i32
      %dma_wait3A_116 = tpu.memref_slice %arg2[%dma_wait3A_114, %dma_wait3A_115] : memref<20000x128xf32, #tpu.memory_space<hbm>> -> memref<20000x128xf32, #tpu.memory_space<hbm>>
      tpu.wait_indirect_dma semaphore(%arg11 : memref<!tpu.dma_semaphore, #tpu.memory_space<semaphore_mem>>) src(%dma_wait3A_116 : memref<20000x128xf32, #tpu.memory_space<hbm>>) dst(%arg9 : memref<128x128xf32, #tpu.memory_space<vmem>>)
      "tpu.region"() ({
        %run_scoped3A_124 = tpu.sem_alloc : memref<!tpu.dma_semaphore, #tpu.memory_space<semaphore_mem>>
        %dma_start3A_125 = arith.constant 0 : i32
        %dma_start3A_126 = tpu.memref_slice %arg8[%mul3A_96, %dma_start3A_125] : memref<158x128xi32, #tpu.memory_space<vmem>> -> memref<1x128xi32, #tpu.memory_space<vmem>>
        %dma_start3A_127 = tpu.memref_squeeze %dma_start3A_126 : memref<1x128xi32, #tpu.memory_space<vmem>> -> memref<128xi32, #tpu.memory_space<vmem>>
        %dma_start3A_128 = arith.constant 0 : i32
        %dma_start3A_129 = arith.constant 0 : i32
        %dma_start3A_130 = tpu.memref_slice %arg13[%dma_start3A_128, %dma_start3A_129] : memref<5120x128xf32, #tpu.memory_space<vmem_shared>> -> memref<5120x128xf32, #tpu.memory_space<vmem_shared>>
        tpu.enqueue_indirect_dma source(%arg9 : memref<128x128xf32, #tpu.memory_space<vmem>>) target(%dma_start3A_130 : memref<5120x128xf32, #tpu.memory_space<vmem_shared>>) offsets(%dma_start3A_127 : memref<128xi32, #tpu.memory_space<vmem>>) semaphore(%run_scoped3A_124 : memref<!tpu.dma_semaphore, #tpu.memory_space<semaphore_mem>>) {add = true}
        %dma_wait3A_131 = arith.constant 0 : i32
        %dma_wait3A_132 = tpu.memref_slice %arg8[%mul3A_96, %dma_wait3A_131] : memref<158x128xi32, #tpu.memory_space<vmem>> -> memref<1x128xi32, #tpu.memory_space<vmem>>
        %dma_wait3A_133 = tpu.memref_squeeze %dma_wait3A_132 : memref<1x128xi32, #tpu.memory_space<vmem>> -> memref<128xi32, #tpu.memory_space<vmem>>
        %dma_wait3A_134 = arith.constant 0 : i32
        %dma_wait3A_135 = arith.constant 0 : i32
        %dma_wait3A_136 = tpu.memref_slice %arg13[%dma_wait3A_134, %dma_wait3A_135] : memref<5120x128xf32, #tpu.memory_space<vmem_shared>> -> memref<5120x128xf32, #tpu.memory_space<vmem_shared>>
        tpu.wait_indirect_dma semaphore(%run_scoped3A_124 : memref<!tpu.dma_semaphore, #tpu.memory_space<semaphore_mem>>) src(%arg9 : memref<128x128xf32, #tpu.memory_space<vmem>>) dst(%dma_wait3A_136 : memref<5120x128xf32, #tpu.memory_space<vmem_shared>>)
        tpu.yield
      }) : () -> ()
      %dma_wait3A_117 = arith.constant 0 : i32
      %dma_wait3A_118 = tpu.memref_slice %arg7[%add3A_100, %dma_wait3A_117] : memref<158x128xi32, #tpu.memory_space<vmem>> -> memref<1x128xi32, #tpu.memory_space<vmem>>
      %dma_wait3A_119 = tpu.memref_squeeze %dma_wait3A_118 : memref<1x128xi32, #tpu.memory_space<vmem>> -> memref<128xi32, #tpu.memory_space<vmem>>
      %dma_wait3A_120 = arith.constant 0 : i32
      %dma_wait3A_121 = arith.constant 0 : i32
      %dma_wait3A_122 = tpu.memref_slice %arg2[%dma_wait3A_120, %dma_wait3A_121] : memref<20000x128xf32, #tpu.memory_space<hbm>> -> memref<20000x128xf32, #tpu.memory_space<hbm>>
      tpu.wait_indirect_dma semaphore(%arg12 : memref<!tpu.dma_semaphore, #tpu.memory_space<semaphore_mem>>) src(%dma_wait3A_122 : memref<20000x128xf32, #tpu.memory_space<hbm>>) dst(%arg10 : memref<128x128xf32, #tpu.memory_space<vmem>>)
      "tpu.region"() ({
        %run_scoped3A_124 = tpu.sem_alloc : memref<!tpu.dma_semaphore, #tpu.memory_space<semaphore_mem>>
        %dma_start3A_125 = arith.constant 0 : i32
        %dma_start3A_126 = tpu.memref_slice %arg8[%add3A_100, %dma_start3A_125] : memref<158x128xi32, #tpu.memory_space<vmem>> -> memref<1x128xi32, #tpu.memory_space<vmem>>
        %dma_start3A_127 = tpu.memref_squeeze %dma_start3A_126 : memref<1x128xi32, #tpu.memory_space<vmem>> -> memref<128xi32, #tpu.memory_space<vmem>>
        %dma_start3A_128 = arith.constant 0 : i32
        %dma_start3A_129 = arith.constant 0 : i32
        %dma_start3A_130 = tpu.memref_slice %arg13[%dma_start3A_128, %dma_start3A_129] : memref<5120x128xf32, #tpu.memory_space<vmem_shared>> -> memref<5120x128xf32, #tpu.memory_space<vmem_shared>>
        tpu.enqueue_indirect_dma source(%arg10 : memref<128x128xf32, #tpu.memory_space<vmem>>) target(%dma_start3A_130 : memref<5120x128xf32, #tpu.memory_space<vmem_shared>>) offsets(%dma_start3A_127 : memref<128xi32, #tpu.memory_space<vmem>>) semaphore(%run_scoped3A_124 : memref<!tpu.dma_semaphore, #tpu.memory_space<semaphore_mem>>) {add = true}
        %dma_wait3A_131 = arith.constant 0 : i32
        %dma_wait3A_132 = tpu.memref_slice %arg8[%add3A_100, %dma_wait3A_131] : memref<158x128xi32, #tpu.memory_space<vmem>> -> memref<1x128xi32, #tpu.memory_space<vmem>>
        %dma_wait3A_133 = tpu.memref_squeeze %dma_wait3A_132 : memref<1x128xi32, #tpu.memory_space<vmem>> -> memref<128xi32, #tpu.memory_space<vmem>>
        %dma_wait3A_134 = arith.constant 0 : i32
        %dma_wait3A_135 = arith.constant 0 : i32
        %dma_wait3A_136 = tpu.memref_slice %arg13[%dma_wait3A_134, %dma_wait3A_135] : memref<5120x128xf32, #tpu.memory_space<vmem_shared>> -> memref<5120x128xf32, #tpu.memory_space<vmem_shared>>
        tpu.wait_indirect_dma semaphore(%run_scoped3A_124 : memref<!tpu.dma_semaphore, #tpu.memory_space<semaphore_mem>>) src(%arg10 : memref<128x128xf32, #tpu.memory_space<vmem>>) dst(%dma_wait3A_136 : memref<5120x128xf32, #tpu.memory_space<vmem_shared>>)
        tpu.yield
      }) : () -> ()
      %scan3A_123 = arith.constant 0 : i32
      scf.yield %scan3A_123 : i32
    }
    %scan3A_15 = arith.constant 79 : i32
    %barrier3A_16 = arith.constant 0 : index
    tpu.barrier barrier_id(%barrier3A_16)
    %mul3A_17 = arith.constant 320 : i32
    %mul3A_18 = arith.muli %arg1, %mul3A_17 : i32
    %add3A_19 = arith.constant 0 : i32
    %add3A_20 = arith.addi %mul3A_18, %add3A_19 : i32
    "tpu.region"() ({
      %run_scoped3A_93 = tpu.sem_alloc : memref<!tpu.dma_semaphore, #tpu.memory_space<semaphore_mem>>
      %dma_start3A = arith.constant 0 : i32
      %dma_start3A_94 = arith.constant 0 : i32
      %dma_start3A_95 = tpu.memref_slice %arg9[%dma_start3A, %dma_start3A_94] : memref<128x128xf32, #tpu.memory_space<vmem>> -> memref<128x128xf32, #tpu.memory_space<vmem>>
      %dma_start3A_96 = arith.constant 0 : i32
      %dma_start3A_97 = tpu.memref_slice %arg13[%add3A_20, %dma_start3A_96] : memref<5120x128xf32, #tpu.memory_space<vmem_shared>> -> memref<128x128xf32, #tpu.memory_space<vmem_shared>>
      %dma_start3A_98 = arith.constant 0 : i32
      %dma_start3A_99 = arith.constant 0 : i32
      %dma_start3A_100 = tpu.memref_slice %arg9[%dma_start3A_98, %dma_start3A_99] : memref<128x128xf32, #tpu.memory_space<vmem>> -> memref<128x128xf32, #tpu.memory_space<vmem>>
      %dma_start3A_101 = arith.constant 0 : i32
      %dma_start3A_102 = tpu.memref_slice %arg13[%add3A_20, %dma_start3A_101] : memref<5120x128xf32, #tpu.memory_space<vmem_shared>> -> memref<128x128xf32, #tpu.memory_space<vmem_shared>>
      tpu.enqueue_dma source(%dma_start3A_102 : memref<128x128xf32, #tpu.memory_space<vmem_shared>>) target(%dma_start3A_100 : memref<128x128xf32, #tpu.memory_space<vmem>>) target_semaphore(%run_scoped3A_93 : memref<!tpu.dma_semaphore, #tpu.memory_space<semaphore_mem>>)
      %dma_wait3A = arith.constant 0 : i32
      %dma_wait3A_103 = arith.constant 0 : i32
      %dma_wait3A_104 = tpu.memref_slice %arg9[%dma_wait3A, %dma_wait3A_103] : memref<128x128xf32, #tpu.memory_space<vmem>> -> memref<128x128xf32, #tpu.memory_space<vmem>>
      %dma_wait3A_105 = arith.constant 0 : i32
      %dma_wait3A_106 = tpu.memref_slice %arg13[%add3A_20, %dma_wait3A_105] : memref<5120x128xf32, #tpu.memory_space<vmem_shared>> -> memref<128x128xf32, #tpu.memory_space<vmem_shared>>
      %dma_wait3A_107 = arith.constant 0 : i32
      %dma_wait3A_108 = arith.constant 0 : i32
      %dma_wait3A_109 = tpu.memref_slice %arg9[%dma_wait3A_107, %dma_wait3A_108] : memref<128x128xf32, #tpu.memory_space<vmem>> -> memref<128x128xf32, #tpu.memory_space<vmem>>
      %dma_wait3A_110 = arith.constant 0 : i32
      %dma_wait3A_111 = tpu.memref_slice %arg13[%add3A_20, %dma_wait3A_110] : memref<5120x128xf32, #tpu.memory_space<vmem_shared>> -> memref<128x128xf32, #tpu.memory_space<vmem_shared>>
      tpu.wait_dma2 semaphore(%run_scoped3A_93 : memref<!tpu.dma_semaphore, #tpu.memory_space<semaphore_mem>>) src(%dma_wait3A_111 : memref<128x128xf32, #tpu.memory_space<vmem_shared>>) dst(%dma_wait3A_109 : memref<128x128xf32, #tpu.memory_space<vmem>>)
      tpu.yield
    }) : () -> ()
    %mul3A_21 = arith.constant 10240 : i32
    %mul3A_22 = arith.muli %arg0, %mul3A_21 : i32
    %add3A_23 = arith.constant 0 : i32
    %add3A_24 = arith.addi %mul3A_22, %add3A_23 : i32
    %add3A_25 = arith.addi %add3A_24, %add3A_20 : i32
    "tpu.region"() ({
      %run_scoped3A_93 = tpu.sem_alloc : memref<!tpu.dma_semaphore, #tpu.memory_space<semaphore_mem>>
      %dma_start3A = arith.constant 0 : i32
      %dma_start3A_94 = arith.constant 0 : i32
      %dma_start3A_95 = tpu.memref_slice %arg9[%dma_start3A, %dma_start3A_94] : memref<128x128xf32, #tpu.memory_space<vmem>> -> memref<128x128xf32, #tpu.memory_space<vmem>>
      %dma_start3A_96 = arith.constant 0 : i32
      %dma_start3A_97 = tpu.memref_slice %arg6[%add3A_25, %dma_start3A_96] : memref<20480x128xf32, #tpu.memory_space<hbm>> -> memref<128x128xf32, #tpu.memory_space<hbm>>
      %dma_start3A_98 = arith.constant 0 : i32
      %dma_start3A_99 = tpu.memref_slice %arg6[%add3A_25, %dma_start3A_98] : memref<20480x128xf32, #tpu.memory_space<hbm>> -> memref<128x128xf32, #tpu.memory_space<hbm>>
      %dma_start3A_100 = arith.constant 0 : i32
      %dma_start3A_101 = arith.constant 0 : i32
      %dma_start3A_102 = tpu.memref_slice %arg9[%dma_start3A_100, %dma_start3A_101] : memref<128x128xf32, #tpu.memory_space<vmem>> -> memref<128x128xf32, #tpu.memory_space<vmem>>
      tpu.enqueue_dma source(%dma_start3A_102 : memref<128x128xf32, #tpu.memory_space<vmem>>) target(%dma_start3A_99 : memref<128x128xf32, #tpu.memory_space<hbm>>) target_semaphore(%run_scoped3A_93 : memref<!tpu.dma_semaphore, #tpu.memory_space<semaphore_mem>>)
      %dma_wait3A = arith.constant 0 : i32
      %dma_wait3A_103 = arith.constant 0 : i32
      %dma_wait3A_104 = tpu.memref_slice %arg9[%dma_wait3A, %dma_wait3A_103] : memref<128x128xf32, #tpu.memory_space<vmem>> -> memref<128x128xf32, #tpu.memory_space<vmem>>
      %dma_wait3A_105 = arith.constant 0 : i32
      %dma_wait3A_106 = tpu.memref_slice %arg6[%add3A_25, %dma_wait3A_105] : memref<20480x128xf32, #tpu.memory_space<hbm>> -> memref<128x128xf32, #tpu.memory_space<hbm>>
      %dma_wait3A_107 = arith.constant 0 : i32
      %dma_wait3A_108 = tpu.memref_slice %arg6[%add3A_25, %dma_wait3A_107] : memref<20480x128xf32, #tpu.memory_space<hbm>> -> memref<128x128xf32, #tpu.memory_space<hbm>>
      %dma_wait3A_109 = arith.constant 0 : i32
      %dma_wait3A_110 = arith.constant 0 : i32
      %dma_wait3A_111 = tpu.memref_slice %arg9[%dma_wait3A_109, %dma_wait3A_110] : memref<128x128xf32, #tpu.memory_space<vmem>> -> memref<128x128xf32, #tpu.memory_space<vmem>>
      tpu.wait_dma2 semaphore(%run_scoped3A_93 : memref<!tpu.dma_semaphore, #tpu.memory_space<semaphore_mem>>) src(%dma_wait3A_111 : memref<128x128xf32, #tpu.memory_space<vmem>>) dst(%dma_wait3A_108 : memref<128x128xf32, #tpu.memory_space<hbm>>)
      tpu.yield
    }) : () -> ()
    %mul3A_26 = arith.constant 320 : i32
    %mul3A_27 = arith.muli %arg1, %mul3A_26 : i32
    %add3A_28 = arith.constant 128 : i32
    %add3A_29 = arith.addi %mul3A_27, %add3A_28 : i32
    "tpu.region"() ({
      %run_scoped3A_93 = tpu.sem_alloc : memref<!tpu.dma_semaphore, #tpu.memory_space<semaphore_mem>>
      %dma_start3A = arith.constant 0 : i32
      %dma_start3A_94 = arith.constant 0 : i32
      %dma_start3A_95 = tpu.memref_slice %arg9[%dma_start3A, %dma_start3A_94] : memref<128x128xf32, #tpu.memory_space<vmem>> -> memref<128x128xf32, #tpu.memory_space<vmem>>
      %dma_start3A_96 = arith.constant 0 : i32
      %dma_start3A_97 = tpu.memref_slice %arg13[%add3A_29, %dma_start3A_96] : memref<5120x128xf32, #tpu.memory_space<vmem_shared>> -> memref<128x128xf32, #tpu.memory_space<vmem_shared>>
      %dma_start3A_98 = arith.constant 0 : i32
      %dma_start3A_99 = arith.constant 0 : i32
      %dma_start3A_100 = tpu.memref_slice %arg9[%dma_start3A_98, %dma_start3A_99] : memref<128x128xf32, #tpu.memory_space<vmem>> -> memref<128x128xf32, #tpu.memory_space<vmem>>
      %dma_start3A_101 = arith.constant 0 : i32
      %dma_start3A_102 = tpu.memref_slice %arg13[%add3A_29, %dma_start3A_101] : memref<5120x128xf32, #tpu.memory_space<vmem_shared>> -> memref<128x128xf32, #tpu.memory_space<vmem_shared>>
      tpu.enqueue_dma source(%dma_start3A_102 : memref<128x128xf32, #tpu.memory_space<vmem_shared>>) target(%dma_start3A_100 : memref<128x128xf32, #tpu.memory_space<vmem>>) target_semaphore(%run_scoped3A_93 : memref<!tpu.dma_semaphore, #tpu.memory_space<semaphore_mem>>)
      %dma_wait3A = arith.constant 0 : i32
      %dma_wait3A_103 = arith.constant 0 : i32
      %dma_wait3A_104 = tpu.memref_slice %arg9[%dma_wait3A, %dma_wait3A_103] : memref<128x128xf32, #tpu.memory_space<vmem>> -> memref<128x128xf32, #tpu.memory_space<vmem>>
      %dma_wait3A_105 = arith.constant 0 : i32
      %dma_wait3A_106 = tpu.memref_slice %arg13[%add3A_29, %dma_wait3A_105] : memref<5120x128xf32, #tpu.memory_space<vmem_shared>> -> memref<128x128xf32, #tpu.memory_space<vmem_shared>>
      %dma_wait3A_107 = arith.constant 0 : i32
      %dma_wait3A_108 = arith.constant 0 : i32
      %dma_wait3A_109 = tpu.memref_slice %arg9[%dma_wait3A_107, %dma_wait3A_108] : memref<128x128xf32, #tpu.memory_space<vmem>> -> memref<128x128xf32, #tpu.memory_space<vmem>>
      %dma_wait3A_110 = arith.constant 0 : i32
      %dma_wait3A_111 = tpu.memref_slice %arg13[%add3A_29, %dma_wait3A_110] : memref<5120x128xf32, #tpu.memory_space<vmem_shared>> -> memref<128x128xf32, #tpu.memory_space<vmem_shared>>
      tpu.wait_dma2 semaphore(%run_scoped3A_93 : memref<!tpu.dma_semaphore, #tpu.memory_space<semaphore_mem>>) src(%dma_wait3A_111 : memref<128x128xf32, #tpu.memory_space<vmem_shared>>) dst(%dma_wait3A_109 : memref<128x128xf32, #tpu.memory_space<vmem>>)
      tpu.yield
    }) : () -> ()
    %mul3A_30 = arith.constant 10240 : i32
    %mul3A_31 = arith.muli %arg0, %mul3A_30 : i32
    %add3A_32 = arith.constant 0 : i32
    %add3A_33 = arith.addi %mul3A_31, %add3A_32 : i32
    %add3A_34 = arith.addi %add3A_33, %add3A_29 : i32
    "tpu.region"() ({
      %run_scoped3A_93 = tpu.sem_alloc : memref<!tpu.dma_semaphore, #tpu.memory_space<semaphore_mem>>
      %dma_start3A = arith.constant 0 : i32
      %dma_start3A_94 = arith.constant 0 : i32
      %dma_start3A_95 = tpu.memref_slice %arg9[%dma_start3A, %dma_start3A_94] : memref<128x128xf32, #tpu.memory_space<vmem>> -> memref<128x128xf32, #tpu.memory_space<vmem>>
      %dma_start3A_96 = arith.constant 0 : i32
      %dma_start3A_97 = tpu.memref_slice %arg6[%add3A_34, %dma_start3A_96] : memref<20480x128xf32, #tpu.memory_space<hbm>> -> memref<128x128xf32, #tpu.memory_space<hbm>>
      %dma_start3A_98 = arith.constant 0 : i32
      %dma_start3A_99 = tpu.memref_slice %arg6[%add3A_34, %dma_start3A_98] : memref<20480x128xf32, #tpu.memory_space<hbm>> -> memref<128x128xf32, #tpu.memory_space<hbm>>
      %dma_start3A_100 = arith.constant 0 : i32
      %dma_start3A_101 = arith.constant 0 : i32
      %dma_start3A_102 = tpu.memref_slice %arg9[%dma_start3A_100, %dma_start3A_101] : memref<128x128xf32, #tpu.memory_space<vmem>> -> memref<128x128xf32, #tpu.memory_space<vmem>>
      tpu.enqueue_dma source(%dma_start3A_102 : memref<128x128xf32, #tpu.memory_space<vmem>>) target(%dma_start3A_99 : memref<128x128xf32, #tpu.memory_space<hbm>>) target_semaphore(%run_scoped3A_93 : memref<!tpu.dma_semaphore, #tpu.memory_space<semaphore_mem>>)
      %dma_wait3A = arith.constant 0 : i32
      %dma_wait3A_103 = arith.constant 0 : i32
      %dma_wait3A_104 = tpu.memref_slice %arg9[%dma_wait3A, %dma_wait3A_103] : memref<128x128xf32, #tpu.memory_space<vmem>> -> memref<128x128xf32, #tpu.memory_space<vmem>>
      %dma_wait3A_105 = arith.constant 0 : i32
      %dma_wait3A_106 = tpu.memref_slice %arg6[%add3A_34, %dma_wait3A_105] : memref<20480x128xf32, #tpu.memory_space<hbm>> -> memref<128x128xf32, #tpu.memory_space<hbm>>
      %dma_wait3A_107 = arith.constant 0 : i32
      %dma_wait3A_108 = tpu.memref_slice %arg6[%add3A_34, %dma_wait3A_107] : memref<20480x128xf32, #tpu.memory_space<hbm>> -> memref<128x128xf32, #tpu.memory_space<hbm>>
      %dma_wait3A_109 = arith.constant 0 : i32
      %dma_wait3A_110 = arith.constant 0 : i32
      %dma_wait3A_111 = tpu.memref_slice %arg9[%dma_wait3A_109, %dma_wait3A_110] : memref<128x128xf32, #tpu.memory_space<vmem>> -> memref<128x128xf32, #tpu.memory_space<vmem>>
      tpu.wait_dma2 semaphore(%run_scoped3A_93 : memref<!tpu.dma_semaphore, #tpu.memory_space<semaphore_mem>>) src(%dma_wait3A_111 : memref<128x128xf32, #tpu.memory_space<vmem>>) dst(%dma_wait3A_108 : memref<128x128xf32, #tpu.memory_space<hbm>>)
      tpu.yield
    }) : () -> ()
    %mul3A_35 = arith.constant 320 : i32
    %mul3A_36 = arith.muli %arg1, %mul3A_35 : i32
    %add3A_37 = arith.constant 256 : i32
    %add3A_38 = arith.addi %mul3A_36, %add3A_37 : i32
    "tpu.region"() ({
      %run_scoped3A_93 = tpu.sem_alloc : memref<!tpu.dma_semaphore, #tpu.memory_space<semaphore_mem>>
      %dma_start3A = arith.constant 0 : i32
      %dma_start3A_94 = arith.constant 0 : i32
      %dma_start3A_95 = tpu.memref_slice %arg9[%dma_start3A, %dma_start3A_94] : memref<128x128xf32, #tpu.memory_space<vmem>> -> memref<64x128xf32, #tpu.memory_space<vmem>>
      %dma_start3A_96 = arith.constant 0 : i32
      %dma_start3A_97 = tpu.memref_slice %arg13[%add3A_38, %dma_start3A_96] : memref<5120x128xf32, #tpu.memory_space<vmem_shared>> -> memref<64x128xf32, #tpu.memory_space<vmem_shared>>
      %dma_start3A_98 = arith.constant 0 : i32
      %dma_start3A_99 = arith.constant 0 : i32
      %dma_start3A_100 = tpu.memref_slice %arg9[%dma_start3A_98, %dma_start3A_99] : memref<128x128xf32, #tpu.memory_space<vmem>> -> memref<64x128xf32, #tpu.memory_space<vmem>>
      %dma_start3A_101 = arith.constant 0 : i32
      %dma_start3A_102 = tpu.memref_slice %arg13[%add3A_38, %dma_start3A_101] : memref<5120x128xf32, #tpu.memory_space<vmem_shared>> -> memref<64x128xf32, #tpu.memory_space<vmem_shared>>
      tpu.enqueue_dma source(%dma_start3A_102 : memref<64x128xf32, #tpu.memory_space<vmem_shared>>) target(%dma_start3A_100 : memref<64x128xf32, #tpu.memory_space<vmem>>) target_semaphore(%run_scoped3A_93 : memref<!tpu.dma_semaphore, #tpu.memory_space<semaphore_mem>>)
      %dma_wait3A = arith.constant 0 : i32
      %dma_wait3A_103 = arith.constant 0 : i32
      %dma_wait3A_104 = tpu.memref_slice %arg9[%dma_wait3A, %dma_wait3A_103] : memref<128x128xf32, #tpu.memory_space<vmem>> -> memref<64x128xf32, #tpu.memory_space<vmem>>
      %dma_wait3A_105 = arith.constant 0 : i32
      %dma_wait3A_106 = tpu.memref_slice %arg13[%add3A_38, %dma_wait3A_105] : memref<5120x128xf32, #tpu.memory_space<vmem_shared>> -> memref<64x128xf32, #tpu.memory_space<vmem_shared>>
      %dma_wait3A_107 = arith.constant 0 : i32
      %dma_wait3A_108 = arith.constant 0 : i32
      %dma_wait3A_109 = tpu.memref_slice %arg9[%dma_wait3A_107, %dma_wait3A_108] : memref<128x128xf32, #tpu.memory_space<vmem>> -> memref<64x128xf32, #tpu.memory_space<vmem>>
      %dma_wait3A_110 = arith.constant 0 : i32
      %dma_wait3A_111 = tpu.memref_slice %arg13[%add3A_38, %dma_wait3A_110] : memref<5120x128xf32, #tpu.memory_space<vmem_shared>> -> memref<64x128xf32, #tpu.memory_space<vmem_shared>>
      tpu.wait_dma2 semaphore(%run_scoped3A_93 : memref<!tpu.dma_semaphore, #tpu.memory_space<semaphore_mem>>) src(%dma_wait3A_111 : memref<64x128xf32, #tpu.memory_space<vmem_shared>>) dst(%dma_wait3A_109 : memref<64x128xf32, #tpu.memory_space<vmem>>)
      tpu.yield
    }) : () -> ()
    %mul3A_39 = arith.constant 10240 : i32
    %mul3A_40 = arith.muli %arg0, %mul3A_39 : i32
    %add3A_41 = arith.constant 0 : i32
    %add3A_42 = arith.addi %mul3A_40, %add3A_41 : i32
    %add3A_43 = arith.addi %add3A_42, %add3A_38 : i32
    "tpu.region"() ({
      %run_scoped3A_93 = tpu.sem_alloc : memref<!tpu.dma_semaphore, #tpu.memory_space<semaphore_mem>>
      %dma_start3A = arith.constant 0 : i32
      %dma_start3A_94 = arith.constant 0 : i32
      %dma_start3A_95 = tpu.memref_slice %arg9[%dma_start3A, %dma_start3A_94] : memref<128x128xf32, #tpu.memory_space<vmem>> -> memref<64x128xf32, #tpu.memory_space<vmem>>
      %dma_start3A_96 = arith.constant 0 : i32
      %dma_start3A_97 = tpu.memref_slice %arg6[%add3A_43, %dma_start3A_96] : memref<20480x128xf32, #tpu.memory_space<hbm>> -> memref<64x128xf32, #tpu.memory_space<hbm>>
      %dma_start3A_98 = arith.constant 0 : i32
      %dma_start3A_99 = tpu.memref_slice %arg6[%add3A_43, %dma_start3A_98] : memref<20480x128xf32, #tpu.memory_space<hbm>> -> memref<64x128xf32, #tpu.memory_space<hbm>>
      %dma_start3A_100 = arith.constant 0 : i32
      %dma_start3A_101 = arith.constant 0 : i32
      %dma_start3A_102 = tpu.memref_slice %arg9[%dma_start3A_100, %dma_start3A_101] : memref<128x128xf32, #tpu.memory_space<vmem>> -> memref<64x128xf32, #tpu.memory_space<vmem>>
      tpu.enqueue_dma source(%dma_start3A_102 : memref<64x128xf32, #tpu.memory_space<vmem>>) target(%dma_start3A_99 : memref<64x128xf32, #tpu.memory_space<hbm>>) target_semaphore(%run_scoped3A_93 : memref<!tpu.dma_semaphore, #tpu.memory_space<semaphore_mem>>)
      %dma_wait3A = arith.constant 0 : i32
      %dma_wait3A_103 = arith.constant 0 : i32
      %dma_wait3A_104 = tpu.memref_slice %arg9[%dma_wait3A, %dma_wait3A_103] : memref<128x128xf32, #tpu.memory_space<vmem>> -> memref<64x128xf32, #tpu.memory_space<vmem>>
      %dma_wait3A_105 = arith.constant 0 : i32
      %dma_wait3A_106 = tpu.memref_slice %arg6[%add3A_43, %dma_wait3A_105] : memref<20480x128xf32, #tpu.memory_space<hbm>> -> memref<64x128xf32, #tpu.memory_space<hbm>>
      %dma_wait3A_107 = arith.constant 0 : i32
      %dma_wait3A_108 = tpu.memref_slice %arg6[%add3A_43, %dma_wait3A_107] : memref<20480x128xf32, #tpu.memory_space<hbm>> -> memref<64x128xf32, #tpu.memory_space<hbm>>
      %dma_wait3A_109 = arith.constant 0 : i32
      %dma_wait3A_110 = arith.constant 0 : i32
      %dma_wait3A_111 = tpu.memref_slice %arg9[%dma_wait3A_109, %dma_wait3A_110] : memref<128x128xf32, #tpu.memory_space<vmem>> -> memref<64x128xf32, #tpu.memory_space<vmem>>
      tpu.wait_dma2 semaphore(%run_scoped3A_93 : memref<!tpu.dma_semaphore, #tpu.memory_space<semaphore_mem>>) src(%dma_wait3A_111 : memref<64x128xf32, #tpu.memory_space<vmem>>) dst(%dma_wait3A_108 : memref<64x128xf32, #tpu.memory_space<hbm>>)
      tpu.yield
    }) : () -> ()
    "tpu.region"() ({
      %run_scoped3A_93 = tpu.sem_alloc : memref<!tpu.dma_semaphore, #tpu.memory_space<semaphore_mem>>
      tpu.enqueue_dma source(%arg5 : memref<128x128xf32, #tpu.memory_space<hbm>>) target(%arg9 : memref<128x128xf32, #tpu.memory_space<vmem>>) target_semaphore(%run_scoped3A_93 : memref<!tpu.dma_semaphore, #tpu.memory_space<semaphore_mem>>)
      tpu.wait_dma2 semaphore(%run_scoped3A_93 : memref<!tpu.dma_semaphore, #tpu.memory_space<semaphore_mem>>) src(%arg5 : memref<128x128xf32, #tpu.memory_space<hbm>>) dst(%arg9 : memref<128x128xf32, #tpu.memory_space<vmem>>)
      tpu.yield
    }) : () -> ()
    %mul3A_44 = arith.constant 320 : i32
    %mul3A_45 = arith.muli %arg1, %mul3A_44 : i32
    %add3A_46 = arith.constant 0 : i32
    %add3A_47 = arith.addi %mul3A_45, %add3A_46 : i32
    "tpu.region"() ({
      %run_scoped3A_93 = tpu.sem_alloc : memref<!tpu.dma_semaphore, #tpu.memory_space<semaphore_mem>>
      %dma_start3A = arith.constant 0 : i32
      %dma_start3A_94 = arith.constant 0 : i32
      %dma_start3A_95 = tpu.memref_slice %arg9[%dma_start3A, %dma_start3A_94] : memref<128x128xf32, #tpu.memory_space<vmem>> -> memref<128x128xf32, #tpu.memory_space<vmem>>
      %dma_start3A_96 = arith.constant 0 : i32
      %dma_start3A_97 = tpu.memref_slice %arg13[%add3A_47, %dma_start3A_96] : memref<5120x128xf32, #tpu.memory_space<vmem_shared>> -> memref<128x128xf32, #tpu.memory_space<vmem_shared>>
      %dma_start3A_98 = arith.constant 0 : i32
      %dma_start3A_99 = tpu.memref_slice %arg13[%add3A_47, %dma_start3A_98] : memref<5120x128xf32, #tpu.memory_space<vmem_shared>> -> memref<128x128xf32, #tpu.memory_space<vmem_shared>>
      %dma_start3A_100 = arith.constant 0 : i32
      %dma_start3A_101 = arith.constant 0 : i32
      %dma_start3A_102 = tpu.memref_slice %arg9[%dma_start3A_100, %dma_start3A_101] : memref<128x128xf32, #tpu.memory_space<vmem>> -> memref<128x128xf32, #tpu.memory_space<vmem>>
      tpu.enqueue_dma source(%dma_start3A_102 : memref<128x128xf32, #tpu.memory_space<vmem>>) target(%dma_start3A_99 : memref<128x128xf32, #tpu.memory_space<vmem_shared>>) target_semaphore(%run_scoped3A_93 : memref<!tpu.dma_semaphore, #tpu.memory_space<semaphore_mem>>)
      %dma_wait3A = arith.constant 0 : i32
      %dma_wait3A_103 = arith.constant 0 : i32
      %dma_wait3A_104 = tpu.memref_slice %arg9[%dma_wait3A, %dma_wait3A_103] : memref<128x128xf32, #tpu.memory_space<vmem>> -> memref<128x128xf32, #tpu.memory_space<vmem>>
      %dma_wait3A_105 = arith.constant 0 : i32
      %dma_wait3A_106 = tpu.memref_slice %arg13[%add3A_47, %dma_wait3A_105] : memref<5120x128xf32, #tpu.memory_space<vmem_shared>> -> memref<128x128xf32, #tpu.memory_space<vmem_shared>>
      %dma_wait3A_107 = arith.constant 0 : i32
      %dma_wait3A_108 = tpu.memref_slice %arg13[%add3A_47, %dma_wait3A_107] : memref<5120x128xf32, #tpu.memory_space<vmem_shared>> -> memref<128x128xf32, #tpu.memory_space<vmem_shared>>
      %dma_wait3A_109 = arith.constant 0 : i32
      %dma_wait3A_110 = arith.constant 0 : i32
      %dma_wait3A_111 = tpu.memref_slice %arg9[%dma_wait3A_109, %dma_wait3A_110] : memref<128x128xf32, #tpu.memory_space<vmem>> -> memref<128x128xf32, #tpu.memory_space<vmem>>
      tpu.wait_dma2 semaphore(%run_scoped3A_93 : memref<!tpu.dma_semaphore, #tpu.memory_space<semaphore_mem>>) src(%dma_wait3A_111 : memref<128x128xf32, #tpu.memory_space<vmem>>) dst(%dma_wait3A_108 : memref<128x128xf32, #tpu.memory_space<vmem_shared>>)
      tpu.yield
    }) : () -> ()
    %mul3A_48 = arith.constant 320 : i32
    %mul3A_49 = arith.muli %arg1, %mul3A_48 : i32
    %add3A_50 = arith.constant 128 : i32
    %add3A_51 = arith.addi %mul3A_49, %add3A_50 : i32
    "tpu.region"() ({
      %run_scoped3A_93 = tpu.sem_alloc : memref<!tpu.dma_semaphore, #tpu.memory_space<semaphore_mem>>
      %dma_start3A = arith.constant 0 : i32
      %dma_start3A_94 = arith.constant 0 : i32
      %dma_start3A_95 = tpu.memref_slice %arg9[%dma_start3A, %dma_start3A_94] : memref<128x128xf32, #tpu.memory_space<vmem>> -> memref<128x128xf32, #tpu.memory_space<vmem>>
      %dma_start3A_96 = arith.constant 0 : i32
      %dma_start3A_97 = tpu.memref_slice %arg13[%add3A_51, %dma_start3A_96] : memref<5120x128xf32, #tpu.memory_space<vmem_shared>> -> memref<128x128xf32, #tpu.memory_space<vmem_shared>>
      %dma_start3A_98 = arith.constant 0 : i32
      %dma_start3A_99 = tpu.memref_slice %arg13[%add3A_51, %dma_start3A_98] : memref<5120x128xf32, #tpu.memory_space<vmem_shared>> -> memref<128x128xf32, #tpu.memory_space<vmem_shared>>
      %dma_start3A_100 = arith.constant 0 : i32
      %dma_start3A_101 = arith.constant 0 : i32
      %dma_start3A_102 = tpu.memref_slice %arg9[%dma_start3A_100, %dma_start3A_101] : memref<128x128xf32, #tpu.memory_space<vmem>> -> memref<128x128xf32, #tpu.memory_space<vmem>>
      tpu.enqueue_dma source(%dma_start3A_102 : memref<128x128xf32, #tpu.memory_space<vmem>>) target(%dma_start3A_99 : memref<128x128xf32, #tpu.memory_space<vmem_shared>>) target_semaphore(%run_scoped3A_93 : memref<!tpu.dma_semaphore, #tpu.memory_space<semaphore_mem>>)
      %dma_wait3A = arith.constant 0 : i32
      %dma_wait3A_103 = arith.constant 0 : i32
      %dma_wait3A_104 = tpu.memref_slice %arg9[%dma_wait3A, %dma_wait3A_103] : memref<128x128xf32, #tpu.memory_space<vmem>> -> memref<128x128xf32, #tpu.memory_space<vmem>>
      %dma_wait3A_105 = arith.constant 0 : i32
      %dma_wait3A_106 = tpu.memref_slice %arg13[%add3A_51, %dma_wait3A_105] : memref<5120x128xf32, #tpu.memory_space<vmem_shared>> -> memref<128x128xf32, #tpu.memory_space<vmem_shared>>
      %dma_wait3A_107 = arith.constant 0 : i32
      %dma_wait3A_108 = tpu.memref_slice %arg13[%add3A_51, %dma_wait3A_107] : memref<5120x128xf32, #tpu.memory_space<vmem_shared>> -> memref<128x128xf32, #tpu.memory_space<vmem_shared>>
      %dma_wait3A_109 = arith.constant 0 : i32
      %dma_wait3A_110 = arith.constant 0 : i32
      %dma_wait3A_111 = tpu.memref_slice %arg9[%dma_wait3A_109, %dma_wait3A_110] : memref<128x128xf32, #tpu.memory_space<vmem>> -> memref<128x128xf32, #tpu.memory_space<vmem>>
      tpu.wait_dma2 semaphore(%run_scoped3A_93 : memref<!tpu.dma_semaphore, #tpu.memory_space<semaphore_mem>>) src(%dma_wait3A_111 : memref<128x128xf32, #tpu.memory_space<vmem>>) dst(%dma_wait3A_108 : memref<128x128xf32, #tpu.memory_space<vmem_shared>>)
      tpu.yield
    }) : () -> ()
    %mul3A_52 = arith.constant 320 : i32
    %mul3A_53 = arith.muli %arg1, %mul3A_52 : i32
    %add3A_54 = arith.constant 256 : i32
    %add3A_55 = arith.addi %mul3A_53, %add3A_54 : i32
    "tpu.region"() ({
      %run_scoped3A_93 = tpu.sem_alloc : memref<!tpu.dma_semaphore, #tpu.memory_space<semaphore_mem>>
      %dma_start3A = arith.constant 0 : i32
      %dma_start3A_94 = arith.constant 0 : i32
      %dma_start3A_95 = tpu.memref_slice %arg9[%dma_start3A, %dma_start3A_94] : memref<128x128xf32, #tpu.memory_space<vmem>> -> memref<64x128xf32, #tpu.memory_space<vmem>>
      %dma_start3A_96 = arith.constant 0 : i32
      %dma_start3A_97 = tpu.memref_slice %arg13[%add3A_55, %dma_start3A_96] : memref<5120x128xf32, #tpu.memory_space<vmem_shared>> -> memref<64x128xf32, #tpu.memory_space<vmem_shared>>
      %dma_start3A_98 = arith.constant 0 : i32
      %dma_start3A_99 = tpu.memref_slice %arg13[%add3A_55, %dma_start3A_98] : memref<5120x128xf32, #tpu.memory_space<vmem_shared>> -> memref<64x128xf32, #tpu.memory_space<vmem_shared>>
      %dma_start3A_100 = arith.constant 0 : i32
      %dma_start3A_101 = arith.constant 0 : i32
      %dma_start3A_102 = tpu.memref_slice %arg9[%dma_start3A_100, %dma_start3A_101] : memref<128x128xf32, #tpu.memory_space<vmem>> -> memref<64x128xf32, #tpu.memory_space<vmem>>
      tpu.enqueue_dma source(%dma_start3A_102 : memref<64x128xf32, #tpu.memory_space<vmem>>) target(%dma_start3A_99 : memref<64x128xf32, #tpu.memory_space<vmem_shared>>) target_semaphore(%run_scoped3A_93 : memref<!tpu.dma_semaphore, #tpu.memory_space<semaphore_mem>>)
      %dma_wait3A = arith.constant 0 : i32
      %dma_wait3A_103 = arith.constant 0 : i32
      %dma_wait3A_104 = tpu.memref_slice %arg9[%dma_wait3A, %dma_wait3A_103] : memref<128x128xf32, #tpu.memory_space<vmem>> -> memref<64x128xf32, #tpu.memory_space<vmem>>
      %dma_wait3A_105 = arith.constant 0 : i32
      %dma_wait3A_106 = tpu.memref_slice %arg13[%add3A_55, %dma_wait3A_105] : memref<5120x128xf32, #tpu.memory_space<vmem_shared>> -> memref<64x128xf32, #tpu.memory_space<vmem_shared>>
      %dma_wait3A_107 = arith.constant 0 : i32
      %dma_wait3A_108 = tpu.memref_slice %arg13[%add3A_55, %dma_wait3A_107] : memref<5120x128xf32, #tpu.memory_space<vmem_shared>> -> memref<64x128xf32, #tpu.memory_space<vmem_shared>>
      %dma_wait3A_109 = arith.constant 0 : i32
      %dma_wait3A_110 = arith.constant 0 : i32
      %dma_wait3A_111 = tpu.memref_slice %arg9[%dma_wait3A_109, %dma_wait3A_110] : memref<128x128xf32, #tpu.memory_space<vmem>> -> memref<64x128xf32, #tpu.memory_space<vmem>>
      tpu.wait_dma2 semaphore(%run_scoped3A_93 : memref<!tpu.dma_semaphore, #tpu.memory_space<semaphore_mem>>) src(%dma_wait3A_111 : memref<64x128xf32, #tpu.memory_space<vmem>>) dst(%dma_wait3A_108 : memref<64x128xf32, #tpu.memory_space<vmem_shared>>)
      tpu.yield
    }) : () -> ()
    %run_scoped3A_56 = arith.constant 1 : i32
    "tpu.region"() ({
      %run_scoped3A_93 = tpu.sem_alloc : memref<!tpu.dma_semaphore, #tpu.memory_space<semaphore_mem>>
      %dma_start3A = arith.constant 0 : i32
      %dma_start3A_94 = arith.constant 0 : i32
      %dma_start3A_95 = tpu.memref_slice %arg4[%run_scoped3A_56, %arg1, %dma_start3A, %dma_start3A_94] : memref<2x16x158x128xi32, #tpu.memory_space<hbm>> -> memref<1x1x158x128xi32, #tpu.memory_space<hbm>>
      %dma_start3A_96 = tpu.memref_squeeze %dma_start3A_95 : memref<1x1x158x128xi32, #tpu.memory_space<hbm>> -> memref<158x128xi32, #tpu.memory_space<hbm>>
      %dma_start3A_97 = arith.constant 0 : i32
      %dma_start3A_98 = arith.constant 0 : i32
      %dma_start3A_99 = tpu.memref_slice %arg4[%run_scoped3A_56, %arg1, %dma_start3A_97, %dma_start3A_98] : memref<2x16x158x128xi32, #tpu.memory_space<hbm>> -> memref<1x1x158x128xi32, #tpu.memory_space<hbm>>
      %dma_start3A_100 = tpu.memref_squeeze %dma_start3A_99 : memref<1x1x158x128xi32, #tpu.memory_space<hbm>> -> memref<158x128xi32, #tpu.memory_space<hbm>>
      tpu.enqueue_dma source(%dma_start3A_100 : memref<158x128xi32, #tpu.memory_space<hbm>>) target(%arg8 : memref<158x128xi32, #tpu.memory_space<vmem>>) target_semaphore(%run_scoped3A_93 : memref<!tpu.dma_semaphore, #tpu.memory_space<semaphore_mem>>)
      %dma_wait3A = arith.constant 0 : i32
      %dma_wait3A_101 = arith.constant 0 : i32
      %dma_wait3A_102 = tpu.memref_slice %arg4[%run_scoped3A_56, %arg1, %dma_wait3A, %dma_wait3A_101] : memref<2x16x158x128xi32, #tpu.memory_space<hbm>> -> memref<1x1x158x128xi32, #tpu.memory_space<hbm>>
      %dma_wait3A_103 = tpu.memref_squeeze %dma_wait3A_102 : memref<1x1x158x128xi32, #tpu.memory_space<hbm>> -> memref<158x128xi32, #tpu.memory_space<hbm>>
      %dma_wait3A_104 = arith.constant 0 : i32
      %dma_wait3A_105 = arith.constant 0 : i32
      %dma_wait3A_106 = tpu.memref_slice %arg4[%run_scoped3A_56, %arg1, %dma_wait3A_104, %dma_wait3A_105] : memref<2x16x158x128xi32, #tpu.memory_space<hbm>> -> memref<1x1x158x128xi32, #tpu.memory_space<hbm>>
      %dma_wait3A_107 = tpu.memref_squeeze %dma_wait3A_106 : memref<1x1x158x128xi32, #tpu.memory_space<hbm>> -> memref<158x128xi32, #tpu.memory_space<hbm>>
      tpu.wait_dma2 semaphore(%run_scoped3A_93 : memref<!tpu.dma_semaphore, #tpu.memory_space<semaphore_mem>>) src(%dma_wait3A_107 : memref<158x128xi32, #tpu.memory_space<hbm>>) dst(%arg8 : memref<158x128xi32, #tpu.memory_space<vmem>>)
      tpu.yield
    }) : () -> ()
    %barrier3A_57 = arith.constant 0 : index
    tpu.barrier barrier_id(%barrier3A_57)
    %scan3A_58 = arith.constant 0 : i32
    %scan3A_59 = arith.constant 0 : i32
    %scan3A_60 = arith.constant 79 : i32
    %scan3A_61 = arith.addi %scan3A_59, %scan3A_60 : i32
    %scan3A_62 = arith.constant 1 : i32
    %scan3A_63 = scf.for %scan3A_93 = %scan3A_59 to %scan3A_61 step %scan3A_62 iter_args(%scan3A_94 = %scan3A_58) -> (i32)  : i32 {
      %mul3A_95 = arith.constant 2 : i32
      %mul3A_96 = arith.muli %mul3A_95, %scan3A_93 : i32
      %mul3A_97 = arith.constant 2 : i32
      %mul3A_98 = arith.muli %mul3A_97, %scan3A_93 : i32
      %add3A_99 = arith.constant 1 : i32
      %add3A_100 = arith.addi %mul3A_98, %add3A_99 : i32
      %dma_start3A = arith.constant 0 : i32
      %dma_start3A_101 = tpu.memref_slice %arg7[%mul3A_96, %dma_start3A] : memref<158x128xi32, #tpu.memory_space<vmem>> -> memref<1x128xi32, #tpu.memory_space<vmem>>
      %dma_start3A_102 = tpu.memref_squeeze %dma_start3A_101 : memref<1x128xi32, #tpu.memory_space<vmem>> -> memref<128xi32, #tpu.memory_space<vmem>>
      %dma_start3A_103 = arith.constant 0 : i32
      %dma_start3A_104 = arith.constant 0 : i32
      %dma_start3A_105 = tpu.memref_slice %arg2[%dma_start3A_103, %dma_start3A_104] : memref<20000x128xf32, #tpu.memory_space<hbm>> -> memref<20000x128xf32, #tpu.memory_space<hbm>>
      tpu.enqueue_indirect_dma source(%dma_start3A_105 : memref<20000x128xf32, #tpu.memory_space<hbm>>) target(%arg9 : memref<128x128xf32, #tpu.memory_space<vmem>>) offsets(%dma_start3A_102 : memref<128xi32, #tpu.memory_space<vmem>>) semaphore(%arg11 : memref<!tpu.dma_semaphore, #tpu.memory_space<semaphore_mem>>)
      %dma_start3A_106 = arith.constant 0 : i32
      %dma_start3A_107 = tpu.memref_slice %arg7[%add3A_100, %dma_start3A_106] : memref<158x128xi32, #tpu.memory_space<vmem>> -> memref<1x128xi32, #tpu.memory_space<vmem>>
      %dma_start3A_108 = tpu.memref_squeeze %dma_start3A_107 : memref<1x128xi32, #tpu.memory_space<vmem>> -> memref<128xi32, #tpu.memory_space<vmem>>
      %dma_start3A_109 = arith.constant 0 : i32
      %dma_start3A_110 = arith.constant 0 : i32
      %dma_start3A_111 = tpu.memref_slice %arg2[%dma_start3A_109, %dma_start3A_110] : memref<20000x128xf32, #tpu.memory_space<hbm>> -> memref<20000x128xf32, #tpu.memory_space<hbm>>
      tpu.enqueue_indirect_dma source(%dma_start3A_111 : memref<20000x128xf32, #tpu.memory_space<hbm>>) target(%arg10 : memref<128x128xf32, #tpu.memory_space<vmem>>) offsets(%dma_start3A_108 : memref<128xi32, #tpu.memory_space<vmem>>) semaphore(%arg12 : memref<!tpu.dma_semaphore, #tpu.memory_space<semaphore_mem>>)
      %dma_wait3A = arith.constant 0 : i32
      %dma_wait3A_112 = tpu.memref_slice %arg7[%mul3A_96, %dma_wait3A] : memref<158x128xi32, #tpu.memory_space<vmem>> -> memref<1x128xi32, #tpu.memory_space<vmem>>
      %dma_wait3A_113 = tpu.memref_squeeze %dma_wait3A_112 : memref<1x128xi32, #tpu.memory_space<vmem>> -> memref<128xi32, #tpu.memory_space<vmem>>
      %dma_wait3A_114 = arith.constant 0 : i32
      %dma_wait3A_115 = arith.constant 0 : i32
      %dma_wait3A_116 = tpu.memref_slice %arg2[%dma_wait3A_114, %dma_wait3A_115] : memref<20000x128xf32, #tpu.memory_space<hbm>> -> memref<20000x128xf32, #tpu.memory_space<hbm>>
      tpu.wait_indirect_dma semaphore(%arg11 : memref<!tpu.dma_semaphore, #tpu.memory_space<semaphore_mem>>) src(%dma_wait3A_116 : memref<20000x128xf32, #tpu.memory_space<hbm>>) dst(%arg9 : memref<128x128xf32, #tpu.memory_space<vmem>>)
      "tpu.region"() ({
        %run_scoped3A_124 = tpu.sem_alloc : memref<!tpu.dma_semaphore, #tpu.memory_space<semaphore_mem>>
        %dma_start3A_125 = arith.constant 0 : i32
        %dma_start3A_126 = tpu.memref_slice %arg8[%mul3A_96, %dma_start3A_125] : memref<158x128xi32, #tpu.memory_space<vmem>> -> memref<1x128xi32, #tpu.memory_space<vmem>>
        %dma_start3A_127 = tpu.memref_squeeze %dma_start3A_126 : memref<1x128xi32, #tpu.memory_space<vmem>> -> memref<128xi32, #tpu.memory_space<vmem>>
        %dma_start3A_128 = arith.constant 0 : i32
        %dma_start3A_129 = arith.constant 0 : i32
        %dma_start3A_130 = tpu.memref_slice %arg13[%dma_start3A_128, %dma_start3A_129] : memref<5120x128xf32, #tpu.memory_space<vmem_shared>> -> memref<5120x128xf32, #tpu.memory_space<vmem_shared>>
        tpu.enqueue_indirect_dma source(%arg9 : memref<128x128xf32, #tpu.memory_space<vmem>>) target(%dma_start3A_130 : memref<5120x128xf32, #tpu.memory_space<vmem_shared>>) offsets(%dma_start3A_127 : memref<128xi32, #tpu.memory_space<vmem>>) semaphore(%run_scoped3A_124 : memref<!tpu.dma_semaphore, #tpu.memory_space<semaphore_mem>>) {add = true}
        %dma_wait3A_131 = arith.constant 0 : i32
        %dma_wait3A_132 = tpu.memref_slice %arg8[%mul3A_96, %dma_wait3A_131] : memref<158x128xi32, #tpu.memory_space<vmem>> -> memref<1x128xi32, #tpu.memory_space<vmem>>
        %dma_wait3A_133 = tpu.memref_squeeze %dma_wait3A_132 : memref<1x128xi32, #tpu.memory_space<vmem>> -> memref<128xi32, #tpu.memory_space<vmem>>
        %dma_wait3A_134 = arith.constant 0 : i32
        %dma_wait3A_135 = arith.constant 0 : i32
        %dma_wait3A_136 = tpu.memref_slice %arg13[%dma_wait3A_134, %dma_wait3A_135] : memref<5120x128xf32, #tpu.memory_space<vmem_shared>> -> memref<5120x128xf32, #tpu.memory_space<vmem_shared>>
        tpu.wait_indirect_dma semaphore(%run_scoped3A_124 : memref<!tpu.dma_semaphore, #tpu.memory_space<semaphore_mem>>) src(%arg9 : memref<128x128xf32, #tpu.memory_space<vmem>>) dst(%dma_wait3A_136 : memref<5120x128xf32, #tpu.memory_space<vmem_shared>>)
        tpu.yield
      }) : () -> ()
      %dma_wait3A_117 = arith.constant 0 : i32
      %dma_wait3A_118 = tpu.memref_slice %arg7[%add3A_100, %dma_wait3A_117] : memref<158x128xi32, #tpu.memory_space<vmem>> -> memref<1x128xi32, #tpu.memory_space<vmem>>
      %dma_wait3A_119 = tpu.memref_squeeze %dma_wait3A_118 : memref<1x128xi32, #tpu.memory_space<vmem>> -> memref<128xi32, #tpu.memory_space<vmem>>
      %dma_wait3A_120 = arith.constant 0 : i32
      %dma_wait3A_121 = arith.constant 0 : i32
      %dma_wait3A_122 = tpu.memref_slice %arg2[%dma_wait3A_120, %dma_wait3A_121] : memref<20000x128xf32, #tpu.memory_space<hbm>> -> memref<20000x128xf32, #tpu.memory_space<hbm>>
      tpu.wait_indirect_dma semaphore(%arg12 : memref<!tpu.dma_semaphore, #tpu.memory_space<semaphore_mem>>) src(%dma_wait3A_122 : memref<20000x128xf32, #tpu.memory_space<hbm>>) dst(%arg10 : memref<128x128xf32, #tpu.memory_space<vmem>>)
      "tpu.region"() ({
        %run_scoped3A_124 = tpu.sem_alloc : memref<!tpu.dma_semaphore, #tpu.memory_space<semaphore_mem>>
        %dma_start3A_125 = arith.constant 0 : i32
        %dma_start3A_126 = tpu.memref_slice %arg8[%add3A_100, %dma_start3A_125] : memref<158x128xi32, #tpu.memory_space<vmem>> -> memref<1x128xi32, #tpu.memory_space<vmem>>
        %dma_start3A_127 = tpu.memref_squeeze %dma_start3A_126 : memref<1x128xi32, #tpu.memory_space<vmem>> -> memref<128xi32, #tpu.memory_space<vmem>>
        %dma_start3A_128 = arith.constant 0 : i32
        %dma_start3A_129 = arith.constant 0 : i32
        %dma_start3A_130 = tpu.memref_slice %arg13[%dma_start3A_128, %dma_start3A_129] : memref<5120x128xf32, #tpu.memory_space<vmem_shared>> -> memref<5120x128xf32, #tpu.memory_space<vmem_shared>>
        tpu.enqueue_indirect_dma source(%arg10 : memref<128x128xf32, #tpu.memory_space<vmem>>) target(%dma_start3A_130 : memref<5120x128xf32, #tpu.memory_space<vmem_shared>>) offsets(%dma_start3A_127 : memref<128xi32, #tpu.memory_space<vmem>>) semaphore(%run_scoped3A_124 : memref<!tpu.dma_semaphore, #tpu.memory_space<semaphore_mem>>) {add = true}
        %dma_wait3A_131 = arith.constant 0 : i32
        %dma_wait3A_132 = tpu.memref_slice %arg8[%add3A_100, %dma_wait3A_131] : memref<158x128xi32, #tpu.memory_space<vmem>> -> memref<1x128xi32, #tpu.memory_space<vmem>>
        %dma_wait3A_133 = tpu.memref_squeeze %dma_wait3A_132 : memref<1x128xi32, #tpu.memory_space<vmem>> -> memref<128xi32, #tpu.memory_space<vmem>>
        %dma_wait3A_134 = arith.constant 0 : i32
        %dma_wait3A_135 = arith.constant 0 : i32
        %dma_wait3A_136 = tpu.memref_slice %arg13[%dma_wait3A_134, %dma_wait3A_135] : memref<5120x128xf32, #tpu.memory_space<vmem_shared>> -> memref<5120x128xf32, #tpu.memory_space<vmem_shared>>
        tpu.wait_indirect_dma semaphore(%run_scoped3A_124 : memref<!tpu.dma_semaphore, #tpu.memory_space<semaphore_mem>>) src(%arg10 : memref<128x128xf32, #tpu.memory_space<vmem>>) dst(%dma_wait3A_136 : memref<5120x128xf32, #tpu.memory_space<vmem_shared>>)
        tpu.yield
      }) : () -> ()
      %scan3A_123 = arith.constant 0 : i32
      scf.yield %scan3A_123 : i32
    }
    %scan3A_64 = arith.constant 79 : i32
    %barrier3A_65 = arith.constant 0 : index
    tpu.barrier barrier_id(%barrier3A_65)
    %mul3A_66 = arith.constant 320 : i32
    %mul3A_67 = arith.muli %arg1, %mul3A_66 : i32
    %add3A_68 = arith.constant 0 : i32
    %add3A_69 = arith.addi %mul3A_67, %add3A_68 : i32
    "tpu.region"() ({
      %run_scoped3A_93 = tpu.sem_alloc : memref<!tpu.dma_semaphore, #tpu.memory_space<semaphore_mem>>
      %dma_start3A = arith.constant 0 : i32
      %dma_start3A_94 = arith.constant 0 : i32
      %dma_start3A_95 = tpu.memref_slice %arg9[%dma_start3A, %dma_start3A_94] : memref<128x128xf32, #tpu.memory_space<vmem>> -> memref<128x128xf32, #tpu.memory_space<vmem>>
      %dma_start3A_96 = arith.constant 0 : i32
      %dma_start3A_97 = tpu.memref_slice %arg13[%add3A_69, %dma_start3A_96] : memref<5120x128xf32, #tpu.memory_space<vmem_shared>> -> memref<128x128xf32, #tpu.memory_space<vmem_shared>>
      %dma_start3A_98 = arith.constant 0 : i32
      %dma_start3A_99 = arith.constant 0 : i32
      %dma_start3A_100 = tpu.memref_slice %arg9[%dma_start3A_98, %dma_start3A_99] : memref<128x128xf32, #tpu.memory_space<vmem>> -> memref<128x128xf32, #tpu.memory_space<vmem>>
      %dma_start3A_101 = arith.constant 0 : i32
      %dma_start3A_102 = tpu.memref_slice %arg13[%add3A_69, %dma_start3A_101] : memref<5120x128xf32, #tpu.memory_space<vmem_shared>> -> memref<128x128xf32, #tpu.memory_space<vmem_shared>>
      tpu.enqueue_dma source(%dma_start3A_102 : memref<128x128xf32, #tpu.memory_space<vmem_shared>>) target(%dma_start3A_100 : memref<128x128xf32, #tpu.memory_space<vmem>>) target_semaphore(%run_scoped3A_93 : memref<!tpu.dma_semaphore, #tpu.memory_space<semaphore_mem>>)
      %dma_wait3A = arith.constant 0 : i32
      %dma_wait3A_103 = arith.constant 0 : i32
      %dma_wait3A_104 = tpu.memref_slice %arg9[%dma_wait3A, %dma_wait3A_103] : memref<128x128xf32, #tpu.memory_space<vmem>> -> memref<128x128xf32, #tpu.memory_space<vmem>>
      %dma_wait3A_105 = arith.constant 0 : i32
      %dma_wait3A_106 = tpu.memref_slice %arg13[%add3A_69, %dma_wait3A_105] : memref<5120x128xf32, #tpu.memory_space<vmem_shared>> -> memref<128x128xf32, #tpu.memory_space<vmem_shared>>
      %dma_wait3A_107 = arith.constant 0 : i32
      %dma_wait3A_108 = arith.constant 0 : i32
      %dma_wait3A_109 = tpu.memref_slice %arg9[%dma_wait3A_107, %dma_wait3A_108] : memref<128x128xf32, #tpu.memory_space<vmem>> -> memref<128x128xf32, #tpu.memory_space<vmem>>
      %dma_wait3A_110 = arith.constant 0 : i32
      %dma_wait3A_111 = tpu.memref_slice %arg13[%add3A_69, %dma_wait3A_110] : memref<5120x128xf32, #tpu.memory_space<vmem_shared>> -> memref<128x128xf32, #tpu.memory_space<vmem_shared>>
      tpu.wait_dma2 semaphore(%run_scoped3A_93 : memref<!tpu.dma_semaphore, #tpu.memory_space<semaphore_mem>>) src(%dma_wait3A_111 : memref<128x128xf32, #tpu.memory_space<vmem_shared>>) dst(%dma_wait3A_109 : memref<128x128xf32, #tpu.memory_space<vmem>>)
      tpu.yield
    }) : () -> ()
    %mul3A_70 = arith.constant 10240 : i32
    %mul3A_71 = arith.muli %arg0, %mul3A_70 : i32
    %add3A_72 = arith.constant 5056 : i32
    %add3A_73 = arith.addi %mul3A_71, %add3A_72 : i32
    %add3A_74 = arith.addi %add3A_73, %add3A_69 : i32
    "tpu.region"() ({
      %run_scoped3A_93 = tpu.sem_alloc : memref<!tpu.dma_semaphore, #tpu.memory_space<semaphore_mem>>
      %dma_start3A = arith.constant 0 : i32
      %dma_start3A_94 = arith.constant 0 : i32
      %dma_start3A_95 = tpu.memref_slice %arg9[%dma_start3A, %dma_start3A_94] : memref<128x128xf32, #tpu.memory_space<vmem>> -> memref<128x128xf32, #tpu.memory_space<vmem>>
      %dma_start3A_96 = arith.constant 0 : i32
      %dma_start3A_97 = tpu.memref_slice %arg6[%add3A_74, %dma_start3A_96] : memref<20480x128xf32, #tpu.memory_space<hbm>> -> memref<128x128xf32, #tpu.memory_space<hbm>>
      %dma_start3A_98 = arith.constant 0 : i32
      %dma_start3A_99 = tpu.memref_slice %arg6[%add3A_74, %dma_start3A_98] : memref<20480x128xf32, #tpu.memory_space<hbm>> -> memref<128x128xf32, #tpu.memory_space<hbm>>
      %dma_start3A_100 = arith.constant 0 : i32
      %dma_start3A_101 = arith.constant 0 : i32
      %dma_start3A_102 = tpu.memref_slice %arg9[%dma_start3A_100, %dma_start3A_101] : memref<128x128xf32, #tpu.memory_space<vmem>> -> memref<128x128xf32, #tpu.memory_space<vmem>>
      tpu.enqueue_dma source(%dma_start3A_102 : memref<128x128xf32, #tpu.memory_space<vmem>>) target(%dma_start3A_99 : memref<128x128xf32, #tpu.memory_space<hbm>>) target_semaphore(%run_scoped3A_93 : memref<!tpu.dma_semaphore, #tpu.memory_space<semaphore_mem>>)
      %dma_wait3A = arith.constant 0 : i32
      %dma_wait3A_103 = arith.constant 0 : i32
      %dma_wait3A_104 = tpu.memref_slice %arg9[%dma_wait3A, %dma_wait3A_103] : memref<128x128xf32, #tpu.memory_space<vmem>> -> memref<128x128xf32, #tpu.memory_space<vmem>>
      %dma_wait3A_105 = arith.constant 0 : i32
      %dma_wait3A_106 = tpu.memref_slice %arg6[%add3A_74, %dma_wait3A_105] : memref<20480x128xf32, #tpu.memory_space<hbm>> -> memref<128x128xf32, #tpu.memory_space<hbm>>
      %dma_wait3A_107 = arith.constant 0 : i32
      %dma_wait3A_108 = tpu.memref_slice %arg6[%add3A_74, %dma_wait3A_107] : memref<20480x128xf32, #tpu.memory_space<hbm>> -> memref<128x128xf32, #tpu.memory_space<hbm>>
      %dma_wait3A_109 = arith.constant 0 : i32
      %dma_wait3A_110 = arith.constant 0 : i32
      %dma_wait3A_111 = tpu.memref_slice %arg9[%dma_wait3A_109, %dma_wait3A_110] : memref<128x128xf32, #tpu.memory_space<vmem>> -> memref<128x128xf32, #tpu.memory_space<vmem>>
      tpu.wait_dma2 semaphore(%run_scoped3A_93 : memref<!tpu.dma_semaphore, #tpu.memory_space<semaphore_mem>>) src(%dma_wait3A_111 : memref<128x128xf32, #tpu.memory_space<vmem>>) dst(%dma_wait3A_108 : memref<128x128xf32, #tpu.memory_space<hbm>>)
      tpu.yield
    }) : () -> ()
    %mul3A_75 = arith.constant 320 : i32
    %mul3A_76 = arith.muli %arg1, %mul3A_75 : i32
    %add3A_77 = arith.constant 128 : i32
    %add3A_78 = arith.addi %mul3A_76, %add3A_77 : i32
    "tpu.region"() ({
      %run_scoped3A_93 = tpu.sem_alloc : memref<!tpu.dma_semaphore, #tpu.memory_space<semaphore_mem>>
      %dma_start3A = arith.constant 0 : i32
      %dma_start3A_94 = arith.constant 0 : i32
      %dma_start3A_95 = tpu.memref_slice %arg9[%dma_start3A, %dma_start3A_94] : memref<128x128xf32, #tpu.memory_space<vmem>> -> memref<128x128xf32, #tpu.memory_space<vmem>>
      %dma_start3A_96 = arith.constant 0 : i32
      %dma_start3A_97 = tpu.memref_slice %arg13[%add3A_78, %dma_start3A_96] : memref<5120x128xf32, #tpu.memory_space<vmem_shared>> -> memref<128x128xf32, #tpu.memory_space<vmem_shared>>
      %dma_start3A_98 = arith.constant 0 : i32
      %dma_start3A_99 = arith.constant 0 : i32
      %dma_start3A_100 = tpu.memref_slice %arg9[%dma_start3A_98, %dma_start3A_99] : memref<128x128xf32, #tpu.memory_space<vmem>> -> memref<128x128xf32, #tpu.memory_space<vmem>>
      %dma_start3A_101 = arith.constant 0 : i32
      %dma_start3A_102 = tpu.memref_slice %arg13[%add3A_78, %dma_start3A_101] : memref<5120x128xf32, #tpu.memory_space<vmem_shared>> -> memref<128x128xf32, #tpu.memory_space<vmem_shared>>
      tpu.enqueue_dma source(%dma_start3A_102 : memref<128x128xf32, #tpu.memory_space<vmem_shared>>) target(%dma_start3A_100 : memref<128x128xf32, #tpu.memory_space<vmem>>) target_semaphore(%run_scoped3A_93 : memref<!tpu.dma_semaphore, #tpu.memory_space<semaphore_mem>>)
      %dma_wait3A = arith.constant 0 : i32
      %dma_wait3A_103 = arith.constant 0 : i32
      %dma_wait3A_104 = tpu.memref_slice %arg9[%dma_wait3A, %dma_wait3A_103] : memref<128x128xf32, #tpu.memory_space<vmem>> -> memref<128x128xf32, #tpu.memory_space<vmem>>
      %dma_wait3A_105 = arith.constant 0 : i32
      %dma_wait3A_106 = tpu.memref_slice %arg13[%add3A_78, %dma_wait3A_105] : memref<5120x128xf32, #tpu.memory_space<vmem_shared>> -> memref<128x128xf32, #tpu.memory_space<vmem_shared>>
      %dma_wait3A_107 = arith.constant 0 : i32
      %dma_wait3A_108 = arith.constant 0 : i32
      %dma_wait3A_109 = tpu.memref_slice %arg9[%dma_wait3A_107, %dma_wait3A_108] : memref<128x128xf32, #tpu.memory_space<vmem>> -> memref<128x128xf32, #tpu.memory_space<vmem>>
      %dma_wait3A_110 = arith.constant 0 : i32
      %dma_wait3A_111 = tpu.memref_slice %arg13[%add3A_78, %dma_wait3A_110] : memref<5120x128xf32, #tpu.memory_space<vmem_shared>> -> memref<128x128xf32, #tpu.memory_space<vmem_shared>>
      tpu.wait_dma2 semaphore(%run_scoped3A_93 : memref<!tpu.dma_semaphore, #tpu.memory_space<semaphore_mem>>) src(%dma_wait3A_111 : memref<128x128xf32, #tpu.memory_space<vmem_shared>>) dst(%dma_wait3A_109 : memref<128x128xf32, #tpu.memory_space<vmem>>)
      tpu.yield
    }) : () -> ()
    %mul3A_79 = arith.constant 10240 : i32
    %mul3A_80 = arith.muli %arg0, %mul3A_79 : i32
    %add3A_81 = arith.constant 5056 : i32
    %add3A_82 = arith.addi %mul3A_80, %add3A_81 : i32
    %add3A_83 = arith.addi %add3A_82, %add3A_78 : i32
    "tpu.region"() ({
      %run_scoped3A_93 = tpu.sem_alloc : memref<!tpu.dma_semaphore, #tpu.memory_space<semaphore_mem>>
      %dma_start3A = arith.constant 0 : i32
      %dma_start3A_94 = arith.constant 0 : i32
      %dma_start3A_95 = tpu.memref_slice %arg9[%dma_start3A, %dma_start3A_94] : memref<128x128xf32, #tpu.memory_space<vmem>> -> memref<128x128xf32, #tpu.memory_space<vmem>>
      %dma_start3A_96 = arith.constant 0 : i32
      %dma_start3A_97 = tpu.memref_slice %arg6[%add3A_83, %dma_start3A_96] : memref<20480x128xf32, #tpu.memory_space<hbm>> -> memref<128x128xf32, #tpu.memory_space<hbm>>
      %dma_start3A_98 = arith.constant 0 : i32
      %dma_start3A_99 = tpu.memref_slice %arg6[%add3A_83, %dma_start3A_98] : memref<20480x128xf32, #tpu.memory_space<hbm>> -> memref<128x128xf32, #tpu.memory_space<hbm>>
      %dma_start3A_100 = arith.constant 0 : i32
      %dma_start3A_101 = arith.constant 0 : i32
      %dma_start3A_102 = tpu.memref_slice %arg9[%dma_start3A_100, %dma_start3A_101] : memref<128x128xf32, #tpu.memory_space<vmem>> -> memref<128x128xf32, #tpu.memory_space<vmem>>
      tpu.enqueue_dma source(%dma_start3A_102 : memref<128x128xf32, #tpu.memory_space<vmem>>) target(%dma_start3A_99 : memref<128x128xf32, #tpu.memory_space<hbm>>) target_semaphore(%run_scoped3A_93 : memref<!tpu.dma_semaphore, #tpu.memory_space<semaphore_mem>>)
      %dma_wait3A = arith.constant 0 : i32
      %dma_wait3A_103 = arith.constant 0 : i32
      %dma_wait3A_104 = tpu.memref_slice %arg9[%dma_wait3A, %dma_wait3A_103] : memref<128x128xf32, #tpu.memory_space<vmem>> -> memref<128x128xf32, #tpu.memory_space<vmem>>
      %dma_wait3A_105 = arith.constant 0 : i32
      %dma_wait3A_106 = tpu.memref_slice %arg6[%add3A_83, %dma_wait3A_105] : memref<20480x128xf32, #tpu.memory_space<hbm>> -> memref<128x128xf32, #tpu.memory_space<hbm>>
      %dma_wait3A_107 = arith.constant 0 : i32
      %dma_wait3A_108 = tpu.memref_slice %arg6[%add3A_83, %dma_wait3A_107] : memref<20480x128xf32, #tpu.memory_space<hbm>> -> memref<128x128xf32, #tpu.memory_space<hbm>>
      %dma_wait3A_109 = arith.constant 0 : i32
      %dma_wait3A_110 = arith.constant 0 : i32
      %dma_wait3A_111 = tpu.memref_slice %arg9[%dma_wait3A_109, %dma_wait3A_110] : memref<128x128xf32, #tpu.memory_space<vmem>> -> memref<128x128xf32, #tpu.memory_space<vmem>>
      tpu.wait_dma2 semaphore(%run_scoped3A_93 : memref<!tpu.dma_semaphore, #tpu.memory_space<semaphore_mem>>) src(%dma_wait3A_111 : memref<128x128xf32, #tpu.memory_space<vmem>>) dst(%dma_wait3A_108 : memref<128x128xf32, #tpu.memory_space<hbm>>)
      tpu.yield
    }) : () -> ()
    %mul3A_84 = arith.constant 320 : i32
    %mul3A_85 = arith.muli %arg1, %mul3A_84 : i32
    %add3A_86 = arith.constant 256 : i32
    %add3A_87 = arith.addi %mul3A_85, %add3A_86 : i32
    "tpu.region"() ({
      %run_scoped3A_93 = tpu.sem_alloc : memref<!tpu.dma_semaphore, #tpu.memory_space<semaphore_mem>>
      %dma_start3A = arith.constant 0 : i32
      %dma_start3A_94 = arith.constant 0 : i32
      %dma_start3A_95 = tpu.memref_slice %arg9[%dma_start3A, %dma_start3A_94] : memref<128x128xf32, #tpu.memory_space<vmem>> -> memref<64x128xf32, #tpu.memory_space<vmem>>
      %dma_start3A_96 = arith.constant 0 : i32
      %dma_start3A_97 = tpu.memref_slice %arg13[%add3A_87, %dma_start3A_96] : memref<5120x128xf32, #tpu.memory_space<vmem_shared>> -> memref<64x128xf32, #tpu.memory_space<vmem_shared>>
      %dma_start3A_98 = arith.constant 0 : i32
      %dma_start3A_99 = arith.constant 0 : i32
      %dma_start3A_100 = tpu.memref_slice %arg9[%dma_start3A_98, %dma_start3A_99] : memref<128x128xf32, #tpu.memory_space<vmem>> -> memref<64x128xf32, #tpu.memory_space<vmem>>
      %dma_start3A_101 = arith.constant 0 : i32
      %dma_start3A_102 = tpu.memref_slice %arg13[%add3A_87, %dma_start3A_101] : memref<5120x128xf32, #tpu.memory_space<vmem_shared>> -> memref<64x128xf32, #tpu.memory_space<vmem_shared>>
      tpu.enqueue_dma source(%dma_start3A_102 : memref<64x128xf32, #tpu.memory_space<vmem_shared>>) target(%dma_start3A_100 : memref<64x128xf32, #tpu.memory_space<vmem>>) target_semaphore(%run_scoped3A_93 : memref<!tpu.dma_semaphore, #tpu.memory_space<semaphore_mem>>)
      %dma_wait3A = arith.constant 0 : i32
      %dma_wait3A_103 = arith.constant 0 : i32
      %dma_wait3A_104 = tpu.memref_slice %arg9[%dma_wait3A, %dma_wait3A_103] : memref<128x128xf32, #tpu.memory_space<vmem>> -> memref<64x128xf32, #tpu.memory_space<vmem>>
      %dma_wait3A_105 = arith.constant 0 : i32
      %dma_wait3A_106 = tpu.memref_slice %arg13[%add3A_87, %dma_wait3A_105] : memref<5120x128xf32, #tpu.memory_space<vmem_shared>> -> memref<64x128xf32, #tpu.memory_space<vmem_shared>>
      %dma_wait3A_107 = arith.constant 0 : i32
      %dma_wait3A_108 = arith.constant 0 : i32
      %dma_wait3A_109 = tpu.memref_slice %arg9[%dma_wait3A_107, %dma_wait3A_108] : memref<128x128xf32, #tpu.memory_space<vmem>> -> memref<64x128xf32, #tpu.memory_space<vmem>>
      %dma_wait3A_110 = arith.constant 0 : i32
      %dma_wait3A_111 = tpu.memref_slice %arg13[%add3A_87, %dma_wait3A_110] : memref<5120x128xf32, #tpu.memory_space<vmem_shared>> -> memref<64x128xf32, #tpu.memory_space<vmem_shared>>
      tpu.wait_dma2 semaphore(%run_scoped3A_93 : memref<!tpu.dma_semaphore, #tpu.memory_space<semaphore_mem>>) src(%dma_wait3A_111 : memref<64x128xf32, #tpu.memory_space<vmem_shared>>) dst(%dma_wait3A_109 : memref<64x128xf32, #tpu.memory_space<vmem>>)
      tpu.yield
    }) : () -> ()
    %mul3A_88 = arith.constant 10240 : i32
    %mul3A_89 = arith.muli %arg0, %mul3A_88 : i32
    %add3A_90 = arith.constant 5056 : i32
    %add3A_91 = arith.addi %mul3A_89, %add3A_90 : i32
    %add3A_92 = arith.addi %add3A_91, %add3A_87 : i32
    "tpu.region"() ({
      %run_scoped3A_93 = tpu.sem_alloc : memref<!tpu.dma_semaphore, #tpu.memory_space<semaphore_mem>>
      %dma_start3A = arith.constant 0 : i32
      %dma_start3A_94 = arith.constant 0 : i32
      %dma_start3A_95 = tpu.memref_slice %arg9[%dma_start3A, %dma_start3A_94] : memref<128x128xf32, #tpu.memory_space<vmem>> -> memref<64x128xf32, #tpu.memory_space<vmem>>
      %dma_start3A_96 = arith.constant 0 : i32
      %dma_start3A_97 = tpu.memref_slice %arg6[%add3A_92, %dma_start3A_96] : memref<20480x128xf32, #tpu.memory_space<hbm>> -> memref<64x128xf32, #tpu.memory_space<hbm>>
      %dma_start3A_98 = arith.constant 0 : i32
      %dma_start3A_99 = tpu.memref_slice %arg6[%add3A_92, %dma_start3A_98] : memref<20480x128xf32, #tpu.memory_space<hbm>> -> memref<64x128xf32, #tpu.memory_space<hbm>>
      %dma_start3A_100 = arith.constant 0 : i32
      %dma_start3A_101 = arith.constant 0 : i32
      %dma_start3A_102 = tpu.memref_slice %arg9[%dma_start3A_100, %dma_start3A_101] : memref<128x128xf32, #tpu.memory_space<vmem>> -> memref<64x128xf32, #tpu.memory_space<vmem>>
      tpu.enqueue_dma source(%dma_start3A_102 : memref<64x128xf32, #tpu.memory_space<vmem>>) target(%dma_start3A_99 : memref<64x128xf32, #tpu.memory_space<hbm>>) target_semaphore(%run_scoped3A_93 : memref<!tpu.dma_semaphore, #tpu.memory_space<semaphore_mem>>)
      %dma_wait3A = arith.constant 0 : i32
      %dma_wait3A_103 = arith.constant 0 : i32
      %dma_wait3A_104 = tpu.memref_slice %arg9[%dma_wait3A, %dma_wait3A_103] : memref<128x128xf32, #tpu.memory_space<vmem>> -> memref<64x128xf32, #tpu.memory_space<vmem>>
      %dma_wait3A_105 = arith.constant 0 : i32
      %dma_wait3A_106 = tpu.memref_slice %arg6[%add3A_92, %dma_wait3A_105] : memref<20480x128xf32, #tpu.memory_space<hbm>> -> memref<64x128xf32, #tpu.memory_space<hbm>>
      %dma_wait3A_107 = arith.constant 0 : i32
      %dma_wait3A_108 = tpu.memref_slice %arg6[%add3A_92, %dma_wait3A_107] : memref<20480x128xf32, #tpu.memory_space<hbm>> -> memref<64x128xf32, #tpu.memory_space<hbm>>
      %dma_wait3A_109 = arith.constant 0 : i32
      %dma_wait3A_110 = arith.constant 0 : i32
      %dma_wait3A_111 = tpu.memref_slice %arg9[%dma_wait3A_109, %dma_wait3A_110] : memref<128x128xf32, #tpu.memory_space<vmem>> -> memref<64x128xf32, #tpu.memory_space<vmem>>
      tpu.wait_dma2 semaphore(%run_scoped3A_93 : memref<!tpu.dma_semaphore, #tpu.memory_space<semaphore_mem>>) src(%dma_wait3A_111 : memref<64x128xf32, #tpu.memory_space<vmem>>) dst(%dma_wait3A_108 : memref<64x128xf32, #tpu.memory_space<hbm>>)
      tpu.yield
    }) : () -> ()
    return
  }
}

#map = affine_map<(d0, d1) -> (0, 0)>
#map1 = affine_map<(d0, d1) -> (0, 0, 0, 0)>
module attributes {stable_mosaic.version = 14 : i64} {
  func.func @_scatter_body(%arg0: i32, %arg1: i32, %arg2: memref<20000x128xf32, #tpu.memory_space<hbm>>, %arg3: memref<2x16x158x128xi32, #tpu.memory_space<hbm>>, %arg4: memref<2x16x158x128xi32, #tpu.memory_space<hbm>>, %arg5: memref<128x128xf32, #tpu.memory_space<hbm>>, %arg6: memref<20480x128xf32, #tpu.memory_space<hbm>>, %arg7: memref<158x128xi32, #tpu.memory_space<vmem>>, %arg8: memref<158x128xi32, #tpu.memory_space<vmem>>, %arg9: memref<128x128xf32, #tpu.memory_space<vmem>>, %arg10: memref<128x128xf32, #tpu.memory_space<vmem>>, %arg11: memref<!tpu.dma_semaphore, #tpu.memory_space<semaphore_mem>>, %arg12: memref<!tpu.dma_semaphore, #tpu.memory_space<semaphore_mem>>, %arg13: memref<5120x128xf32, #tpu.memory_space<vmem_shared>>) attributes {dimension_semantics = [#tpu.dimension_semantics<core_parallel>, #tpu.dimension_semantics<subcore_parallel>], iteration_bounds = array<i64: 2, 16>, scalar_prefetch = 0 : i64, scratch_operands = 7 : i64, tpu.core_type = #tpu.core_type<sc_vector_subcore>, window_params = [{transform_indices = #map}, {transform_indices = #map1}, {transform_indices = #map1}, {transform_indices = #map}, {transform_indices = #map}]} {
    "tpu.region"() ({
      %run_scoped3A_93 = tpu.sem_alloc : memref<!tpu.dma_semaphore, #tpu.memory_space<semaphore_mem>>
      %dma_start3A = arith.constant 0 : i32
      %dma_start3A_94 = arith.constant 0 : i32
      %dma_start3A_95 = tpu.memref_slice %arg3[%arg0, %arg1, %dma_start3A, %dma_start3A_94] : memref<2x16x158x128xi32, #tpu.memory_space<hbm>> -> memref<1x1x158x128xi32, #tpu.memory_space<hbm>>
      %dma_start3A_96 = tpu.memref_squeeze %dma_start3A_95 : memref<1x1x158x128xi32, #tpu.memory_space<hbm>> -> memref<158x128xi32, #tpu.memory_space<hbm>>
      %dma_start3A_97 = arith.constant 0 : i32
      %dma_start3A_98 = arith.constant 0 : i32
      %dma_start3A_99 = tpu.memref_slice %arg3[%arg0, %arg1, %dma_start3A_97, %dma_start3A_98] : memref<2x16x158x128xi32, #tpu.memory_space<hbm>> -> memref<1x1x158x128xi32, #tpu.memory_space<hbm>>
      %dma_start3A_100 = tpu.memref_squeeze %dma_start3A_99 : memref<1x1x158x128xi32, #tpu.memory_space<hbm>> -> memref<158x128xi32, #tpu.memory_space<hbm>>
      tpu.enqueue_dma source(%dma_start3A_100 : memref<158x128xi32, #tpu.memory_space<hbm>>) target(%arg7 : memref<158x128xi32, #tpu.memory_space<vmem>>) target_semaphore(%run_scoped3A_93 : memref<!tpu.dma_semaphore, #tpu.memory_space<semaphore_mem>>)
      %dma_wait3A = arith.constant 0 : i32
      %dma_wait3A_101 = arith.constant 0 : i32
      %dma_wait3A_102 = tpu.memref_slice %arg3[%arg0, %arg1, %dma_wait3A, %dma_wait3A_101] : memref<2x16x158x128xi32, #tpu.memory_space<hbm>> -> memref<1x1x158x128xi32, #tpu.memory_space<hbm>>
      %dma_wait3A_103 = tpu.memref_squeeze %dma_wait3A_102 : memref<1x1x158x128xi32, #tpu.memory_space<hbm>> -> memref<158x128xi32, #tpu.memory_space<hbm>>
      %dma_wait3A_104 = arith.constant 0 : i32
      %dma_wait3A_105 = arith.constant 0 : i32
      %dma_wait3A_106 = tpu.memref_slice %arg3[%arg0, %arg1, %dma_wait3A_104, %dma_wait3A_105] : memref<2x16x158x128xi32, #tpu.memory_space<hbm>> -> memref<1x1x158x128xi32, #tpu.memory_space<hbm>>
      %dma_wait3A_107 = tpu.memref_squeeze %dma_wait3A_106 : memref<1x1x158x128xi32, #tpu.memory_space<hbm>> -> memref<158x128xi32, #tpu.memory_space<hbm>>
      tpu.wait_dma2 semaphore(%run_scoped3A_93 : memref<!tpu.dma_semaphore, #tpu.memory_space<semaphore_mem>>) src(%dma_wait3A_107 : memref<158x128xi32, #tpu.memory_space<hbm>>) dst(%arg7 : memref<158x128xi32, #tpu.memory_space<vmem>>)
      tpu.yield
    }) : () -> ()
    "tpu.region"() ({
      %run_scoped3A_93 = tpu.sem_alloc : memref<!tpu.dma_semaphore, #tpu.memory_space<semaphore_mem>>
      tpu.enqueue_dma source(%arg5 : memref<128x128xf32, #tpu.memory_space<hbm>>) target(%arg9 : memref<128x128xf32, #tpu.memory_space<vmem>>) target_semaphore(%run_scoped3A_93 : memref<!tpu.dma_semaphore, #tpu.memory_space<semaphore_mem>>)
      tpu.wait_dma2 semaphore(%run_scoped3A_93 : memref<!tpu.dma_semaphore, #tpu.memory_space<semaphore_mem>>) src(%arg5 : memref<128x128xf32, #tpu.memory_space<hbm>>) dst(%arg9 : memref<128x128xf32, #tpu.memory_space<vmem>>)
      tpu.yield
    }) : () -> ()
    %mul3A = arith.constant 320 : i32
    %mul3A_0 = arith.muli %arg1, %mul3A : i32
    %add3A = arith.constant 0 : i32
    %add3A_1 = arith.addi %mul3A_0, %add3A : i32
    "tpu.region"() ({
      %run_scoped3A_93 = tpu.sem_alloc : memref<!tpu.dma_semaphore, #tpu.memory_space<semaphore_mem>>
      %dma_start3A = arith.constant 0 : i32
      %dma_start3A_94 = arith.constant 0 : i32
      %dma_start3A_95 = tpu.memref_slice %arg9[%dma_start3A, %dma_start3A_94] : memref<128x128xf32, #tpu.memory_space<vmem>> -> memref<128x128xf32, #tpu.memory_space<vmem>>
      %dma_start3A_96 = arith.constant 0 : i32
      %dma_start3A_97 = tpu.memref_slice %arg13[%add3A_1, %dma_start3A_96] : memref<5120x128xf32, #tpu.memory_space<vmem_shared>> -> memref<128x128xf32, #tpu.memory_space<vmem_shared>>
      %dma_start3A_98 = arith.constant 0 : i32
      %dma_start3A_99 = tpu.memref_slice %arg13[%add3A_1, %dma_start3A_98] : memref<5120x128xf32, #tpu.memory_space<vmem_shared>> -> memref<128x128xf32, #tpu.memory_space<vmem_shared>>
      %dma_start3A_100 = arith.constant 0 : i32
      %dma_start3A_101 = arith.constant 0 : i32
      %dma_start3A_102 = tpu.memref_slice %arg9[%dma_start3A_100, %dma_start3A_101] : memref<128x128xf32, #tpu.memory_space<vmem>> -> memref<128x128xf32, #tpu.memory_space<vmem>>
      tpu.enqueue_dma source(%dma_start3A_102 : memref<128x128xf32, #tpu.memory_space<vmem>>) target(%dma_start3A_99 : memref<128x128xf32, #tpu.memory_space<vmem_shared>>) target_semaphore(%run_scoped3A_93 : memref<!tpu.dma_semaphore, #tpu.memory_space<semaphore_mem>>)
      %dma_wait3A = arith.constant 0 : i32
      %dma_wait3A_103 = arith.constant 0 : i32
      %dma_wait3A_104 = tpu.memref_slice %arg9[%dma_wait3A, %dma_wait3A_103] : memref<128x128xf32, #tpu.memory_space<vmem>> -> memref<128x128xf32, #tpu.memory_space<vmem>>
      %dma_wait3A_105 = arith.constant 0 : i32
      %dma_wait3A_106 = tpu.memref_slice %arg13[%add3A_1, %dma_wait3A_105] : memref<5120x128xf32, #tpu.memory_space<vmem_shared>> -> memref<128x128xf32, #tpu.memory_space<vmem_shared>>
      %dma_wait3A_107 = arith.constant 0 : i32
      %dma_wait3A_108 = tpu.memref_slice %arg13[%add3A_1, %dma_wait3A_107] : memref<5120x128xf32, #tpu.memory_space<vmem_shared>> -> memref<128x128xf32, #tpu.memory_space<vmem_shared>>
      %dma_wait3A_109 = arith.constant 0 : i32
      %dma_wait3A_110 = arith.constant 0 : i32
      %dma_wait3A_111 = tpu.memref_slice %arg9[%dma_wait3A_109, %dma_wait3A_110] : memref<128x128xf32, #tpu.memory_space<vmem>> -> memref<128x128xf32, #tpu.memory_space<vmem>>
      tpu.wait_dma2 semaphore(%run_scoped3A_93 : memref<!tpu.dma_semaphore, #tpu.memory_space<semaphore_mem>>) src(%dma_wait3A_111 : memref<128x128xf32, #tpu.memory_space<vmem>>) dst(%dma_wait3A_108 : memref<128x128xf32, #tpu.memory_space<vmem_shared>>)
      tpu.yield
    }) : () -> ()
    %mul3A_2 = arith.constant 320 : i32
    %mul3A_3 = arith.muli %arg1, %mul3A_2 : i32
    %add3A_4 = arith.constant 128 : i32
    %add3A_5 = arith.addi %mul3A_3, %add3A_4 : i32
    "tpu.region"() ({
      %run_scoped3A_93 = tpu.sem_alloc : memref<!tpu.dma_semaphore, #tpu.memory_space<semaphore_mem>>
      %dma_start3A = arith.constant 0 : i32
      %dma_start3A_94 = arith.constant 0 : i32
      %dma_start3A_95 = tpu.memref_slice %arg9[%dma_start3A, %dma_start3A_94] : memref<128x128xf32, #tpu.memory_space<vmem>> -> memref<128x128xf32, #tpu.memory_space<vmem>>
      %dma_start3A_96 = arith.constant 0 : i32
      %dma_start3A_97 = tpu.memref_slice %arg13[%add3A_5, %dma_start3A_96] : memref<5120x128xf32, #tpu.memory_space<vmem_shared>> -> memref<128x128xf32, #tpu.memory_space<vmem_shared>>
      %dma_start3A_98 = arith.constant 0 : i32
      %dma_start3A_99 = tpu.memref_slice %arg13[%add3A_5, %dma_start3A_98] : memref<5120x128xf32, #tpu.memory_space<vmem_shared>> -> memref<128x128xf32, #tpu.memory_space<vmem_shared>>
      %dma_start3A_100 = arith.constant 0 : i32
      %dma_start3A_101 = arith.constant 0 : i32
      %dma_start3A_102 = tpu.memref_slice %arg9[%dma_start3A_100, %dma_start3A_101] : memref<128x128xf32, #tpu.memory_space<vmem>> -> memref<128x128xf32, #tpu.memory_space<vmem>>
      tpu.enqueue_dma source(%dma_start3A_102 : memref<128x128xf32, #tpu.memory_space<vmem>>) target(%dma_start3A_99 : memref<128x128xf32, #tpu.memory_space<vmem_shared>>) target_semaphore(%run_scoped3A_93 : memref<!tpu.dma_semaphore, #tpu.memory_space<semaphore_mem>>)
      %dma_wait3A = arith.constant 0 : i32
      %dma_wait3A_103 = arith.constant 0 : i32
      %dma_wait3A_104 = tpu.memref_slice %arg9[%dma_wait3A, %dma_wait3A_103] : memref<128x128xf32, #tpu.memory_space<vmem>> -> memref<128x128xf32, #tpu.memory_space<vmem>>
      %dma_wait3A_105 = arith.constant 0 : i32
      %dma_wait3A_106 = tpu.memref_slice %arg13[%add3A_5, %dma_wait3A_105] : memref<5120x128xf32, #tpu.memory_space<vmem_shared>> -> memref<128x128xf32, #tpu.memory_space<vmem_shared>>
      %dma_wait3A_107 = arith.constant 0 : i32
      %dma_wait3A_108 = tpu.memref_slice %arg13[%add3A_5, %dma_wait3A_107] : memref<5120x128xf32, #tpu.memory_space<vmem_shared>> -> memref<128x128xf32, #tpu.memory_space<vmem_shared>>
      %dma_wait3A_109 = arith.constant 0 : i32
      %dma_wait3A_110 = arith.constant 0 : i32
      %dma_wait3A_111 = tpu.memref_slice %arg9[%dma_wait3A_109, %dma_wait3A_110] : memref<128x128xf32, #tpu.memory_space<vmem>> -> memref<128x128xf32, #tpu.memory_space<vmem>>
      tpu.wait_dma2 semaphore(%run_scoped3A_93 : memref<!tpu.dma_semaphore, #tpu.memory_space<semaphore_mem>>) src(%dma_wait3A_111 : memref<128x128xf32, #tpu.memory_space<vmem>>) dst(%dma_wait3A_108 : memref<128x128xf32, #tpu.memory_space<vmem_shared>>)
      tpu.yield
    }) : () -> ()
    %mul3A_6 = arith.constant 320 : i32
    %mul3A_7 = arith.muli %arg1, %mul3A_6 : i32
    %add3A_8 = arith.constant 256 : i32
    %add3A_9 = arith.addi %mul3A_7, %add3A_8 : i32
    "tpu.region"() ({
      %run_scoped3A_93 = tpu.sem_alloc : memref<!tpu.dma_semaphore, #tpu.memory_space<semaphore_mem>>
      %dma_start3A = arith.constant 0 : i32
      %dma_start3A_94 = arith.constant 0 : i32
      %dma_start3A_95 = tpu.memref_slice %arg9[%dma_start3A, %dma_start3A_94] : memref<128x128xf32, #tpu.memory_space<vmem>> -> memref<64x128xf32, #tpu.memory_space<vmem>>
      %dma_start3A_96 = arith.constant 0 : i32
      %dma_start3A_97 = tpu.memref_slice %arg13[%add3A_9, %dma_start3A_96] : memref<5120x128xf32, #tpu.memory_space<vmem_shared>> -> memref<64x128xf32, #tpu.memory_space<vmem_shared>>
      %dma_start3A_98 = arith.constant 0 : i32
      %dma_start3A_99 = tpu.memref_slice %arg13[%add3A_9, %dma_start3A_98] : memref<5120x128xf32, #tpu.memory_space<vmem_shared>> -> memref<64x128xf32, #tpu.memory_space<vmem_shared>>
      %dma_start3A_100 = arith.constant 0 : i32
      %dma_start3A_101 = arith.constant 0 : i32
      %dma_start3A_102 = tpu.memref_slice %arg9[%dma_start3A_100, %dma_start3A_101] : memref<128x128xf32, #tpu.memory_space<vmem>> -> memref<64x128xf32, #tpu.memory_space<vmem>>
      tpu.enqueue_dma source(%dma_start3A_102 : memref<64x128xf32, #tpu.memory_space<vmem>>) target(%dma_start3A_99 : memref<64x128xf32, #tpu.memory_space<vmem_shared>>) target_semaphore(%run_scoped3A_93 : memref<!tpu.dma_semaphore, #tpu.memory_space<semaphore_mem>>)
      %dma_wait3A = arith.constant 0 : i32
      %dma_wait3A_103 = arith.constant 0 : i32
      %dma_wait3A_104 = tpu.memref_slice %arg9[%dma_wait3A, %dma_wait3A_103] : memref<128x128xf32, #tpu.memory_space<vmem>> -> memref<64x128xf32, #tpu.memory_space<vmem>>
      %dma_wait3A_105 = arith.constant 0 : i32
      %dma_wait3A_106 = tpu.memref_slice %arg13[%add3A_9, %dma_wait3A_105] : memref<5120x128xf32, #tpu.memory_space<vmem_shared>> -> memref<64x128xf32, #tpu.memory_space<vmem_shared>>
      %dma_wait3A_107 = arith.constant 0 : i32
      %dma_wait3A_108 = tpu.memref_slice %arg13[%add3A_9, %dma_wait3A_107] : memref<5120x128xf32, #tpu.memory_space<vmem_shared>> -> memref<64x128xf32, #tpu.memory_space<vmem_shared>>
      %dma_wait3A_109 = arith.constant 0 : i32
      %dma_wait3A_110 = arith.constant 0 : i32
      %dma_wait3A_111 = tpu.memref_slice %arg9[%dma_wait3A_109, %dma_wait3A_110] : memref<128x128xf32, #tpu.memory_space<vmem>> -> memref<64x128xf32, #tpu.memory_space<vmem>>
      tpu.wait_dma2 semaphore(%run_scoped3A_93 : memref<!tpu.dma_semaphore, #tpu.memory_space<semaphore_mem>>) src(%dma_wait3A_111 : memref<64x128xf32, #tpu.memory_space<vmem>>) dst(%dma_wait3A_108 : memref<64x128xf32, #tpu.memory_space<vmem_shared>>)
      tpu.yield
    }) : () -> ()
    %run_scoped3A = arith.constant 0 : i32
    "tpu.region"() ({
      %run_scoped3A_93 = tpu.sem_alloc : memref<!tpu.dma_semaphore, #tpu.memory_space<semaphore_mem>>
      %dma_start3A = arith.constant 0 : i32
      %dma_start3A_94 = arith.constant 0 : i32
      %dma_start3A_95 = tpu.memref_slice %arg4[%run_scoped3A, %arg1, %dma_start3A, %dma_start3A_94] : memref<2x16x158x128xi32, #tpu.memory_space<hbm>> -> memref<1x1x158x128xi32, #tpu.memory_space<hbm>>
      %dma_start3A_96 = tpu.memref_squeeze %dma_start3A_95 : memref<1x1x158x128xi32, #tpu.memory_space<hbm>> -> memref<158x128xi32, #tpu.memory_space<hbm>>
      %dma_start3A_97 = arith.constant 0 : i32
      %dma_start3A_98 = arith.constant 0 : i32
      %dma_start3A_99 = tpu.memref_slice %arg4[%run_scoped3A, %arg1, %dma_start3A_97, %dma_start3A_98] : memref<2x16x158x128xi32, #tpu.memory_space<hbm>> -> memref<1x1x158x128xi32, #tpu.memory_space<hbm>>
      %dma_start3A_100 = tpu.memref_squeeze %dma_start3A_99 : memref<1x1x158x128xi32, #tpu.memory_space<hbm>> -> memref<158x128xi32, #tpu.memory_space<hbm>>
      tpu.enqueue_dma source(%dma_start3A_100 : memref<158x128xi32, #tpu.memory_space<hbm>>) target(%arg8 : memref<158x128xi32, #tpu.memory_space<vmem>>) target_semaphore(%run_scoped3A_93 : memref<!tpu.dma_semaphore, #tpu.memory_space<semaphore_mem>>)
      %dma_wait3A = arith.constant 0 : i32
      %dma_wait3A_101 = arith.constant 0 : i32
      %dma_wait3A_102 = tpu.memref_slice %arg4[%run_scoped3A, %arg1, %dma_wait3A, %dma_wait3A_101] : memref<2x16x158x128xi32, #tpu.memory_space<hbm>> -> memref<1x1x158x128xi32, #tpu.memory_space<hbm>>
      %dma_wait3A_103 = tpu.memref_squeeze %dma_wait3A_102 : memref<1x1x158x128xi32, #tpu.memory_space<hbm>> -> memref<158x128xi32, #tpu.memory_space<hbm>>
      %dma_wait3A_104 = arith.constant 0 : i32
      %dma_wait3A_105 = arith.constant 0 : i32
      %dma_wait3A_106 = tpu.memref_slice %arg4[%run_scoped3A, %arg1, %dma_wait3A_104, %dma_wait3A_105] : memref<2x16x158x128xi32, #tpu.memory_space<hbm>> -> memref<1x1x158x128xi32, #tpu.memory_space<hbm>>
      %dma_wait3A_107 = tpu.memref_squeeze %dma_wait3A_106 : memref<1x1x158x128xi32, #tpu.memory_space<hbm>> -> memref<158x128xi32, #tpu.memory_space<hbm>>
      tpu.wait_dma2 semaphore(%run_scoped3A_93 : memref<!tpu.dma_semaphore, #tpu.memory_space<semaphore_mem>>) src(%dma_wait3A_107 : memref<158x128xi32, #tpu.memory_space<hbm>>) dst(%arg8 : memref<158x128xi32, #tpu.memory_space<vmem>>)
      tpu.yield
    }) : () -> ()
    %barrier3A = arith.constant 0 : index
    tpu.barrier barrier_id(%barrier3A)
    %scan3A = arith.constant 0 : i32
    %scan3A_10 = arith.constant 0 : i32
    %scan3A_11 = arith.constant 79 : i32
    %scan3A_12 = arith.addi %scan3A_10, %scan3A_11 : i32
    %scan3A_13 = arith.constant 1 : i32
    %scan3A_14 = scf.for %scan3A_93 = %scan3A_10 to %scan3A_12 step %scan3A_13 iter_args(%scan3A_94 = %scan3A) -> (i32)  : i32 {
      %mul3A_95 = arith.constant 2 : i32
      %mul3A_96 = arith.muli %mul3A_95, %scan3A_93 : i32
      %mul3A_97 = arith.constant 2 : i32
      %mul3A_98 = arith.muli %mul3A_97, %scan3A_93 : i32
      %add3A_99 = arith.constant 1 : i32
      %add3A_100 = arith.addi %mul3A_98, %add3A_99 : i32
      %dma_start3A = arith.constant 0 : i32
      %dma_start3A_101 = tpu.memref_slice %arg7[%mul3A_96, %dma_start3A] : memref<158x128xi32, #tpu.memory_space<vmem>> -> memref<1x128xi32, #tpu.memory_space<vmem>>
      %dma_start3A_102 = tpu.memref_squeeze %dma_start3A_101 : memref<1x128xi32, #tpu.memory_space<vmem>> -> memref<128xi32, #tpu.memory_space<vmem>>
      %dma_start3A_103 = arith.constant 0 : i32
      %dma_start3A_104 = arith.constant 0 : i32
      %dma_start3A_105 = tpu.memref_slice %arg2[%dma_start3A_103, %dma_start3A_104] : memref<20000x128xf32, #tpu.memory_space<hbm>> -> memref<20000x128xf32, #tpu.memory_space<hbm>>
      tpu.enqueue_indirect_dma source(%dma_start3A_105 : memref<20000x128xf32, #tpu.memory_space<hbm>>) target(%arg9 : memref<128x128xf32, #tpu.memory_space<vmem>>) offsets(%dma_start3A_102 : memref<128xi32, #tpu.memory_space<vmem>>) semaphore(%arg11 : memref<!tpu.dma_semaphore, #tpu.memory_space<semaphore_mem>>)
      %dma_start3A_106 = arith.constant 0 : i32
      %dma_start3A_107 = tpu.memref_slice %arg7[%add3A_100, %dma_start3A_106] : memref<158x128xi32, #tpu.memory_space<vmem>> -> memref<1x128xi32, #tpu.memory_space<vmem>>
      %dma_start3A_108 = tpu.memref_squeeze %dma_start3A_107 : memref<1x128xi32, #tpu.memory_space<vmem>> -> memref<128xi32, #tpu.memory_space<vmem>>
      %dma_start3A_109 = arith.constant 0 : i32
      %dma_start3A_110 = arith.constant 0 : i32
      %dma_start3A_111 = tpu.memref_slice %arg2[%dma_start3A_109, %dma_start3A_110] : memref<20000x128xf32, #tpu.memory_space<hbm>> -> memref<20000x128xf32, #tpu.memory_space<hbm>>
      tpu.enqueue_indirect_dma source(%dma_start3A_111 : memref<20000x128xf32, #tpu.memory_space<hbm>>) target(%arg10 : memref<128x128xf32, #tpu.memory_space<vmem>>) offsets(%dma_start3A_108 : memref<128xi32, #tpu.memory_space<vmem>>) semaphore(%arg12 : memref<!tpu.dma_semaphore, #tpu.memory_space<semaphore_mem>>)
      %dma_wait3A = arith.constant 0 : i32
      %dma_wait3A_112 = tpu.memref_slice %arg7[%mul3A_96, %dma_wait3A] : memref<158x128xi32, #tpu.memory_space<vmem>> -> memref<1x128xi32, #tpu.memory_space<vmem>>
      %dma_wait3A_113 = tpu.memref_squeeze %dma_wait3A_112 : memref<1x128xi32, #tpu.memory_space<vmem>> -> memref<128xi32, #tpu.memory_space<vmem>>
      %dma_wait3A_114 = arith.constant 0 : i32
      %dma_wait3A_115 = arith.constant 0 : i32
      %dma_wait3A_116 = tpu.memref_slice %arg2[%dma_wait3A_114, %dma_wait3A_115] : memref<20000x128xf32, #tpu.memory_space<hbm>> -> memref<20000x128xf32, #tpu.memory_space<hbm>>
      tpu.wait_indirect_dma semaphore(%arg11 : memref<!tpu.dma_semaphore, #tpu.memory_space<semaphore_mem>>) src(%dma_wait3A_116 : memref<20000x128xf32, #tpu.memory_space<hbm>>) dst(%arg9 : memref<128x128xf32, #tpu.memory_space<vmem>>)
      "tpu.region"() ({
        %run_scoped3A_124 = tpu.sem_alloc : memref<!tpu.dma_semaphore, #tpu.memory_space<semaphore_mem>>
        %dma_start3A_125 = arith.constant 0 : i32
        %dma_start3A_126 = tpu.memref_slice %arg8[%mul3A_96, %dma_start3A_125] : memref<158x128xi32, #tpu.memory_space<vmem>> -> memref<1x128xi32, #tpu.memory_space<vmem>>
        %dma_start3A_127 = tpu.memref_squeeze %dma_start3A_126 : memref<1x128xi32, #tpu.memory_space<vmem>> -> memref<128xi32, #tpu.memory_space<vmem>>
        %dma_start3A_128 = arith.constant 0 : i32
        %dma_start3A_129 = arith.constant 0 : i32
        %dma_start3A_130 = tpu.memref_slice %arg13[%dma_start3A_128, %dma_start3A_129] : memref<5120x128xf32, #tpu.memory_space<vmem_shared>> -> memref<5120x128xf32, #tpu.memory_space<vmem_shared>>
        tpu.enqueue_indirect_dma source(%arg9 : memref<128x128xf32, #tpu.memory_space<vmem>>) target(%dma_start3A_130 : memref<5120x128xf32, #tpu.memory_space<vmem_shared>>) offsets(%dma_start3A_127 : memref<128xi32, #tpu.memory_space<vmem>>) semaphore(%run_scoped3A_124 : memref<!tpu.dma_semaphore, #tpu.memory_space<semaphore_mem>>) {add = true}
        %dma_wait3A_131 = arith.constant 0 : i32
        %dma_wait3A_132 = tpu.memref_slice %arg8[%mul3A_96, %dma_wait3A_131] : memref<158x128xi32, #tpu.memory_space<vmem>> -> memref<1x128xi32, #tpu.memory_space<vmem>>
        %dma_wait3A_133 = tpu.memref_squeeze %dma_wait3A_132 : memref<1x128xi32, #tpu.memory_space<vmem>> -> memref<128xi32, #tpu.memory_space<vmem>>
        %dma_wait3A_134 = arith.constant 0 : i32
        %dma_wait3A_135 = arith.constant 0 : i32
        %dma_wait3A_136 = tpu.memref_slice %arg13[%dma_wait3A_134, %dma_wait3A_135] : memref<5120x128xf32, #tpu.memory_space<vmem_shared>> -> memref<5120x128xf32, #tpu.memory_space<vmem_shared>>
        tpu.wait_indirect_dma semaphore(%run_scoped3A_124 : memref<!tpu.dma_semaphore, #tpu.memory_space<semaphore_mem>>) src(%arg9 : memref<128x128xf32, #tpu.memory_space<vmem>>) dst(%dma_wait3A_136 : memref<5120x128xf32, #tpu.memory_space<vmem_shared>>)
        tpu.yield
      }) : () -> ()
      %dma_wait3A_117 = arith.constant 0 : i32
      %dma_wait3A_118 = tpu.memref_slice %arg7[%add3A_100, %dma_wait3A_117] : memref<158x128xi32, #tpu.memory_space<vmem>> -> memref<1x128xi32, #tpu.memory_space<vmem>>
      %dma_wait3A_119 = tpu.memref_squeeze %dma_wait3A_118 : memref<1x128xi32, #tpu.memory_space<vmem>> -> memref<128xi32, #tpu.memory_space<vmem>>
      %dma_wait3A_120 = arith.constant 0 : i32
      %dma_wait3A_121 = arith.constant 0 : i32
      %dma_wait3A_122 = tpu.memref_slice %arg2[%dma_wait3A_120, %dma_wait3A_121] : memref<20000x128xf32, #tpu.memory_space<hbm>> -> memref<20000x128xf32, #tpu.memory_space<hbm>>
      tpu.wait_indirect_dma semaphore(%arg12 : memref<!tpu.dma_semaphore, #tpu.memory_space<semaphore_mem>>) src(%dma_wait3A_122 : memref<20000x128xf32, #tpu.memory_space<hbm>>) dst(%arg10 : memref<128x128xf32, #tpu.memory_space<vmem>>)
      "tpu.region"() ({
        %run_scoped3A_124 = tpu.sem_alloc : memref<!tpu.dma_semaphore, #tpu.memory_space<semaphore_mem>>
        %dma_start3A_125 = arith.constant 0 : i32
        %dma_start3A_126 = tpu.memref_slice %arg8[%add3A_100, %dma_start3A_125] : memref<158x128xi32, #tpu.memory_space<vmem>> -> memref<1x128xi32, #tpu.memory_space<vmem>>
        %dma_start3A_127 = tpu.memref_squeeze %dma_start3A_126 : memref<1x128xi32, #tpu.memory_space<vmem>> -> memref<128xi32, #tpu.memory_space<vmem>>
        %dma_start3A_128 = arith.constant 0 : i32
        %dma_start3A_129 = arith.constant 0 : i32
        %dma_start3A_130 = tpu.memref_slice %arg13[%dma_start3A_128, %dma_start3A_129] : memref<5120x128xf32, #tpu.memory_space<vmem_shared>> -> memref<5120x128xf32, #tpu.memory_space<vmem_shared>>
        tpu.enqueue_indirect_dma source(%arg10 : memref<128x128xf32, #tpu.memory_space<vmem>>) target(%dma_start3A_130 : memref<5120x128xf32, #tpu.memory_space<vmem_shared>>) offsets(%dma_start3A_127 : memref<128xi32, #tpu.memory_space<vmem>>) semaphore(%run_scoped3A_124 : memref<!tpu.dma_semaphore, #tpu.memory_space<semaphore_mem>>) {add = true}
        %dma_wait3A_131 = arith.constant 0 : i32
        %dma_wait3A_132 = tpu.memref_slice %arg8[%add3A_100, %dma_wait3A_131] : memref<158x128xi32, #tpu.memory_space<vmem>> -> memref<1x128xi32, #tpu.memory_space<vmem>>
        %dma_wait3A_133 = tpu.memref_squeeze %dma_wait3A_132 : memref<1x128xi32, #tpu.memory_space<vmem>> -> memref<128xi32, #tpu.memory_space<vmem>>
        %dma_wait3A_134 = arith.constant 0 : i32
        %dma_wait3A_135 = arith.constant 0 : i32
        %dma_wait3A_136 = tpu.memref_slice %arg13[%dma_wait3A_134, %dma_wait3A_135] : memref<5120x128xf32, #tpu.memory_space<vmem_shared>> -> memref<5120x128xf32, #tpu.memory_space<vmem_shared>>
        tpu.wait_indirect_dma semaphore(%run_scoped3A_124 : memref<!tpu.dma_semaphore, #tpu.memory_space<semaphore_mem>>) src(%arg10 : memref<128x128xf32, #tpu.memory_space<vmem>>) dst(%dma_wait3A_136 : memref<5120x128xf32, #tpu.memory_space<vmem_shared>>)
        tpu.yield
      }) : () -> ()
      %scan3A_123 = arith.constant 0 : i32
      scf.yield %scan3A_123 : i32
    }
    %scan3A_15 = arith.constant 79 : i32
    %barrier3A_16 = arith.constant 0 : index
    tpu.barrier barrier_id(%barrier3A_16)
    %mul3A_17 = arith.constant 320 : i32
    %mul3A_18 = arith.muli %arg1, %mul3A_17 : i32
    %add3A_19 = arith.constant 0 : i32
    %add3A_20 = arith.addi %mul3A_18, %add3A_19 : i32
    "tpu.region"() ({
      %run_scoped3A_93 = tpu.sem_alloc : memref<!tpu.dma_semaphore, #tpu.memory_space<semaphore_mem>>
      %dma_start3A = arith.constant 0 : i32
      %dma_start3A_94 = arith.constant 0 : i32
      %dma_start3A_95 = tpu.memref_slice %arg9[%dma_start3A, %dma_start3A_94] : memref<128x128xf32, #tpu.memory_space<vmem>> -> memref<128x128xf32, #tpu.memory_space<vmem>>
      %dma_start3A_96 = arith.constant 0 : i32
      %dma_start3A_97 = tpu.memref_slice %arg13[%add3A_20, %dma_start3A_96] : memref<5120x128xf32, #tpu.memory_space<vmem_shared>> -> memref<128x128xf32, #tpu.memory_space<vmem_shared>>
      %dma_start3A_98 = arith.constant 0 : i32
      %dma_start3A_99 = arith.constant 0 : i32
      %dma_start3A_100 = tpu.memref_slice %arg9[%dma_start3A_98, %dma_start3A_99] : memref<128x128xf32, #tpu.memory_space<vmem>> -> memref<128x128xf32, #tpu.memory_space<vmem>>
      %dma_start3A_101 = arith.constant 0 : i32
      %dma_start3A_102 = tpu.memref_slice %arg13[%add3A_20, %dma_start3A_101] : memref<5120x128xf32, #tpu.memory_space<vmem_shared>> -> memref<128x128xf32, #tpu.memory_space<vmem_shared>>
      tpu.enqueue_dma source(%dma_start3A_102 : memref<128x128xf32, #tpu.memory_space<vmem_shared>>) target(%dma_start3A_100 : memref<128x128xf32, #tpu.memory_space<vmem>>) target_semaphore(%run_scoped3A_93 : memref<!tpu.dma_semaphore, #tpu.memory_space<semaphore_mem>>)
      %dma_wait3A = arith.constant 0 : i32
      %dma_wait3A_103 = arith.constant 0 : i32
      %dma_wait3A_104 = tpu.memref_slice %arg9[%dma_wait3A, %dma_wait3A_103] : memref<128x128xf32, #tpu.memory_space<vmem>> -> memref<128x128xf32, #tpu.memory_space<vmem>>
      %dma_wait3A_105 = arith.constant 0 : i32
      %dma_wait3A_106 = tpu.memref_slice %arg13[%add3A_20, %dma_wait3A_105] : memref<5120x128xf32, #tpu.memory_space<vmem_shared>> -> memref<128x128xf32, #tpu.memory_space<vmem_shared>>
      %dma_wait3A_107 = arith.constant 0 : i32
      %dma_wait3A_108 = arith.constant 0 : i32
      %dma_wait3A_109 = tpu.memref_slice %arg9[%dma_wait3A_107, %dma_wait3A_108] : memref<128x128xf32, #tpu.memory_space<vmem>> -> memref<128x128xf32, #tpu.memory_space<vmem>>
      %dma_wait3A_110 = arith.constant 0 : i32
      %dma_wait3A_111 = tpu.memref_slice %arg13[%add3A_20, %dma_wait3A_110] : memref<5120x128xf32, #tpu.memory_space<vmem_shared>> -> memref<128x128xf32, #tpu.memory_space<vmem_shared>>
      tpu.wait_dma2 semaphore(%run_scoped3A_93 : memref<!tpu.dma_semaphore, #tpu.memory_space<semaphore_mem>>) src(%dma_wait3A_111 : memref<128x128xf32, #tpu.memory_space<vmem_shared>>) dst(%dma_wait3A_109 : memref<128x128xf32, #tpu.memory_space<vmem>>)
      tpu.yield
    }) : () -> ()
    %mul3A_21 = arith.constant 10240 : i32
    %mul3A_22 = arith.muli %arg0, %mul3A_21 : i32
    %add3A_23 = arith.constant 0 : i32
    %add3A_24 = arith.addi %mul3A_22, %add3A_23 : i32
    %add3A_25 = arith.addi %add3A_24, %add3A_20 : i32
    "tpu.region"() ({
      %run_scoped3A_93 = tpu.sem_alloc : memref<!tpu.dma_semaphore, #tpu.memory_space<semaphore_mem>>
      %dma_start3A = arith.constant 0 : i32
      %dma_start3A_94 = arith.constant 0 : i32
      %dma_start3A_95 = tpu.memref_slice %arg9[%dma_start3A, %dma_start3A_94] : memref<128x128xf32, #tpu.memory_space<vmem>> -> memref<128x128xf32, #tpu.memory_space<vmem>>
      %dma_start3A_96 = arith.constant 0 : i32
      %dma_start3A_97 = tpu.memref_slice %arg6[%add3A_25, %dma_start3A_96] : memref<20480x128xf32, #tpu.memory_space<hbm>> -> memref<128x128xf32, #tpu.memory_space<hbm>>
      %dma_start3A_98 = arith.constant 0 : i32
      %dma_start3A_99 = tpu.memref_slice %arg6[%add3A_25, %dma_start3A_98] : memref<20480x128xf32, #tpu.memory_space<hbm>> -> memref<128x128xf32, #tpu.memory_space<hbm>>
      %dma_start3A_100 = arith.constant 0 : i32
      %dma_start3A_101 = arith.constant 0 : i32
      %dma_start3A_102 = tpu.memref_slice %arg9[%dma_start3A_100, %dma_start3A_101] : memref<128x128xf32, #tpu.memory_space<vmem>> -> memref<128x128xf32, #tpu.memory_space<vmem>>
      tpu.enqueue_dma source(%dma_start3A_102 : memref<128x128xf32, #tpu.memory_space<vmem>>) target(%dma_start3A_99 : memref<128x128xf32, #tpu.memory_space<hbm>>) target_semaphore(%run_scoped3A_93 : memref<!tpu.dma_semaphore, #tpu.memory_space<semaphore_mem>>)
      %dma_wait3A = arith.constant 0 : i32
      %dma_wait3A_103 = arith.constant 0 : i32
      %dma_wait3A_104 = tpu.memref_slice %arg9[%dma_wait3A, %dma_wait3A_103] : memref<128x128xf32, #tpu.memory_space<vmem>> -> memref<128x128xf32, #tpu.memory_space<vmem>>
      %dma_wait3A_105 = arith.constant 0 : i32
      %dma_wait3A_106 = tpu.memref_slice %arg6[%add3A_25, %dma_wait3A_105] : memref<20480x128xf32, #tpu.memory_space<hbm>> -> memref<128x128xf32, #tpu.memory_space<hbm>>
      %dma_wait3A_107 = arith.constant 0 : i32
      %dma_wait3A_108 = tpu.memref_slice %arg6[%add3A_25, %dma_wait3A_107] : memref<20480x128xf32, #tpu.memory_space<hbm>> -> memref<128x128xf32, #tpu.memory_space<hbm>>
      %dma_wait3A_109 = arith.constant 0 : i32
      %dma_wait3A_110 = arith.constant 0 : i32
      %dma_wait3A_111 = tpu.memref_slice %arg9[%dma_wait3A_109, %dma_wait3A_110] : memref<128x128xf32, #tpu.memory_space<vmem>> -> memref<128x128xf32, #tpu.memory_space<vmem>>
      tpu.wait_dma2 semaphore(%run_scoped3A_93 : memref<!tpu.dma_semaphore, #tpu.memory_space<semaphore_mem>>) src(%dma_wait3A_111 : memref<128x128xf32, #tpu.memory_space<vmem>>) dst(%dma_wait3A_108 : memref<128x128xf32, #tpu.memory_space<hbm>>)
      tpu.yield
    }) : () -> ()
    %mul3A_26 = arith.constant 320 : i32
    %mul3A_27 = arith.muli %arg1, %mul3A_26 : i32
    %add3A_28 = arith.constant 128 : i32
    %add3A_29 = arith.addi %mul3A_27, %add3A_28 : i32
    "tpu.region"() ({
      %run_scoped3A_93 = tpu.sem_alloc : memref<!tpu.dma_semaphore, #tpu.memory_space<semaphore_mem>>
      %dma_start3A = arith.constant 0 : i32
      %dma_start3A_94 = arith.constant 0 : i32
      %dma_start3A_95 = tpu.memref_slice %arg9[%dma_start3A, %dma_start3A_94] : memref<128x128xf32, #tpu.memory_space<vmem>> -> memref<128x128xf32, #tpu.memory_space<vmem>>
      %dma_start3A_96 = arith.constant 0 : i32
      %dma_start3A_97 = tpu.memref_slice %arg13[%add3A_29, %dma_start3A_96] : memref<5120x128xf32, #tpu.memory_space<vmem_shared>> -> memref<128x128xf32, #tpu.memory_space<vmem_shared>>
      %dma_start3A_98 = arith.constant 0 : i32
      %dma_start3A_99 = arith.constant 0 : i32
      %dma_start3A_100 = tpu.memref_slice %arg9[%dma_start3A_98, %dma_start3A_99] : memref<128x128xf32, #tpu.memory_space<vmem>> -> memref<128x128xf32, #tpu.memory_space<vmem>>
      %dma_start3A_101 = arith.constant 0 : i32
      %dma_start3A_102 = tpu.memref_slice %arg13[%add3A_29, %dma_start3A_101] : memref<5120x128xf32, #tpu.memory_space<vmem_shared>> -> memref<128x128xf32, #tpu.memory_space<vmem_shared>>
      tpu.enqueue_dma source(%dma_start3A_102 : memref<128x128xf32, #tpu.memory_space<vmem_shared>>) target(%dma_start3A_100 : memref<128x128xf32, #tpu.memory_space<vmem>>) target_semaphore(%run_scoped3A_93 : memref<!tpu.dma_semaphore, #tpu.memory_space<semaphore_mem>>)
      %dma_wait3A = arith.constant 0 : i32
      %dma_wait3A_103 = arith.constant 0 : i32
      %dma_wait3A_104 = tpu.memref_slice %arg9[%dma_wait3A, %dma_wait3A_103] : memref<128x128xf32, #tpu.memory_space<vmem>> -> memref<128x128xf32, #tpu.memory_space<vmem>>
      %dma_wait3A_105 = arith.constant 0 : i32
      %dma_wait3A_106 = tpu.memref_slice %arg13[%add3A_29, %dma_wait3A_105] : memref<5120x128xf32, #tpu.memory_space<vmem_shared>> -> memref<128x128xf32, #tpu.memory_space<vmem_shared>>
      %dma_wait3A_107 = arith.constant 0 : i32
      %dma_wait3A_108 = arith.constant 0 : i32
      %dma_wait3A_109 = tpu.memref_slice %arg9[%dma_wait3A_107, %dma_wait3A_108] : memref<128x128xf32, #tpu.memory_space<vmem>> -> memref<128x128xf32, #tpu.memory_space<vmem>>
      %dma_wait3A_110 = arith.constant 0 : i32
      %dma_wait3A_111 = tpu.memref_slice %arg13[%add3A_29, %dma_wait3A_110] : memref<5120x128xf32, #tpu.memory_space<vmem_shared>> -> memref<128x128xf32, #tpu.memory_space<vmem_shared>>
      tpu.wait_dma2 semaphore(%run_scoped3A_93 : memref<!tpu.dma_semaphore, #tpu.memory_space<semaphore_mem>>) src(%dma_wait3A_111 : memref<128x128xf32, #tpu.memory_space<vmem_shared>>) dst(%dma_wait3A_109 : memref<128x128xf32, #tpu.memory_space<vmem>>)
      tpu.yield
    }) : () -> ()
    %mul3A_30 = arith.constant 10240 : i32
    %mul3A_31 = arith.muli %arg0, %mul3A_30 : i32
    %add3A_32 = arith.constant 0 : i32
    %add3A_33 = arith.addi %mul3A_31, %add3A_32 : i32
    %add3A_34 = arith.addi %add3A_33, %add3A_29 : i32
    "tpu.region"() ({
      %run_scoped3A_93 = tpu.sem_alloc : memref<!tpu.dma_semaphore, #tpu.memory_space<semaphore_mem>>
      %dma_start3A = arith.constant 0 : i32
      %dma_start3A_94 = arith.constant 0 : i32
      %dma_start3A_95 = tpu.memref_slice %arg9[%dma_start3A, %dma_start3A_94] : memref<128x128xf32, #tpu.memory_space<vmem>> -> memref<128x128xf32, #tpu.memory_space<vmem>>
      %dma_start3A_96 = arith.constant 0 : i32
      %dma_start3A_97 = tpu.memref_slice %arg6[%add3A_34, %dma_start3A_96] : memref<20480x128xf32, #tpu.memory_space<hbm>> -> memref<128x128xf32, #tpu.memory_space<hbm>>
      %dma_start3A_98 = arith.constant 0 : i32
      %dma_start3A_99 = tpu.memref_slice %arg6[%add3A_34, %dma_start3A_98] : memref<20480x128xf32, #tpu.memory_space<hbm>> -> memref<128x128xf32, #tpu.memory_space<hbm>>
      %dma_start3A_100 = arith.constant 0 : i32
      %dma_start3A_101 = arith.constant 0 : i32
      %dma_start3A_102 = tpu.memref_slice %arg9[%dma_start3A_100, %dma_start3A_101] : memref<128x128xf32, #tpu.memory_space<vmem>> -> memref<128x128xf32, #tpu.memory_space<vmem>>
      tpu.enqueue_dma source(%dma_start3A_102 : memref<128x128xf32, #tpu.memory_space<vmem>>) target(%dma_start3A_99 : memref<128x128xf32, #tpu.memory_space<hbm>>) target_semaphore(%run_scoped3A_93 : memref<!tpu.dma_semaphore, #tpu.memory_space<semaphore_mem>>)
      %dma_wait3A = arith.constant 0 : i32
      %dma_wait3A_103 = arith.constant 0 : i32
      %dma_wait3A_104 = tpu.memref_slice %arg9[%dma_wait3A, %dma_wait3A_103] : memref<128x128xf32, #tpu.memory_space<vmem>> -> memref<128x128xf32, #tpu.memory_space<vmem>>
      %dma_wait3A_105 = arith.constant 0 : i32
      %dma_wait3A_106 = tpu.memref_slice %arg6[%add3A_34, %dma_wait3A_105] : memref<20480x128xf32, #tpu.memory_space<hbm>> -> memref<128x128xf32, #tpu.memory_space<hbm>>
      %dma_wait3A_107 = arith.constant 0 : i32
      %dma_wait3A_108 = tpu.memref_slice %arg6[%add3A_34, %dma_wait3A_107] : memref<20480x128xf32, #tpu.memory_space<hbm>> -> memref<128x128xf32, #tpu.memory_space<hbm>>
      %dma_wait3A_109 = arith.constant 0 : i32
      %dma_wait3A_110 = arith.constant 0 : i32
      %dma_wait3A_111 = tpu.memref_slice %arg9[%dma_wait3A_109, %dma_wait3A_110] : memref<128x128xf32, #tpu.memory_space<vmem>> -> memref<128x128xf32, #tpu.memory_space<vmem>>
      tpu.wait_dma2 semaphore(%run_scoped3A_93 : memref<!tpu.dma_semaphore, #tpu.memory_space<semaphore_mem>>) src(%dma_wait3A_111 : memref<128x128xf32, #tpu.memory_space<vmem>>) dst(%dma_wait3A_108 : memref<128x128xf32, #tpu.memory_space<hbm>>)
      tpu.yield
    }) : () -> ()
    %mul3A_35 = arith.constant 320 : i32
    %mul3A_36 = arith.muli %arg1, %mul3A_35 : i32
    %add3A_37 = arith.constant 256 : i32
    %add3A_38 = arith.addi %mul3A_36, %add3A_37 : i32
    "tpu.region"() ({
      %run_scoped3A_93 = tpu.sem_alloc : memref<!tpu.dma_semaphore, #tpu.memory_space<semaphore_mem>>
      %dma_start3A = arith.constant 0 : i32
      %dma_start3A_94 = arith.constant 0 : i32
      %dma_start3A_95 = tpu.memref_slice %arg9[%dma_start3A, %dma_start3A_94] : memref<128x128xf32, #tpu.memory_space<vmem>> -> memref<64x128xf32, #tpu.memory_space<vmem>>
      %dma_start3A_96 = arith.constant 0 : i32
      %dma_start3A_97 = tpu.memref_slice %arg13[%add3A_38, %dma_start3A_96] : memref<5120x128xf32, #tpu.memory_space<vmem_shared>> -> memref<64x128xf32, #tpu.memory_space<vmem_shared>>
      %dma_start3A_98 = arith.constant 0 : i32
      %dma_start3A_99 = arith.constant 0 : i32
      %dma_start3A_100 = tpu.memref_slice %arg9[%dma_start3A_98, %dma_start3A_99] : memref<128x128xf32, #tpu.memory_space<vmem>> -> memref<64x128xf32, #tpu.memory_space<vmem>>
      %dma_start3A_101 = arith.constant 0 : i32
      %dma_start3A_102 = tpu.memref_slice %arg13[%add3A_38, %dma_start3A_101] : memref<5120x128xf32, #tpu.memory_space<vmem_shared>> -> memref<64x128xf32, #tpu.memory_space<vmem_shared>>
      tpu.enqueue_dma source(%dma_start3A_102 : memref<64x128xf32, #tpu.memory_space<vmem_shared>>) target(%dma_start3A_100 : memref<64x128xf32, #tpu.memory_space<vmem>>) target_semaphore(%run_scoped3A_93 : memref<!tpu.dma_semaphore, #tpu.memory_space<semaphore_mem>>)
      %dma_wait3A = arith.constant 0 : i32
      %dma_wait3A_103 = arith.constant 0 : i32
      %dma_wait3A_104 = tpu.memref_slice %arg9[%dma_wait3A, %dma_wait3A_103] : memref<128x128xf32, #tpu.memory_space<vmem>> -> memref<64x128xf32, #tpu.memory_space<vmem>>
      %dma_wait3A_105 = arith.constant 0 : i32
      %dma_wait3A_106 = tpu.memref_slice %arg13[%add3A_38, %dma_wait3A_105] : memref<5120x128xf32, #tpu.memory_space<vmem_shared>> -> memref<64x128xf32, #tpu.memory_space<vmem_shared>>
      %dma_wait3A_107 = arith.constant 0 : i32
      %dma_wait3A_108 = arith.constant 0 : i32
      %dma_wait3A_109 = tpu.memref_slice %arg9[%dma_wait3A_107, %dma_wait3A_108] : memref<128x128xf32, #tpu.memory_space<vmem>> -> memref<64x128xf32, #tpu.memory_space<vmem>>
      %dma_wait3A_110 = arith.constant 0 : i32
      %dma_wait3A_111 = tpu.memref_slice %arg13[%add3A_38, %dma_wait3A_110] : memref<5120x128xf32, #tpu.memory_space<vmem_shared>> -> memref<64x128xf32, #tpu.memory_space<vmem_shared>>
      tpu.wait_dma2 semaphore(%run_scoped3A_93 : memref<!tpu.dma_semaphore, #tpu.memory_space<semaphore_mem>>) src(%dma_wait3A_111 : memref<64x128xf32, #tpu.memory_space<vmem_shared>>) dst(%dma_wait3A_109 : memref<64x128xf32, #tpu.memory_space<vmem>>)
      tpu.yield
    }) : () -> ()
    %mul3A_39 = arith.constant 10240 : i32
    %mul3A_40 = arith.muli %arg0, %mul3A_39 : i32
    %add3A_41 = arith.constant 0 : i32
    %add3A_42 = arith.addi %mul3A_40, %add3A_41 : i32
    %add3A_43 = arith.addi %add3A_42, %add3A_38 : i32
    "tpu.region"() ({
      %run_scoped3A_93 = tpu.sem_alloc : memref<!tpu.dma_semaphore, #tpu.memory_space<semaphore_mem>>
      %dma_start3A = arith.constant 0 : i32
      %dma_start3A_94 = arith.constant 0 : i32
      %dma_start3A_95 = tpu.memref_slice %arg9[%dma_start3A, %dma_start3A_94] : memref<128x128xf32, #tpu.memory_space<vmem>> -> memref<64x128xf32, #tpu.memory_space<vmem>>
      %dma_start3A_96 = arith.constant 0 : i32
      %dma_start3A_97 = tpu.memref_slice %arg6[%add3A_43, %dma_start3A_96] : memref<20480x128xf32, #tpu.memory_space<hbm>> -> memref<64x128xf32, #tpu.memory_space<hbm>>
      %dma_start3A_98 = arith.constant 0 : i32
      %dma_start3A_99 = tpu.memref_slice %arg6[%add3A_43, %dma_start3A_98] : memref<20480x128xf32, #tpu.memory_space<hbm>> -> memref<64x128xf32, #tpu.memory_space<hbm>>
      %dma_start3A_100 = arith.constant 0 : i32
      %dma_start3A_101 = arith.constant 0 : i32
      %dma_start3A_102 = tpu.memref_slice %arg9[%dma_start3A_100, %dma_start3A_101] : memref<128x128xf32, #tpu.memory_space<vmem>> -> memref<64x128xf32, #tpu.memory_space<vmem>>
      tpu.enqueue_dma source(%dma_start3A_102 : memref<64x128xf32, #tpu.memory_space<vmem>>) target(%dma_start3A_99 : memref<64x128xf32, #tpu.memory_space<hbm>>) target_semaphore(%run_scoped3A_93 : memref<!tpu.dma_semaphore, #tpu.memory_space<semaphore_mem>>)
      %dma_wait3A = arith.constant 0 : i32
      %dma_wait3A_103 = arith.constant 0 : i32
      %dma_wait3A_104 = tpu.memref_slice %arg9[%dma_wait3A, %dma_wait3A_103] : memref<128x128xf32, #tpu.memory_space<vmem>> -> memref<64x128xf32, #tpu.memory_space<vmem>>
      %dma_wait3A_105 = arith.constant 0 : i32
      %dma_wait3A_106 = tpu.memref_slice %arg6[%add3A_43, %dma_wait3A_105] : memref<20480x128xf32, #tpu.memory_space<hbm>> -> memref<64x128xf32, #tpu.memory_space<hbm>>
      %dma_wait3A_107 = arith.constant 0 : i32
      %dma_wait3A_108 = tpu.memref_slice %arg6[%add3A_43, %dma_wait3A_107] : memref<20480x128xf32, #tpu.memory_space<hbm>> -> memref<64x128xf32, #tpu.memory_space<hbm>>
      %dma_wait3A_109 = arith.constant 0 : i32
      %dma_wait3A_110 = arith.constant 0 : i32
      %dma_wait3A_111 = tpu.memref_slice %arg9[%dma_wait3A_109, %dma_wait3A_110] : memref<128x128xf32, #tpu.memory_space<vmem>> -> memref<64x128xf32, #tpu.memory_space<vmem>>
      tpu.wait_dma2 semaphore(%run_scoped3A_93 : memref<!tpu.dma_semaphore, #tpu.memory_space<semaphore_mem>>) src(%dma_wait3A_111 : memref<64x128xf32, #tpu.memory_space<vmem>>) dst(%dma_wait3A_108 : memref<64x128xf32, #tpu.memory_space<hbm>>)
      tpu.yield
    }) : () -> ()
    "tpu.region"() ({
      %run_scoped3A_93 = tpu.sem_alloc : memref<!tpu.dma_semaphore, #tpu.memory_space<semaphore_mem>>
      tpu.enqueue_dma source(%arg5 : memref<128x128xf32, #tpu.memory_space<hbm>>) target(%arg9 : memref<128x128xf32, #tpu.memory_space<vmem>>) target_semaphore(%run_scoped3A_93 : memref<!tpu.dma_semaphore, #tpu.memory_space<semaphore_mem>>)
      tpu.wait_dma2 semaphore(%run_scoped3A_93 : memref<!tpu.dma_semaphore, #tpu.memory_space<semaphore_mem>>) src(%arg5 : memref<128x128xf32, #tpu.memory_space<hbm>>) dst(%arg9 : memref<128x128xf32, #tpu.memory_space<vmem>>)
      tpu.yield
    }) : () -> ()
    %mul3A_44 = arith.constant 320 : i32
    %mul3A_45 = arith.muli %arg1, %mul3A_44 : i32
    %add3A_46 = arith.constant 0 : i32
    %add3A_47 = arith.addi %mul3A_45, %add3A_46 : i32
    "tpu.region"() ({
      %run_scoped3A_93 = tpu.sem_alloc : memref<!tpu.dma_semaphore, #tpu.memory_space<semaphore_mem>>
      %dma_start3A = arith.constant 0 : i32
      %dma_start3A_94 = arith.constant 0 : i32
      %dma_start3A_95 = tpu.memref_slice %arg9[%dma_start3A, %dma_start3A_94] : memref<128x128xf32, #tpu.memory_space<vmem>> -> memref<128x128xf32, #tpu.memory_space<vmem>>
      %dma_start3A_96 = arith.constant 0 : i32
      %dma_start3A_97 = tpu.memref_slice %arg13[%add3A_47, %dma_start3A_96] : memref<5120x128xf32, #tpu.memory_space<vmem_shared>> -> memref<128x128xf32, #tpu.memory_space<vmem_shared>>
      %dma_start3A_98 = arith.constant 0 : i32
      %dma_start3A_99 = tpu.memref_slice %arg13[%add3A_47, %dma_start3A_98] : memref<5120x128xf32, #tpu.memory_space<vmem_shared>> -> memref<128x128xf32, #tpu.memory_space<vmem_shared>>
      %dma_start3A_100 = arith.constant 0 : i32
      %dma_start3A_101 = arith.constant 0 : i32
      %dma_start3A_102 = tpu.memref_slice %arg9[%dma_start3A_100, %dma_start3A_101] : memref<128x128xf32, #tpu.memory_space<vmem>> -> memref<128x128xf32, #tpu.memory_space<vmem>>
      tpu.enqueue_dma source(%dma_start3A_102 : memref<128x128xf32, #tpu.memory_space<vmem>>) target(%dma_start3A_99 : memref<128x128xf32, #tpu.memory_space<vmem_shared>>) target_semaphore(%run_scoped3A_93 : memref<!tpu.dma_semaphore, #tpu.memory_space<semaphore_mem>>)
      %dma_wait3A = arith.constant 0 : i32
      %dma_wait3A_103 = arith.constant 0 : i32
      %dma_wait3A_104 = tpu.memref_slice %arg9[%dma_wait3A, %dma_wait3A_103] : memref<128x128xf32, #tpu.memory_space<vmem>> -> memref<128x128xf32, #tpu.memory_space<vmem>>
      %dma_wait3A_105 = arith.constant 0 : i32
      %dma_wait3A_106 = tpu.memref_slice %arg13[%add3A_47, %dma_wait3A_105] : memref<5120x128xf32, #tpu.memory_space<vmem_shared>> -> memref<128x128xf32, #tpu.memory_space<vmem_shared>>
      %dma_wait3A_107 = arith.constant 0 : i32
      %dma_wait3A_108 = tpu.memref_slice %arg13[%add3A_47, %dma_wait3A_107] : memref<5120x128xf32, #tpu.memory_space<vmem_shared>> -> memref<128x128xf32, #tpu.memory_space<vmem_shared>>
      %dma_wait3A_109 = arith.constant 0 : i32
      %dma_wait3A_110 = arith.constant 0 : i32
      %dma_wait3A_111 = tpu.memref_slice %arg9[%dma_wait3A_109, %dma_wait3A_110] : memref<128x128xf32, #tpu.memory_space<vmem>> -> memref<128x128xf32, #tpu.memory_space<vmem>>
      tpu.wait_dma2 semaphore(%run_scoped3A_93 : memref<!tpu.dma_semaphore, #tpu.memory_space<semaphore_mem>>) src(%dma_wait3A_111 : memref<128x128xf32, #tpu.memory_space<vmem>>) dst(%dma_wait3A_108 : memref<128x128xf32, #tpu.memory_space<vmem_shared>>)
      tpu.yield
    }) : () -> ()
    %mul3A_48 = arith.constant 320 : i32
    %mul3A_49 = arith.muli %arg1, %mul3A_48 : i32
    %add3A_50 = arith.constant 128 : i32
    %add3A_51 = arith.addi %mul3A_49, %add3A_50 : i32
    "tpu.region"() ({
      %run_scoped3A_93 = tpu.sem_alloc : memref<!tpu.dma_semaphore, #tpu.memory_space<semaphore_mem>>
      %dma_start3A = arith.constant 0 : i32
      %dma_start3A_94 = arith.constant 0 : i32
      %dma_start3A_95 = tpu.memref_slice %arg9[%dma_start3A, %dma_start3A_94] : memref<128x128xf32, #tpu.memory_space<vmem>> -> memref<128x128xf32, #tpu.memory_space<vmem>>
      %dma_start3A_96 = arith.constant 0 : i32
      %dma_start3A_97 = tpu.memref_slice %arg13[%add3A_51, %dma_start3A_96] : memref<5120x128xf32, #tpu.memory_space<vmem_shared>> -> memref<128x128xf32, #tpu.memory_space<vmem_shared>>
      %dma_start3A_98 = arith.constant 0 : i32
      %dma_start3A_99 = tpu.memref_slice %arg13[%add3A_51, %dma_start3A_98] : memref<5120x128xf32, #tpu.memory_space<vmem_shared>> -> memref<128x128xf32, #tpu.memory_space<vmem_shared>>
      %dma_start3A_100 = arith.constant 0 : i32
      %dma_start3A_101 = arith.constant 0 : i32
      %dma_start3A_102 = tpu.memref_slice %arg9[%dma_start3A_100, %dma_start3A_101] : memref<128x128xf32, #tpu.memory_space<vmem>> -> memref<128x128xf32, #tpu.memory_space<vmem>>
      tpu.enqueue_dma source(%dma_start3A_102 : memref<128x128xf32, #tpu.memory_space<vmem>>) target(%dma_start3A_99 : memref<128x128xf32, #tpu.memory_space<vmem_shared>>) target_semaphore(%run_scoped3A_93 : memref<!tpu.dma_semaphore, #tpu.memory_space<semaphore_mem>>)
      %dma_wait3A = arith.constant 0 : i32
      %dma_wait3A_103 = arith.constant 0 : i32
      %dma_wait3A_104 = tpu.memref_slice %arg9[%dma_wait3A, %dma_wait3A_103] : memref<128x128xf32, #tpu.memory_space<vmem>> -> memref<128x128xf32, #tpu.memory_space<vmem>>
      %dma_wait3A_105 = arith.constant 0 : i32
      %dma_wait3A_106 = tpu.memref_slice %arg13[%add3A_51, %dma_wait3A_105] : memref<5120x128xf32, #tpu.memory_space<vmem_shared>> -> memref<128x128xf32, #tpu.memory_space<vmem_shared>>
      %dma_wait3A_107 = arith.constant 0 : i32
      %dma_wait3A_108 = tpu.memref_slice %arg13[%add3A_51, %dma_wait3A_107] : memref<5120x128xf32, #tpu.memory_space<vmem_shared>> -> memref<128x128xf32, #tpu.memory_space<vmem_shared>>
      %dma_wait3A_109 = arith.constant 0 : i32
      %dma_wait3A_110 = arith.constant 0 : i32
      %dma_wait3A_111 = tpu.memref_slice %arg9[%dma_wait3A_109, %dma_wait3A_110] : memref<128x128xf32, #tpu.memory_space<vmem>> -> memref<128x128xf32, #tpu.memory_space<vmem>>
      tpu.wait_dma2 semaphore(%run_scoped3A_93 : memref<!tpu.dma_semaphore, #tpu.memory_space<semaphore_mem>>) src(%dma_wait3A_111 : memref<128x128xf32, #tpu.memory_space<vmem>>) dst(%dma_wait3A_108 : memref<128x128xf32, #tpu.memory_space<vmem_shared>>)
      tpu.yield
    }) : () -> ()
    %mul3A_52 = arith.constant 320 : i32
    %mul3A_53 = arith.muli %arg1, %mul3A_52 : i32
    %add3A_54 = arith.constant 256 : i32
    %add3A_55 = arith.addi %mul3A_53, %add3A_54 : i32
    "tpu.region"() ({
      %run_scoped3A_93 = tpu.sem_alloc : memref<!tpu.dma_semaphore, #tpu.memory_space<semaphore_mem>>
      %dma_start3A = arith.constant 0 : i32
      %dma_start3A_94 = arith.constant 0 : i32
      %dma_start3A_95 = tpu.memref_slice %arg9[%dma_start3A, %dma_start3A_94] : memref<128x128xf32, #tpu.memory_space<vmem>> -> memref<64x128xf32, #tpu.memory_space<vmem>>
      %dma_start3A_96 = arith.constant 0 : i32
      %dma_start3A_97 = tpu.memref_slice %arg13[%add3A_55, %dma_start3A_96] : memref<5120x128xf32, #tpu.memory_space<vmem_shared>> -> memref<64x128xf32, #tpu.memory_space<vmem_shared>>
      %dma_start3A_98 = arith.constant 0 : i32
      %dma_start3A_99 = tpu.memref_slice %arg13[%add3A_55, %dma_start3A_98] : memref<5120x128xf32, #tpu.memory_space<vmem_shared>> -> memref<64x128xf32, #tpu.memory_space<vmem_shared>>
      %dma_start3A_100 = arith.constant 0 : i32
      %dma_start3A_101 = arith.constant 0 : i32
      %dma_start3A_102 = tpu.memref_slice %arg9[%dma_start3A_100, %dma_start3A_101] : memref<128x128xf32, #tpu.memory_space<vmem>> -> memref<64x128xf32, #tpu.memory_space<vmem>>
      tpu.enqueue_dma source(%dma_start3A_102 : memref<64x128xf32, #tpu.memory_space<vmem>>) target(%dma_start3A_99 : memref<64x128xf32, #tpu.memory_space<vmem_shared>>) target_semaphore(%run_scoped3A_93 : memref<!tpu.dma_semaphore, #tpu.memory_space<semaphore_mem>>)
      %dma_wait3A = arith.constant 0 : i32
      %dma_wait3A_103 = arith.constant 0 : i32
      %dma_wait3A_104 = tpu.memref_slice %arg9[%dma_wait3A, %dma_wait3A_103] : memref<128x128xf32, #tpu.memory_space<vmem>> -> memref<64x128xf32, #tpu.memory_space<vmem>>
      %dma_wait3A_105 = arith.constant 0 : i32
      %dma_wait3A_106 = tpu.memref_slice %arg13[%add3A_55, %dma_wait3A_105] : memref<5120x128xf32, #tpu.memory_space<vmem_shared>> -> memref<64x128xf32, #tpu.memory_space<vmem_shared>>
      %dma_wait3A_107 = arith.constant 0 : i32
      %dma_wait3A_108 = tpu.memref_slice %arg13[%add3A_55, %dma_wait3A_107] : memref<5120x128xf32, #tpu.memory_space<vmem_shared>> -> memref<64x128xf32, #tpu.memory_space<vmem_shared>>
      %dma_wait3A_109 = arith.constant 0 : i32
      %dma_wait3A_110 = arith.constant 0 : i32
      %dma_wait3A_111 = tpu.memref_slice %arg9[%dma_wait3A_109, %dma_wait3A_110] : memref<128x128xf32, #tpu.memory_space<vmem>> -> memref<64x128xf32, #tpu.memory_space<vmem>>
      tpu.wait_dma2 semaphore(%run_scoped3A_93 : memref<!tpu.dma_semaphore, #tpu.memory_space<semaphore_mem>>) src(%dma_wait3A_111 : memref<64x128xf32, #tpu.memory_space<vmem>>) dst(%dma_wait3A_108 : memref<64x128xf32, #tpu.memory_space<vmem_shared>>)
      tpu.yield
    }) : () -> ()
    %run_scoped3A_56 = arith.constant 1 : i32
    "tpu.region"() ({
      %run_scoped3A_93 = tpu.sem_alloc : memref<!tpu.dma_semaphore, #tpu.memory_space<semaphore_mem>>
      %dma_start3A = arith.constant 0 : i32
      %dma_start3A_94 = arith.constant 0 : i32
      %dma_start3A_95 = tpu.memref_slice %arg4[%run_scoped3A_56, %arg1, %dma_start3A, %dma_start3A_94] : memref<2x16x158x128xi32, #tpu.memory_space<hbm>> -> memref<1x1x158x128xi32, #tpu.memory_space<hbm>>
      %dma_start3A_96 = tpu.memref_squeeze %dma_start3A_95 : memref<1x1x158x128xi32, #tpu.memory_space<hbm>> -> memref<158x128xi32, #tpu.memory_space<hbm>>
      %dma_start3A_97 = arith.constant 0 : i32
      %dma_start3A_98 = arith.constant 0 : i32
      %dma_start3A_99 = tpu.memref_slice %arg4[%run_scoped3A_56, %arg1, %dma_start3A_97, %dma_start3A_98] : memref<2x16x158x128xi32, #tpu.memory_space<hbm>> -> memref<1x1x158x128xi32, #tpu.memory_space<hbm>>
      %dma_start3A_100 = tpu.memref_squeeze %dma_start3A_99 : memref<1x1x158x128xi32, #tpu.memory_space<hbm>> -> memref<158x128xi32, #tpu.memory_space<hbm>>
      tpu.enqueue_dma source(%dma_start3A_100 : memref<158x128xi32, #tpu.memory_space<hbm>>) target(%arg8 : memref<158x128xi32, #tpu.memory_space<vmem>>) target_semaphore(%run_scoped3A_93 : memref<!tpu.dma_semaphore, #tpu.memory_space<semaphore_mem>>)
      %dma_wait3A = arith.constant 0 : i32
      %dma_wait3A_101 = arith.constant 0 : i32
      %dma_wait3A_102 = tpu.memref_slice %arg4[%run_scoped3A_56, %arg1, %dma_wait3A, %dma_wait3A_101] : memref<2x16x158x128xi32, #tpu.memory_space<hbm>> -> memref<1x1x158x128xi32, #tpu.memory_space<hbm>>
      %dma_wait3A_103 = tpu.memref_squeeze %dma_wait3A_102 : memref<1x1x158x128xi32, #tpu.memory_space<hbm>> -> memref<158x128xi32, #tpu.memory_space<hbm>>
      %dma_wait3A_104 = arith.constant 0 : i32
      %dma_wait3A_105 = arith.constant 0 : i32
      %dma_wait3A_106 = tpu.memref_slice %arg4[%run_scoped3A_56, %arg1, %dma_wait3A_104, %dma_wait3A_105] : memref<2x16x158x128xi32, #tpu.memory_space<hbm>> -> memref<1x1x158x128xi32, #tpu.memory_space<hbm>>
      %dma_wait3A_107 = tpu.memref_squeeze %dma_wait3A_106 : memref<1x1x158x128xi32, #tpu.memory_space<hbm>> -> memref<158x128xi32, #tpu.memory_space<hbm>>
      tpu.wait_dma2 semaphore(%run_scoped3A_93 : memref<!tpu.dma_semaphore, #tpu.memory_space<semaphore_mem>>) src(%dma_wait3A_107 : memref<158x128xi32, #tpu.memory_space<hbm>>) dst(%arg8 : memref<158x128xi32, #tpu.memory_space<vmem>>)
      tpu.yield
    }) : () -> ()
    %barrier3A_57 = arith.constant 0 : index
    tpu.barrier barrier_id(%barrier3A_57)
    %scan3A_58 = arith.constant 0 : i32
    %scan3A_59 = arith.constant 0 : i32
    %scan3A_60 = arith.constant 79 : i32
    %scan3A_61 = arith.addi %scan3A_59, %scan3A_60 : i32
    %scan3A_62 = arith.constant 1 : i32
    %scan3A_63 = scf.for %scan3A_93 = %scan3A_59 to %scan3A_61 step %scan3A_62 iter_args(%scan3A_94 = %scan3A_58) -> (i32)  : i32 {
      %mul3A_95 = arith.constant 2 : i32
      %mul3A_96 = arith.muli %mul3A_95, %scan3A_93 : i32
      %mul3A_97 = arith.constant 2 : i32
      %mul3A_98 = arith.muli %mul3A_97, %scan3A_93 : i32
      %add3A_99 = arith.constant 1 : i32
      %add3A_100 = arith.addi %mul3A_98, %add3A_99 : i32
      %dma_start3A = arith.constant 0 : i32
      %dma_start3A_101 = tpu.memref_slice %arg7[%mul3A_96, %dma_start3A] : memref<158x128xi32, #tpu.memory_space<vmem>> -> memref<1x128xi32, #tpu.memory_space<vmem>>
      %dma_start3A_102 = tpu.memref_squeeze %dma_start3A_101 : memref<1x128xi32, #tpu.memory_space<vmem>> -> memref<128xi32, #tpu.memory_space<vmem>>
      %dma_start3A_103 = arith.constant 0 : i32
      %dma_start3A_104 = arith.constant 0 : i32
      %dma_start3A_105 = tpu.memref_slice %arg2[%dma_start3A_103, %dma_start3A_104] : memref<20000x128xf32, #tpu.memory_space<hbm>> -> memref<20000x128xf32, #tpu.memory_space<hbm>>
      tpu.enqueue_indirect_dma source(%dma_start3A_105 : memref<20000x128xf32, #tpu.memory_space<hbm>>) target(%arg9 : memref<128x128xf32, #tpu.memory_space<vmem>>) offsets(%dma_start3A_102 : memref<128xi32, #tpu.memory_space<vmem>>) semaphore(%arg11 : memref<!tpu.dma_semaphore, #tpu.memory_space<semaphore_mem>>)
      %dma_start3A_106 = arith.constant 0 : i32
      %dma_start3A_107 = tpu.memref_slice %arg7[%add3A_100, %dma_start3A_106] : memref<158x128xi32, #tpu.memory_space<vmem>> -> memref<1x128xi32, #tpu.memory_space<vmem>>
      %dma_start3A_108 = tpu.memref_squeeze %dma_start3A_107 : memref<1x128xi32, #tpu.memory_space<vmem>> -> memref<128xi32, #tpu.memory_space<vmem>>
      %dma_start3A_109 = arith.constant 0 : i32
      %dma_start3A_110 = arith.constant 0 : i32
      %dma_start3A_111 = tpu.memref_slice %arg2[%dma_start3A_109, %dma_start3A_110] : memref<20000x128xf32, #tpu.memory_space<hbm>> -> memref<20000x128xf32, #tpu.memory_space<hbm>>
      tpu.enqueue_indirect_dma source(%dma_start3A_111 : memref<20000x128xf32, #tpu.memory_space<hbm>>) target(%arg10 : memref<128x128xf32, #tpu.memory_space<vmem>>) offsets(%dma_start3A_108 : memref<128xi32, #tpu.memory_space<vmem>>) semaphore(%arg12 : memref<!tpu.dma_semaphore, #tpu.memory_space<semaphore_mem>>)
      %dma_wait3A = arith.constant 0 : i32
      %dma_wait3A_112 = tpu.memref_slice %arg7[%mul3A_96, %dma_wait3A] : memref<158x128xi32, #tpu.memory_space<vmem>> -> memref<1x128xi32, #tpu.memory_space<vmem>>
      %dma_wait3A_113 = tpu.memref_squeeze %dma_wait3A_112 : memref<1x128xi32, #tpu.memory_space<vmem>> -> memref<128xi32, #tpu.memory_space<vmem>>
      %dma_wait3A_114 = arith.constant 0 : i32
      %dma_wait3A_115 = arith.constant 0 : i32
      %dma_wait3A_116 = tpu.memref_slice %arg2[%dma_wait3A_114, %dma_wait3A_115] : memref<20000x128xf32, #tpu.memory_space<hbm>> -> memref<20000x128xf32, #tpu.memory_space<hbm>>
      tpu.wait_indirect_dma semaphore(%arg11 : memref<!tpu.dma_semaphore, #tpu.memory_space<semaphore_mem>>) src(%dma_wait3A_116 : memref<20000x128xf32, #tpu.memory_space<hbm>>) dst(%arg9 : memref<128x128xf32, #tpu.memory_space<vmem>>)
      "tpu.region"() ({
        %run_scoped3A_124 = tpu.sem_alloc : memref<!tpu.dma_semaphore, #tpu.memory_space<semaphore_mem>>
        %dma_start3A_125 = arith.constant 0 : i32
        %dma_start3A_126 = tpu.memref_slice %arg8[%mul3A_96, %dma_start3A_125] : memref<158x128xi32, #tpu.memory_space<vmem>> -> memref<1x128xi32, #tpu.memory_space<vmem>>
        %dma_start3A_127 = tpu.memref_squeeze %dma_start3A_126 : memref<1x128xi32, #tpu.memory_space<vmem>> -> memref<128xi32, #tpu.memory_space<vmem>>
        %dma_start3A_128 = arith.constant 0 : i32
        %dma_start3A_129 = arith.constant 0 : i32
        %dma_start3A_130 = tpu.memref_slice %arg13[%dma_start3A_128, %dma_start3A_129] : memref<5120x128xf32, #tpu.memory_space<vmem_shared>> -> memref<5120x128xf32, #tpu.memory_space<vmem_shared>>
        tpu.enqueue_indirect_dma source(%arg9 : memref<128x128xf32, #tpu.memory_space<vmem>>) target(%dma_start3A_130 : memref<5120x128xf32, #tpu.memory_space<vmem_shared>>) offsets(%dma_start3A_127 : memref<128xi32, #tpu.memory_space<vmem>>) semaphore(%run_scoped3A_124 : memref<!tpu.dma_semaphore, #tpu.memory_space<semaphore_mem>>) {add = true}
        %dma_wait3A_131 = arith.constant 0 : i32
        %dma_wait3A_132 = tpu.memref_slice %arg8[%mul3A_96, %dma_wait3A_131] : memref<158x128xi32, #tpu.memory_space<vmem>> -> memref<1x128xi32, #tpu.memory_space<vmem>>
        %dma_wait3A_133 = tpu.memref_squeeze %dma_wait3A_132 : memref<1x128xi32, #tpu.memory_space<vmem>> -> memref<128xi32, #tpu.memory_space<vmem>>
        %dma_wait3A_134 = arith.constant 0 : i32
        %dma_wait3A_135 = arith.constant 0 : i32
        %dma_wait3A_136 = tpu.memref_slice %arg13[%dma_wait3A_134, %dma_wait3A_135] : memref<5120x128xf32, #tpu.memory_space<vmem_shared>> -> memref<5120x128xf32, #tpu.memory_space<vmem_shared>>
        tpu.wait_indirect_dma semaphore(%run_scoped3A_124 : memref<!tpu.dma_semaphore, #tpu.memory_space<semaphore_mem>>) src(%arg9 : memref<128x128xf32, #tpu.memory_space<vmem>>) dst(%dma_wait3A_136 : memref<5120x128xf32, #tpu.memory_space<vmem_shared>>)
        tpu.yield
      }) : () -> ()
      %dma_wait3A_117 = arith.constant 0 : i32
      %dma_wait3A_118 = tpu.memref_slice %arg7[%add3A_100, %dma_wait3A_117] : memref<158x128xi32, #tpu.memory_space<vmem>> -> memref<1x128xi32, #tpu.memory_space<vmem>>
      %dma_wait3A_119 = tpu.memref_squeeze %dma_wait3A_118 : memref<1x128xi32, #tpu.memory_space<vmem>> -> memref<128xi32, #tpu.memory_space<vmem>>
      %dma_wait3A_120 = arith.constant 0 : i32
      %dma_wait3A_121 = arith.constant 0 : i32
      %dma_wait3A_122 = tpu.memref_slice %arg2[%dma_wait3A_120, %dma_wait3A_121] : memref<20000x128xf32, #tpu.memory_space<hbm>> -> memref<20000x128xf32, #tpu.memory_space<hbm>>
      tpu.wait_indirect_dma semaphore(%arg12 : memref<!tpu.dma_semaphore, #tpu.memory_space<semaphore_mem>>) src(%dma_wait3A_122 : memref<20000x128xf32, #tpu.memory_space<hbm>>) dst(%arg10 : memref<128x128xf32, #tpu.memory_space<vmem>>)
      "tpu.region"() ({
        %run_scoped3A_124 = tpu.sem_alloc : memref<!tpu.dma_semaphore, #tpu.memory_space<semaphore_mem>>
        %dma_start3A_125 = arith.constant 0 : i32
        %dma_start3A_126 = tpu.memref_slice %arg8[%add3A_100, %dma_start3A_125] : memref<158x128xi32, #tpu.memory_space<vmem>> -> memref<1x128xi32, #tpu.memory_space<vmem>>
        %dma_start3A_127 = tpu.memref_squeeze %dma_start3A_126 : memref<1x128xi32, #tpu.memory_space<vmem>> -> memref<128xi32, #tpu.memory_space<vmem>>
        %dma_start3A_128 = arith.constant 0 : i32
        %dma_start3A_129 = arith.constant 0 : i32
        %dma_start3A_130 = tpu.memref_slice %arg13[%dma_start3A_128, %dma_start3A_129] : memref<5120x128xf32, #tpu.memory_space<vmem_shared>> -> memref<5120x128xf32, #tpu.memory_space<vmem_shared>>
        tpu.enqueue_indirect_dma source(%arg10 : memref<128x128xf32, #tpu.memory_space<vmem>>) target(%dma_start3A_130 : memref<5120x128xf32, #tpu.memory_space<vmem_shared>>) offsets(%dma_start3A_127 : memref<128xi32, #tpu.memory_space<vmem>>) semaphore(%run_scoped3A_124 : memref<!tpu.dma_semaphore, #tpu.memory_space<semaphore_mem>>) {add = true}
        %dma_wait3A_131 = arith.constant 0 : i32
        %dma_wait3A_132 = tpu.memref_slice %arg8[%add3A_100, %dma_wait3A_131] : memref<158x128xi32, #tpu.memory_space<vmem>> -> memref<1x128xi32, #tpu.memory_space<vmem>>
        %dma_wait3A_133 = tpu.memref_squeeze %dma_wait3A_132 : memref<1x128xi32, #tpu.memory_space<vmem>> -> memref<128xi32, #tpu.memory_space<vmem>>
        %dma_wait3A_134 = arith.constant 0 : i32
        %dma_wait3A_135 = arith.constant 0 : i32
        %dma_wait3A_136 = tpu.memref_slice %arg13[%dma_wait3A_134, %dma_wait3A_135] : memref<5120x128xf32, #tpu.memory_space<vmem_shared>> -> memref<5120x128xf32, #tpu.memory_space<vmem_shared>>
        tpu.wait_indirect_dma semaphore(%run_scoped3A_124 : memref<!tpu.dma_semaphore, #tpu.memory_space<semaphore_mem>>) src(%arg10 : memref<128x128xf32, #tpu.memory_space<vmem>>) dst(%dma_wait3A_136 : memref<5120x128xf32, #tpu.memory_space<vmem_shared>>)
        tpu.yield
      }) : () -> ()
      %scan3A_123 = arith.constant 0 : i32
      scf.yield %scan3A_123 : i32
    }
    %scan3A_64 = arith.constant 79 : i32
    %barrier3A_65 = arith.constant 0 : index
    tpu.barrier barrier_id(%barrier3A_65)
    %mul3A_66 = arith.constant 320 : i32
    %mul3A_67 = arith.muli %arg1, %mul3A_66 : i32
    %add3A_68 = arith.constant 0 : i32
    %add3A_69 = arith.addi %mul3A_67, %add3A_68 : i32
    "tpu.region"() ({
      %run_scoped3A_93 = tpu.sem_alloc : memref<!tpu.dma_semaphore, #tpu.memory_space<semaphore_mem>>
      %dma_start3A = arith.constant 0 : i32
      %dma_start3A_94 = arith.constant 0 : i32
      %dma_start3A_95 = tpu.memref_slice %arg9[%dma_start3A, %dma_start3A_94] : memref<128x128xf32, #tpu.memory_space<vmem>> -> memref<128x128xf32, #tpu.memory_space<vmem>>
      %dma_start3A_96 = arith.constant 0 : i32
      %dma_start3A_97 = tpu.memref_slice %arg13[%add3A_69, %dma_start3A_96] : memref<5120x128xf32, #tpu.memory_space<vmem_shared>> -> memref<128x128xf32, #tpu.memory_space<vmem_shared>>
      %dma_start3A_98 = arith.constant 0 : i32
      %dma_start3A_99 = arith.constant 0 : i32
      %dma_start3A_100 = tpu.memref_slice %arg9[%dma_start3A_98, %dma_start3A_99] : memref<128x128xf32, #tpu.memory_space<vmem>> -> memref<128x128xf32, #tpu.memory_space<vmem>>
      %dma_start3A_101 = arith.constant 0 : i32
      %dma_start3A_102 = tpu.memref_slice %arg13[%add3A_69, %dma_start3A_101] : memref<5120x128xf32, #tpu.memory_space<vmem_shared>> -> memref<128x128xf32, #tpu.memory_space<vmem_shared>>
      tpu.enqueue_dma source(%dma_start3A_102 : memref<128x128xf32, #tpu.memory_space<vmem_shared>>) target(%dma_start3A_100 : memref<128x128xf32, #tpu.memory_space<vmem>>) target_semaphore(%run_scoped3A_93 : memref<!tpu.dma_semaphore, #tpu.memory_space<semaphore_mem>>)
      %dma_wait3A = arith.constant 0 : i32
      %dma_wait3A_103 = arith.constant 0 : i32
      %dma_wait3A_104 = tpu.memref_slice %arg9[%dma_wait3A, %dma_wait3A_103] : memref<128x128xf32, #tpu.memory_space<vmem>> -> memref<128x128xf32, #tpu.memory_space<vmem>>
      %dma_wait3A_105 = arith.constant 0 : i32
      %dma_wait3A_106 = tpu.memref_slice %arg13[%add3A_69, %dma_wait3A_105] : memref<5120x128xf32, #tpu.memory_space<vmem_shared>> -> memref<128x128xf32, #tpu.memory_space<vmem_shared>>
      %dma_wait3A_107 = arith.constant 0 : i32
      %dma_wait3A_108 = arith.constant 0 : i32
      %dma_wait3A_109 = tpu.memref_slice %arg9[%dma_wait3A_107, %dma_wait3A_108] : memref<128x128xf32, #tpu.memory_space<vmem>> -> memref<128x128xf32, #tpu.memory_space<vmem>>
      %dma_wait3A_110 = arith.constant 0 : i32
      %dma_wait3A_111 = tpu.memref_slice %arg13[%add3A_69, %dma_wait3A_110] : memref<5120x128xf32, #tpu.memory_space<vmem_shared>> -> memref<128x128xf32, #tpu.memory_space<vmem_shared>>
      tpu.wait_dma2 semaphore(%run_scoped3A_93 : memref<!tpu.dma_semaphore, #tpu.memory_space<semaphore_mem>>) src(%dma_wait3A_111 : memref<128x128xf32, #tpu.memory_space<vmem_shared>>) dst(%dma_wait3A_109 : memref<128x128xf32, #tpu.memory_space<vmem>>)
      tpu.yield
    }) : () -> ()
    %mul3A_70 = arith.constant 10240 : i32
    %mul3A_71 = arith.muli %arg0, %mul3A_70 : i32
    %add3A_72 = arith.constant 5056 : i32
    %add3A_73 = arith.addi %mul3A_71, %add3A_72 : i32
    %add3A_74 = arith.addi %add3A_73, %add3A_69 : i32
    "tpu.region"() ({
      %run_scoped3A_93 = tpu.sem_alloc : memref<!tpu.dma_semaphore, #tpu.memory_space<semaphore_mem>>
      %dma_start3A = arith.constant 0 : i32
      %dma_start3A_94 = arith.constant 0 : i32
      %dma_start3A_95 = tpu.memref_slice %arg9[%dma_start3A, %dma_start3A_94] : memref<128x128xf32, #tpu.memory_space<vmem>> -> memref<128x128xf32, #tpu.memory_space<vmem>>
      %dma_start3A_96 = arith.constant 0 : i32
      %dma_start3A_97 = tpu.memref_slice %arg6[%add3A_74, %dma_start3A_96] : memref<20480x128xf32, #tpu.memory_space<hbm>> -> memref<128x128xf32, #tpu.memory_space<hbm>>
      %dma_start3A_98 = arith.constant 0 : i32
      %dma_start3A_99 = tpu.memref_slice %arg6[%add3A_74, %dma_start3A_98] : memref<20480x128xf32, #tpu.memory_space<hbm>> -> memref<128x128xf32, #tpu.memory_space<hbm>>
      %dma_start3A_100 = arith.constant 0 : i32
      %dma_start3A_101 = arith.constant 0 : i32
      %dma_start3A_102 = tpu.memref_slice %arg9[%dma_start3A_100, %dma_start3A_101] : memref<128x128xf32, #tpu.memory_space<vmem>> -> memref<128x128xf32, #tpu.memory_space<vmem>>
      tpu.enqueue_dma source(%dma_start3A_102 : memref<128x128xf32, #tpu.memory_space<vmem>>) target(%dma_start3A_99 : memref<128x128xf32, #tpu.memory_space<hbm>>) target_semaphore(%run_scoped3A_93 : memref<!tpu.dma_semaphore, #tpu.memory_space<semaphore_mem>>)
      %dma_wait3A = arith.constant 0 : i32
      %dma_wait3A_103 = arith.constant 0 : i32
      %dma_wait3A_104 = tpu.memref_slice %arg9[%dma_wait3A, %dma_wait3A_103] : memref<128x128xf32, #tpu.memory_space<vmem>> -> memref<128x128xf32, #tpu.memory_space<vmem>>
      %dma_wait3A_105 = arith.constant 0 : i32
      %dma_wait3A_106 = tpu.memref_slice %arg6[%add3A_74, %dma_wait3A_105] : memref<20480x128xf32, #tpu.memory_space<hbm>> -> memref<128x128xf32, #tpu.memory_space<hbm>>
      %dma_wait3A_107 = arith.constant 0 : i32
      %dma_wait3A_108 = tpu.memref_slice %arg6[%add3A_74, %dma_wait3A_107] : memref<20480x128xf32, #tpu.memory_space<hbm>> -> memref<128x128xf32, #tpu.memory_space<hbm>>
      %dma_wait3A_109 = arith.constant 0 : i32
      %dma_wait3A_110 = arith.constant 0 : i32
      %dma_wait3A_111 = tpu.memref_slice %arg9[%dma_wait3A_109, %dma_wait3A_110] : memref<128x128xf32, #tpu.memory_space<vmem>> -> memref<128x128xf32, #tpu.memory_space<vmem>>
      tpu.wait_dma2 semaphore(%run_scoped3A_93 : memref<!tpu.dma_semaphore, #tpu.memory_space<semaphore_mem>>) src(%dma_wait3A_111 : memref<128x128xf32, #tpu.memory_space<vmem>>) dst(%dma_wait3A_108 : memref<128x128xf32, #tpu.memory_space<hbm>>)
      tpu.yield
    }) : () -> ()
    %mul3A_75 = arith.constant 320 : i32
    %mul3A_76 = arith.muli %arg1, %mul3A_75 : i32
    %add3A_77 = arith.constant 128 : i32
    %add3A_78 = arith.addi %mul3A_76, %add3A_77 : i32
    "tpu.region"() ({
      %run_scoped3A_93 = tpu.sem_alloc : memref<!tpu.dma_semaphore, #tpu.memory_space<semaphore_mem>>
      %dma_start3A = arith.constant 0 : i32
      %dma_start3A_94 = arith.constant 0 : i32
      %dma_start3A_95 = tpu.memref_slice %arg9[%dma_start3A, %dma_start3A_94] : memref<128x128xf32, #tpu.memory_space<vmem>> -> memref<128x128xf32, #tpu.memory_space<vmem>>
      %dma_start3A_96 = arith.constant 0 : i32
      %dma_start3A_97 = tpu.memref_slice %arg13[%add3A_78, %dma_start3A_96] : memref<5120x128xf32, #tpu.memory_space<vmem_shared>> -> memref<128x128xf32, #tpu.memory_space<vmem_shared>>
      %dma_start3A_98 = arith.constant 0 : i32
      %dma_start3A_99 = arith.constant 0 : i32
      %dma_start3A_100 = tpu.memref_slice %arg9[%dma_start3A_98, %dma_start3A_99] : memref<128x128xf32, #tpu.memory_space<vmem>> -> memref<128x128xf32, #tpu.memory_space<vmem>>
      %dma_start3A_101 = arith.constant 0 : i32
      %dma_start3A_102 = tpu.memref_slice %arg13[%add3A_78, %dma_start3A_101] : memref<5120x128xf32, #tpu.memory_space<vmem_shared>> -> memref<128x128xf32, #tpu.memory_space<vmem_shared>>
      tpu.enqueue_dma source(%dma_start3A_102 : memref<128x128xf32, #tpu.memory_space<vmem_shared>>) target(%dma_start3A_100 : memref<128x128xf32, #tpu.memory_space<vmem>>) target_semaphore(%run_scoped3A_93 : memref<!tpu.dma_semaphore, #tpu.memory_space<semaphore_mem>>)
      %dma_wait3A = arith.constant 0 : i32
      %dma_wait3A_103 = arith.constant 0 : i32
      %dma_wait3A_104 = tpu.memref_slice %arg9[%dma_wait3A, %dma_wait3A_103] : memref<128x128xf32, #tpu.memory_space<vmem>> -> memref<128x128xf32, #tpu.memory_space<vmem>>
      %dma_wait3A_105 = arith.constant 0 : i32
      %dma_wait3A_106 = tpu.memref_slice %arg13[%add3A_78, %dma_wait3A_105] : memref<5120x128xf32, #tpu.memory_space<vmem_shared>> -> memref<128x128xf32, #tpu.memory_space<vmem_shared>>
      %dma_wait3A_107 = arith.constant 0 : i32
      %dma_wait3A_108 = arith.constant 0 : i32
      %dma_wait3A_109 = tpu.memref_slice %arg9[%dma_wait3A_107, %dma_wait3A_108] : memref<128x128xf32, #tpu.memory_space<vmem>> -> memref<128x128xf32, #tpu.memory_space<vmem>>
      %dma_wait3A_110 = arith.constant 0 : i32
      %dma_wait3A_111 = tpu.memref_slice %arg13[%add3A_78, %dma_wait3A_110] : memref<5120x128xf32, #tpu.memory_space<vmem_shared>> -> memref<128x128xf32, #tpu.memory_space<vmem_shared>>
      tpu.wait_dma2 semaphore(%run_scoped3A_93 : memref<!tpu.dma_semaphore, #tpu.memory_space<semaphore_mem>>) src(%dma_wait3A_111 : memref<128x128xf32, #tpu.memory_space<vmem_shared>>) dst(%dma_wait3A_109 : memref<128x128xf32, #tpu.memory_space<vmem>>)
      tpu.yield
    }) : () -> ()
    %mul3A_79 = arith.constant 10240 : i32
    %mul3A_80 = arith.muli %arg0, %mul3A_79 : i32
    %add3A_81 = arith.constant 5056 : i32
    %add3A_82 = arith.addi %mul3A_80, %add3A_81 : i32
    %add3A_83 = arith.addi %add3A_82, %add3A_78 : i32
    "tpu.region"() ({
      %run_scoped3A_93 = tpu.sem_alloc : memref<!tpu.dma_semaphore, #tpu.memory_space<semaphore_mem>>
      %dma_start3A = arith.constant 0 : i32
      %dma_start3A_94 = arith.constant 0 : i32
      %dma_start3A_95 = tpu.memref_slice %arg9[%dma_start3A, %dma_start3A_94] : memref<128x128xf32, #tpu.memory_space<vmem>> -> memref<128x128xf32, #tpu.memory_space<vmem>>
      %dma_start3A_96 = arith.constant 0 : i32
      %dma_start3A_97 = tpu.memref_slice %arg6[%add3A_83, %dma_start3A_96] : memref<20480x128xf32, #tpu.memory_space<hbm>> -> memref<128x128xf32, #tpu.memory_space<hbm>>
      %dma_start3A_98 = arith.constant 0 : i32
      %dma_start3A_99 = tpu.memref_slice %arg6[%add3A_83, %dma_start3A_98] : memref<20480x128xf32, #tpu.memory_space<hbm>> -> memref<128x128xf32, #tpu.memory_space<hbm>>
      %dma_start3A_100 = arith.constant 0 : i32
      %dma_start3A_101 = arith.constant 0 : i32
      %dma_start3A_102 = tpu.memref_slice %arg9[%dma_start3A_100, %dma_start3A_101] : memref<128x128xf32, #tpu.memory_space<vmem>> -> memref<128x128xf32, #tpu.memory_space<vmem>>
      tpu.enqueue_dma source(%dma_start3A_102 : memref<128x128xf32, #tpu.memory_space<vmem>>) target(%dma_start3A_99 : memref<128x128xf32, #tpu.memory_space<hbm>>) target_semaphore(%run_scoped3A_93 : memref<!tpu.dma_semaphore, #tpu.memory_space<semaphore_mem>>)
      %dma_wait3A = arith.constant 0 : i32
      %dma_wait3A_103 = arith.constant 0 : i32
      %dma_wait3A_104 = tpu.memref_slice %arg9[%dma_wait3A, %dma_wait3A_103] : memref<128x128xf32, #tpu.memory_space<vmem>> -> memref<128x128xf32, #tpu.memory_space<vmem>>
      %dma_wait3A_105 = arith.constant 0 : i32
      %dma_wait3A_106 = tpu.memref_slice %arg6[%add3A_83, %dma_wait3A_105] : memref<20480x128xf32, #tpu.memory_space<hbm>> -> memref<128x128xf32, #tpu.memory_space<hbm>>
      %dma_wait3A_107 = arith.constant 0 : i32
      %dma_wait3A_108 = tpu.memref_slice %arg6[%add3A_83, %dma_wait3A_107] : memref<20480x128xf32, #tpu.memory_space<hbm>> -> memref<128x128xf32, #tpu.memory_space<hbm>>
      %dma_wait3A_109 = arith.constant 0 : i32
      %dma_wait3A_110 = arith.constant 0 : i32
      %dma_wait3A_111 = tpu.memref_slice %arg9[%dma_wait3A_109, %dma_wait3A_110] : memref<128x128xf32, #tpu.memory_space<vmem>> -> memref<128x128xf32, #tpu.memory_space<vmem>>
      tpu.wait_dma2 semaphore(%run_scoped3A_93 : memref<!tpu.dma_semaphore, #tpu.memory_space<semaphore_mem>>) src(%dma_wait3A_111 : memref<128x128xf32, #tpu.memory_space<vmem>>) dst(%dma_wait3A_108 : memref<128x128xf32, #tpu.memory_space<hbm>>)
      tpu.yield
    }) : () -> ()
    %mul3A_84 = arith.constant 320 : i32
    %mul3A_85 = arith.muli %arg1, %mul3A_84 : i32
    %add3A_86 = arith.constant 256 : i32
    %add3A_87 = arith.addi %mul3A_85, %add3A_86 : i32
    "tpu.region"() ({
      %run_scoped3A_93 = tpu.sem_alloc : memref<!tpu.dma_semaphore, #tpu.memory_space<semaphore_mem>>
      %dma_start3A = arith.constant 0 : i32
      %dma_start3A_94 = arith.constant 0 : i32
      %dma_start3A_95 = tpu.memref_slice %arg9[%dma_start3A, %dma_start3A_94] : memref<128x128xf32, #tpu.memory_space<vmem>> -> memref<64x128xf32, #tpu.memory_space<vmem>>
      %dma_start3A_96 = arith.constant 0 : i32
      %dma_start3A_97 = tpu.memref_slice %arg13[%add3A_87, %dma_start3A_96] : memref<5120x128xf32, #tpu.memory_space<vmem_shared>> -> memref<64x128xf32, #tpu.memory_space<vmem_shared>>
      %dma_start3A_98 = arith.constant 0 : i32
      %dma_start3A_99 = arith.constant 0 : i32
      %dma_start3A_100 = tpu.memref_slice %arg9[%dma_start3A_98, %dma_start3A_99] : memref<128x128xf32, #tpu.memory_space<vmem>> -> memref<64x128xf32, #tpu.memory_space<vmem>>
      %dma_start3A_101 = arith.constant 0 : i32
      %dma_start3A_102 = tpu.memref_slice %arg13[%add3A_87, %dma_start3A_101] : memref<5120x128xf32, #tpu.memory_space<vmem_shared>> -> memref<64x128xf32, #tpu.memory_space<vmem_shared>>
      tpu.enqueue_dma source(%dma_start3A_102 : memref<64x128xf32, #tpu.memory_space<vmem_shared>>) target(%dma_start3A_100 : memref<64x128xf32, #tpu.memory_space<vmem>>) target_semaphore(%run_scoped3A_93 : memref<!tpu.dma_semaphore, #tpu.memory_space<semaphore_mem>>)
      %dma_wait3A = arith.constant 0 : i32
      %dma_wait3A_103 = arith.constant 0 : i32
      %dma_wait3A_104 = tpu.memref_slice %arg9[%dma_wait3A, %dma_wait3A_103] : memref<128x128xf32, #tpu.memory_space<vmem>> -> memref<64x128xf32, #tpu.memory_space<vmem>>
      %dma_wait3A_105 = arith.constant 0 : i32
      %dma_wait3A_106 = tpu.memref_slice %arg13[%add3A_87, %dma_wait3A_105] : memref<5120x128xf32, #tpu.memory_space<vmem_shared>> -> memref<64x128xf32, #tpu.memory_space<vmem_shared>>
      %dma_wait3A_107 = arith.constant 0 : i32
      %dma_wait3A_108 = arith.constant 0 : i32
      %dma_wait3A_109 = tpu.memref_slice %arg9[%dma_wait3A_107, %dma_wait3A_108] : memref<128x128xf32, #tpu.memory_space<vmem>> -> memref<64x128xf32, #tpu.memory_space<vmem>>
      %dma_wait3A_110 = arith.constant 0 : i32
      %dma_wait3A_111 = tpu.memref_slice %arg13[%add3A_87, %dma_wait3A_110] : memref<5120x128xf32, #tpu.memory_space<vmem_shared>> -> memref<64x128xf32, #tpu.memory_space<vmem_shared>>
      tpu.wait_dma2 semaphore(%run_scoped3A_93 : memref<!tpu.dma_semaphore, #tpu.memory_space<semaphore_mem>>) src(%dma_wait3A_111 : memref<64x128xf32, #tpu.memory_space<vmem_shared>>) dst(%dma_wait3A_109 : memref<64x128xf32, #tpu.memory_space<vmem>>)
      tpu.yield
    }) : () -> ()
    %mul3A_88 = arith.constant 10240 : i32
    %mul3A_89 = arith.muli %arg0, %mul3A_88 : i32
    %add3A_90 = arith.constant 5056 : i32
    %add3A_91 = arith.addi %mul3A_89, %add3A_90 : i32
    %add3A_92 = arith.addi %add3A_91, %add3A_87 : i32
    "tpu.region"() ({
      %run_scoped3A_93 = tpu.sem_alloc : memref<!tpu.dma_semaphore, #tpu.memory_space<semaphore_mem>>
      %dma_start3A = arith.constant 0 : i32
      %dma_start3A_94 = arith.constant 0 : i32
      %dma_start3A_95 = tpu.memref_slice %arg9[%dma_start3A, %dma_start3A_94] : memref<128x128xf32, #tpu.memory_space<vmem>> -> memref<64x128xf32, #tpu.memory_space<vmem>>
      %dma_start3A_96 = arith.constant 0 : i32
      %dma_start3A_97 = tpu.memref_slice %arg6[%add3A_92, %dma_start3A_96] : memref<20480x128xf32, #tpu.memory_space<hbm>> -> memref<64x128xf32, #tpu.memory_space<hbm>>
      %dma_start3A_98 = arith.constant 0 : i32
      %dma_start3A_99 = tpu.memref_slice %arg6[%add3A_92, %dma_start3A_98] : memref<20480x128xf32, #tpu.memory_space<hbm>> -> memref<64x128xf32, #tpu.memory_space<hbm>>
      %dma_start3A_100 = arith.constant 0 : i32
      %dma_start3A_101 = arith.constant 0 : i32
      %dma_start3A_102 = tpu.memref_slice %arg9[%dma_start3A_100, %dma_start3A_101] : memref<128x128xf32, #tpu.memory_space<vmem>> -> memref<64x128xf32, #tpu.memory_space<vmem>>
      tpu.enqueue_dma source(%dma_start3A_102 : memref<64x128xf32, #tpu.memory_space<vmem>>) target(%dma_start3A_99 : memref<64x128xf32, #tpu.memory_space<hbm>>) target_semaphore(%run_scoped3A_93 : memref<!tpu.dma_semaphore, #tpu.memory_space<semaphore_mem>>)
      %dma_wait3A = arith.constant 0 : i32
      %dma_wait3A_103 = arith.constant 0 : i32
      %dma_wait3A_104 = tpu.memref_slice %arg9[%dma_wait3A, %dma_wait3A_103] : memref<128x128xf32, #tpu.memory_space<vmem>> -> memref<64x128xf32, #tpu.memory_space<vmem>>
      %dma_wait3A_105 = arith.constant 0 : i32
      %dma_wait3A_106 = tpu.memref_slice %arg6[%add3A_92, %dma_wait3A_105] : memref<20480x128xf32, #tpu.memory_space<hbm>> -> memref<64x128xf32, #tpu.memory_space<hbm>>
      %dma_wait3A_107 = arith.constant 0 : i32
      %dma_wait3A_108 = tpu.memref_slice %arg6[%add3A_92, %dma_wait3A_107] : memref<20480x128xf32, #tpu.memory_space<hbm>> -> memref<64x128xf32, #tpu.memory_space<hbm>>
      %dma_wait3A_109 = arith.constant 0 : i32
      %dma_wait3A_110 = arith.constant 0 : i32
      %dma_wait3A_111 = tpu.memref_slice %arg9[%dma_wait3A_109, %dma_wait3A_110] : memref<128x128xf32, #tpu.memory_space<vmem>> -> memref<64x128xf32, #tpu.memory_space<vmem>>
      tpu.wait_dma2 semaphore(%run_scoped3A_93 : memref<!tpu.dma_semaphore, #tpu.memory_space<semaphore_mem>>) src(%dma_wait3A_111 : memref<64x128xf32, #tpu.memory_space<vmem>>) dst(%dma_wait3A_108 : memref<64x128xf32, #tpu.memory_space<hbm>>)
      tpu.yield
    }) : () -> ()
    return
  }
}

#map = affine_map<(d0, d1) -> (0, 0, 0, 0)>
#map1 = affine_map<(d0, d1) -> (0)>
#map2 = affine_map<(d0, d1) -> (0, 0)>
module attributes {stable_mosaic.version = 14 : i64} {
  func.func @_deg_body(%arg0: i32, %arg1: i32, %arg2: memref<2x16x79x128xi32, #tpu.memory_space<hbm>>, %arg3: memref<640xf32, #tpu.memory_space<hbm>>, %arg4: memref<128xf32, #tpu.memory_space<hbm>>, %arg5: memref<2x10240xf32, #tpu.memory_space<hbm>>, %arg6: memref<79x128xi32, #tpu.memory_space<vmem>>, %arg7: memref<128xf32, #tpu.memory_space<vmem>>, %arg8: memref<640xf32, #tpu.memory_space<vmem>>, %arg9: memref<10240xf32, #tpu.memory_space<vmem_shared>>) attributes {dimension_semantics = [#tpu.dimension_semantics<core_parallel>, #tpu.dimension_semantics<subcore_parallel>], iteration_bounds = array<i64: 2, 16>, scalar_prefetch = 0 : i64, scratch_operands = 4 : i64, tpu.core_type = #tpu.core_type<sc_vector_subcore>, window_params = [{transform_indices = #map}, {transform_indices = #map1}, {transform_indices = #map1}, {transform_indices = #map2}]} {
    "tpu.region"() ({
      %run_scoped3A = tpu.sem_alloc : memref<!tpu.dma_semaphore, #tpu.memory_space<semaphore_mem>>
      tpu.enqueue_dma source(%arg4 : memref<128xf32, #tpu.memory_space<hbm>>) target(%arg7 : memref<128xf32, #tpu.memory_space<vmem>>) target_semaphore(%run_scoped3A : memref<!tpu.dma_semaphore, #tpu.memory_space<semaphore_mem>>)
      tpu.wait_dma2 semaphore(%run_scoped3A : memref<!tpu.dma_semaphore, #tpu.memory_space<semaphore_mem>>) src(%arg4 : memref<128xf32, #tpu.memory_space<hbm>>) dst(%arg7 : memref<128xf32, #tpu.memory_space<vmem>>)
      tpu.yield
    }) : () -> ()
    "tpu.region"() ({
      %run_scoped3A = tpu.sem_alloc : memref<!tpu.dma_semaphore, #tpu.memory_space<semaphore_mem>>
      tpu.enqueue_dma source(%arg3 : memref<640xf32, #tpu.memory_space<hbm>>) target(%arg8 : memref<640xf32, #tpu.memory_space<vmem>>) target_semaphore(%run_scoped3A : memref<!tpu.dma_semaphore, #tpu.memory_space<semaphore_mem>>)
      tpu.wait_dma2 semaphore(%run_scoped3A : memref<!tpu.dma_semaphore, #tpu.memory_space<semaphore_mem>>) src(%arg3 : memref<640xf32, #tpu.memory_space<hbm>>) dst(%arg8 : memref<640xf32, #tpu.memory_space<vmem>>)
      tpu.yield
    }) : () -> ()
    %mul3A = arith.constant 640 : i32
    %mul3A_0 = arith.muli %arg1, %mul3A : i32
    "tpu.region"() ({
      %run_scoped3A = tpu.sem_alloc : memref<!tpu.dma_semaphore, #tpu.memory_space<semaphore_mem>>
      %dma_start3A = tpu.memref_slice %arg9[%mul3A_0] : memref<10240xf32, #tpu.memory_space<vmem_shared>> -> memref<640xf32, #tpu.memory_space<vmem_shared>>
      %dma_start3A_12 = tpu.memref_slice %arg9[%mul3A_0] : memref<10240xf32, #tpu.memory_space<vmem_shared>> -> memref<640xf32, #tpu.memory_space<vmem_shared>>
      tpu.enqueue_dma source(%arg8 : memref<640xf32, #tpu.memory_space<vmem>>) target(%dma_start3A_12 : memref<640xf32, #tpu.memory_space<vmem_shared>>) target_semaphore(%run_scoped3A : memref<!tpu.dma_semaphore, #tpu.memory_space<semaphore_mem>>)
      %dma_wait3A = tpu.memref_slice %arg9[%mul3A_0] : memref<10240xf32, #tpu.memory_space<vmem_shared>> -> memref<640xf32, #tpu.memory_space<vmem_shared>>
      %dma_wait3A_13 = tpu.memref_slice %arg9[%mul3A_0] : memref<10240xf32, #tpu.memory_space<vmem_shared>> -> memref<640xf32, #tpu.memory_space<vmem_shared>>
      tpu.wait_dma2 semaphore(%run_scoped3A : memref<!tpu.dma_semaphore, #tpu.memory_space<semaphore_mem>>) src(%arg8 : memref<640xf32, #tpu.memory_space<vmem>>) dst(%dma_wait3A_13 : memref<640xf32, #tpu.memory_space<vmem_shared>>)
      tpu.yield
    }) : () -> ()
    "tpu.region"() ({
      %run_scoped3A = tpu.sem_alloc : memref<!tpu.dma_semaphore, #tpu.memory_space<semaphore_mem>>
      %dma_start3A = arith.constant 0 : i32
      %dma_start3A_12 = arith.constant 0 : i32
      %dma_start3A_13 = tpu.memref_slice %arg2[%arg0, %arg1, %dma_start3A, %dma_start3A_12] : memref<2x16x79x128xi32, #tpu.memory_space<hbm>> -> memref<1x1x79x128xi32, #tpu.memory_space<hbm>>
      %dma_start3A_14 = tpu.memref_squeeze %dma_start3A_13 : memref<1x1x79x128xi32, #tpu.memory_space<hbm>> -> memref<79x128xi32, #tpu.memory_space<hbm>>
      %dma_start3A_15 = arith.constant 0 : i32
      %dma_start3A_16 = arith.constant 0 : i32
      %dma_start3A_17 = tpu.memref_slice %arg2[%arg0, %arg1, %dma_start3A_15, %dma_start3A_16] : memref<2x16x79x128xi32, #tpu.memory_space<hbm>> -> memref<1x1x79x128xi32, #tpu.memory_space<hbm>>
      %dma_start3A_18 = tpu.memref_squeeze %dma_start3A_17 : memref<1x1x79x128xi32, #tpu.memory_space<hbm>> -> memref<79x128xi32, #tpu.memory_space<hbm>>
      tpu.enqueue_dma source(%dma_start3A_18 : memref<79x128xi32, #tpu.memory_space<hbm>>) target(%arg6 : memref<79x128xi32, #tpu.memory_space<vmem>>) target_semaphore(%run_scoped3A : memref<!tpu.dma_semaphore, #tpu.memory_space<semaphore_mem>>)
      %dma_wait3A = arith.constant 0 : i32
      %dma_wait3A_19 = arith.constant 0 : i32
      %dma_wait3A_20 = tpu.memref_slice %arg2[%arg0, %arg1, %dma_wait3A, %dma_wait3A_19] : memref<2x16x79x128xi32, #tpu.memory_space<hbm>> -> memref<1x1x79x128xi32, #tpu.memory_space<hbm>>
      %dma_wait3A_21 = tpu.memref_squeeze %dma_wait3A_20 : memref<1x1x79x128xi32, #tpu.memory_space<hbm>> -> memref<79x128xi32, #tpu.memory_space<hbm>>
      %dma_wait3A_22 = arith.constant 0 : i32
      %dma_wait3A_23 = arith.constant 0 : i32
      %dma_wait3A_24 = tpu.memref_slice %arg2[%arg0, %arg1, %dma_wait3A_22, %dma_wait3A_23] : memref<2x16x79x128xi32, #tpu.memory_space<hbm>> -> memref<1x1x79x128xi32, #tpu.memory_space<hbm>>
      %dma_wait3A_25 = tpu.memref_squeeze %dma_wait3A_24 : memref<1x1x79x128xi32, #tpu.memory_space<hbm>> -> memref<79x128xi32, #tpu.memory_space<hbm>>
      tpu.wait_dma2 semaphore(%run_scoped3A : memref<!tpu.dma_semaphore, #tpu.memory_space<semaphore_mem>>) src(%dma_wait3A_25 : memref<79x128xi32, #tpu.memory_space<hbm>>) dst(%arg6 : memref<79x128xi32, #tpu.memory_space<vmem>>)
      tpu.yield
    }) : () -> ()
    %barrier3A = arith.constant 0 : index
    tpu.barrier barrier_id(%barrier3A)
    %scan3A = arith.constant 0 : i32
    %scan3A_1 = arith.constant 0 : i32
    %scan3A_2 = arith.constant 79 : i32
    %scan3A_3 = arith.addi %scan3A_1, %scan3A_2 : i32
    %scan3A_4 = arith.constant 1 : i32
    %scan3A_5 = scf.for %scan3A_12 = %scan3A_1 to %scan3A_3 step %scan3A_4 iter_args(%scan3A_13 = %scan3A) -> (i32)  : i32 {
      "tpu.region"() ({
        %run_scoped3A = tpu.sem_alloc : memref<!tpu.dma_semaphore, #tpu.memory_space<semaphore_mem>>
        %dma_start3A = arith.constant 0 : i32
        %dma_start3A_15 = tpu.memref_slice %arg6[%scan3A_12, %dma_start3A] : memref<79x128xi32, #tpu.memory_space<vmem>> -> memref<1x128xi32, #tpu.memory_space<vmem>>
        %dma_start3A_16 = tpu.memref_squeeze %dma_start3A_15 : memref<1x128xi32, #tpu.memory_space<vmem>> -> memref<128xi32, #tpu.memory_space<vmem>>
        %dma_start3A_17 = arith.constant 0 : i32
        %dma_start3A_18 = tpu.memref_slice %arg9[%dma_start3A_17] : memref<10240xf32, #tpu.memory_space<vmem_shared>> -> memref<10240xf32, #tpu.memory_space<vmem_shared>>
        tpu.enqueue_indirect_dma source(%arg7 : memref<128xf32, #tpu.memory_space<vmem>>) target(%dma_start3A_18 : memref<10240xf32, #tpu.memory_space<vmem_shared>>) offsets(%dma_start3A_16 : memref<128xi32, #tpu.memory_space<vmem>>) semaphore(%run_scoped3A : memref<!tpu.dma_semaphore, #tpu.memory_space<semaphore_mem>>) {add = true}
        %dma_wait3A = arith.constant 0 : i32
        %dma_wait3A_19 = tpu.memref_slice %arg6[%scan3A_12, %dma_wait3A] : memref<79x128xi32, #tpu.memory_space<vmem>> -> memref<1x128xi32, #tpu.memory_space<vmem>>
        %dma_wait3A_20 = tpu.memref_squeeze %dma_wait3A_19 : memref<1x128xi32, #tpu.memory_space<vmem>> -> memref<128xi32, #tpu.memory_space<vmem>>
        %dma_wait3A_21 = arith.constant 0 : i32
        %dma_wait3A_22 = tpu.memref_slice %arg9[%dma_wait3A_21] : memref<10240xf32, #tpu.memory_space<vmem_shared>> -> memref<10240xf32, #tpu.memory_space<vmem_shared>>
        tpu.wait_indirect_dma semaphore(%run_scoped3A : memref<!tpu.dma_semaphore, #tpu.memory_space<semaphore_mem>>) src(%arg7 : memref<128xf32, #tpu.memory_space<vmem>>) dst(%dma_wait3A_22 : memref<10240xf32, #tpu.memory_space<vmem_shared>>)
        tpu.yield
      }) : () -> ()
      %scan3A_14 = arith.constant 0 : i32
      scf.yield %scan3A_14 : i32
    }
    %scan3A_6 = arith.constant 79 : i32
    %barrier3A_7 = arith.constant 0 : index
    tpu.barrier barrier_id(%barrier3A_7)
    %mul3A_8 = arith.constant 640 : i32
    %mul3A_9 = arith.muli %arg1, %mul3A_8 : i32
    "tpu.region"() ({
      %run_scoped3A = tpu.sem_alloc : memref<!tpu.dma_semaphore, #tpu.memory_space<semaphore_mem>>
      %dma_start3A = tpu.memref_slice %arg9[%mul3A_9] : memref<10240xf32, #tpu.memory_space<vmem_shared>> -> memref<640xf32, #tpu.memory_space<vmem_shared>>
      %dma_start3A_12 = tpu.memref_slice %arg9[%mul3A_9] : memref<10240xf32, #tpu.memory_space<vmem_shared>> -> memref<640xf32, #tpu.memory_space<vmem_shared>>
      tpu.enqueue_dma source(%dma_start3A_12 : memref<640xf32, #tpu.memory_space<vmem_shared>>) target(%arg8 : memref<640xf32, #tpu.memory_space<vmem>>) target_semaphore(%run_scoped3A : memref<!tpu.dma_semaphore, #tpu.memory_space<semaphore_mem>>)
      %dma_wait3A = tpu.memref_slice %arg9[%mul3A_9] : memref<10240xf32, #tpu.memory_space<vmem_shared>> -> memref<640xf32, #tpu.memory_space<vmem_shared>>
      %dma_wait3A_13 = tpu.memref_slice %arg9[%mul3A_9] : memref<10240xf32, #tpu.memory_space<vmem_shared>> -> memref<640xf32, #tpu.memory_space<vmem_shared>>
      tpu.wait_dma2 semaphore(%run_scoped3A : memref<!tpu.dma_semaphore, #tpu.memory_space<semaphore_mem>>) src(%dma_wait3A_13 : memref<640xf32, #tpu.memory_space<vmem_shared>>) dst(%arg8 : memref<640xf32, #tpu.memory_space<vmem>>)
      tpu.yield
    }) : () -> ()
    %mul3A_10 = arith.constant 640 : i32
    %mul3A_11 = arith.muli %arg1, %mul3A_10 : i32
    "tpu.region"() ({
      %run_scoped3A = tpu.sem_alloc : memref<!tpu.dma_semaphore, #tpu.memory_space<semaphore_mem>>
      %dma_start3A = tpu.memref_slice %arg5[%arg0, %mul3A_11] : memref<2x10240xf32, #tpu.memory_space<hbm>> -> memref<1x640xf32, #tpu.memory_space<hbm>>
      %dma_start3A_12 = tpu.memref_squeeze %dma_start3A : memref<1x640xf32, #tpu.memory_space<hbm>> -> memref<640xf32, #tpu.memory_space<hbm>>
      %dma_start3A_13 = tpu.memref_slice %arg5[%arg0, %mul3A_11] : memref<2x10240xf32, #tpu.memory_space<hbm>> -> memref<1x640xf32, #tpu.memory_space<hbm>>
      %dma_start3A_14 = tpu.memref_squeeze %dma_start3A_13 : memref<1x640xf32, #tpu.memory_space<hbm>> -> memref<640xf32, #tpu.memory_space<hbm>>
      tpu.enqueue_dma source(%arg8 : memref<640xf32, #tpu.memory_space<vmem>>) target(%dma_start3A_14 : memref<640xf32, #tpu.memory_space<hbm>>) target_semaphore(%run_scoped3A : memref<!tpu.dma_semaphore, #tpu.memory_space<semaphore_mem>>)
      %dma_wait3A = tpu.memref_slice %arg5[%arg0, %mul3A_11] : memref<2x10240xf32, #tpu.memory_space<hbm>> -> memref<1x640xf32, #tpu.memory_space<hbm>>
      %dma_wait3A_15 = tpu.memref_squeeze %dma_wait3A : memref<1x640xf32, #tpu.memory_space<hbm>> -> memref<640xf32, #tpu.memory_space<hbm>>
      %dma_wait3A_16 = tpu.memref_slice %arg5[%arg0, %mul3A_11] : memref<2x10240xf32, #tpu.memory_space<hbm>> -> memref<1x640xf32, #tpu.memory_space<hbm>>
      %dma_wait3A_17 = tpu.memref_squeeze %dma_wait3A_16 : memref<1x640xf32, #tpu.memory_space<hbm>> -> memref<640xf32, #tpu.memory_space<hbm>>
      tpu.wait_dma2 semaphore(%run_scoped3A : memref<!tpu.dma_semaphore, #tpu.memory_space<semaphore_mem>>) src(%arg8 : memref<640xf32, #tpu.memory_space<vmem>>) dst(%dma_wait3A_17 : memref<640xf32, #tpu.memory_space<hbm>>)
      tpu.yield
    }) : () -> ()
    return
  }
}

#map = affine_map<(d0, d1) -> (0, 0)>
#map1 = affine_map<(d0, d1) -> (0, 0, 0, 0)>
module attributes {stable_mosaic.version = 14 : i64} {
  func.func @_scatter_body(%arg0: i32, %arg1: i32, %arg2: memref<20000x128xf32, #tpu.memory_space<hbm>>, %arg3: memref<2x16x158x128xi32, #tpu.memory_space<hbm>>, %arg4: memref<2x16x158x128xi32, #tpu.memory_space<hbm>>, %arg5: memref<128x128xf32, #tpu.memory_space<hbm>>, %arg6: memref<20480x128xf32, #tpu.memory_space<hbm>>, %arg7: memref<158x128xi32, #tpu.memory_space<vmem>>, %arg8: memref<158x128xi32, #tpu.memory_space<vmem>>, %arg9: memref<128x128xf32, #tpu.memory_space<vmem>>, %arg10: memref<128x128xf32, #tpu.memory_space<vmem>>, %arg11: memref<!tpu.dma_semaphore, #tpu.memory_space<semaphore_mem>>, %arg12: memref<!tpu.dma_semaphore, #tpu.memory_space<semaphore_mem>>, %arg13: memref<5120x128xf32, #tpu.memory_space<vmem_shared>>) attributes {dimension_semantics = [#tpu.dimension_semantics<core_parallel>, #tpu.dimension_semantics<subcore_parallel>], iteration_bounds = array<i64: 2, 16>, scalar_prefetch = 0 : i64, scratch_operands = 7 : i64, tpu.core_type = #tpu.core_type<sc_vector_subcore>, window_params = [{transform_indices = #map}, {transform_indices = #map1}, {transform_indices = #map1}, {transform_indices = #map}, {transform_indices = #map}]} {
    "tpu.region"() ({
      %run_scoped3A_93 = tpu.sem_alloc : memref<!tpu.dma_semaphore, #tpu.memory_space<semaphore_mem>>
      %dma_start3A = arith.constant 0 : i32
      %dma_start3A_94 = arith.constant 0 : i32
      %dma_start3A_95 = tpu.memref_slice %arg3[%arg0, %arg1, %dma_start3A, %dma_start3A_94] : memref<2x16x158x128xi32, #tpu.memory_space<hbm>> -> memref<1x1x158x128xi32, #tpu.memory_space<hbm>>
      %dma_start3A_96 = tpu.memref_squeeze %dma_start3A_95 : memref<1x1x158x128xi32, #tpu.memory_space<hbm>> -> memref<158x128xi32, #tpu.memory_space<hbm>>
      %dma_start3A_97 = arith.constant 0 : i32
      %dma_start3A_98 = arith.constant 0 : i32
      %dma_start3A_99 = tpu.memref_slice %arg3[%arg0, %arg1, %dma_start3A_97, %dma_start3A_98] : memref<2x16x158x128xi32, #tpu.memory_space<hbm>> -> memref<1x1x158x128xi32, #tpu.memory_space<hbm>>
      %dma_start3A_100 = tpu.memref_squeeze %dma_start3A_99 : memref<1x1x158x128xi32, #tpu.memory_space<hbm>> -> memref<158x128xi32, #tpu.memory_space<hbm>>
      tpu.enqueue_dma source(%dma_start3A_100 : memref<158x128xi32, #tpu.memory_space<hbm>>) target(%arg7 : memref<158x128xi32, #tpu.memory_space<vmem>>) target_semaphore(%run_scoped3A_93 : memref<!tpu.dma_semaphore, #tpu.memory_space<semaphore_mem>>)
      %dma_wait3A = arith.constant 0 : i32
      %dma_wait3A_101 = arith.constant 0 : i32
      %dma_wait3A_102 = tpu.memref_slice %arg3[%arg0, %arg1, %dma_wait3A, %dma_wait3A_101] : memref<2x16x158x128xi32, #tpu.memory_space<hbm>> -> memref<1x1x158x128xi32, #tpu.memory_space<hbm>>
      %dma_wait3A_103 = tpu.memref_squeeze %dma_wait3A_102 : memref<1x1x158x128xi32, #tpu.memory_space<hbm>> -> memref<158x128xi32, #tpu.memory_space<hbm>>
      %dma_wait3A_104 = arith.constant 0 : i32
      %dma_wait3A_105 = arith.constant 0 : i32
      %dma_wait3A_106 = tpu.memref_slice %arg3[%arg0, %arg1, %dma_wait3A_104, %dma_wait3A_105] : memref<2x16x158x128xi32, #tpu.memory_space<hbm>> -> memref<1x1x158x128xi32, #tpu.memory_space<hbm>>
      %dma_wait3A_107 = tpu.memref_squeeze %dma_wait3A_106 : memref<1x1x158x128xi32, #tpu.memory_space<hbm>> -> memref<158x128xi32, #tpu.memory_space<hbm>>
      tpu.wait_dma2 semaphore(%run_scoped3A_93 : memref<!tpu.dma_semaphore, #tpu.memory_space<semaphore_mem>>) src(%dma_wait3A_107 : memref<158x128xi32, #tpu.memory_space<hbm>>) dst(%arg7 : memref<158x128xi32, #tpu.memory_space<vmem>>)
      tpu.yield
    }) : () -> ()
    "tpu.region"() ({
      %run_scoped3A_93 = tpu.sem_alloc : memref<!tpu.dma_semaphore, #tpu.memory_space<semaphore_mem>>
      tpu.enqueue_dma source(%arg5 : memref<128x128xf32, #tpu.memory_space<hbm>>) target(%arg9 : memref<128x128xf32, #tpu.memory_space<vmem>>) target_semaphore(%run_scoped3A_93 : memref<!tpu.dma_semaphore, #tpu.memory_space<semaphore_mem>>)
      tpu.wait_dma2 semaphore(%run_scoped3A_93 : memref<!tpu.dma_semaphore, #tpu.memory_space<semaphore_mem>>) src(%arg5 : memref<128x128xf32, #tpu.memory_space<hbm>>) dst(%arg9 : memref<128x128xf32, #tpu.memory_space<vmem>>)
      tpu.yield
    }) : () -> ()
    %mul3A = arith.constant 320 : i32
    %mul3A_0 = arith.muli %arg1, %mul3A : i32
    %add3A = arith.constant 0 : i32
    %add3A_1 = arith.addi %mul3A_0, %add3A : i32
    "tpu.region"() ({
      %run_scoped3A_93 = tpu.sem_alloc : memref<!tpu.dma_semaphore, #tpu.memory_space<semaphore_mem>>
      %dma_start3A = arith.constant 0 : i32
      %dma_start3A_94 = arith.constant 0 : i32
      %dma_start3A_95 = tpu.memref_slice %arg9[%dma_start3A, %dma_start3A_94] : memref<128x128xf32, #tpu.memory_space<vmem>> -> memref<128x128xf32, #tpu.memory_space<vmem>>
      %dma_start3A_96 = arith.constant 0 : i32
      %dma_start3A_97 = tpu.memref_slice %arg13[%add3A_1, %dma_start3A_96] : memref<5120x128xf32, #tpu.memory_space<vmem_shared>> -> memref<128x128xf32, #tpu.memory_space<vmem_shared>>
      %dma_start3A_98 = arith.constant 0 : i32
      %dma_start3A_99 = tpu.memref_slice %arg13[%add3A_1, %dma_start3A_98] : memref<5120x128xf32, #tpu.memory_space<vmem_shared>> -> memref<128x128xf32, #tpu.memory_space<vmem_shared>>
      %dma_start3A_100 = arith.constant 0 : i32
      %dma_start3A_101 = arith.constant 0 : i32
      %dma_start3A_102 = tpu.memref_slice %arg9[%dma_start3A_100, %dma_start3A_101] : memref<128x128xf32, #tpu.memory_space<vmem>> -> memref<128x128xf32, #tpu.memory_space<vmem>>
      tpu.enqueue_dma source(%dma_start3A_102 : memref<128x128xf32, #tpu.memory_space<vmem>>) target(%dma_start3A_99 : memref<128x128xf32, #tpu.memory_space<vmem_shared>>) target_semaphore(%run_scoped3A_93 : memref<!tpu.dma_semaphore, #tpu.memory_space<semaphore_mem>>)
      %dma_wait3A = arith.constant 0 : i32
      %dma_wait3A_103 = arith.constant 0 : i32
      %dma_wait3A_104 = tpu.memref_slice %arg9[%dma_wait3A, %dma_wait3A_103] : memref<128x128xf32, #tpu.memory_space<vmem>> -> memref<128x128xf32, #tpu.memory_space<vmem>>
      %dma_wait3A_105 = arith.constant 0 : i32
      %dma_wait3A_106 = tpu.memref_slice %arg13[%add3A_1, %dma_wait3A_105] : memref<5120x128xf32, #tpu.memory_space<vmem_shared>> -> memref<128x128xf32, #tpu.memory_space<vmem_shared>>
      %dma_wait3A_107 = arith.constant 0 : i32
      %dma_wait3A_108 = tpu.memref_slice %arg13[%add3A_1, %dma_wait3A_107] : memref<5120x128xf32, #tpu.memory_space<vmem_shared>> -> memref<128x128xf32, #tpu.memory_space<vmem_shared>>
      %dma_wait3A_109 = arith.constant 0 : i32
      %dma_wait3A_110 = arith.constant 0 : i32
      %dma_wait3A_111 = tpu.memref_slice %arg9[%dma_wait3A_109, %dma_wait3A_110] : memref<128x128xf32, #tpu.memory_space<vmem>> -> memref<128x128xf32, #tpu.memory_space<vmem>>
      tpu.wait_dma2 semaphore(%run_scoped3A_93 : memref<!tpu.dma_semaphore, #tpu.memory_space<semaphore_mem>>) src(%dma_wait3A_111 : memref<128x128xf32, #tpu.memory_space<vmem>>) dst(%dma_wait3A_108 : memref<128x128xf32, #tpu.memory_space<vmem_shared>>)
      tpu.yield
    }) : () -> ()
    %mul3A_2 = arith.constant 320 : i32
    %mul3A_3 = arith.muli %arg1, %mul3A_2 : i32
    %add3A_4 = arith.constant 128 : i32
    %add3A_5 = arith.addi %mul3A_3, %add3A_4 : i32
    "tpu.region"() ({
      %run_scoped3A_93 = tpu.sem_alloc : memref<!tpu.dma_semaphore, #tpu.memory_space<semaphore_mem>>
      %dma_start3A = arith.constant 0 : i32
      %dma_start3A_94 = arith.constant 0 : i32
      %dma_start3A_95 = tpu.memref_slice %arg9[%dma_start3A, %dma_start3A_94] : memref<128x128xf32, #tpu.memory_space<vmem>> -> memref<128x128xf32, #tpu.memory_space<vmem>>
      %dma_start3A_96 = arith.constant 0 : i32
      %dma_start3A_97 = tpu.memref_slice %arg13[%add3A_5, %dma_start3A_96] : memref<5120x128xf32, #tpu.memory_space<vmem_shared>> -> memref<128x128xf32, #tpu.memory_space<vmem_shared>>
      %dma_start3A_98 = arith.constant 0 : i32
      %dma_start3A_99 = tpu.memref_slice %arg13[%add3A_5, %dma_start3A_98] : memref<5120x128xf32, #tpu.memory_space<vmem_shared>> -> memref<128x128xf32, #tpu.memory_space<vmem_shared>>
      %dma_start3A_100 = arith.constant 0 : i32
      %dma_start3A_101 = arith.constant 0 : i32
      %dma_start3A_102 = tpu.memref_slice %arg9[%dma_start3A_100, %dma_start3A_101] : memref<128x128xf32, #tpu.memory_space<vmem>> -> memref<128x128xf32, #tpu.memory_space<vmem>>
      tpu.enqueue_dma source(%dma_start3A_102 : memref<128x128xf32, #tpu.memory_space<vmem>>) target(%dma_start3A_99 : memref<128x128xf32, #tpu.memory_space<vmem_shared>>) target_semaphore(%run_scoped3A_93 : memref<!tpu.dma_semaphore, #tpu.memory_space<semaphore_mem>>)
      %dma_wait3A = arith.constant 0 : i32
      %dma_wait3A_103 = arith.constant 0 : i32
      %dma_wait3A_104 = tpu.memref_slice %arg9[%dma_wait3A, %dma_wait3A_103] : memref<128x128xf32, #tpu.memory_space<vmem>> -> memref<128x128xf32, #tpu.memory_space<vmem>>
      %dma_wait3A_105 = arith.constant 0 : i32
      %dma_wait3A_106 = tpu.memref_slice %arg13[%add3A_5, %dma_wait3A_105] : memref<5120x128xf32, #tpu.memory_space<vmem_shared>> -> memref<128x128xf32, #tpu.memory_space<vmem_shared>>
      %dma_wait3A_107 = arith.constant 0 : i32
      %dma_wait3A_108 = tpu.memref_slice %arg13[%add3A_5, %dma_wait3A_107] : memref<5120x128xf32, #tpu.memory_space<vmem_shared>> -> memref<128x128xf32, #tpu.memory_space<vmem_shared>>
      %dma_wait3A_109 = arith.constant 0 : i32
      %dma_wait3A_110 = arith.constant 0 : i32
      %dma_wait3A_111 = tpu.memref_slice %arg9[%dma_wait3A_109, %dma_wait3A_110] : memref<128x128xf32, #tpu.memory_space<vmem>> -> memref<128x128xf32, #tpu.memory_space<vmem>>
      tpu.wait_dma2 semaphore(%run_scoped3A_93 : memref<!tpu.dma_semaphore, #tpu.memory_space<semaphore_mem>>) src(%dma_wait3A_111 : memref<128x128xf32, #tpu.memory_space<vmem>>) dst(%dma_wait3A_108 : memref<128x128xf32, #tpu.memory_space<vmem_shared>>)
      tpu.yield
    }) : () -> ()
    %mul3A_6 = arith.constant 320 : i32
    %mul3A_7 = arith.muli %arg1, %mul3A_6 : i32
    %add3A_8 = arith.constant 256 : i32
    %add3A_9 = arith.addi %mul3A_7, %add3A_8 : i32
    "tpu.region"() ({
      %run_scoped3A_93 = tpu.sem_alloc : memref<!tpu.dma_semaphore, #tpu.memory_space<semaphore_mem>>
      %dma_start3A = arith.constant 0 : i32
      %dma_start3A_94 = arith.constant 0 : i32
      %dma_start3A_95 = tpu.memref_slice %arg9[%dma_start3A, %dma_start3A_94] : memref<128x128xf32, #tpu.memory_space<vmem>> -> memref<64x128xf32, #tpu.memory_space<vmem>>
      %dma_start3A_96 = arith.constant 0 : i32
      %dma_start3A_97 = tpu.memref_slice %arg13[%add3A_9, %dma_start3A_96] : memref<5120x128xf32, #tpu.memory_space<vmem_shared>> -> memref<64x128xf32, #tpu.memory_space<vmem_shared>>
      %dma_start3A_98 = arith.constant 0 : i32
      %dma_start3A_99 = tpu.memref_slice %arg13[%add3A_9, %dma_start3A_98] : memref<5120x128xf32, #tpu.memory_space<vmem_shared>> -> memref<64x128xf32, #tpu.memory_space<vmem_shared>>
      %dma_start3A_100 = arith.constant 0 : i32
      %dma_start3A_101 = arith.constant 0 : i32
      %dma_start3A_102 = tpu.memref_slice %arg9[%dma_start3A_100, %dma_start3A_101] : memref<128x128xf32, #tpu.memory_space<vmem>> -> memref<64x128xf32, #tpu.memory_space<vmem>>
      tpu.enqueue_dma source(%dma_start3A_102 : memref<64x128xf32, #tpu.memory_space<vmem>>) target(%dma_start3A_99 : memref<64x128xf32, #tpu.memory_space<vmem_shared>>) target_semaphore(%run_scoped3A_93 : memref<!tpu.dma_semaphore, #tpu.memory_space<semaphore_mem>>)
      %dma_wait3A = arith.constant 0 : i32
      %dma_wait3A_103 = arith.constant 0 : i32
      %dma_wait3A_104 = tpu.memref_slice %arg9[%dma_wait3A, %dma_wait3A_103] : memref<128x128xf32, #tpu.memory_space<vmem>> -> memref<64x128xf32, #tpu.memory_space<vmem>>
      %dma_wait3A_105 = arith.constant 0 : i32
      %dma_wait3A_106 = tpu.memref_slice %arg13[%add3A_9, %dma_wait3A_105] : memref<5120x128xf32, #tpu.memory_space<vmem_shared>> -> memref<64x128xf32, #tpu.memory_space<vmem_shared>>
      %dma_wait3A_107 = arith.constant 0 : i32
      %dma_wait3A_108 = tpu.memref_slice %arg13[%add3A_9, %dma_wait3A_107] : memref<5120x128xf32, #tpu.memory_space<vmem_shared>> -> memref<64x128xf32, #tpu.memory_space<vmem_shared>>
      %dma_wait3A_109 = arith.constant 0 : i32
      %dma_wait3A_110 = arith.constant 0 : i32
      %dma_wait3A_111 = tpu.memref_slice %arg9[%dma_wait3A_109, %dma_wait3A_110] : memref<128x128xf32, #tpu.memory_space<vmem>> -> memref<64x128xf32, #tpu.memory_space<vmem>>
      tpu.wait_dma2 semaphore(%run_scoped3A_93 : memref<!tpu.dma_semaphore, #tpu.memory_space<semaphore_mem>>) src(%dma_wait3A_111 : memref<64x128xf32, #tpu.memory_space<vmem>>) dst(%dma_wait3A_108 : memref<64x128xf32, #tpu.memory_space<vmem_shared>>)
      tpu.yield
    }) : () -> ()
    %run_scoped3A = arith.constant 0 : i32
    "tpu.region"() ({
      %run_scoped3A_93 = tpu.sem_alloc : memref<!tpu.dma_semaphore, #tpu.memory_space<semaphore_mem>>
      %dma_start3A = arith.constant 0 : i32
      %dma_start3A_94 = arith.constant 0 : i32
      %dma_start3A_95 = tpu.memref_slice %arg4[%run_scoped3A, %arg1, %dma_start3A, %dma_start3A_94] : memref<2x16x158x128xi32, #tpu.memory_space<hbm>> -> memref<1x1x158x128xi32, #tpu.memory_space<hbm>>
      %dma_start3A_96 = tpu.memref_squeeze %dma_start3A_95 : memref<1x1x158x128xi32, #tpu.memory_space<hbm>> -> memref<158x128xi32, #tpu.memory_space<hbm>>
      %dma_start3A_97 = arith.constant 0 : i32
      %dma_start3A_98 = arith.constant 0 : i32
      %dma_start3A_99 = tpu.memref_slice %arg4[%run_scoped3A, %arg1, %dma_start3A_97, %dma_start3A_98] : memref<2x16x158x128xi32, #tpu.memory_space<hbm>> -> memref<1x1x158x128xi32, #tpu.memory_space<hbm>>
      %dma_start3A_100 = tpu.memref_squeeze %dma_start3A_99 : memref<1x1x158x128xi32, #tpu.memory_space<hbm>> -> memref<158x128xi32, #tpu.memory_space<hbm>>
      tpu.enqueue_dma source(%dma_start3A_100 : memref<158x128xi32, #tpu.memory_space<hbm>>) target(%arg8 : memref<158x128xi32, #tpu.memory_space<vmem>>) target_semaphore(%run_scoped3A_93 : memref<!tpu.dma_semaphore, #tpu.memory_space<semaphore_mem>>)
      %dma_wait3A = arith.constant 0 : i32
      %dma_wait3A_101 = arith.constant 0 : i32
      %dma_wait3A_102 = tpu.memref_slice %arg4[%run_scoped3A, %arg1, %dma_wait3A, %dma_wait3A_101] : memref<2x16x158x128xi32, #tpu.memory_space<hbm>> -> memref<1x1x158x128xi32, #tpu.memory_space<hbm>>
      %dma_wait3A_103 = tpu.memref_squeeze %dma_wait3A_102 : memref<1x1x158x128xi32, #tpu.memory_space<hbm>> -> memref<158x128xi32, #tpu.memory_space<hbm>>
      %dma_wait3A_104 = arith.constant 0 : i32
      %dma_wait3A_105 = arith.constant 0 : i32
      %dma_wait3A_106 = tpu.memref_slice %arg4[%run_scoped3A, %arg1, %dma_wait3A_104, %dma_wait3A_105] : memref<2x16x158x128xi32, #tpu.memory_space<hbm>> -> memref<1x1x158x128xi32, #tpu.memory_space<hbm>>
      %dma_wait3A_107 = tpu.memref_squeeze %dma_wait3A_106 : memref<1x1x158x128xi32, #tpu.memory_space<hbm>> -> memref<158x128xi32, #tpu.memory_space<hbm>>
      tpu.wait_dma2 semaphore(%run_scoped3A_93 : memref<!tpu.dma_semaphore, #tpu.memory_space<semaphore_mem>>) src(%dma_wait3A_107 : memref<158x128xi32, #tpu.memory_space<hbm>>) dst(%arg8 : memref<158x128xi32, #tpu.memory_space<vmem>>)
      tpu.yield
    }) : () -> ()
    %barrier3A = arith.constant 0 : index
    tpu.barrier barrier_id(%barrier3A)
    %scan3A = arith.constant 0 : i32
    %scan3A_10 = arith.constant 0 : i32
    %scan3A_11 = arith.constant 79 : i32
    %scan3A_12 = arith.addi %scan3A_10, %scan3A_11 : i32
    %scan3A_13 = arith.constant 1 : i32
    %scan3A_14 = scf.for %scan3A_93 = %scan3A_10 to %scan3A_12 step %scan3A_13 iter_args(%scan3A_94 = %scan3A) -> (i32)  : i32 {
      %mul3A_95 = arith.constant 2 : i32
      %mul3A_96 = arith.muli %mul3A_95, %scan3A_93 : i32
      %mul3A_97 = arith.constant 2 : i32
      %mul3A_98 = arith.muli %mul3A_97, %scan3A_93 : i32
      %add3A_99 = arith.constant 1 : i32
      %add3A_100 = arith.addi %mul3A_98, %add3A_99 : i32
      %dma_start3A = arith.constant 0 : i32
      %dma_start3A_101 = tpu.memref_slice %arg7[%mul3A_96, %dma_start3A] : memref<158x128xi32, #tpu.memory_space<vmem>> -> memref<1x128xi32, #tpu.memory_space<vmem>>
      %dma_start3A_102 = tpu.memref_squeeze %dma_start3A_101 : memref<1x128xi32, #tpu.memory_space<vmem>> -> memref<128xi32, #tpu.memory_space<vmem>>
      %dma_start3A_103 = arith.constant 0 : i32
      %dma_start3A_104 = arith.constant 0 : i32
      %dma_start3A_105 = tpu.memref_slice %arg2[%dma_start3A_103, %dma_start3A_104] : memref<20000x128xf32, #tpu.memory_space<hbm>> -> memref<20000x128xf32, #tpu.memory_space<hbm>>
      tpu.enqueue_indirect_dma source(%dma_start3A_105 : memref<20000x128xf32, #tpu.memory_space<hbm>>) target(%arg9 : memref<128x128xf32, #tpu.memory_space<vmem>>) offsets(%dma_start3A_102 : memref<128xi32, #tpu.memory_space<vmem>>) semaphore(%arg11 : memref<!tpu.dma_semaphore, #tpu.memory_space<semaphore_mem>>)
      %dma_start3A_106 = arith.constant 0 : i32
      %dma_start3A_107 = tpu.memref_slice %arg7[%add3A_100, %dma_start3A_106] : memref<158x128xi32, #tpu.memory_space<vmem>> -> memref<1x128xi32, #tpu.memory_space<vmem>>
      %dma_start3A_108 = tpu.memref_squeeze %dma_start3A_107 : memref<1x128xi32, #tpu.memory_space<vmem>> -> memref<128xi32, #tpu.memory_space<vmem>>
      %dma_start3A_109 = arith.constant 0 : i32
      %dma_start3A_110 = arith.constant 0 : i32
      %dma_start3A_111 = tpu.memref_slice %arg2[%dma_start3A_109, %dma_start3A_110] : memref<20000x128xf32, #tpu.memory_space<hbm>> -> memref<20000x128xf32, #tpu.memory_space<hbm>>
      tpu.enqueue_indirect_dma source(%dma_start3A_111 : memref<20000x128xf32, #tpu.memory_space<hbm>>) target(%arg10 : memref<128x128xf32, #tpu.memory_space<vmem>>) offsets(%dma_start3A_108 : memref<128xi32, #tpu.memory_space<vmem>>) semaphore(%arg12 : memref<!tpu.dma_semaphore, #tpu.memory_space<semaphore_mem>>)
      %dma_wait3A = arith.constant 0 : i32
      %dma_wait3A_112 = tpu.memref_slice %arg7[%mul3A_96, %dma_wait3A] : memref<158x128xi32, #tpu.memory_space<vmem>> -> memref<1x128xi32, #tpu.memory_space<vmem>>
      %dma_wait3A_113 = tpu.memref_squeeze %dma_wait3A_112 : memref<1x128xi32, #tpu.memory_space<vmem>> -> memref<128xi32, #tpu.memory_space<vmem>>
      %dma_wait3A_114 = arith.constant 0 : i32
      %dma_wait3A_115 = arith.constant 0 : i32
      %dma_wait3A_116 = tpu.memref_slice %arg2[%dma_wait3A_114, %dma_wait3A_115] : memref<20000x128xf32, #tpu.memory_space<hbm>> -> memref<20000x128xf32, #tpu.memory_space<hbm>>
      tpu.wait_indirect_dma semaphore(%arg11 : memref<!tpu.dma_semaphore, #tpu.memory_space<semaphore_mem>>) src(%dma_wait3A_116 : memref<20000x128xf32, #tpu.memory_space<hbm>>) dst(%arg9 : memref<128x128xf32, #tpu.memory_space<vmem>>)
      "tpu.region"() ({
        %run_scoped3A_124 = tpu.sem_alloc : memref<!tpu.dma_semaphore, #tpu.memory_space<semaphore_mem>>
        %dma_start3A_125 = arith.constant 0 : i32
        %dma_start3A_126 = tpu.memref_slice %arg8[%mul3A_96, %dma_start3A_125] : memref<158x128xi32, #tpu.memory_space<vmem>> -> memref<1x128xi32, #tpu.memory_space<vmem>>
        %dma_start3A_127 = tpu.memref_squeeze %dma_start3A_126 : memref<1x128xi32, #tpu.memory_space<vmem>> -> memref<128xi32, #tpu.memory_space<vmem>>
        %dma_start3A_128 = arith.constant 0 : i32
        %dma_start3A_129 = arith.constant 0 : i32
        %dma_start3A_130 = tpu.memref_slice %arg13[%dma_start3A_128, %dma_start3A_129] : memref<5120x128xf32, #tpu.memory_space<vmem_shared>> -> memref<5120x128xf32, #tpu.memory_space<vmem_shared>>
        tpu.enqueue_indirect_dma source(%arg9 : memref<128x128xf32, #tpu.memory_space<vmem>>) target(%dma_start3A_130 : memref<5120x128xf32, #tpu.memory_space<vmem_shared>>) offsets(%dma_start3A_127 : memref<128xi32, #tpu.memory_space<vmem>>) semaphore(%run_scoped3A_124 : memref<!tpu.dma_semaphore, #tpu.memory_space<semaphore_mem>>) {add = true}
        %dma_wait3A_131 = arith.constant 0 : i32
        %dma_wait3A_132 = tpu.memref_slice %arg8[%mul3A_96, %dma_wait3A_131] : memref<158x128xi32, #tpu.memory_space<vmem>> -> memref<1x128xi32, #tpu.memory_space<vmem>>
        %dma_wait3A_133 = tpu.memref_squeeze %dma_wait3A_132 : memref<1x128xi32, #tpu.memory_space<vmem>> -> memref<128xi32, #tpu.memory_space<vmem>>
        %dma_wait3A_134 = arith.constant 0 : i32
        %dma_wait3A_135 = arith.constant 0 : i32
        %dma_wait3A_136 = tpu.memref_slice %arg13[%dma_wait3A_134, %dma_wait3A_135] : memref<5120x128xf32, #tpu.memory_space<vmem_shared>> -> memref<5120x128xf32, #tpu.memory_space<vmem_shared>>
        tpu.wait_indirect_dma semaphore(%run_scoped3A_124 : memref<!tpu.dma_semaphore, #tpu.memory_space<semaphore_mem>>) src(%arg9 : memref<128x128xf32, #tpu.memory_space<vmem>>) dst(%dma_wait3A_136 : memref<5120x128xf32, #tpu.memory_space<vmem_shared>>)
        tpu.yield
      }) : () -> ()
      %dma_wait3A_117 = arith.constant 0 : i32
      %dma_wait3A_118 = tpu.memref_slice %arg7[%add3A_100, %dma_wait3A_117] : memref<158x128xi32, #tpu.memory_space<vmem>> -> memref<1x128xi32, #tpu.memory_space<vmem>>
      %dma_wait3A_119 = tpu.memref_squeeze %dma_wait3A_118 : memref<1x128xi32, #tpu.memory_space<vmem>> -> memref<128xi32, #tpu.memory_space<vmem>>
      %dma_wait3A_120 = arith.constant 0 : i32
      %dma_wait3A_121 = arith.constant 0 : i32
      %dma_wait3A_122 = tpu.memref_slice %arg2[%dma_wait3A_120, %dma_wait3A_121] : memref<20000x128xf32, #tpu.memory_space<hbm>> -> memref<20000x128xf32, #tpu.memory_space<hbm>>
      tpu.wait_indirect_dma semaphore(%arg12 : memref<!tpu.dma_semaphore, #tpu.memory_space<semaphore_mem>>) src(%dma_wait3A_122 : memref<20000x128xf32, #tpu.memory_space<hbm>>) dst(%arg10 : memref<128x128xf32, #tpu.memory_space<vmem>>)
      "tpu.region"() ({
        %run_scoped3A_124 = tpu.sem_alloc : memref<!tpu.dma_semaphore, #tpu.memory_space<semaphore_mem>>
        %dma_start3A_125 = arith.constant 0 : i32
        %dma_start3A_126 = tpu.memref_slice %arg8[%add3A_100, %dma_start3A_125] : memref<158x128xi32, #tpu.memory_space<vmem>> -> memref<1x128xi32, #tpu.memory_space<vmem>>
        %dma_start3A_127 = tpu.memref_squeeze %dma_start3A_126 : memref<1x128xi32, #tpu.memory_space<vmem>> -> memref<128xi32, #tpu.memory_space<vmem>>
        %dma_start3A_128 = arith.constant 0 : i32
        %dma_start3A_129 = arith.constant 0 : i32
        %dma_start3A_130 = tpu.memref_slice %arg13[%dma_start3A_128, %dma_start3A_129] : memref<5120x128xf32, #tpu.memory_space<vmem_shared>> -> memref<5120x128xf32, #tpu.memory_space<vmem_shared>>
        tpu.enqueue_indirect_dma source(%arg10 : memref<128x128xf32, #tpu.memory_space<vmem>>) target(%dma_start3A_130 : memref<5120x128xf32, #tpu.memory_space<vmem_shared>>) offsets(%dma_start3A_127 : memref<128xi32, #tpu.memory_space<vmem>>) semaphore(%run_scoped3A_124 : memref<!tpu.dma_semaphore, #tpu.memory_space<semaphore_mem>>) {add = true}
        %dma_wait3A_131 = arith.constant 0 : i32
        %dma_wait3A_132 = tpu.memref_slice %arg8[%add3A_100, %dma_wait3A_131] : memref<158x128xi32, #tpu.memory_space<vmem>> -> memref<1x128xi32, #tpu.memory_space<vmem>>
        %dma_wait3A_133 = tpu.memref_squeeze %dma_wait3A_132 : memref<1x128xi32, #tpu.memory_space<vmem>> -> memref<128xi32, #tpu.memory_space<vmem>>
        %dma_wait3A_134 = arith.constant 0 : i32
        %dma_wait3A_135 = arith.constant 0 : i32
        %dma_wait3A_136 = tpu.memref_slice %arg13[%dma_wait3A_134, %dma_wait3A_135] : memref<5120x128xf32, #tpu.memory_space<vmem_shared>> -> memref<5120x128xf32, #tpu.memory_space<vmem_shared>>
        tpu.wait_indirect_dma semaphore(%run_scoped3A_124 : memref<!tpu.dma_semaphore, #tpu.memory_space<semaphore_mem>>) src(%arg10 : memref<128x128xf32, #tpu.memory_space<vmem>>) dst(%dma_wait3A_136 : memref<5120x128xf32, #tpu.memory_space<vmem_shared>>)
        tpu.yield
      }) : () -> ()
      %scan3A_123 = arith.constant 0 : i32
      scf.yield %scan3A_123 : i32
    }
    %scan3A_15 = arith.constant 79 : i32
    %barrier3A_16 = arith.constant 0 : index
    tpu.barrier barrier_id(%barrier3A_16)
    %mul3A_17 = arith.constant 320 : i32
    %mul3A_18 = arith.muli %arg1, %mul3A_17 : i32
    %add3A_19 = arith.constant 0 : i32
    %add3A_20 = arith.addi %mul3A_18, %add3A_19 : i32
    "tpu.region"() ({
      %run_scoped3A_93 = tpu.sem_alloc : memref<!tpu.dma_semaphore, #tpu.memory_space<semaphore_mem>>
      %dma_start3A = arith.constant 0 : i32
      %dma_start3A_94 = arith.constant 0 : i32
      %dma_start3A_95 = tpu.memref_slice %arg9[%dma_start3A, %dma_start3A_94] : memref<128x128xf32, #tpu.memory_space<vmem>> -> memref<128x128xf32, #tpu.memory_space<vmem>>
      %dma_start3A_96 = arith.constant 0 : i32
      %dma_start3A_97 = tpu.memref_slice %arg13[%add3A_20, %dma_start3A_96] : memref<5120x128xf32, #tpu.memory_space<vmem_shared>> -> memref<128x128xf32, #tpu.memory_space<vmem_shared>>
      %dma_start3A_98 = arith.constant 0 : i32
      %dma_start3A_99 = arith.constant 0 : i32
      %dma_start3A_100 = tpu.memref_slice %arg9[%dma_start3A_98, %dma_start3A_99] : memref<128x128xf32, #tpu.memory_space<vmem>> -> memref<128x128xf32, #tpu.memory_space<vmem>>
      %dma_start3A_101 = arith.constant 0 : i32
      %dma_start3A_102 = tpu.memref_slice %arg13[%add3A_20, %dma_start3A_101] : memref<5120x128xf32, #tpu.memory_space<vmem_shared>> -> memref<128x128xf32, #tpu.memory_space<vmem_shared>>
      tpu.enqueue_dma source(%dma_start3A_102 : memref<128x128xf32, #tpu.memory_space<vmem_shared>>) target(%dma_start3A_100 : memref<128x128xf32, #tpu.memory_space<vmem>>) target_semaphore(%run_scoped3A_93 : memref<!tpu.dma_semaphore, #tpu.memory_space<semaphore_mem>>)
      %dma_wait3A = arith.constant 0 : i32
      %dma_wait3A_103 = arith.constant 0 : i32
      %dma_wait3A_104 = tpu.memref_slice %arg9[%dma_wait3A, %dma_wait3A_103] : memref<128x128xf32, #tpu.memory_space<vmem>> -> memref<128x128xf32, #tpu.memory_space<vmem>>
      %dma_wait3A_105 = arith.constant 0 : i32
      %dma_wait3A_106 = tpu.memref_slice %arg13[%add3A_20, %dma_wait3A_105] : memref<5120x128xf32, #tpu.memory_space<vmem_shared>> -> memref<128x128xf32, #tpu.memory_space<vmem_shared>>
      %dma_wait3A_107 = arith.constant 0 : i32
      %dma_wait3A_108 = arith.constant 0 : i32
      %dma_wait3A_109 = tpu.memref_slice %arg9[%dma_wait3A_107, %dma_wait3A_108] : memref<128x128xf32, #tpu.memory_space<vmem>> -> memref<128x128xf32, #tpu.memory_space<vmem>>
      %dma_wait3A_110 = arith.constant 0 : i32
      %dma_wait3A_111 = tpu.memref_slice %arg13[%add3A_20, %dma_wait3A_110] : memref<5120x128xf32, #tpu.memory_space<vmem_shared>> -> memref<128x128xf32, #tpu.memory_space<vmem_shared>>
      tpu.wait_dma2 semaphore(%run_scoped3A_93 : memref<!tpu.dma_semaphore, #tpu.memory_space<semaphore_mem>>) src(%dma_wait3A_111 : memref<128x128xf32, #tpu.memory_space<vmem_shared>>) dst(%dma_wait3A_109 : memref<128x128xf32, #tpu.memory_space<vmem>>)
      tpu.yield
    }) : () -> ()
    %mul3A_21 = arith.constant 10240 : i32
    %mul3A_22 = arith.muli %arg0, %mul3A_21 : i32
    %add3A_23 = arith.constant 0 : i32
    %add3A_24 = arith.addi %mul3A_22, %add3A_23 : i32
    %add3A_25 = arith.addi %add3A_24, %add3A_20 : i32
    "tpu.region"() ({
      %run_scoped3A_93 = tpu.sem_alloc : memref<!tpu.dma_semaphore, #tpu.memory_space<semaphore_mem>>
      %dma_start3A = arith.constant 0 : i32
      %dma_start3A_94 = arith.constant 0 : i32
      %dma_start3A_95 = tpu.memref_slice %arg9[%dma_start3A, %dma_start3A_94] : memref<128x128xf32, #tpu.memory_space<vmem>> -> memref<128x128xf32, #tpu.memory_space<vmem>>
      %dma_start3A_96 = arith.constant 0 : i32
      %dma_start3A_97 = tpu.memref_slice %arg6[%add3A_25, %dma_start3A_96] : memref<20480x128xf32, #tpu.memory_space<hbm>> -> memref<128x128xf32, #tpu.memory_space<hbm>>
      %dma_start3A_98 = arith.constant 0 : i32
      %dma_start3A_99 = tpu.memref_slice %arg6[%add3A_25, %dma_start3A_98] : memref<20480x128xf32, #tpu.memory_space<hbm>> -> memref<128x128xf32, #tpu.memory_space<hbm>>
      %dma_start3A_100 = arith.constant 0 : i32
      %dma_start3A_101 = arith.constant 0 : i32
      %dma_start3A_102 = tpu.memref_slice %arg9[%dma_start3A_100, %dma_start3A_101] : memref<128x128xf32, #tpu.memory_space<vmem>> -> memref<128x128xf32, #tpu.memory_space<vmem>>
      tpu.enqueue_dma source(%dma_start3A_102 : memref<128x128xf32, #tpu.memory_space<vmem>>) target(%dma_start3A_99 : memref<128x128xf32, #tpu.memory_space<hbm>>) target_semaphore(%run_scoped3A_93 : memref<!tpu.dma_semaphore, #tpu.memory_space<semaphore_mem>>)
      %dma_wait3A = arith.constant 0 : i32
      %dma_wait3A_103 = arith.constant 0 : i32
      %dma_wait3A_104 = tpu.memref_slice %arg9[%dma_wait3A, %dma_wait3A_103] : memref<128x128xf32, #tpu.memory_space<vmem>> -> memref<128x128xf32, #tpu.memory_space<vmem>>
      %dma_wait3A_105 = arith.constant 0 : i32
      %dma_wait3A_106 = tpu.memref_slice %arg6[%add3A_25, %dma_wait3A_105] : memref<20480x128xf32, #tpu.memory_space<hbm>> -> memref<128x128xf32, #tpu.memory_space<hbm>>
      %dma_wait3A_107 = arith.constant 0 : i32
      %dma_wait3A_108 = tpu.memref_slice %arg6[%add3A_25, %dma_wait3A_107] : memref<20480x128xf32, #tpu.memory_space<hbm>> -> memref<128x128xf32, #tpu.memory_space<hbm>>
      %dma_wait3A_109 = arith.constant 0 : i32
      %dma_wait3A_110 = arith.constant 0 : i32
      %dma_wait3A_111 = tpu.memref_slice %arg9[%dma_wait3A_109, %dma_wait3A_110] : memref<128x128xf32, #tpu.memory_space<vmem>> -> memref<128x128xf32, #tpu.memory_space<vmem>>
      tpu.wait_dma2 semaphore(%run_scoped3A_93 : memref<!tpu.dma_semaphore, #tpu.memory_space<semaphore_mem>>) src(%dma_wait3A_111 : memref<128x128xf32, #tpu.memory_space<vmem>>) dst(%dma_wait3A_108 : memref<128x128xf32, #tpu.memory_space<hbm>>)
      tpu.yield
    }) : () -> ()
    %mul3A_26 = arith.constant 320 : i32
    %mul3A_27 = arith.muli %arg1, %mul3A_26 : i32
    %add3A_28 = arith.constant 128 : i32
    %add3A_29 = arith.addi %mul3A_27, %add3A_28 : i32
    "tpu.region"() ({
      %run_scoped3A_93 = tpu.sem_alloc : memref<!tpu.dma_semaphore, #tpu.memory_space<semaphore_mem>>
      %dma_start3A = arith.constant 0 : i32
      %dma_start3A_94 = arith.constant 0 : i32
      %dma_start3A_95 = tpu.memref_slice %arg9[%dma_start3A, %dma_start3A_94] : memref<128x128xf32, #tpu.memory_space<vmem>> -> memref<128x128xf32, #tpu.memory_space<vmem>>
      %dma_start3A_96 = arith.constant 0 : i32
      %dma_start3A_97 = tpu.memref_slice %arg13[%add3A_29, %dma_start3A_96] : memref<5120x128xf32, #tpu.memory_space<vmem_shared>> -> memref<128x128xf32, #tpu.memory_space<vmem_shared>>
      %dma_start3A_98 = arith.constant 0 : i32
      %dma_start3A_99 = arith.constant 0 : i32
      %dma_start3A_100 = tpu.memref_slice %arg9[%dma_start3A_98, %dma_start3A_99] : memref<128x128xf32, #tpu.memory_space<vmem>> -> memref<128x128xf32, #tpu.memory_space<vmem>>
      %dma_start3A_101 = arith.constant 0 : i32
      %dma_start3A_102 = tpu.memref_slice %arg13[%add3A_29, %dma_start3A_101] : memref<5120x128xf32, #tpu.memory_space<vmem_shared>> -> memref<128x128xf32, #tpu.memory_space<vmem_shared>>
      tpu.enqueue_dma source(%dma_start3A_102 : memref<128x128xf32, #tpu.memory_space<vmem_shared>>) target(%dma_start3A_100 : memref<128x128xf32, #tpu.memory_space<vmem>>) target_semaphore(%run_scoped3A_93 : memref<!tpu.dma_semaphore, #tpu.memory_space<semaphore_mem>>)
      %dma_wait3A = arith.constant 0 : i32
      %dma_wait3A_103 = arith.constant 0 : i32
      %dma_wait3A_104 = tpu.memref_slice %arg9[%dma_wait3A, %dma_wait3A_103] : memref<128x128xf32, #tpu.memory_space<vmem>> -> memref<128x128xf32, #tpu.memory_space<vmem>>
      %dma_wait3A_105 = arith.constant 0 : i32
      %dma_wait3A_106 = tpu.memref_slice %arg13[%add3A_29, %dma_wait3A_105] : memref<5120x128xf32, #tpu.memory_space<vmem_shared>> -> memref<128x128xf32, #tpu.memory_space<vmem_shared>>
      %dma_wait3A_107 = arith.constant 0 : i32
      %dma_wait3A_108 = arith.constant 0 : i32
      %dma_wait3A_109 = tpu.memref_slice %arg9[%dma_wait3A_107, %dma_wait3A_108] : memref<128x128xf32, #tpu.memory_space<vmem>> -> memref<128x128xf32, #tpu.memory_space<vmem>>
      %dma_wait3A_110 = arith.constant 0 : i32
      %dma_wait3A_111 = tpu.memref_slice %arg13[%add3A_29, %dma_wait3A_110] : memref<5120x128xf32, #tpu.memory_space<vmem_shared>> -> memref<128x128xf32, #tpu.memory_space<vmem_shared>>
      tpu.wait_dma2 semaphore(%run_scoped3A_93 : memref<!tpu.dma_semaphore, #tpu.memory_space<semaphore_mem>>) src(%dma_wait3A_111 : memref<128x128xf32, #tpu.memory_space<vmem_shared>>) dst(%dma_wait3A_109 : memref<128x128xf32, #tpu.memory_space<vmem>>)
      tpu.yield
    }) : () -> ()
    %mul3A_30 = arith.constant 10240 : i32
    %mul3A_31 = arith.muli %arg0, %mul3A_30 : i32
    %add3A_32 = arith.constant 0 : i32
    %add3A_33 = arith.addi %mul3A_31, %add3A_32 : i32
    %add3A_34 = arith.addi %add3A_33, %add3A_29 : i32
    "tpu.region"() ({
      %run_scoped3A_93 = tpu.sem_alloc : memref<!tpu.dma_semaphore, #tpu.memory_space<semaphore_mem>>
      %dma_start3A = arith.constant 0 : i32
      %dma_start3A_94 = arith.constant 0 : i32
      %dma_start3A_95 = tpu.memref_slice %arg9[%dma_start3A, %dma_start3A_94] : memref<128x128xf32, #tpu.memory_space<vmem>> -> memref<128x128xf32, #tpu.memory_space<vmem>>
      %dma_start3A_96 = arith.constant 0 : i32
      %dma_start3A_97 = tpu.memref_slice %arg6[%add3A_34, %dma_start3A_96] : memref<20480x128xf32, #tpu.memory_space<hbm>> -> memref<128x128xf32, #tpu.memory_space<hbm>>
      %dma_start3A_98 = arith.constant 0 : i32
      %dma_start3A_99 = tpu.memref_slice %arg6[%add3A_34, %dma_start3A_98] : memref<20480x128xf32, #tpu.memory_space<hbm>> -> memref<128x128xf32, #tpu.memory_space<hbm>>
      %dma_start3A_100 = arith.constant 0 : i32
      %dma_start3A_101 = arith.constant 0 : i32
      %dma_start3A_102 = tpu.memref_slice %arg9[%dma_start3A_100, %dma_start3A_101] : memref<128x128xf32, #tpu.memory_space<vmem>> -> memref<128x128xf32, #tpu.memory_space<vmem>>
      tpu.enqueue_dma source(%dma_start3A_102 : memref<128x128xf32, #tpu.memory_space<vmem>>) target(%dma_start3A_99 : memref<128x128xf32, #tpu.memory_space<hbm>>) target_semaphore(%run_scoped3A_93 : memref<!tpu.dma_semaphore, #tpu.memory_space<semaphore_mem>>)
      %dma_wait3A = arith.constant 0 : i32
      %dma_wait3A_103 = arith.constant 0 : i32
      %dma_wait3A_104 = tpu.memref_slice %arg9[%dma_wait3A, %dma_wait3A_103] : memref<128x128xf32, #tpu.memory_space<vmem>> -> memref<128x128xf32, #tpu.memory_space<vmem>>
      %dma_wait3A_105 = arith.constant 0 : i32
      %dma_wait3A_106 = tpu.memref_slice %arg6[%add3A_34, %dma_wait3A_105] : memref<20480x128xf32, #tpu.memory_space<hbm>> -> memref<128x128xf32, #tpu.memory_space<hbm>>
      %dma_wait3A_107 = arith.constant 0 : i32
      %dma_wait3A_108 = tpu.memref_slice %arg6[%add3A_34, %dma_wait3A_107] : memref<20480x128xf32, #tpu.memory_space<hbm>> -> memref<128x128xf32, #tpu.memory_space<hbm>>
      %dma_wait3A_109 = arith.constant 0 : i32
      %dma_wait3A_110 = arith.constant 0 : i32
      %dma_wait3A_111 = tpu.memref_slice %arg9[%dma_wait3A_109, %dma_wait3A_110] : memref<128x128xf32, #tpu.memory_space<vmem>> -> memref<128x128xf32, #tpu.memory_space<vmem>>
      tpu.wait_dma2 semaphore(%run_scoped3A_93 : memref<!tpu.dma_semaphore, #tpu.memory_space<semaphore_mem>>) src(%dma_wait3A_111 : memref<128x128xf32, #tpu.memory_space<vmem>>) dst(%dma_wait3A_108 : memref<128x128xf32, #tpu.memory_space<hbm>>)
      tpu.yield
    }) : () -> ()
    %mul3A_35 = arith.constant 320 : i32
    %mul3A_36 = arith.muli %arg1, %mul3A_35 : i32
    %add3A_37 = arith.constant 256 : i32
    %add3A_38 = arith.addi %mul3A_36, %add3A_37 : i32
    "tpu.region"() ({
      %run_scoped3A_93 = tpu.sem_alloc : memref<!tpu.dma_semaphore, #tpu.memory_space<semaphore_mem>>
      %dma_start3A = arith.constant 0 : i32
      %dma_start3A_94 = arith.constant 0 : i32
      %dma_start3A_95 = tpu.memref_slice %arg9[%dma_start3A, %dma_start3A_94] : memref<128x128xf32, #tpu.memory_space<vmem>> -> memref<64x128xf32, #tpu.memory_space<vmem>>
      %dma_start3A_96 = arith.constant 0 : i32
      %dma_start3A_97 = tpu.memref_slice %arg13[%add3A_38, %dma_start3A_96] : memref<5120x128xf32, #tpu.memory_space<vmem_shared>> -> memref<64x128xf32, #tpu.memory_space<vmem_shared>>
      %dma_start3A_98 = arith.constant 0 : i32
      %dma_start3A_99 = arith.constant 0 : i32
      %dma_start3A_100 = tpu.memref_slice %arg9[%dma_start3A_98, %dma_start3A_99] : memref<128x128xf32, #tpu.memory_space<vmem>> -> memref<64x128xf32, #tpu.memory_space<vmem>>
      %dma_start3A_101 = arith.constant 0 : i32
      %dma_start3A_102 = tpu.memref_slice %arg13[%add3A_38, %dma_start3A_101] : memref<5120x128xf32, #tpu.memory_space<vmem_shared>> -> memref<64x128xf32, #tpu.memory_space<vmem_shared>>
      tpu.enqueue_dma source(%dma_start3A_102 : memref<64x128xf32, #tpu.memory_space<vmem_shared>>) target(%dma_start3A_100 : memref<64x128xf32, #tpu.memory_space<vmem>>) target_semaphore(%run_scoped3A_93 : memref<!tpu.dma_semaphore, #tpu.memory_space<semaphore_mem>>)
      %dma_wait3A = arith.constant 0 : i32
      %dma_wait3A_103 = arith.constant 0 : i32
      %dma_wait3A_104 = tpu.memref_slice %arg9[%dma_wait3A, %dma_wait3A_103] : memref<128x128xf32, #tpu.memory_space<vmem>> -> memref<64x128xf32, #tpu.memory_space<vmem>>
      %dma_wait3A_105 = arith.constant 0 : i32
      %dma_wait3A_106 = tpu.memref_slice %arg13[%add3A_38, %dma_wait3A_105] : memref<5120x128xf32, #tpu.memory_space<vmem_shared>> -> memref<64x128xf32, #tpu.memory_space<vmem_shared>>
      %dma_wait3A_107 = arith.constant 0 : i32
      %dma_wait3A_108 = arith.constant 0 : i32
      %dma_wait3A_109 = tpu.memref_slice %arg9[%dma_wait3A_107, %dma_wait3A_108] : memref<128x128xf32, #tpu.memory_space<vmem>> -> memref<64x128xf32, #tpu.memory_space<vmem>>
      %dma_wait3A_110 = arith.constant 0 : i32
      %dma_wait3A_111 = tpu.memref_slice %arg13[%add3A_38, %dma_wait3A_110] : memref<5120x128xf32, #tpu.memory_space<vmem_shared>> -> memref<64x128xf32, #tpu.memory_space<vmem_shared>>
      tpu.wait_dma2 semaphore(%run_scoped3A_93 : memref<!tpu.dma_semaphore, #tpu.memory_space<semaphore_mem>>) src(%dma_wait3A_111 : memref<64x128xf32, #tpu.memory_space<vmem_shared>>) dst(%dma_wait3A_109 : memref<64x128xf32, #tpu.memory_space<vmem>>)
      tpu.yield
    }) : () -> ()
    %mul3A_39 = arith.constant 10240 : i32
    %mul3A_40 = arith.muli %arg0, %mul3A_39 : i32
    %add3A_41 = arith.constant 0 : i32
    %add3A_42 = arith.addi %mul3A_40, %add3A_41 : i32
    %add3A_43 = arith.addi %add3A_42, %add3A_38 : i32
    "tpu.region"() ({
      %run_scoped3A_93 = tpu.sem_alloc : memref<!tpu.dma_semaphore, #tpu.memory_space<semaphore_mem>>
      %dma_start3A = arith.constant 0 : i32
      %dma_start3A_94 = arith.constant 0 : i32
      %dma_start3A_95 = tpu.memref_slice %arg9[%dma_start3A, %dma_start3A_94] : memref<128x128xf32, #tpu.memory_space<vmem>> -> memref<64x128xf32, #tpu.memory_space<vmem>>
      %dma_start3A_96 = arith.constant 0 : i32
      %dma_start3A_97 = tpu.memref_slice %arg6[%add3A_43, %dma_start3A_96] : memref<20480x128xf32, #tpu.memory_space<hbm>> -> memref<64x128xf32, #tpu.memory_space<hbm>>
      %dma_start3A_98 = arith.constant 0 : i32
      %dma_start3A_99 = tpu.memref_slice %arg6[%add3A_43, %dma_start3A_98] : memref<20480x128xf32, #tpu.memory_space<hbm>> -> memref<64x128xf32, #tpu.memory_space<hbm>>
      %dma_start3A_100 = arith.constant 0 : i32
      %dma_start3A_101 = arith.constant 0 : i32
      %dma_start3A_102 = tpu.memref_slice %arg9[%dma_start3A_100, %dma_start3A_101] : memref<128x128xf32, #tpu.memory_space<vmem>> -> memref<64x128xf32, #tpu.memory_space<vmem>>
      tpu.enqueue_dma source(%dma_start3A_102 : memref<64x128xf32, #tpu.memory_space<vmem>>) target(%dma_start3A_99 : memref<64x128xf32, #tpu.memory_space<hbm>>) target_semaphore(%run_scoped3A_93 : memref<!tpu.dma_semaphore, #tpu.memory_space<semaphore_mem>>)
      %dma_wait3A = arith.constant 0 : i32
      %dma_wait3A_103 = arith.constant 0 : i32
      %dma_wait3A_104 = tpu.memref_slice %arg9[%dma_wait3A, %dma_wait3A_103] : memref<128x128xf32, #tpu.memory_space<vmem>> -> memref<64x128xf32, #tpu.memory_space<vmem>>
      %dma_wait3A_105 = arith.constant 0 : i32
      %dma_wait3A_106 = tpu.memref_slice %arg6[%add3A_43, %dma_wait3A_105] : memref<20480x128xf32, #tpu.memory_space<hbm>> -> memref<64x128xf32, #tpu.memory_space<hbm>>
      %dma_wait3A_107 = arith.constant 0 : i32
      %dma_wait3A_108 = tpu.memref_slice %arg6[%add3A_43, %dma_wait3A_107] : memref<20480x128xf32, #tpu.memory_space<hbm>> -> memref<64x128xf32, #tpu.memory_space<hbm>>
      %dma_wait3A_109 = arith.constant 0 : i32
      %dma_wait3A_110 = arith.constant 0 : i32
      %dma_wait3A_111 = tpu.memref_slice %arg9[%dma_wait3A_109, %dma_wait3A_110] : memref<128x128xf32, #tpu.memory_space<vmem>> -> memref<64x128xf32, #tpu.memory_space<vmem>>
      tpu.wait_dma2 semaphore(%run_scoped3A_93 : memref<!tpu.dma_semaphore, #tpu.memory_space<semaphore_mem>>) src(%dma_wait3A_111 : memref<64x128xf32, #tpu.memory_space<vmem>>) dst(%dma_wait3A_108 : memref<64x128xf32, #tpu.memory_space<hbm>>)
      tpu.yield
    }) : () -> ()
    "tpu.region"() ({
      %run_scoped3A_93 = tpu.sem_alloc : memref<!tpu.dma_semaphore, #tpu.memory_space<semaphore_mem>>
      tpu.enqueue_dma source(%arg5 : memref<128x128xf32, #tpu.memory_space<hbm>>) target(%arg9 : memref<128x128xf32, #tpu.memory_space<vmem>>) target_semaphore(%run_scoped3A_93 : memref<!tpu.dma_semaphore, #tpu.memory_space<semaphore_mem>>)
      tpu.wait_dma2 semaphore(%run_scoped3A_93 : memref<!tpu.dma_semaphore, #tpu.memory_space<semaphore_mem>>) src(%arg5 : memref<128x128xf32, #tpu.memory_space<hbm>>) dst(%arg9 : memref<128x128xf32, #tpu.memory_space<vmem>>)
      tpu.yield
    }) : () -> ()
    %mul3A_44 = arith.constant 320 : i32
    %mul3A_45 = arith.muli %arg1, %mul3A_44 : i32
    %add3A_46 = arith.constant 0 : i32
    %add3A_47 = arith.addi %mul3A_45, %add3A_46 : i32
    "tpu.region"() ({
      %run_scoped3A_93 = tpu.sem_alloc : memref<!tpu.dma_semaphore, #tpu.memory_space<semaphore_mem>>
      %dma_start3A = arith.constant 0 : i32
      %dma_start3A_94 = arith.constant 0 : i32
      %dma_start3A_95 = tpu.memref_slice %arg9[%dma_start3A, %dma_start3A_94] : memref<128x128xf32, #tpu.memory_space<vmem>> -> memref<128x128xf32, #tpu.memory_space<vmem>>
      %dma_start3A_96 = arith.constant 0 : i32
      %dma_start3A_97 = tpu.memref_slice %arg13[%add3A_47, %dma_start3A_96] : memref<5120x128xf32, #tpu.memory_space<vmem_shared>> -> memref<128x128xf32, #tpu.memory_space<vmem_shared>>
      %dma_start3A_98 = arith.constant 0 : i32
      %dma_start3A_99 = tpu.memref_slice %arg13[%add3A_47, %dma_start3A_98] : memref<5120x128xf32, #tpu.memory_space<vmem_shared>> -> memref<128x128xf32, #tpu.memory_space<vmem_shared>>
      %dma_start3A_100 = arith.constant 0 : i32
      %dma_start3A_101 = arith.constant 0 : i32
      %dma_start3A_102 = tpu.memref_slice %arg9[%dma_start3A_100, %dma_start3A_101] : memref<128x128xf32, #tpu.memory_space<vmem>> -> memref<128x128xf32, #tpu.memory_space<vmem>>
      tpu.enqueue_dma source(%dma_start3A_102 : memref<128x128xf32, #tpu.memory_space<vmem>>) target(%dma_start3A_99 : memref<128x128xf32, #tpu.memory_space<vmem_shared>>) target_semaphore(%run_scoped3A_93 : memref<!tpu.dma_semaphore, #tpu.memory_space<semaphore_mem>>)
      %dma_wait3A = arith.constant 0 : i32
      %dma_wait3A_103 = arith.constant 0 : i32
      %dma_wait3A_104 = tpu.memref_slice %arg9[%dma_wait3A, %dma_wait3A_103] : memref<128x128xf32, #tpu.memory_space<vmem>> -> memref<128x128xf32, #tpu.memory_space<vmem>>
      %dma_wait3A_105 = arith.constant 0 : i32
      %dma_wait3A_106 = tpu.memref_slice %arg13[%add3A_47, %dma_wait3A_105] : memref<5120x128xf32, #tpu.memory_space<vmem_shared>> -> memref<128x128xf32, #tpu.memory_space<vmem_shared>>
      %dma_wait3A_107 = arith.constant 0 : i32
      %dma_wait3A_108 = tpu.memref_slice %arg13[%add3A_47, %dma_wait3A_107] : memref<5120x128xf32, #tpu.memory_space<vmem_shared>> -> memref<128x128xf32, #tpu.memory_space<vmem_shared>>
      %dma_wait3A_109 = arith.constant 0 : i32
      %dma_wait3A_110 = arith.constant 0 : i32
      %dma_wait3A_111 = tpu.memref_slice %arg9[%dma_wait3A_109, %dma_wait3A_110] : memref<128x128xf32, #tpu.memory_space<vmem>> -> memref<128x128xf32, #tpu.memory_space<vmem>>
      tpu.wait_dma2 semaphore(%run_scoped3A_93 : memref<!tpu.dma_semaphore, #tpu.memory_space<semaphore_mem>>) src(%dma_wait3A_111 : memref<128x128xf32, #tpu.memory_space<vmem>>) dst(%dma_wait3A_108 : memref<128x128xf32, #tpu.memory_space<vmem_shared>>)
      tpu.yield
    }) : () -> ()
    %mul3A_48 = arith.constant 320 : i32
    %mul3A_49 = arith.muli %arg1, %mul3A_48 : i32
    %add3A_50 = arith.constant 128 : i32
    %add3A_51 = arith.addi %mul3A_49, %add3A_50 : i32
    "tpu.region"() ({
      %run_scoped3A_93 = tpu.sem_alloc : memref<!tpu.dma_semaphore, #tpu.memory_space<semaphore_mem>>
      %dma_start3A = arith.constant 0 : i32
      %dma_start3A_94 = arith.constant 0 : i32
      %dma_start3A_95 = tpu.memref_slice %arg9[%dma_start3A, %dma_start3A_94] : memref<128x128xf32, #tpu.memory_space<vmem>> -> memref<128x128xf32, #tpu.memory_space<vmem>>
      %dma_start3A_96 = arith.constant 0 : i32
      %dma_start3A_97 = tpu.memref_slice %arg13[%add3A_51, %dma_start3A_96] : memref<5120x128xf32, #tpu.memory_space<vmem_shared>> -> memref<128x128xf32, #tpu.memory_space<vmem_shared>>
      %dma_start3A_98 = arith.constant 0 : i32
      %dma_start3A_99 = tpu.memref_slice %arg13[%add3A_51, %dma_start3A_98] : memref<5120x128xf32, #tpu.memory_space<vmem_shared>> -> memref<128x128xf32, #tpu.memory_space<vmem_shared>>
      %dma_start3A_100 = arith.constant 0 : i32
      %dma_start3A_101 = arith.constant 0 : i32
      %dma_start3A_102 = tpu.memref_slice %arg9[%dma_start3A_100, %dma_start3A_101] : memref<128x128xf32, #tpu.memory_space<vmem>> -> memref<128x128xf32, #tpu.memory_space<vmem>>
      tpu.enqueue_dma source(%dma_start3A_102 : memref<128x128xf32, #tpu.memory_space<vmem>>) target(%dma_start3A_99 : memref<128x128xf32, #tpu.memory_space<vmem_shared>>) target_semaphore(%run_scoped3A_93 : memref<!tpu.dma_semaphore, #tpu.memory_space<semaphore_mem>>)
      %dma_wait3A = arith.constant 0 : i32
      %dma_wait3A_103 = arith.constant 0 : i32
      %dma_wait3A_104 = tpu.memref_slice %arg9[%dma_wait3A, %dma_wait3A_103] : memref<128x128xf32, #tpu.memory_space<vmem>> -> memref<128x128xf32, #tpu.memory_space<vmem>>
      %dma_wait3A_105 = arith.constant 0 : i32
      %dma_wait3A_106 = tpu.memref_slice %arg13[%add3A_51, %dma_wait3A_105] : memref<5120x128xf32, #tpu.memory_space<vmem_shared>> -> memref<128x128xf32, #tpu.memory_space<vmem_shared>>
      %dma_wait3A_107 = arith.constant 0 : i32
      %dma_wait3A_108 = tpu.memref_slice %arg13[%add3A_51, %dma_wait3A_107] : memref<5120x128xf32, #tpu.memory_space<vmem_shared>> -> memref<128x128xf32, #tpu.memory_space<vmem_shared>>
      %dma_wait3A_109 = arith.constant 0 : i32
      %dma_wait3A_110 = arith.constant 0 : i32
      %dma_wait3A_111 = tpu.memref_slice %arg9[%dma_wait3A_109, %dma_wait3A_110] : memref<128x128xf32, #tpu.memory_space<vmem>> -> memref<128x128xf32, #tpu.memory_space<vmem>>
      tpu.wait_dma2 semaphore(%run_scoped3A_93 : memref<!tpu.dma_semaphore, #tpu.memory_space<semaphore_mem>>) src(%dma_wait3A_111 : memref<128x128xf32, #tpu.memory_space<vmem>>) dst(%dma_wait3A_108 : memref<128x128xf32, #tpu.memory_space<vmem_shared>>)
      tpu.yield
    }) : () -> ()
    %mul3A_52 = arith.constant 320 : i32
    %mul3A_53 = arith.muli %arg1, %mul3A_52 : i32
    %add3A_54 = arith.constant 256 : i32
    %add3A_55 = arith.addi %mul3A_53, %add3A_54 : i32
    "tpu.region"() ({
      %run_scoped3A_93 = tpu.sem_alloc : memref<!tpu.dma_semaphore, #tpu.memory_space<semaphore_mem>>
      %dma_start3A = arith.constant 0 : i32
      %dma_start3A_94 = arith.constant 0 : i32
      %dma_start3A_95 = tpu.memref_slice %arg9[%dma_start3A, %dma_start3A_94] : memref<128x128xf32, #tpu.memory_space<vmem>> -> memref<64x128xf32, #tpu.memory_space<vmem>>
      %dma_start3A_96 = arith.constant 0 : i32
      %dma_start3A_97 = tpu.memref_slice %arg13[%add3A_55, %dma_start3A_96] : memref<5120x128xf32, #tpu.memory_space<vmem_shared>> -> memref<64x128xf32, #tpu.memory_space<vmem_shared>>
      %dma_start3A_98 = arith.constant 0 : i32
      %dma_start3A_99 = tpu.memref_slice %arg13[%add3A_55, %dma_start3A_98] : memref<5120x128xf32, #tpu.memory_space<vmem_shared>> -> memref<64x128xf32, #tpu.memory_space<vmem_shared>>
      %dma_start3A_100 = arith.constant 0 : i32
      %dma_start3A_101 = arith.constant 0 : i32
      %dma_start3A_102 = tpu.memref_slice %arg9[%dma_start3A_100, %dma_start3A_101] : memref<128x128xf32, #tpu.memory_space<vmem>> -> memref<64x128xf32, #tpu.memory_space<vmem>>
      tpu.enqueue_dma source(%dma_start3A_102 : memref<64x128xf32, #tpu.memory_space<vmem>>) target(%dma_start3A_99 : memref<64x128xf32, #tpu.memory_space<vmem_shared>>) target_semaphore(%run_scoped3A_93 : memref<!tpu.dma_semaphore, #tpu.memory_space<semaphore_mem>>)
      %dma_wait3A = arith.constant 0 : i32
      %dma_wait3A_103 = arith.constant 0 : i32
      %dma_wait3A_104 = tpu.memref_slice %arg9[%dma_wait3A, %dma_wait3A_103] : memref<128x128xf32, #tpu.memory_space<vmem>> -> memref<64x128xf32, #tpu.memory_space<vmem>>
      %dma_wait3A_105 = arith.constant 0 : i32
      %dma_wait3A_106 = tpu.memref_slice %arg13[%add3A_55, %dma_wait3A_105] : memref<5120x128xf32, #tpu.memory_space<vmem_shared>> -> memref<64x128xf32, #tpu.memory_space<vmem_shared>>
      %dma_wait3A_107 = arith.constant 0 : i32
      %dma_wait3A_108 = tpu.memref_slice %arg13[%add3A_55, %dma_wait3A_107] : memref<5120x128xf32, #tpu.memory_space<vmem_shared>> -> memref<64x128xf32, #tpu.memory_space<vmem_shared>>
      %dma_wait3A_109 = arith.constant 0 : i32
      %dma_wait3A_110 = arith.constant 0 : i32
      %dma_wait3A_111 = tpu.memref_slice %arg9[%dma_wait3A_109, %dma_wait3A_110] : memref<128x128xf32, #tpu.memory_space<vmem>> -> memref<64x128xf32, #tpu.memory_space<vmem>>
      tpu.wait_dma2 semaphore(%run_scoped3A_93 : memref<!tpu.dma_semaphore, #tpu.memory_space<semaphore_mem>>) src(%dma_wait3A_111 : memref<64x128xf32, #tpu.memory_space<vmem>>) dst(%dma_wait3A_108 : memref<64x128xf32, #tpu.memory_space<vmem_shared>>)
      tpu.yield
    }) : () -> ()
    %run_scoped3A_56 = arith.constant 1 : i32
    "tpu.region"() ({
      %run_scoped3A_93 = tpu.sem_alloc : memref<!tpu.dma_semaphore, #tpu.memory_space<semaphore_mem>>
      %dma_start3A = arith.constant 0 : i32
      %dma_start3A_94 = arith.constant 0 : i32
      %dma_start3A_95 = tpu.memref_slice %arg4[%run_scoped3A_56, %arg1, %dma_start3A, %dma_start3A_94] : memref<2x16x158x128xi32, #tpu.memory_space<hbm>> -> memref<1x1x158x128xi32, #tpu.memory_space<hbm>>
      %dma_start3A_96 = tpu.memref_squeeze %dma_start3A_95 : memref<1x1x158x128xi32, #tpu.memory_space<hbm>> -> memref<158x128xi32, #tpu.memory_space<hbm>>
      %dma_start3A_97 = arith.constant 0 : i32
      %dma_start3A_98 = arith.constant 0 : i32
      %dma_start3A_99 = tpu.memref_slice %arg4[%run_scoped3A_56, %arg1, %dma_start3A_97, %dma_start3A_98] : memref<2x16x158x128xi32, #tpu.memory_space<hbm>> -> memref<1x1x158x128xi32, #tpu.memory_space<hbm>>
      %dma_start3A_100 = tpu.memref_squeeze %dma_start3A_99 : memref<1x1x158x128xi32, #tpu.memory_space<hbm>> -> memref<158x128xi32, #tpu.memory_space<hbm>>
      tpu.enqueue_dma source(%dma_start3A_100 : memref<158x128xi32, #tpu.memory_space<hbm>>) target(%arg8 : memref<158x128xi32, #tpu.memory_space<vmem>>) target_semaphore(%run_scoped3A_93 : memref<!tpu.dma_semaphore, #tpu.memory_space<semaphore_mem>>)
      %dma_wait3A = arith.constant 0 : i32
      %dma_wait3A_101 = arith.constant 0 : i32
      %dma_wait3A_102 = tpu.memref_slice %arg4[%run_scoped3A_56, %arg1, %dma_wait3A, %dma_wait3A_101] : memref<2x16x158x128xi32, #tpu.memory_space<hbm>> -> memref<1x1x158x128xi32, #tpu.memory_space<hbm>>
      %dma_wait3A_103 = tpu.memref_squeeze %dma_wait3A_102 : memref<1x1x158x128xi32, #tpu.memory_space<hbm>> -> memref<158x128xi32, #tpu.memory_space<hbm>>
      %dma_wait3A_104 = arith.constant 0 : i32
      %dma_wait3A_105 = arith.constant 0 : i32
      %dma_wait3A_106 = tpu.memref_slice %arg4[%run_scoped3A_56, %arg1, %dma_wait3A_104, %dma_wait3A_105] : memref<2x16x158x128xi32, #tpu.memory_space<hbm>> -> memref<1x1x158x128xi32, #tpu.memory_space<hbm>>
      %dma_wait3A_107 = tpu.memref_squeeze %dma_wait3A_106 : memref<1x1x158x128xi32, #tpu.memory_space<hbm>> -> memref<158x128xi32, #tpu.memory_space<hbm>>
      tpu.wait_dma2 semaphore(%run_scoped3A_93 : memref<!tpu.dma_semaphore, #tpu.memory_space<semaphore_mem>>) src(%dma_wait3A_107 : memref<158x128xi32, #tpu.memory_space<hbm>>) dst(%arg8 : memref<158x128xi32, #tpu.memory_space<vmem>>)
      tpu.yield
    }) : () -> ()
    %barrier3A_57 = arith.constant 0 : index
    tpu.barrier barrier_id(%barrier3A_57)
    %scan3A_58 = arith.constant 0 : i32
    %scan3A_59 = arith.constant 0 : i32
    %scan3A_60 = arith.constant 79 : i32
    %scan3A_61 = arith.addi %scan3A_59, %scan3A_60 : i32
    %scan3A_62 = arith.constant 1 : i32
    %scan3A_63 = scf.for %scan3A_93 = %scan3A_59 to %scan3A_61 step %scan3A_62 iter_args(%scan3A_94 = %scan3A_58) -> (i32)  : i32 {
      %mul3A_95 = arith.constant 2 : i32
      %mul3A_96 = arith.muli %mul3A_95, %scan3A_93 : i32
      %mul3A_97 = arith.constant 2 : i32
      %mul3A_98 = arith.muli %mul3A_97, %scan3A_93 : i32
      %add3A_99 = arith.constant 1 : i32
      %add3A_100 = arith.addi %mul3A_98, %add3A_99 : i32
      %dma_start3A = arith.constant 0 : i32
      %dma_start3A_101 = tpu.memref_slice %arg7[%mul3A_96, %dma_start3A] : memref<158x128xi32, #tpu.memory_space<vmem>> -> memref<1x128xi32, #tpu.memory_space<vmem>>
      %dma_start3A_102 = tpu.memref_squeeze %dma_start3A_101 : memref<1x128xi32, #tpu.memory_space<vmem>> -> memref<128xi32, #tpu.memory_space<vmem>>
      %dma_start3A_103 = arith.constant 0 : i32
      %dma_start3A_104 = arith.constant 0 : i32
      %dma_start3A_105 = tpu.memref_slice %arg2[%dma_start3A_103, %dma_start3A_104] : memref<20000x128xf32, #tpu.memory_space<hbm>> -> memref<20000x128xf32, #tpu.memory_space<hbm>>
      tpu.enqueue_indirect_dma source(%dma_start3A_105 : memref<20000x128xf32, #tpu.memory_space<hbm>>) target(%arg9 : memref<128x128xf32, #tpu.memory_space<vmem>>) offsets(%dma_start3A_102 : memref<128xi32, #tpu.memory_space<vmem>>) semaphore(%arg11 : memref<!tpu.dma_semaphore, #tpu.memory_space<semaphore_mem>>)
      %dma_start3A_106 = arith.constant 0 : i32
      %dma_start3A_107 = tpu.memref_slice %arg7[%add3A_100, %dma_start3A_106] : memref<158x128xi32, #tpu.memory_space<vmem>> -> memref<1x128xi32, #tpu.memory_space<vmem>>
      %dma_start3A_108 = tpu.memref_squeeze %dma_start3A_107 : memref<1x128xi32, #tpu.memory_space<vmem>> -> memref<128xi32, #tpu.memory_space<vmem>>
      %dma_start3A_109 = arith.constant 0 : i32
      %dma_start3A_110 = arith.constant 0 : i32
      %dma_start3A_111 = tpu.memref_slice %arg2[%dma_start3A_109, %dma_start3A_110] : memref<20000x128xf32, #tpu.memory_space<hbm>> -> memref<20000x128xf32, #tpu.memory_space<hbm>>
      tpu.enqueue_indirect_dma source(%dma_start3A_111 : memref<20000x128xf32, #tpu.memory_space<hbm>>) target(%arg10 : memref<128x128xf32, #tpu.memory_space<vmem>>) offsets(%dma_start3A_108 : memref<128xi32, #tpu.memory_space<vmem>>) semaphore(%arg12 : memref<!tpu.dma_semaphore, #tpu.memory_space<semaphore_mem>>)
      %dma_wait3A = arith.constant 0 : i32
      %dma_wait3A_112 = tpu.memref_slice %arg7[%mul3A_96, %dma_wait3A] : memref<158x128xi32, #tpu.memory_space<vmem>> -> memref<1x128xi32, #tpu.memory_space<vmem>>
      %dma_wait3A_113 = tpu.memref_squeeze %dma_wait3A_112 : memref<1x128xi32, #tpu.memory_space<vmem>> -> memref<128xi32, #tpu.memory_space<vmem>>
      %dma_wait3A_114 = arith.constant 0 : i32
      %dma_wait3A_115 = arith.constant 0 : i32
      %dma_wait3A_116 = tpu.memref_slice %arg2[%dma_wait3A_114, %dma_wait3A_115] : memref<20000x128xf32, #tpu.memory_space<hbm>> -> memref<20000x128xf32, #tpu.memory_space<hbm>>
      tpu.wait_indirect_dma semaphore(%arg11 : memref<!tpu.dma_semaphore, #tpu.memory_space<semaphore_mem>>) src(%dma_wait3A_116 : memref<20000x128xf32, #tpu.memory_space<hbm>>) dst(%arg9 : memref<128x128xf32, #tpu.memory_space<vmem>>)
      "tpu.region"() ({
        %run_scoped3A_124 = tpu.sem_alloc : memref<!tpu.dma_semaphore, #tpu.memory_space<semaphore_mem>>
        %dma_start3A_125 = arith.constant 0 : i32
        %dma_start3A_126 = tpu.memref_slice %arg8[%mul3A_96, %dma_start3A_125] : memref<158x128xi32, #tpu.memory_space<vmem>> -> memref<1x128xi32, #tpu.memory_space<vmem>>
        %dma_start3A_127 = tpu.memref_squeeze %dma_start3A_126 : memref<1x128xi32, #tpu.memory_space<vmem>> -> memref<128xi32, #tpu.memory_space<vmem>>
        %dma_start3A_128 = arith.constant 0 : i32
        %dma_start3A_129 = arith.constant 0 : i32
        %dma_start3A_130 = tpu.memref_slice %arg13[%dma_start3A_128, %dma_start3A_129] : memref<5120x128xf32, #tpu.memory_space<vmem_shared>> -> memref<5120x128xf32, #tpu.memory_space<vmem_shared>>
        tpu.enqueue_indirect_dma source(%arg9 : memref<128x128xf32, #tpu.memory_space<vmem>>) target(%dma_start3A_130 : memref<5120x128xf32, #tpu.memory_space<vmem_shared>>) offsets(%dma_start3A_127 : memref<128xi32, #tpu.memory_space<vmem>>) semaphore(%run_scoped3A_124 : memref<!tpu.dma_semaphore, #tpu.memory_space<semaphore_mem>>) {add = true}
        %dma_wait3A_131 = arith.constant 0 : i32
        %dma_wait3A_132 = tpu.memref_slice %arg8[%mul3A_96, %dma_wait3A_131] : memref<158x128xi32, #tpu.memory_space<vmem>> -> memref<1x128xi32, #tpu.memory_space<vmem>>
        %dma_wait3A_133 = tpu.memref_squeeze %dma_wait3A_132 : memref<1x128xi32, #tpu.memory_space<vmem>> -> memref<128xi32, #tpu.memory_space<vmem>>
        %dma_wait3A_134 = arith.constant 0 : i32
        %dma_wait3A_135 = arith.constant 0 : i32
        %dma_wait3A_136 = tpu.memref_slice %arg13[%dma_wait3A_134, %dma_wait3A_135] : memref<5120x128xf32, #tpu.memory_space<vmem_shared>> -> memref<5120x128xf32, #tpu.memory_space<vmem_shared>>
        tpu.wait_indirect_dma semaphore(%run_scoped3A_124 : memref<!tpu.dma_semaphore, #tpu.memory_space<semaphore_mem>>) src(%arg9 : memref<128x128xf32, #tpu.memory_space<vmem>>) dst(%dma_wait3A_136 : memref<5120x128xf32, #tpu.memory_space<vmem_shared>>)
        tpu.yield
      }) : () -> ()
      %dma_wait3A_117 = arith.constant 0 : i32
      %dma_wait3A_118 = tpu.memref_slice %arg7[%add3A_100, %dma_wait3A_117] : memref<158x128xi32, #tpu.memory_space<vmem>> -> memref<1x128xi32, #tpu.memory_space<vmem>>
      %dma_wait3A_119 = tpu.memref_squeeze %dma_wait3A_118 : memref<1x128xi32, #tpu.memory_space<vmem>> -> memref<128xi32, #tpu.memory_space<vmem>>
      %dma_wait3A_120 = arith.constant 0 : i32
      %dma_wait3A_121 = arith.constant 0 : i32
      %dma_wait3A_122 = tpu.memref_slice %arg2[%dma_wait3A_120, %dma_wait3A_121] : memref<20000x128xf32, #tpu.memory_space<hbm>> -> memref<20000x128xf32, #tpu.memory_space<hbm>>
      tpu.wait_indirect_dma semaphore(%arg12 : memref<!tpu.dma_semaphore, #tpu.memory_space<semaphore_mem>>) src(%dma_wait3A_122 : memref<20000x128xf32, #tpu.memory_space<hbm>>) dst(%arg10 : memref<128x128xf32, #tpu.memory_space<vmem>>)
      "tpu.region"() ({
        %run_scoped3A_124 = tpu.sem_alloc : memref<!tpu.dma_semaphore, #tpu.memory_space<semaphore_mem>>
        %dma_start3A_125 = arith.constant 0 : i32
        %dma_start3A_126 = tpu.memref_slice %arg8[%add3A_100, %dma_start3A_125] : memref<158x128xi32, #tpu.memory_space<vmem>> -> memref<1x128xi32, #tpu.memory_space<vmem>>
        %dma_start3A_127 = tpu.memref_squeeze %dma_start3A_126 : memref<1x128xi32, #tpu.memory_space<vmem>> -> memref<128xi32, #tpu.memory_space<vmem>>
        %dma_start3A_128 = arith.constant 0 : i32
        %dma_start3A_129 = arith.constant 0 : i32
        %dma_start3A_130 = tpu.memref_slice %arg13[%dma_start3A_128, %dma_start3A_129] : memref<5120x128xf32, #tpu.memory_space<vmem_shared>> -> memref<5120x128xf32, #tpu.memory_space<vmem_shared>>
        tpu.enqueue_indirect_dma source(%arg10 : memref<128x128xf32, #tpu.memory_space<vmem>>) target(%dma_start3A_130 : memref<5120x128xf32, #tpu.memory_space<vmem_shared>>) offsets(%dma_start3A_127 : memref<128xi32, #tpu.memory_space<vmem>>) semaphore(%run_scoped3A_124 : memref<!tpu.dma_semaphore, #tpu.memory_space<semaphore_mem>>) {add = true}
        %dma_wait3A_131 = arith.constant 0 : i32
        %dma_wait3A_132 = tpu.memref_slice %arg8[%add3A_100, %dma_wait3A_131] : memref<158x128xi32, #tpu.memory_space<vmem>> -> memref<1x128xi32, #tpu.memory_space<vmem>>
        %dma_wait3A_133 = tpu.memref_squeeze %dma_wait3A_132 : memref<1x128xi32, #tpu.memory_space<vmem>> -> memref<128xi32, #tpu.memory_space<vmem>>
        %dma_wait3A_134 = arith.constant 0 : i32
        %dma_wait3A_135 = arith.constant 0 : i32
        %dma_wait3A_136 = tpu.memref_slice %arg13[%dma_wait3A_134, %dma_wait3A_135] : memref<5120x128xf32, #tpu.memory_space<vmem_shared>> -> memref<5120x128xf32, #tpu.memory_space<vmem_shared>>
        tpu.wait_indirect_dma semaphore(%run_scoped3A_124 : memref<!tpu.dma_semaphore, #tpu.memory_space<semaphore_mem>>) src(%arg10 : memref<128x128xf32, #tpu.memory_space<vmem>>) dst(%dma_wait3A_136 : memref<5120x128xf32, #tpu.memory_space<vmem_shared>>)
        tpu.yield
      }) : () -> ()
      %scan3A_123 = arith.constant 0 : i32
      scf.yield %scan3A_123 : i32
    }
    %scan3A_64 = arith.constant 79 : i32
    %barrier3A_65 = arith.constant 0 : index
    tpu.barrier barrier_id(%barrier3A_65)
    %mul3A_66 = arith.constant 320 : i32
    %mul3A_67 = arith.muli %arg1, %mul3A_66 : i32
    %add3A_68 = arith.constant 0 : i32
    %add3A_69 = arith.addi %mul3A_67, %add3A_68 : i32
    "tpu.region"() ({
      %run_scoped3A_93 = tpu.sem_alloc : memref<!tpu.dma_semaphore, #tpu.memory_space<semaphore_mem>>
      %dma_start3A = arith.constant 0 : i32
      %dma_start3A_94 = arith.constant 0 : i32
      %dma_start3A_95 = tpu.memref_slice %arg9[%dma_start3A, %dma_start3A_94] : memref<128x128xf32, #tpu.memory_space<vmem>> -> memref<128x128xf32, #tpu.memory_space<vmem>>
      %dma_start3A_96 = arith.constant 0 : i32
      %dma_start3A_97 = tpu.memref_slice %arg13[%add3A_69, %dma_start3A_96] : memref<5120x128xf32, #tpu.memory_space<vmem_shared>> -> memref<128x128xf32, #tpu.memory_space<vmem_shared>>
      %dma_start3A_98 = arith.constant 0 : i32
      %dma_start3A_99 = arith.constant 0 : i32
      %dma_start3A_100 = tpu.memref_slice %arg9[%dma_start3A_98, %dma_start3A_99] : memref<128x128xf32, #tpu.memory_space<vmem>> -> memref<128x128xf32, #tpu.memory_space<vmem>>
      %dma_start3A_101 = arith.constant 0 : i32
      %dma_start3A_102 = tpu.memref_slice %arg13[%add3A_69, %dma_start3A_101] : memref<5120x128xf32, #tpu.memory_space<vmem_shared>> -> memref<128x128xf32, #tpu.memory_space<vmem_shared>>
      tpu.enqueue_dma source(%dma_start3A_102 : memref<128x128xf32, #tpu.memory_space<vmem_shared>>) target(%dma_start3A_100 : memref<128x128xf32, #tpu.memory_space<vmem>>) target_semaphore(%run_scoped3A_93 : memref<!tpu.dma_semaphore, #tpu.memory_space<semaphore_mem>>)
      %dma_wait3A = arith.constant 0 : i32
      %dma_wait3A_103 = arith.constant 0 : i32
      %dma_wait3A_104 = tpu.memref_slice %arg9[%dma_wait3A, %dma_wait3A_103] : memref<128x128xf32, #tpu.memory_space<vmem>> -> memref<128x128xf32, #tpu.memory_space<vmem>>
      %dma_wait3A_105 = arith.constant 0 : i32
      %dma_wait3A_106 = tpu.memref_slice %arg13[%add3A_69, %dma_wait3A_105] : memref<5120x128xf32, #tpu.memory_space<vmem_shared>> -> memref<128x128xf32, #tpu.memory_space<vmem_shared>>
      %dma_wait3A_107 = arith.constant 0 : i32
      %dma_wait3A_108 = arith.constant 0 : i32
      %dma_wait3A_109 = tpu.memref_slice %arg9[%dma_wait3A_107, %dma_wait3A_108] : memref<128x128xf32, #tpu.memory_space<vmem>> -> memref<128x128xf32, #tpu.memory_space<vmem>>
      %dma_wait3A_110 = arith.constant 0 : i32
      %dma_wait3A_111 = tpu.memref_slice %arg13[%add3A_69, %dma_wait3A_110] : memref<5120x128xf32, #tpu.memory_space<vmem_shared>> -> memref<128x128xf32, #tpu.memory_space<vmem_shared>>
      tpu.wait_dma2 semaphore(%run_scoped3A_93 : memref<!tpu.dma_semaphore, #tpu.memory_space<semaphore_mem>>) src(%dma_wait3A_111 : memref<128x128xf32, #tpu.memory_space<vmem_shared>>) dst(%dma_wait3A_109 : memref<128x128xf32, #tpu.memory_space<vmem>>)
      tpu.yield
    }) : () -> ()
    %mul3A_70 = arith.constant 10240 : i32
    %mul3A_71 = arith.muli %arg0, %mul3A_70 : i32
    %add3A_72 = arith.constant 5056 : i32
    %add3A_73 = arith.addi %mul3A_71, %add3A_72 : i32
    %add3A_74 = arith.addi %add3A_73, %add3A_69 : i32
    "tpu.region"() ({
      %run_scoped3A_93 = tpu.sem_alloc : memref<!tpu.dma_semaphore, #tpu.memory_space<semaphore_mem>>
      %dma_start3A = arith.constant 0 : i32
      %dma_start3A_94 = arith.constant 0 : i32
      %dma_start3A_95 = tpu.memref_slice %arg9[%dma_start3A, %dma_start3A_94] : memref<128x128xf32, #tpu.memory_space<vmem>> -> memref<128x128xf32, #tpu.memory_space<vmem>>
      %dma_start3A_96 = arith.constant 0 : i32
      %dma_start3A_97 = tpu.memref_slice %arg6[%add3A_74, %dma_start3A_96] : memref<20480x128xf32, #tpu.memory_space<hbm>> -> memref<128x128xf32, #tpu.memory_space<hbm>>
      %dma_start3A_98 = arith.constant 0 : i32
      %dma_start3A_99 = tpu.memref_slice %arg6[%add3A_74, %dma_start3A_98] : memref<20480x128xf32, #tpu.memory_space<hbm>> -> memref<128x128xf32, #tpu.memory_space<hbm>>
      %dma_start3A_100 = arith.constant 0 : i32
      %dma_start3A_101 = arith.constant 0 : i32
      %dma_start3A_102 = tpu.memref_slice %arg9[%dma_start3A_100, %dma_start3A_101] : memref<128x128xf32, #tpu.memory_space<vmem>> -> memref<128x128xf32, #tpu.memory_space<vmem>>
      tpu.enqueue_dma source(%dma_start3A_102 : memref<128x128xf32, #tpu.memory_space<vmem>>) target(%dma_start3A_99 : memref<128x128xf32, #tpu.memory_space<hbm>>) target_semaphore(%run_scoped3A_93 : memref<!tpu.dma_semaphore, #tpu.memory_space<semaphore_mem>>)
      %dma_wait3A = arith.constant 0 : i32
      %dma_wait3A_103 = arith.constant 0 : i32
      %dma_wait3A_104 = tpu.memref_slice %arg9[%dma_wait3A, %dma_wait3A_103] : memref<128x128xf32, #tpu.memory_space<vmem>> -> memref<128x128xf32, #tpu.memory_space<vmem>>
      %dma_wait3A_105 = arith.constant 0 : i32
      %dma_wait3A_106 = tpu.memref_slice %arg6[%add3A_74, %dma_wait3A_105] : memref<20480x128xf32, #tpu.memory_space<hbm>> -> memref<128x128xf32, #tpu.memory_space<hbm>>
      %dma_wait3A_107 = arith.constant 0 : i32
      %dma_wait3A_108 = tpu.memref_slice %arg6[%add3A_74, %dma_wait3A_107] : memref<20480x128xf32, #tpu.memory_space<hbm>> -> memref<128x128xf32, #tpu.memory_space<hbm>>
      %dma_wait3A_109 = arith.constant 0 : i32
      %dma_wait3A_110 = arith.constant 0 : i32
      %dma_wait3A_111 = tpu.memref_slice %arg9[%dma_wait3A_109, %dma_wait3A_110] : memref<128x128xf32, #tpu.memory_space<vmem>> -> memref<128x128xf32, #tpu.memory_space<vmem>>
      tpu.wait_dma2 semaphore(%run_scoped3A_93 : memref<!tpu.dma_semaphore, #tpu.memory_space<semaphore_mem>>) src(%dma_wait3A_111 : memref<128x128xf32, #tpu.memory_space<vmem>>) dst(%dma_wait3A_108 : memref<128x128xf32, #tpu.memory_space<hbm>>)
      tpu.yield
    }) : () -> ()
    %mul3A_75 = arith.constant 320 : i32
    %mul3A_76 = arith.muli %arg1, %mul3A_75 : i32
    %add3A_77 = arith.constant 128 : i32
    %add3A_78 = arith.addi %mul3A_76, %add3A_77 : i32
    "tpu.region"() ({
      %run_scoped3A_93 = tpu.sem_alloc : memref<!tpu.dma_semaphore, #tpu.memory_space<semaphore_mem>>
      %dma_start3A = arith.constant 0 : i32
      %dma_start3A_94 = arith.constant 0 : i32
      %dma_start3A_95 = tpu.memref_slice %arg9[%dma_start3A, %dma_start3A_94] : memref<128x128xf32, #tpu.memory_space<vmem>> -> memref<128x128xf32, #tpu.memory_space<vmem>>
      %dma_start3A_96 = arith.constant 0 : i32
      %dma_start3A_97 = tpu.memref_slice %arg13[%add3A_78, %dma_start3A_96] : memref<5120x128xf32, #tpu.memory_space<vmem_shared>> -> memref<128x128xf32, #tpu.memory_space<vmem_shared>>
      %dma_start3A_98 = arith.constant 0 : i32
      %dma_start3A_99 = arith.constant 0 : i32
      %dma_start3A_100 = tpu.memref_slice %arg9[%dma_start3A_98, %dma_start3A_99] : memref<128x128xf32, #tpu.memory_space<vmem>> -> memref<128x128xf32, #tpu.memory_space<vmem>>
      %dma_start3A_101 = arith.constant 0 : i32
      %dma_start3A_102 = tpu.memref_slice %arg13[%add3A_78, %dma_start3A_101] : memref<5120x128xf32, #tpu.memory_space<vmem_shared>> -> memref<128x128xf32, #tpu.memory_space<vmem_shared>>
      tpu.enqueue_dma source(%dma_start3A_102 : memref<128x128xf32, #tpu.memory_space<vmem_shared>>) target(%dma_start3A_100 : memref<128x128xf32, #tpu.memory_space<vmem>>) target_semaphore(%run_scoped3A_93 : memref<!tpu.dma_semaphore, #tpu.memory_space<semaphore_mem>>)
      %dma_wait3A = arith.constant 0 : i32
      %dma_wait3A_103 = arith.constant 0 : i32
      %dma_wait3A_104 = tpu.memref_slice %arg9[%dma_wait3A, %dma_wait3A_103] : memref<128x128xf32, #tpu.memory_space<vmem>> -> memref<128x128xf32, #tpu.memory_space<vmem>>
      %dma_wait3A_105 = arith.constant 0 : i32
      %dma_wait3A_106 = tpu.memref_slice %arg13[%add3A_78, %dma_wait3A_105] : memref<5120x128xf32, #tpu.memory_space<vmem_shared>> -> memref<128x128xf32, #tpu.memory_space<vmem_shared>>
      %dma_wait3A_107 = arith.constant 0 : i32
      %dma_wait3A_108 = arith.constant 0 : i32
      %dma_wait3A_109 = tpu.memref_slice %arg9[%dma_wait3A_107, %dma_wait3A_108] : memref<128x128xf32, #tpu.memory_space<vmem>> -> memref<128x128xf32, #tpu.memory_space<vmem>>
      %dma_wait3A_110 = arith.constant 0 : i32
      %dma_wait3A_111 = tpu.memref_slice %arg13[%add3A_78, %dma_wait3A_110] : memref<5120x128xf32, #tpu.memory_space<vmem_shared>> -> memref<128x128xf32, #tpu.memory_space<vmem_shared>>
      tpu.wait_dma2 semaphore(%run_scoped3A_93 : memref<!tpu.dma_semaphore, #tpu.memory_space<semaphore_mem>>) src(%dma_wait3A_111 : memref<128x128xf32, #tpu.memory_space<vmem_shared>>) dst(%dma_wait3A_109 : memref<128x128xf32, #tpu.memory_space<vmem>>)
      tpu.yield
    }) : () -> ()
    %mul3A_79 = arith.constant 10240 : i32
    %mul3A_80 = arith.muli %arg0, %mul3A_79 : i32
    %add3A_81 = arith.constant 5056 : i32
    %add3A_82 = arith.addi %mul3A_80, %add3A_81 : i32
    %add3A_83 = arith.addi %add3A_82, %add3A_78 : i32
    "tpu.region"() ({
      %run_scoped3A_93 = tpu.sem_alloc : memref<!tpu.dma_semaphore, #tpu.memory_space<semaphore_mem>>
      %dma_start3A = arith.constant 0 : i32
      %dma_start3A_94 = arith.constant 0 : i32
      %dma_start3A_95 = tpu.memref_slice %arg9[%dma_start3A, %dma_start3A_94] : memref<128x128xf32, #tpu.memory_space<vmem>> -> memref<128x128xf32, #tpu.memory_space<vmem>>
      %dma_start3A_96 = arith.constant 0 : i32
      %dma_start3A_97 = tpu.memref_slice %arg6[%add3A_83, %dma_start3A_96] : memref<20480x128xf32, #tpu.memory_space<hbm>> -> memref<128x128xf32, #tpu.memory_space<hbm>>
      %dma_start3A_98 = arith.constant 0 : i32
      %dma_start3A_99 = tpu.memref_slice %arg6[%add3A_83, %dma_start3A_98] : memref<20480x128xf32, #tpu.memory_space<hbm>> -> memref<128x128xf32, #tpu.memory_space<hbm>>
      %dma_start3A_100 = arith.constant 0 : i32
      %dma_start3A_101 = arith.constant 0 : i32
      %dma_start3A_102 = tpu.memref_slice %arg9[%dma_start3A_100, %dma_start3A_101] : memref<128x128xf32, #tpu.memory_space<vmem>> -> memref<128x128xf32, #tpu.memory_space<vmem>>
      tpu.enqueue_dma source(%dma_start3A_102 : memref<128x128xf32, #tpu.memory_space<vmem>>) target(%dma_start3A_99 : memref<128x128xf32, #tpu.memory_space<hbm>>) target_semaphore(%run_scoped3A_93 : memref<!tpu.dma_semaphore, #tpu.memory_space<semaphore_mem>>)
      %dma_wait3A = arith.constant 0 : i32
      %dma_wait3A_103 = arith.constant 0 : i32
      %dma_wait3A_104 = tpu.memref_slice %arg9[%dma_wait3A, %dma_wait3A_103] : memref<128x128xf32, #tpu.memory_space<vmem>> -> memref<128x128xf32, #tpu.memory_space<vmem>>
      %dma_wait3A_105 = arith.constant 0 : i32
      %dma_wait3A_106 = tpu.memref_slice %arg6[%add3A_83, %dma_wait3A_105] : memref<20480x128xf32, #tpu.memory_space<hbm>> -> memref<128x128xf32, #tpu.memory_space<hbm>>
      %dma_wait3A_107 = arith.constant 0 : i32
      %dma_wait3A_108 = tpu.memref_slice %arg6[%add3A_83, %dma_wait3A_107] : memref<20480x128xf32, #tpu.memory_space<hbm>> -> memref<128x128xf32, #tpu.memory_space<hbm>>
      %dma_wait3A_109 = arith.constant 0 : i32
      %dma_wait3A_110 = arith.constant 0 : i32
      %dma_wait3A_111 = tpu.memref_slice %arg9[%dma_wait3A_109, %dma_wait3A_110] : memref<128x128xf32, #tpu.memory_space<vmem>> -> memref<128x128xf32, #tpu.memory_space<vmem>>
      tpu.wait_dma2 semaphore(%run_scoped3A_93 : memref<!tpu.dma_semaphore, #tpu.memory_space<semaphore_mem>>) src(%dma_wait3A_111 : memref<128x128xf32, #tpu.memory_space<vmem>>) dst(%dma_wait3A_108 : memref<128x128xf32, #tpu.memory_space<hbm>>)
      tpu.yield
    }) : () -> ()
    %mul3A_84 = arith.constant 320 : i32
    %mul3A_85 = arith.muli %arg1, %mul3A_84 : i32
    %add3A_86 = arith.constant 256 : i32
    %add3A_87 = arith.addi %mul3A_85, %add3A_86 : i32
    "tpu.region"() ({
      %run_scoped3A_93 = tpu.sem_alloc : memref<!tpu.dma_semaphore, #tpu.memory_space<semaphore_mem>>
      %dma_start3A = arith.constant 0 : i32
      %dma_start3A_94 = arith.constant 0 : i32
      %dma_start3A_95 = tpu.memref_slice %arg9[%dma_start3A, %dma_start3A_94] : memref<128x128xf32, #tpu.memory_space<vmem>> -> memref<64x128xf32, #tpu.memory_space<vmem>>
      %dma_start3A_96 = arith.constant 0 : i32
      %dma_start3A_97 = tpu.memref_slice %arg13[%add3A_87, %dma_start3A_96] : memref<5120x128xf32, #tpu.memory_space<vmem_shared>> -> memref<64x128xf32, #tpu.memory_space<vmem_shared>>
      %dma_start3A_98 = arith.constant 0 : i32
      %dma_start3A_99 = arith.constant 0 : i32
      %dma_start3A_100 = tpu.memref_slice %arg9[%dma_start3A_98, %dma_start3A_99] : memref<128x128xf32, #tpu.memory_space<vmem>> -> memref<64x128xf32, #tpu.memory_space<vmem>>
      %dma_start3A_101 = arith.constant 0 : i32
      %dma_start3A_102 = tpu.memref_slice %arg13[%add3A_87, %dma_start3A_101] : memref<5120x128xf32, #tpu.memory_space<vmem_shared>> -> memref<64x128xf32, #tpu.memory_space<vmem_shared>>
      tpu.enqueue_dma source(%dma_start3A_102 : memref<64x128xf32, #tpu.memory_space<vmem_shared>>) target(%dma_start3A_100 : memref<64x128xf32, #tpu.memory_space<vmem>>) target_semaphore(%run_scoped3A_93 : memref<!tpu.dma_semaphore, #tpu.memory_space<semaphore_mem>>)
      %dma_wait3A = arith.constant 0 : i32
      %dma_wait3A_103 = arith.constant 0 : i32
      %dma_wait3A_104 = tpu.memref_slice %arg9[%dma_wait3A, %dma_wait3A_103] : memref<128x128xf32, #tpu.memory_space<vmem>> -> memref<64x128xf32, #tpu.memory_space<vmem>>
      %dma_wait3A_105 = arith.constant 0 : i32
      %dma_wait3A_106 = tpu.memref_slice %arg13[%add3A_87, %dma_wait3A_105] : memref<5120x128xf32, #tpu.memory_space<vmem_shared>> -> memref<64x128xf32, #tpu.memory_space<vmem_shared>>
      %dma_wait3A_107 = arith.constant 0 : i32
      %dma_wait3A_108 = arith.constant 0 : i32
      %dma_wait3A_109 = tpu.memref_slice %arg9[%dma_wait3A_107, %dma_wait3A_108] : memref<128x128xf32, #tpu.memory_space<vmem>> -> memref<64x128xf32, #tpu.memory_space<vmem>>
      %dma_wait3A_110 = arith.constant 0 : i32
      %dma_wait3A_111 = tpu.memref_slice %arg13[%add3A_87, %dma_wait3A_110] : memref<5120x128xf32, #tpu.memory_space<vmem_shared>> -> memref<64x128xf32, #tpu.memory_space<vmem_shared>>
      tpu.wait_dma2 semaphore(%run_scoped3A_93 : memref<!tpu.dma_semaphore, #tpu.memory_space<semaphore_mem>>) src(%dma_wait3A_111 : memref<64x128xf32, #tpu.memory_space<vmem_shared>>) dst(%dma_wait3A_109 : memref<64x128xf32, #tpu.memory_space<vmem>>)
      tpu.yield
    }) : () -> ()
    %mul3A_88 = arith.constant 10240 : i32
    %mul3A_89 = arith.muli %arg0, %mul3A_88 : i32
    %add3A_90 = arith.constant 5056 : i32
    %add3A_91 = arith.addi %mul3A_89, %add3A_90 : i32
    %add3A_92 = arith.addi %add3A_91, %add3A_87 : i32
    "tpu.region"() ({
      %run_scoped3A_93 = tpu.sem_alloc : memref<!tpu.dma_semaphore, #tpu.memory_space<semaphore_mem>>
      %dma_start3A = arith.constant 0 : i32
      %dma_start3A_94 = arith.constant 0 : i32
      %dma_start3A_95 = tpu.memref_slice %arg9[%dma_start3A, %dma_start3A_94] : memref<128x128xf32, #tpu.memory_space<vmem>> -> memref<64x128xf32, #tpu.memory_space<vmem>>
      %dma_start3A_96 = arith.constant 0 : i32
      %dma_start3A_97 = tpu.memref_slice %arg6[%add3A_92, %dma_start3A_96] : memref<20480x128xf32, #tpu.memory_space<hbm>> -> memref<64x128xf32, #tpu.memory_space<hbm>>
      %dma_start3A_98 = arith.constant 0 : i32
      %dma_start3A_99 = tpu.memref_slice %arg6[%add3A_92, %dma_start3A_98] : memref<20480x128xf32, #tpu.memory_space<hbm>> -> memref<64x128xf32, #tpu.memory_space<hbm>>
      %dma_start3A_100 = arith.constant 0 : i32
      %dma_start3A_101 = arith.constant 0 : i32
      %dma_start3A_102 = tpu.memref_slice %arg9[%dma_start3A_100, %dma_start3A_101] : memref<128x128xf32, #tpu.memory_space<vmem>> -> memref<64x128xf32, #tpu.memory_space<vmem>>
      tpu.enqueue_dma source(%dma_start3A_102 : memref<64x128xf32, #tpu.memory_space<vmem>>) target(%dma_start3A_99 : memref<64x128xf32, #tpu.memory_space<hbm>>) target_semaphore(%run_scoped3A_93 : memref<!tpu.dma_semaphore, #tpu.memory_space<semaphore_mem>>)
      %dma_wait3A = arith.constant 0 : i32
      %dma_wait3A_103 = arith.constant 0 : i32
      %dma_wait3A_104 = tpu.memref_slice %arg9[%dma_wait3A, %dma_wait3A_103] : memref<128x128xf32, #tpu.memory_space<vmem>> -> memref<64x128xf32, #tpu.memory_space<vmem>>
      %dma_wait3A_105 = arith.constant 0 : i32
      %dma_wait3A_106 = tpu.memref_slice %arg6[%add3A_92, %dma_wait3A_105] : memref<20480x128xf32, #tpu.memory_space<hbm>> -> memref<64x128xf32, #tpu.memory_space<hbm>>
      %dma_wait3A_107 = arith.constant 0 : i32
      %dma_wait3A_108 = tpu.memref_slice %arg6[%add3A_92, %dma_wait3A_107] : memref<20480x128xf32, #tpu.memory_space<hbm>> -> memref<64x128xf32, #tpu.memory_space<hbm>>
      %dma_wait3A_109 = arith.constant 0 : i32
      %dma_wait3A_110 = arith.constant 0 : i32
      %dma_wait3A_111 = tpu.memref_slice %arg9[%dma_wait3A_109, %dma_wait3A_110] : memref<128x128xf32, #tpu.memory_space<vmem>> -> memref<64x128xf32, #tpu.memory_space<vmem>>
      tpu.wait_dma2 semaphore(%run_scoped3A_93 : memref<!tpu.dma_semaphore, #tpu.memory_space<semaphore_mem>>) src(%dma_wait3A_111 : memref<64x128xf32, #tpu.memory_space<vmem>>) dst(%dma_wait3A_108 : memref<64x128xf32, #tpu.memory_space<hbm>>)
      tpu.yield
    }) : () -> ()
    return
  }
}

module attributes {stable_mosaic.version = 14 : i64} {
  func.func @_mid_body(%arg0: i32, %arg1: memref<2x1000x128xf32, #tpu.memory_space<vmem>>, %arg2: memref<2x1000x128xf32, #tpu.memory_space<vmem>>, %arg3: memref<1000x1xf32, #tpu.memory_space<vmem>>, %arg4: memref<1x256xf32, #tpu.memory_space<vmem>>, %arg5: memref<256x256xf32, #tpu.memory_space<vmem>>, %arg6: memref<2x1000x128xf32, #tpu.memory_space<vmem>>) attributes {dimension_semantics = [#tpu.dimension_semantics<arbitrary>], iteration_bounds = array<i64: 10>, scalar_prefetch = 0 : i64, scratch_operands = 0 : i64, tpu.core_type = #tpu.core_type<tc>, window_params = [{transform_indices = @transform_0, window_bounds = array<i64: 2, 1000, 128>}, {transform_indices = @transform_1, window_bounds = array<i64: 2, 1000, 128>}, {transform_indices = @transform_2, window_bounds = array<i64: 1000, 1>}, {pipeline_mode = #tpu.pipeline_mode<synchronous>, transform_indices = @transform_3, window_bounds = array<i64: 1, 256>}, {pipeline_mode = #tpu.pipeline_mode<synchronous>, transform_indices = @transform_4, window_bounds = array<i64: 256, 256>}, {transform_indices = @transform_5, window_bounds = array<i64: 2, 1000, 128>}]} {
    %get3A = arith.constant 0 : index
    %get3A_0 = arith.constant 0 : index
    %get3A_1 = vector.load %arg3[%get3A, %get3A_0] : memref<1000x1xf32, #tpu.memory_space<vmem>>, vector<1000x1xf32>
    %get3A_2 = arith.constant 0 : index
    %get3A_3 = arith.constant 0 : index
    %get3A_4 = arith.constant 0 : index
    %get3A_5 = vector.load %arg2[%get3A_2, %get3A_3, %get3A_4] : memref<2x1000x128xf32, #tpu.memory_space<vmem>>, vector<1x1000x128xf32>
    %get3A_6 = vector.shape_cast %get3A_5 : vector<1x1000x128xf32> to vector<1000x128xf32>
    %get3A_7 = arith.constant 1 : index
    %get3A_8 = arith.constant 0 : index
    %get3A_9 = arith.constant 0 : index
    %get3A_10 = vector.load %arg2[%get3A_7, %get3A_8, %get3A_9] : memref<2x1000x128xf32, #tpu.memory_space<vmem>>, vector<1x1000x128xf32>
    %get3A_11 = vector.shape_cast %get3A_10 : vector<1x1000x128xf32> to vector<1000x128xf32>
    %concatenate3A = tpu.concatenate %get3A_6, %get3A_11 in 1 : vector<1000x128xf32>, vector<1000x128xf32> -> vector<1000x256xf32>
    %get3A_12 = arith.constant 0 : index
    %get3A_13 = arith.constant 0 : index
    %get3A_14 = arith.constant 0 : index
    %get3A_15 = vector.load %arg1[%get3A_12, %get3A_13, %get3A_14] : memref<2x1000x128xf32, #tpu.memory_space<vmem>>, vector<1x1000x128xf32>
    %get3A_16 = vector.shape_cast %get3A_15 : vector<1x1000x128xf32> to vector<1000x128xf32>
    %get3A_17 = arith.constant 1 : index
    %get3A_18 = arith.constant 0 : index
    %get3A_19 = arith.constant 0 : index
    %get3A_20 = vector.load %arg1[%get3A_17, %get3A_18, %get3A_19] : memref<2x1000x128xf32, #tpu.memory_space<vmem>>, vector<1x1000x128xf32>
    %get3A_21 = vector.shape_cast %get3A_20 : vector<1x1000x128xf32> to vector<1000x128xf32>
    %concatenate3A_22 = tpu.concatenate %get3A_16, %get3A_21 in 1 : vector<1000x128xf32>, vector<1000x128xf32> -> vector<1000x256xf32>
    %add3A = arith.addf %concatenate3A_22, %concatenate3A : vector<1000x256xf32>
    %mul3A = vector.broadcast %get3A_1 : vector<1000x1xf32> to vector<1000x256xf32>
    %mul3A_23 = arith.mulf %mul3A, %add3A : vector<1000x256xf32>
    %get3A_24 = arith.constant 0 : index
    %get3A_25 = arith.constant 0 : index
    %get3A_26 = vector.load %arg4[%get3A_24, %get3A_25] : memref<1x256xf32, #tpu.memory_space<vmem>>, vector<1x256xf32>
    %add3A_27 = vector.broadcast %get3A_26 : vector<1x256xf32> to vector<1000x256xf32>
    %add3A_28 = arith.addf %mul3A_23, %add3A_27 : vector<1000x256xf32>
    %max3A = arith.constant 0.000000e+00 : f32
    %max3A_29 = vector.broadcast %max3A : f32 to vector<1000x256xf32>
    %max3A_30 = arith.maximumf %add3A_28, %max3A_29 : vector<1000x256xf32>
    %get3A_31 = arith.constant 0 : index
    %get3A_32 = arith.constant 0 : index
    %get3A_33 = vector.load %arg5[%get3A_31, %get3A_32] : memref<256x256xf32, #tpu.memory_space<vmem>>, vector<256x256xf32>
    %dot_general3A = arith.constant dense<0.000000e+00> : vector<1000x256xf32>
    %dot_general3A_34 = tpu.matmul %max3A_30, %get3A_33, %dot_general3A {dimension_numbers = #tpu.dot_dimension_numbers<[1], [0], [0], [1], [0, 0, 1, 1], [], []>, transpose_lhs_hint = false} : vector<1000x256xf32>, vector<256x256xf32>, vector<1000x256xf32> -> vector<1000x256xf32>
    %mul3A_35 = vector.broadcast %get3A_1 : vector<1000x1xf32> to vector<1000x256xf32>
    %mul3A_36 = arith.mulf %dot_general3A_34, %mul3A_35 : vector<1000x256xf32>
    %slice3A = vector.extract_strided_slice %mul3A_36 {offsets = [0, 0], sizes = [1000, 128], strides = [1, 1]} : vector<1000x256xf32> to vector<1000x128xf32>
    %swap3A = arith.constant 0 : index
    %swap3A_37 = arith.constant 0 : index
    %swap3A_38 = arith.constant 0 : index
    %swap3A_39 = vector.load %arg6[%swap3A, %swap3A_37, %swap3A_38] : memref<2x1000x128xf32, #tpu.memory_space<vmem>>, vector<1x1000x128xf32>
    %swap3A_40 = vector.shape_cast %swap3A_39 : vector<1x1000x128xf32> to vector<1000x128xf32>
    %swap3A_41 = vector.shape_cast %slice3A : vector<1000x128xf32> to vector<1x1000x128xf32>
    tpu.vector_store %arg6[%swap3A, %swap3A_37, %swap3A_38], %swap3A_41 {strides = array<i32>} : memref<2x1000x128xf32, #tpu.memory_space<vmem>>, vector<1x1000x128xf32>,
    %slice3A_42 = vector.extract_strided_slice %mul3A_36 {offsets = [0, 128], sizes = [1000, 128], strides = [1, 1]} : vector<1000x256xf32> to vector<1000x128xf32>
    %swap3A_43 = arith.constant 1 : index
    %swap3A_44 = arith.constant 0 : index
    %swap3A_45 = arith.constant 0 : index
    %swap3A_46 = vector.load %arg6[%swap3A_43, %swap3A_44, %swap3A_45] : memref<2x1000x128xf32, #tpu.memory_space<vmem>>, vector<1x1000x128xf32>
    %swap3A_47 = vector.shape_cast %swap3A_46 : vector<1x1000x128xf32> to vector<1000x128xf32>
    %swap3A_48 = vector.shape_cast %slice3A_42 : vector<1000x128xf32> to vector<1x1000x128xf32>
    tpu.vector_store %arg6[%swap3A_43, %swap3A_44, %swap3A_45], %swap3A_48 {strides = array<i32>} : memref<2x1000x128xf32, #tpu.memory_space<vmem>>, vector<1x1000x128xf32>,
    return
  }
  func.func @transform_0(%arg0: i32) -> (i32, i32, i32) {
    %c0_i32 = arith.constant 0 : i32
    %c0_i32_0 = arith.constant 0 : i32
    %c0_i32_1 = arith.constant 0 : i32
    return %c0_i32, %arg0, %c0_i32_0 : i32, i32, i32
  }
  func.func @transform_1(%arg0: i32) -> (i32, i32, i32) {
    %c0_i32 = arith.constant 0 : i32
    %c0_i32_0 = arith.constant 0 : i32
    %c0_i32_1 = arith.constant 0 : i32
    return %c0_i32, %arg0, %c0_i32_0 : i32, i32, i32
  }
  func.func @transform_2(%arg0: i32) -> (i32, i32) {
    %c0_i32 = arith.constant 0 : i32
    %c0_i32_0 = arith.constant 0 : i32
    return %arg0, %c0_i32 : i32, i32
  }
  func.func @transform_3(%arg0: i32) -> (i32, i32) {
    %c0_i32 = arith.constant 0 : i32
    %c0_i32_0 = arith.constant 0 : i32
    %c0_i32_1 = arith.constant 0 : i32
    return %c0_i32, %c0_i32_0 : i32, i32
  }
  func.func @transform_4(%arg0: i32) -> (i32, i32) {
    %c0_i32 = arith.constant 0 : i32
    %c0_i32_0 = arith.constant 0 : i32
    %c0_i32_1 = arith.constant 0 : i32
    return %c0_i32, %c0_i32_0 : i32, i32
  }
  func.func @transform_5(%arg0: i32) -> (i32, i32, i32) {
    %c0_i32 = arith.constant 0 : i32
    %c0_i32_0 = arith.constant 0 : i32
    %c0_i32_1 = arith.constant 0 : i32
    return %c0_i32, %arg0, %c0_i32_0 : i32, i32, i32
  }
}

module attributes {stable_mosaic.version = 14 : i64} {
  func.func @_prep_body(%arg0: i32, %arg1: memref<1000x128xf32, #tpu.memory_space<vmem>>, %arg2: memref<128x256xf32, #tpu.memory_space<vmem>>, %arg3: memref<2x1000x1xf32, #tpu.memory_space<vmem>>, %arg4: memref<2x1000x128xf32, #tpu.memory_space<vmem>>, %arg5: memref<1000x1xf32, #tpu.memory_space<vmem>>) attributes {dimension_semantics = [#tpu.dimension_semantics<arbitrary>], iteration_bounds = array<i64: 10>, scalar_prefetch = 0 : i64, scratch_operands = 0 : i64, tpu.core_type = #tpu.core_type<tc>, window_params = [{transform_indices = @transform_0, window_bounds = array<i64: 1000, 128>}, {pipeline_mode = #tpu.pipeline_mode<synchronous>, transform_indices = @transform_1, window_bounds = array<i64: 128, 256>}, {transform_indices = @transform_2, window_bounds = array<i64: 2, 1000, 1>}, {transform_indices = @transform_3, window_bounds = array<i64: 2, 1000, 128>}, {transform_indices = @transform_4, window_bounds = array<i64: 1000, 1>}]} {
    %get3A = arith.constant 0 : index
    %get3A_0 = arith.constant 0 : index
    %get3A_1 = arith.constant 0 : index
    %get3A_2 = vector.load %arg3[%get3A, %get3A_0, %get3A_1] : memref<2x1000x1xf32, #tpu.memory_space<vmem>>, vector<1x1000x1xf32>
    %get3A_3 = vector.shape_cast %get3A_2 : vector<1x1000x1xf32> to vector<1000x1xf32>
    %get3A_4 = arith.constant 1 : index
    %get3A_5 = arith.constant 0 : index
    %get3A_6 = arith.constant 0 : index
    %get3A_7 = vector.load %arg3[%get3A_4, %get3A_5, %get3A_6] : memref<2x1000x1xf32, #tpu.memory_space<vmem>>, vector<1x1000x1xf32>
    %get3A_8 = vector.shape_cast %get3A_7 : vector<1x1000x1xf32> to vector<1000x1xf32>
    %add3A = arith.addf %get3A_3, %get3A_8 : vector<1000x1xf32>
    %add3A_9 = arith.constant 1.000000e+00 : f32
    %add3A_10 = vector.broadcast %add3A_9 : f32 to vector<1000x1xf32>
    %add3A_11 = arith.addf %add3A, %add3A_10 : vector<1000x1xf32>
    %rsqrt3A = math.rsqrt %add3A_11 : vector<1000x1xf32>
    %swap3A = arith.constant 0 : index
    %swap3A_12 = arith.constant 0 : index
    %swap3A_13 = vector.load %arg5[%swap3A, %swap3A_12] : memref<1000x1xf32, #tpu.memory_space<vmem>>, vector<1000x1xf32>
    tpu.vector_store %arg5[%swap3A, %swap3A_12], %rsqrt3A {strides = array<i32>} : memref<1000x1xf32, #tpu.memory_space<vmem>>, vector<1000x1xf32>,
    %get3A_14 = arith.constant 0 : index
    %get3A_15 = arith.constant 0 : index
    %get3A_16 = vector.load %arg1[%get3A_14, %get3A_15] : memref<1000x128xf32, #tpu.memory_space<vmem>>, vector<1000x128xf32>
    %get3A_17 = arith.constant 0 : index
    %get3A_18 = arith.constant 0 : index
    %get3A_19 = vector.load %arg2[%get3A_17, %get3A_18] : memref<128x256xf32, #tpu.memory_space<vmem>>, vector<128x256xf32>
    %dot_general3A = arith.constant dense<0.000000e+00> : vector<1000x256xf32>
    %dot_general3A_20 = tpu.matmul %get3A_16, %get3A_19, %dot_general3A {dimension_numbers = #tpu.dot_dimension_numbers<[1], [0], [0], [1], [0, 0, 1, 1], [], []>, transpose_lhs_hint = false} : vector<1000x128xf32>, vector<128x256xf32>, vector<1000x256xf32> -> vector<1000x256xf32>
    %mul3A = vector.broadcast %rsqrt3A : vector<1000x1xf32> to vector<1000x256xf32>
    %mul3A_21 = arith.mulf %dot_general3A_20, %mul3A : vector<1000x256xf32>
    %slice3A = vector.extract_strided_slice %mul3A_21 {offsets = [0, 0], sizes = [1000, 128], strides = [1, 1]} : vector<1000x256xf32> to vector<1000x128xf32>
    %swap3A_22 = arith.constant 0 : index
    %swap3A_23 = arith.constant 0 : index
    %swap3A_24 = arith.constant 0 : index
    %swap3A_25 = vector.load %arg4[%swap3A_22, %swap3A_23, %swap3A_24] : memref<2x1000x128xf32, #tpu.memory_space<vmem>>, vector<1x1000x128xf32>
    %swap3A_26 = vector.shape_cast %swap3A_25 : vector<1x1000x128xf32> to vector<1000x128xf32>
    %swap3A_27 = vector.shape_cast %slice3A : vector<1000x128xf32> to vector<1x1000x128xf32>
    tpu.vector_store %arg4[%swap3A_22, %swap3A_23, %swap3A_24], %swap3A_27 {strides = array<i32>} : memref<2x1000x128xf32, #tpu.memory_space<vmem>>, vector<1x1000x128xf32>,
    %slice3A_28 = vector.extract_strided_slice %mul3A_21 {offsets = [0, 128], sizes = [1000, 128], strides = [1, 1]} : vector<1000x256xf32> to vector<1000x128xf32>
    %swap3A_29 = arith.constant 1 : index
    %swap3A_30 = arith.constant 0 : index
    %swap3A_31 = arith.constant 0 : index
    %swap3A_32 = vector.load %arg4[%swap3A_29, %swap3A_30, %swap3A_31] : memref<2x1000x128xf32, #tpu.memory_space<vmem>>, vector<1x1000x128xf32>
    %swap3A_33 = vector.shape_cast %swap3A_32 : vector<1x1000x128xf32> to vector<1000x128xf32>
    %swap3A_34 = vector.shape_cast %slice3A_28 : vector<1000x128xf32> to vector<1x1000x128xf32>
    tpu.vector_store %arg4[%swap3A_29, %swap3A_30, %swap3A_31], %swap3A_34 {strides = array<i32>} : memref<2x1000x128xf32, #tpu.memory_space<vmem>>, vector<1x1000x128xf32>,
    return
  }
  func.func @transform_0(%arg0: i32) -> (i32, i32) {
    %c0_i32 = arith.constant 0 : i32
    %c0_i32_0 = arith.constant 0 : i32
    return %arg0, %c0_i32 : i32, i32
  }
  func.func @transform_1(%arg0: i32) -> (i32, i32) {
    %c0_i32 = arith.constant 0 : i32
    %c0_i32_0 = arith.constant 0 : i32
    %c0_i32_1 = arith.constant 0 : i32
    return %c0_i32, %c0_i32_0 : i32, i32
  }
  func.func @transform_2(%arg0: i32) -> (i32, i32, i32) {
    %c0_i32 = arith.constant 0 : i32
    %c0_i32_0 = arith.constant 0 : i32
    %c0_i32_1 = arith.constant 0 : i32
    return %c0_i32, %arg0, %c0_i32_0 : i32, i32, i32
  }
  func.func @transform_3(%arg0: i32) -> (i32, i32, i32) {
    %c0_i32 = arith.constant 0 : i32
    %c0_i32_0 = arith.constant 0 : i32
    %c0_i32_1 = arith.constant 0 : i32
    return %c0_i32, %arg0, %c0_i32_0 : i32, i32, i32
  }
  func.func @transform_4(%arg0: i32) -> (i32, i32) {
    %c0_i32 = arith.constant 0 : i32
    %c0_i32_0 = arith.constant 0 : i32
    return %arg0, %c0_i32 : i32, i32
  }
}

module attributes {stable_mosaic.version = 14 : i64} {
  func.func @_fin_body(%arg0: i32, %arg1: memref<2x1000x128xf32, #tpu.memory_space<vmem>>, %arg2: memref<2x1000x128xf32, #tpu.memory_space<vmem>>, %arg3: memref<1000x1xf32, #tpu.memory_space<vmem>>, %arg4: memref<1x256xf32, #tpu.memory_space<vmem>>, %arg5: memref<768x16xf32, #tpu.memory_space<vmem>>, %arg6: memref<1x16xf32, #tpu.memory_space<vmem>>, %arg7: memref<1x16xf32, #tpu.memory_space<vmem>>, %arg8: memref<1x256xf32, #tpu.memory_space<vmem>>, %arg9: memref<1x256xf32, #tpu.memory_space<vmem>>) attributes {dimension_semantics = [#tpu.dimension_semantics<arbitrary>], iteration_bounds = array<i64: 10>, scalar_prefetch = 0 : i64, scratch_operands = 2 : i64, tpu.core_type = #tpu.core_type<tc>, window_params = [{transform_indices = @transform_0, window_bounds = array<i64: 2, 1000, 128>}, {transform_indices = @transform_1, window_bounds = array<i64: 2, 1000, 128>}, {transform_indices = @transform_2, window_bounds = array<i64: 1000, 1>}, {pipeline_mode = #tpu.pipeline_mode<synchronous>, transform_indices = @transform_3, window_bounds = array<i64: 1, 256>}, {pipeline_mode = #tpu.pipeline_mode<synchronous>, transform_indices = @transform_4, window_bounds = array<i64: 768, 16>}, {pipeline_mode = #tpu.pipeline_mode<synchronous>, transform_indices = @transform_5, window_bounds = array<i64: 1, 16>}, {pipeline_mode = #tpu.pipeline_mode<synchronous>, transform_indices = @transform_6, window_bounds = array<i64: 1, 16>}]} {
    %get3A = arith.constant 0 : index
    %get3A_0 = arith.constant 0 : index
    %get3A_1 = vector.load %arg3[%get3A, %get3A_0] : memref<1000x1xf32, #tpu.memory_space<vmem>>, vector<1000x1xf32>
    %get3A_2 = arith.constant 0 : index
    %get3A_3 = arith.constant 0 : index
    %get3A_4 = arith.constant 0 : index
    %get3A_5 = vector.load %arg2[%get3A_2, %get3A_3, %get3A_4] : memref<2x1000x128xf32, #tpu.memory_space<vmem>>, vector<1x1000x128xf32>
    %get3A_6 = vector.shape_cast %get3A_5 : vector<1x1000x128xf32> to vector<1000x128xf32>
    %get3A_7 = arith.constant 1 : index
    %get3A_8 = arith.constant 0 : index
    %get3A_9 = arith.constant 0 : index
    %get3A_10 = vector.load %arg2[%get3A_7, %get3A_8, %get3A_9] : memref<2x1000x128xf32, #tpu.memory_space<vmem>>, vector<1x1000x128xf32>
    %get3A_11 = vector.shape_cast %get3A_10 : vector<1x1000x128xf32> to vector<1000x128xf32>
    %concatenate3A = tpu.concatenate %get3A_6, %get3A_11 in 1 : vector<1000x128xf32>, vector<1000x128xf32> -> vector<1000x256xf32>
    %get3A_12 = arith.constant 0 : index
    %get3A_13 = arith.constant 0 : index
    %get3A_14 = arith.constant 0 : index
    %get3A_15 = vector.load %arg1[%get3A_12, %get3A_13, %get3A_14] : memref<2x1000x128xf32, #tpu.memory_space<vmem>>, vector<1x1000x128xf32>
    %get3A_16 = vector.shape_cast %get3A_15 : vector<1x1000x128xf32> to vector<1000x128xf32>
    %get3A_17 = arith.constant 1 : index
    %get3A_18 = arith.constant 0 : index
    %get3A_19 = arith.constant 0 : index
    %get3A_20 = vector.load %arg1[%get3A_17, %get3A_18, %get3A_19] : memref<2x1000x128xf32, #tpu.memory_space<vmem>>, vector<1x1000x128xf32>
    %get3A_21 = vector.shape_cast %get3A_20 : vector<1x1000x128xf32> to vector<1000x128xf32>
    %concatenate3A_22 = tpu.concatenate %get3A_16, %get3A_21 in 1 : vector<1000x128xf32>, vector<1000x128xf32> -> vector<1000x256xf32>
    %add3A = arith.addf %concatenate3A_22, %concatenate3A : vector<1000x256xf32>
    %mul3A = vector.broadcast %get3A_1 : vector<1000x1xf32> to vector<1000x256xf32>
    %mul3A_23 = arith.mulf %mul3A, %add3A : vector<1000x256xf32>
    %get3A_24 = arith.constant 0 : index
    %get3A_25 = arith.constant 0 : index
    %get3A_26 = vector.load %arg4[%get3A_24, %get3A_25] : memref<1x256xf32, #tpu.memory_space<vmem>>, vector<1x256xf32>
    %add3A_27 = vector.broadcast %get3A_26 : vector<1x256xf32> to vector<1000x256xf32>
    %add3A_28 = arith.addf %mul3A_23, %add3A_27 : vector<1000x256xf32>
    %max3A = arith.constant 0.000000e+00 : f32
    %max3A_29 = vector.broadcast %max3A : f32 to vector<1000x256xf32>
    %max3A_30 = arith.maximumf %add3A_28, %max3A_29 : vector<1000x256xf32>
    %reduce_sum3A = arith.constant dense<0.000000e+00> : vector<256xf32>
    %reduce_sum3A_31 = vector.multi_reduction <add>, %max3A_30, %reduce_sum3A [0] : vector<1000x256xf32> to vector<256xf32>
    %broadcast_in_dim3A = vector.shape_cast %reduce_sum3A_31 : vector<256xf32> to vector<1x256xf32>
    %reduce_max3A = arith.constant dense<0xFF800000> : vector<256xf32>
    %reduce_max3A_32 = vector.multi_reduction <maximumf>, %max3A_30, %reduce_max3A [0] : vector<1000x256xf32> to vector<256xf32>
    %broadcast_in_dim3A_33 = vector.shape_cast %reduce_max3A_32 : vector<256xf32> to vector<1x256xf32>
    %eq3A = arith.constant 0 : i32
    %eq3A_34 = arith.cmpi eq, %arg0, %eq3A : i32
    %convert_element_type3A = arith.extui %eq3A_34 : i1 to i32
    %cond3A = arith.constant 0 : i32
    %cond3A_35 = arith.cmpi ne, %convert_element_type3A, %cond3A : i32
    scf.if %cond3A_35 {
      %swap3A_63 = arith.constant 0 : index
      %swap3A_64 = arith.constant 0 : index
      %swap3A_65 = vector.load %arg8[%swap3A_63, %swap3A_64] : memref<1x256xf32, #tpu.memory_space<vmem>>, vector<1x256xf32>
      tpu.vector_store %arg8[%swap3A_63, %swap3A_64], %broadcast_in_dim3A {strides = array<i32>} : memref<1x256xf32, #tpu.memory_space<vmem>>, vector<1x256xf32>,
      %swap3A_66 = arith.constant 0 : index
      %swap3A_67 = arith.constant 0 : index
      %swap3A_68 = vector.load %arg9[%swap3A_66, %swap3A_67] : memref<1x256xf32, #tpu.memory_space<vmem>>, vector<1x256xf32>
      tpu.vector_store %arg9[%swap3A_66, %swap3A_67], %broadcast_in_dim3A_33 {strides = array<i32>} : memref<1x256xf32, #tpu.memory_space<vmem>>, vector<1x256xf32>,
    } else {
    }
    %gt3A = arith.constant 0 : i32
    %gt3A_36 = arith.cmpi sgt, %arg0, %gt3A : i32
    %convert_element_type3A_37 = arith.extui %gt3A_36 : i1 to i32
    %cond3A_38 = arith.constant 0 : i32
    %cond3A_39 = arith.cmpi ne, %convert_element_type3A_37, %cond3A_38 : i32
    scf.if %cond3A_39 {
      %get3A_63 = arith.constant 0 : index
      %get3A_64 = arith.constant 0 : index
      %get3A_65 = vector.load %arg8[%get3A_63, %get3A_64] : memref<1x256xf32, #tpu.memory_space<vmem>>, vector<1x256xf32>
      %add3A_66 = arith.addf %get3A_65, %broadcast_in_dim3A : vector<1x256xf32>
      %swap3A_67 = arith.constant 0 : index
      %swap3A_68 = arith.constant 0 : index
      %swap3A_69 = vector.load %arg8[%swap3A_67, %swap3A_68] : memref<1x256xf32, #tpu.memory_space<vmem>>, vector<1x256xf32>
      tpu.vector_store %arg8[%swap3A_67, %swap3A_68], %add3A_66 {strides = array<i32>} : memref<1x256xf32, #tpu.memory_space<vmem>>, vector<1x256xf32>,
      %get3A_70 = arith.constant 0 : index
      %get3A_71 = arith.constant 0 : index
      %get3A_72 = vector.load %arg9[%get3A_70, %get3A_71] : memref<1x256xf32, #tpu.memory_space<vmem>>, vector<1x256xf32>
      %max3A_73 = arith.maximumf %get3A_72, %broadcast_in_dim3A_33 : vector<1x256xf32>
      %swap3A_74 = arith.constant 0 : index
      %swap3A_75 = arith.constant 0 : index
      %swap3A_76 = vector.load %arg9[%swap3A_74, %swap3A_75] : memref<1x256xf32, #tpu.memory_space<vmem>>, vector<1x256xf32>
      tpu.vector_store %arg9[%swap3A_74, %swap3A_75], %max3A_73 {strides = array<i32>} : memref<1x256xf32, #tpu.memory_space<vmem>>, vector<1x256xf32>,
    } else {
    }
    %get3A_40 = arith.constant 0 : index
    %get3A_41 = arith.constant 0 : index
    %get3A_42 = vector.load %arg8[%get3A_40, %get3A_41] : memref<1x256xf32, #tpu.memory_space<vmem>>, vector<1x256xf32>
    %mul3A_43 = arith.constant 9.99999974E-5 : f32
    %mul3A_44 = vector.broadcast %mul3A_43 : f32 to vector<1x256xf32>
    %mul3A_45 = arith.mulf %get3A_42, %mul3A_44 : vector<1x256xf32>
    %get3A_46 = arith.constant 0 : index
    %get3A_47 = arith.constant 0 : index
    %get3A_48 = vector.load %arg9[%get3A_46, %get3A_47] : memref<1x256xf32, #tpu.memory_space<vmem>>, vector<1x256xf32>
    %get3A_49 = arith.constant 0 : index
    %get3A_50 = arith.constant 0 : index
    %get3A_51 = vector.load %arg8[%get3A_49, %get3A_50] : memref<1x256xf32, #tpu.memory_space<vmem>>, vector<1x256xf32>
    %concatenate3A_52 = tpu.concatenate %mul3A_45, %get3A_48, %get3A_51 in 1 : vector<1x256xf32>, vector<1x256xf32>, vector<1x256xf32> -> vector<1x768xf32>
    %get3A_53 = arith.constant 0 : index
    %get3A_54 = arith.constant 0 : index
    %get3A_55 = vector.load %arg5[%get3A_53, %get3A_54] : memref<768x16xf32, #tpu.memory_space<vmem>>, vector<768x16xf32>
    %dot_general3A = arith.constant dense<0.000000e+00> : vector<1x16xf32>
    %dot_general3A_56 = tpu.matmul %concatenate3A_52, %get3A_55, %dot_general3A {dimension_numbers = #tpu.dot_dimension_numbers<[1], [0], [0], [1], [0, 0, 1, 1], [], []>, transpose_lhs_hint = false} : vector<1x768xf32>, vector<768x16xf32>, vector<1x16xf32> -> vector<1x16xf32>
    %get3A_57 = arith.constant 0 : index
    %get3A_58 = arith.constant 0 : index
    %get3A_59 = vector.load %arg6[%get3A_57, %get3A_58] : memref<1x16xf32, #tpu.memory_space<vmem>>, vector<1x16xf32>
    %add3A_60 = arith.addf %dot_general3A_56, %get3A_59 : vector<1x16xf32>
    %swap3A = arith.constant 0 : index
    %swap3A_61 = arith.constant 0 : index
    %swap3A_62 = vector.load %arg7[%swap3A, %swap3A_61] : memref<1x16xf32, #tpu.memory_space<vmem>>, vector<1x16xf32>
    tpu.vector_store %arg7[%swap3A, %swap3A_61], %add3A_60 {strides = array<i32>} : memref<1x16xf32, #tpu.memory_space<vmem>>, vector<1x16xf32>,
    return
  }
  func.func @transform_0(%arg0: i32) -> (i32, i32, i32) {
    %c0_i32 = arith.constant 0 : i32
    %c0_i32_0 = arith.constant 0 : i32
    %c0_i32_1 = arith.constant 0 : i32
    return %c0_i32, %arg0, %c0_i32_0 : i32, i32, i32
  }
  func.func @transform_1(%arg0: i32) -> (i32, i32, i32) {
    %c0_i32 = arith.constant 0 : i32
    %c0_i32_0 = arith.constant 0 : i32
    %c0_i32_1 = arith.constant 0 : i32
    return %c0_i32, %arg0, %c0_i32_0 : i32, i32, i32
  }
  func.func @transform_2(%arg0: i32) -> (i32, i32) {
    %c0_i32 = arith.constant 0 : i32
    %c0_i32_0 = arith.constant 0 : i32
    return %arg0, %c0_i32 : i32, i32
  }
  func.func @transform_3(%arg0: i32) -> (i32, i32) {
    %c0_i32 = arith.constant 0 : i32
    %c0_i32_0 = arith.constant 0 : i32
    %c0_i32_1 = arith.constant 0 : i32
    return %c0_i32, %c0_i32_0 : i32, i32
  }
  func.func @transform_4(%arg0: i32) -> (i32, i32) {
    %c0_i32 = arith.constant 0 : i32
    %c0_i32_0 = arith.constant 0 : i32
    %c0_i32_1 = arith.constant 0 : i32
    return %c0_i32, %c0_i32_0 : i32, i32
  }
  func.func @transform_5(%arg0: i32) -> (i32, i32) {
    %c0_i32 = arith.constant 0 : i32
    %c0_i32_0 = arith.constant 0 : i32
    %c0_i32_1 = arith.constant 0 : i32
    return %c0_i32, %c0_i32_0 : i32, i32
  }
  func.func @transform_6(%arg0: i32) -> (i32, i32) {
    %c0_i32 = arith.constant 0 : i32
    %c0_i32_0 = arith.constant 0 : i32
    %c0_i32_1 = arith.constant 0 : i32
    return %c0_i32, %c0_i32_0 : i32, i32
  }
}

</mosaic_0001>

<sc_bundles>
// kernel: kernel.10.cloned.1.call-start
scs
__scs_entry_jumppad:
0x0: {  	(pc) =	sbr.rel $0x88, $3  }
0x1: {  	(tag) =	ssettag $0x0;
	lr =	simm.s32 $0x1  }
0x2: {  	[smem:$0x3F97] =	sst lr;
	_ =	strace $0xD0000000  }
0x3: {  	_ = 	snop  }
0x4: {  	_ = 	snop  }
0x5: {  	_ = 	snop  }
0x6: {  	_ = 	snop  }
0x7: {  	_ = 	snop  }
__scs_overlays_trampoline_lowered:
0x8: {  	[smem:$0x3FA6] =	sst s0  }
0x9: {  	[smem:$0x3FA7] =	sst s1  }
0xa: {  	[smem:$0x3FA8] =	sst s2  }
0xb: {  	[smem:$0x3FA9] =	sst s3  }
0xc: {  	[smem:$0x3FAA] =	sst s4  }
0xd: {  	[smem:$0x3FAB] =	sst s5  }
0xe: {  	[smem:$0x3FAC] =	sst s6  }
0xf: {  	[smem:$0x3FAD] =	sst s7  }
0x10: {  	[smem:$0x3FAE] =	sst s8  }
0x11: {  	[smem:$0x3FAF] =	sst s9;
	s0 =	simm.s32 @!p0 $0x0  }
0x12: {  	s1 =	sld [smem:$0x3F95];
	s0 =	simm.s32 @p0 $0x1  }
0x13: {  	[smem:$0x3FB0] =	sst s0;
	s0 =	simm.s32 @!p1 $0x0  }
0x14: {  	s2 =	sld [smem:$0x3F94];
	s0 =	simm.s32 @p1 $0x1  }
0x15: {  	[smem:$0x3FB1] =	sst s0;
	s0 =	simm.s32 @!p2 $0x0  }
0x16: {  	s3 =	sld [smem:$0x3FDB];
	s0 =	simm.s32 @p2 $0x1  }
0x17: {  	s4 =	simm.s32 $0x1BF5;
	[smem:$0x3FB3] =	sst s0  }
0x18: {  	s0 =	sld [smem:$0x3F96];
	_ =	swait.ge [sflag:s4], $0x0  }
0x19: {  	s7 =	sld [smem:$0x3F97]  }
0x1a: {  	s8 =	sadd.s32 $0xFFFFE003, lr  }
0x1b: {  	s9 =	sadd.s32 $0xFFFFFEF7, lr;
	s5 =	simm.s32 $0xFFFFFFFF;
	p2 =	slt.u32 s8, $0xFFFFF086  }
0x1c: {  	p1 =	slt.u32 s9, $0xF7A;
	s5 =	simm.s32 @!p2 $0x0  }
0x1d: {  	s5 =	simm.s32 @p1 $0x1;
	p0 =	seq.s32 s7, s2  }
0x1e: {  	s7 =	smul.u32 @!p0 $0xF7A, s2;
	p2 =	seq.s32 @!p0 s5, $0x0  }
0x1f: {  	s9 =	smul.u32 $0xF7A, s1;
	s8 =	simm.s32 @!p0 $0x1BF5;
	p2 =	por !p2, p0  }
0x20: {  	[sflag:s8] =	ssyncset.s32 @!p0 $0xFFFFF086;
	s6 =	sadd.s32 @!p0 s3, s7;
	s7 =	simm.s32 @!p0 $0x108  }
0x21: {  	s3 =	sadd.s32 s3, s9;
	s6 =	sadd.s32 @!p0 $0x88, s6;
	s7 =	simm.s32 @p2 $0x1082  }
0x22: {  	[simem:s7], [sflag:s8] =	dma.local @!p0 [hbm:s6], $0xF7A  }
0x23: {  	s9 =	sor.u32 $0xD0000000, s2;
	s6 =	simm.s32 $0x108;
	_ =	swait.ge @!p0 [sflag:s8], $0x0  }
0x24: {  	s3 =	sadd.s32 $0x88, s3;
	s6 =	simm.s32 @!p1 $0x1082;
	[sflag:s4] =	ssyncset.s32 $0xFFFFF086  }
0x25: {  	[simem:s6], [sflag:s4] =	dma.local [hbm:s3], $0xF7A  }
0x26: {  	[smem:$0x3F97] =	sst s1;
	(tag) =	ssettag s2;
	_ =	strace s9  }
0x27: {  	s1 =	sld [smem:$0x3FA7]  }
0x28: {  	s2 =	sld [smem:$0x3FA8]  }
0x29: {  	s4 =	sld [smem:$0x3FAA]  }
0x2a: {  	p0 =	seq.s32 s5, $0x0;
	s5 =	sld [smem:$0x3FAB]  }
0x2b: {  	s6 =	sld [smem:$0x3FAC]  }
0x2c: {  	s7 =	sld [smem:$0x3FAD]  }
0x2d: {  	s3 =	simm.s32 $0x108;
	s8 =	sld [smem:$0x3FAE]  }
0x2e: {  	s3 =	simm.s32 @!p0 $0x1082;
	s9 =	sld [smem:$0x3FAF]  }
0x2f: {  	lr =	sadd.s32 s0, s3;
	s0 =	sld [smem:$0x3FA6]  }
0x30: {  	s3 =	sld [smem:$0x3FA9]  }
0x31: {  	[smem:$0x3FB2] =	sst s10  }
0x32: {  	s10 =	sld [smem:$0x3FB0];
	_ =	sdelay $0x3  }
0x33: {  	p0 =	seq.s32 s10, $0x1;
	s10 =	sld [smem:$0x3FB2];
	_ =	sdelay $0x3  }
0x34: {  	[smem:$0x3FB2] =	sst s10  }
0x35: {  	s10 =	sld [smem:$0x3FB1];
	_ =	sdelay $0x3  }
0x36: {  	p1 =	seq.s32 s10, $0x1;
	s10 =	sld [smem:$0x3FB2];
	_ =	sdelay $0x3  }
0x37: {  	[smem:$0x3FB2] =	sst s10  }
0x38: {  	s10 =	sld [smem:$0x3FB3]  }
0x39: {  	_ = 	snop;
	(pc) =	sbr.ind lr, $3  }
0x3a: {  	_ = 	snop  }
0x3b: {  	_ = 	snop  }
0x3c: {  	p2 =	seq.s32 s10, $0x1;
	s10 =	sld [smem:$0x3FB2]  }
0x3d: {  	_ =	shalt  }
0x3e: {  	_ =	shalt  }
0x3f: {  	_ =	shalt  }
0x40: {  	_ =	shalt  }
0x41: {  	_ =	shalt  }
0x42: {  	_ =	shalt  }
0x43: {  	_ =	shalt  }
0x44: {  	_ =	shalt  }
0x45: {  	_ =	shalt  }
0x46: {  	_ =	shalt  }
0x47: {  	_ =	shalt  }
0x48: {  	_ =	shalt  }
0x49: {  	_ =	shalt  }
0x4a: {  	_ =	shalt  }
0x4b: {  	_ =	shalt  }
0x4c: {  	_ =	shalt  }
0x4d: {  	_ =	shalt  }
0x4e: {  	_ =	shalt  }
0x4f: {  	_ =	shalt  }
0x50: {  	_ =	shalt  }
0x51: {  	_ =	shalt  }
0x52: {  	_ =	shalt  }
0x53: {  	_ =	shalt  }
0x54: {  	_ =	shalt  }
0x55: {  	_ =	shalt  }
0x56: {  	_ =	shalt  }
0x57: {  	_ =	shalt  }
0x58: {  	_ =	shalt  }
0x59: {  	_ =	shalt  }
0x5a: {  	_ =	shalt  }
0x5b: {  	_ =	shalt  }
0x5c: {  	_ =	shalt  }
0x5d: {  	_ =	shalt  }
0x5e: {  	_ =	shalt  }
0x5f: {  	_ =	shalt  }
0x60: {  	_ =	shalt  }
0x61: {  	_ =	shalt  }
0x62: {  	_ =	shalt  }
0x63: {  	_ =	shalt  }
0x64: {  	_ =	shalt  }
0x65: {  	_ =	shalt  }
0x66: {  	_ =	shalt  }
0x67: {  	_ =	shalt  }
0x68: {  	_ =	shalt  }
0x69: {  	_ =	shalt  }
0x6a: {  	_ =	shalt  }
0x6b: {  	_ =	shalt  }
0x6c: {  	_ =	shalt  }
0x6d: {  	_ =	shalt  }
0x6e: {  	_ =	shalt  }
0x6f: {  	_ =	shalt  }
0x70: {  	_ =	shalt  }
0x71: {  	_ =	shalt  }
0x72: {  	_ =	shalt  }
0x73: {  	_ =	shalt  }
0x74: {  	_ =	shalt  }
0x75: {  	_ =	shalt  }
0x76: {  	_ =	shalt  }
0x77: {  	_ =	shalt  }
0x78: {  	_ =	shalt  }
0x79: {  	_ =	shalt  }
0x7a: {  	_ =	shalt  }
0x7b: {  	_ =	shalt  }
0x7c: {  	_ =	shalt  }
0x7d: {  	_ =	shalt  }
0x7e: {  	_ =	shalt  }
0x7f: {  	_ =	shalt  }
0x80: {  	_ =	shalt  }
0x81: {  	_ =	shalt  }
0x82: {  	_ =	shalt  }
0x83: {  	_ =	shalt  }
0x84: {  	_ =	shalt  }
0x85: {  	_ =	shalt  }
0x86: {  	_ =	shalt  }
0x87: {  	_ =	shalt  }
.Lfunc_end0:
.L_simem_size_0:
called_computation_lowered:
.L_overlay_start_0:
0x88: {  	s2 =	sld [smem:$0x3FD9]  }
0x89: {  	s3 =	sld [smem:$0x3FFE];
	_ =	sdelay $0x1  }
0x8a: {  	s1 =	srdreg.scid  }
0x8b: {  	s0 =	sand.u32 $0x1, s1  }
0x8c: {  	s17 =	sshll.u32 s0, $0xA;
	s2 =	sadd.s32 s3, s2  }
0x8d: {  	s2 =	sadd.s32 s2, s17  }
0x8e: {  	[smem:$0x3FBE] =	sst s2  }
0x8f: {  	_ = 	snop  }
0x90: {  	s2 =	sld [smem:$0x3FD0];
	(tm) =	ssettm $0x1  }
0x91: {  	s18 =	sld [smem:$0x3FFB];
	_ =	sdelay $0x3  }
0x92: {  	_ =	strace s18  }
0x93: {  	s3 =	sld [smem:$0x3FFC];
	_ =	sdelay $0x3  }
0x94: {  	_ =	strace s3  }
0x95: {  	s3 =	sld [smem:$0x3FFD];
	_ =	sdelay $0x3  }
0x96: {  	_ =	strace s3  }
0x97: {  	_ =	strace $0x8FFFFFFF  }
0x98: {  	s19 =	sld [smem:$0x3FDB];
	_ =	sdelay $0x1  }
0x99: {  	s4 =	simm.s32 $_scs_section_size  }
0x9a: {  	s5 =	simm.s32 $_size__tile_overlayer_lowered;
	s6 =	simm.s32 $_tile_overlayer_lowered  }
0x9b: {  	s22 =	simm.s32 $0x1BFF;
	s21 =	sshll.u32 s6, $0x1;
	s3 =	sadd.s32 s4, s19  }
0x9c: {  	s7 =	simm.s32 $0x0;
	s20 =	sshll.u32 s5, $0x1;
	s5 =	sadd.s32 s21, s3  }
0x9d: {  	[timem:s7], [sflag:s22] =	dma.local [hbm:s5], s20  }
0x9e: {  	_ =	swait.ge [sflag:s22], s20  }
0x9f: {  	s4 =	ssub.s32 $0x0, s20;
	[sflag:s22] =	ssyncset.done $0x0  }
0xa0: {  	[sflag:s22] =	ssyncadd.s32 s4;
	_ =	sdelay $0x1  }
0xa1: {  	s23 =	simm.s32 $0x1B8B  }
0xa2: {  	_ =	swait.ge [sflag:s23], $0x1  }
0xa3: {  	[sflag:s23] =	ssyncset.done $0x0  }
0xa4: {  	s25 =	simm.s32 $0x1B8E;
	s24 =	sld [smem:$0x3FFE];
	[sflag:s23] =	ssyncadd.s32 $0xFFFFFFFF  }
0xa5: {  	s26 =	simm.s32 $execute0_lowered;
	[smem:$0x3FD2] =	sst s25  }
0xa6: {  	s5 =	sshll.u32 s26, $0x1;
	_ =	strace $0x80000046;
	[dreg:$0x1] =	wrdreg $0xFFFFFFFF  }
0xa7: {  	s28 =	simm.s32 $_size_execute0_lowered;
	s3 =	sadd.s32 s3, s5;
	[dreg:$0x0] =	wrdreg $0x0  }
0xa8: {  	s5 =	sshll.u32 s28, $0x1;
	[dreg:$0x2] =	wrdreg s3  }
0xa9: {  	[dreg:$0x3] =	wrdreg s5  }
0xaa: {  	[dreg:$0x4] =	wrdreg $0xC0  }
0xab: {  	_ =	task [dreg:s7], $0x5FFFF  }
0xac: {  	[dreg:$0x1] =	wrdreg $0xFFFFFFFF  }
0xad: {  	[dreg:$0x0] =	wrdreg $0x60  }
0xae: {  	[dreg:$0x2] =	wrdreg s24  }
0xaf: {  	[dreg:$0x3] =	wrdreg s2  }
0xb0: {  	[dreg:$0x4] =	wrdreg $0x2B000  }
0xb1: {  	[dreg:$0x5] =	wrdreg $0x9  }
0xb2: {  	_ =	task.clear_ibuf [dreg:s7], $0x6FFFF;
	_ =	strace $0x90000046  }
0xb3: {  	s29 =	simm.s32 $0x9;
	_ =	strace $0x80000048  }
0xb4: {  	_ =	swait.ge [sflag:s29], $0x1  }
0xb5: {  	[sflag:s29] =	ssyncadd.s32 $0xFFFFFFFF  }
0xb6: {  	_ =	strace $0x90000048  }
0xb7: {  	_ =	sfence  }
0xb8: {  	s30 =	sld [smem:$0x0];
	_ =	sdelay $0x2  }
0xb9: {  	s31 =	sshll.u32 s1, $0xD;
	s1 =	sshrl.u32 s1, $0x2  }
0xba: {  	s3 =	sand.u32 $0x4000, s31;
	s1 =	sadd.s32 s1, s30  }
0xbb: {  	s0 =	sor.u32 s3, s0;
	s1 =	sshll.u32 s1, $0x11  }
0xbc: {  	s0 =	sor.u32 s1, s0  }
0xbd: {  	s0 =	sadd.s32 $0x8F2B, s0  }
0xbe: {  	[sflag:s0] =	ssyncadd.remote.s32 $0x1  }
0xbf: {  	_ =	sfence.sel $0xFFFF  }
0xc0: {  	[dreg:$0x0] =	wrdreg $0xFFFFFFFF;
	(pc) =	sbr.abs _section_cstart, $3  }
0xc1: {  	[dreg:$0x1] =	wrdreg $0xFFFFFFFF  }
0xc2: {  	_ =	task.clear_ibuf [dreg:s7], $0x2FFFF;
	_ =	strace $0x9FFFFFFF  }
0xc3: {  	(tm) =	ssettm $0x7FFFFFFF  }
tec
execute0_lowered:
.L_overlay_start_1:
0x0: {  	(tag) =	ssettag $0x1  }
0x1: {  	s6 =	rddreg [dreg:$0x0]  }
0x2: {  	s2 =	rddreg [dreg:$0x1]  }
0x3: {  	s0 =	srdreg.scid;
	s3 =	rddreg [dreg:$0x2]  }
0x4: {  	s1 =	rddreg [dreg:$0x3];
	s7 =	sand.u32 $0x1, s0  }
0x5: {  	s4 =	simm.s32 $0x0;
	s0 =	stileid.u32;
	s5 =	smul.u32 $0x28000, s7  }
0x6: {  	s12 =	simm.s32 $0x2880;
	s13 =	simm.s32 $0x80;
	s8 =	smul.u32 $0x2800, s0  }
0x7: {  	s14 =	simm.s32 $0x100;
	[smem:$0x7FF] =	sst s4;
	s30 =	smul.u32 $0x500, s0  }
0x8: {  	s10 =	sshll.u32 s7, $0x7;
	s11 =	smul.u32 $0xA00, s0;
	s7 =	ssub.s32 $0x2, s7  }
0x9: {  	s15 =	simm.s32 $0x0;
	_ =	strace $0x80000047;
	s31 =	sshrl.u32 s7, $0x1  }
0xa: {  	s5 =	sadd.s32 s8, s5;
	s8 =	sor.u32 s10, s30;
	s11 =	sshrl.u32 s11, $0x2  }
0xb: {  	s10 =	ssub.s32 s7, s31;
	s5 =	sshrl.u32 s5, $0x3;
	s8 =	sshrl.u32 s8, $0x3  }
0xc: {  	s9 =	sadd.s32 s5, s6;
	s5 =	sadd.s32 $0xD800, s6;
	s8 =	sadd.s32 s8, s6  }
0xd: {  	s6 =	sadd.s32 s11, s3;
	s11 =	simm.s32 $0x1;
	s7 =	sadd.s32 $0x3800, s9  }
0xe: {  	s8 =	sadd.s32 $0xDA00, s8;
	s9 =	smax.u32 s10, $0x1;
	s10 =	simm.s32 $0x2800  }
.LBB2_1:
0xf: {  	[tilespmem:s10], [sflag:$0x1] =	stream.linear.gather [hbm4b:s2+s4], $0x80, $0x38;
	[tilespmem:$0x2D80] =	vst v63  }
0x10: {  	_ =	swait.ge [sflag:s11], $0x80  }
0x11: {  	[sflag:s11] =	ssyncset.done $0x0  }
0x12: {  	[sflag:s11] =	ssyncadd.s32 $0xFFFFFF80  }
0x13: {  	[tilespmem:s12], [sflag:$0x1] =	stream.linear.gather [hbm4b:s5+s4], $0x280, $0x38;
	[tilespmem:$0x2D80] =	vst v63  }
0x14: {  	_ =	swait.ge [sflag:s11], $0x280  }
0x15: {  	[sflag:s11] =	ssyncset.done $0x0  }
0x16: {  	[sflag:s11] =	ssyncadd.s32 $0xFFFFFD80  }
0x17: {  	[spmem:s6] =	stream.linear.scatter [tilespmem:s12], [sflag:$0x1], $0x280, $0x38;
	[tilespmem:$0x2D80] =	vst v63  }
0x18: {  	_ =	swait.ge [sflag:s11], $0x280  }
0x19: {  	[sflag:s11] =	ssyncset.done $0x0  }
0x1a: {  	[sflag:s11] =	ssyncadd.s32 $0xFFFFFD80  }
0x1b: {  	[tilespmem:s4], [sflag:$0x1] =	stream.linear.gather [hbm4b:s7+s4], $0x2780, $0x38;
	[tilespmem:$0x2D80] =	vst v63  }
0x1c: {  	_ =	swait.ge [sflag:s11], $0x2780  }
0x1d: {  	[sflag:s11] =	ssyncset.done $0x0  }
0x1e: {  	[sflag:s11] =	ssyncadd.s32 $0xFFFFD880  }
0x1f: {  	s16 =	simm.s32 $0x0;
	[bflag:$0x0] =	sbarrier.arrive $0xFFFF  }
0x20: {  	[spmem:s3] =	stream.indirect.scatter.add.f32 [tilespmem:s10], [sflag:$0x1], $0x1, s16, s13, $0xb8;
	[tilespmem:$0x2D80] =	vst v63  }
0x21: {  	_ =	swait.ge [sflag:s11], $0x80  }
0x22: {  	s16 =	simm.s32 $0x200;
	[sflag:s11] =	ssyncset.done $0x0  }
.LBB2_2:
0x23: {  	s17 =	sshra.s32 s16, $0x2;
	[sflag:s11] =	ssyncadd.s32 $0xFFFFFF80;
	p0 =	sne.s32 s16, $0x9C00  }
0x24: {  	[spmem:s3] =	stream.indirect.scatter.add.f32 [tilespmem:s10], [sflag:$0x1], $0x1, s17, s13, $0xb8;
	[tilespmem:$0x2D80] =	vst v63  }
.Ltmp0:
0x25: {  	_ = 	snop;
	(pc) =	sbr.rel @p0 .LBB2_2-.Ltmp0, $4  }
0x26: {  	_ = 	snop  }
0x27: {  	s16 =	sadd.s32 $0x200, s16  }
0x28: {  	_ =	swait.ge [sflag:s11], $0x80  }
0x29: {  	[sflag:s11] =	ssyncset.done $0x0  }
0x2a: {  	[sflag:s11] =	ssyncadd.s32 $0xFFFFFF80  }
0x2b: {  	[bflag:$0x0] =	sbarrier.arrive $0xFFFF  }
0x2c: {  	[tilespmem:s12], [sflag:$0x1] =	stream.linear.gather [spmem:s6], $0x280, $0x38;
	[tilespmem:$0x2D80] =	vst v63  }
0x2d: {  	s15 =	sadd.s32 $0x1, s15;
	_ =	swait.ge [sflag:s11], $0x280  }
0x2e: {  	p0 =	sne.s32 s15, s9;
	[sflag:s11] =	ssyncset.done $0x0  }
.Ltmp1:
0x2f: {  	[sflag:s11] =	ssyncadd.s32 $0xFFFFFD80;
	(pc) =	sbr.rel @p0 .LBB2_1-.Ltmp1, $4  }
0x30: {  	[hbm4b:s8+s13] =	stream.strided.scatter [tilespmem:s12], [sflag:$0x1], $0x280, s14, s13, $0x38;
	[tilespmem:$0x2D80] =	vst v63  }
0x31: {  	_ =	swait.ge [sflag:s11], $0x280  }
0x32: {  	[sflag:s11] =	ssyncset.done $0x0  }
0x33: {  	[sflag:s11] =	ssyncadd.s32 $0xFFFFFD80  }
0x34: {  	_ =	sfence.sel $0x180000  }
0x35: {  	[bflag:$0x0] =	sbarrier.arrive $0xFFFF  }
0x36: {  	p0 =	sne.s32 s0, $0x0;
	_ =	strace $0x90000047  }
0x37: {  	s0 =	sadd.s32 @!p0 $0x100000, s1;
	[bflag:$0x2] =	sbarrier.arrive $0xFFFF  }
0x38: {  	[sflag:s0] =	ssyncadd.tile.s32 @!p0 $0x1;
	_ =	shalt  }
.Lfunc_end2:
_tile_overlayer_lowered:
.L_overlay_start_2:
0x39: {  	(tag) =	ssettag $0x2  }
0x3a: {  	s0 =	rddreg [dreg:$0x0];
	s2 =	stileid.u32  }
0x3b: {  	s1 =	rddreg [dreg:$0x1];
	p0 =	sne.s32 s2, $0x0  }
0x3c: {  	s3 =	rddreg [dreg:$0x2];
	[bflag:$0x3] =	sbarrier.arrive $0xFFFF;
	s2 =	simm.s32 @!p0 $0x1C01  }
0x3d: {  	[timem:s3], [sflag:s2] =	dma.local @!p0 [hbm:s0], s1  }
0x3e: {  	s0 =	simm.s32 @!p0 $0x1  }
0x3f: {  	_ =	swait.ge @!p0 [sflag:s0], s1  }
0x40: {  	s1 =	ssub.s32 @!p0 $0x0, s1;
	[sflag:s0] =	ssyncset.done @!p0 $0x0  }
0x41: {  	[sflag:s0] =	ssyncadd.s32 @!p0 s1  }
0x42: {  	[bflag:$0x3] =	sbarrier.arrive $0xFFFF  }
0x43: {  	_ =	shalt  }

// kernel: kernel.13.cloned.1.call-start
scs
__scs_entry_jumppad:
0x0: {  	(pc) =	sbr.rel $0x88, $3  }
0x1: {  	(tag) =	ssettag $0x0;
	lr =	simm.s32 $0x1  }
0x2: {  	[smem:$0x3F97] =	sst lr;
	_ =	strace $0xD0000000  }
0x3: {  	_ = 	snop  }
0x4: {  	_ = 	snop  }
0x5: {  	_ = 	snop  }
0x6: {  	_ = 	snop  }
0x7: {  	_ = 	snop  }
__scs_overlays_trampoline_lowered:
0x8: {  	[smem:$0x3FA6] =	sst s0  }
0x9: {  	[smem:$0x3FA7] =	sst s1  }
0xa: {  	[smem:$0x3FA8] =	sst s2  }
0xb: {  	[smem:$0x3FA9] =	sst s3  }
0xc: {  	[smem:$0x3FAA] =	sst s4  }
0xd: {  	[smem:$0x3FAB] =	sst s5  }
0xe: {  	[smem:$0x3FAC] =	sst s6  }
0xf: {  	[smem:$0x3FAD] =	sst s7  }
0x10: {  	[smem:$0x3FAE] =	sst s8  }
0x11: {  	[smem:$0x3FAF] =	sst s9;
	s0 =	simm.s32 @!p0 $0x0  }
0x12: {  	s1 =	sld [smem:$0x3F95];
	s0 =	simm.s32 @p0 $0x1  }
0x13: {  	[smem:$0x3FB0] =	sst s0;
	s0 =	simm.s32 @!p1 $0x0  }
0x14: {  	s2 =	sld [smem:$0x3F94];
	s0 =	simm.s32 @p1 $0x1  }
0x15: {  	[smem:$0x3FB1] =	sst s0;
	s0 =	simm.s32 @!p2 $0x0  }
0x16: {  	s3 =	sld [smem:$0x3FDB];
	s0 =	simm.s32 @p2 $0x1  }
0x17: {  	s4 =	simm.s32 $0x1BF5;
	[smem:$0x3FB3] =	sst s0  }
0x18: {  	s0 =	sld [smem:$0x3F96];
	_ =	swait.ge [sflag:s4], $0x0  }
0x19: {  	s7 =	sld [smem:$0x3F97]  }
0x1a: {  	s8 =	sadd.s32 $0xFFFFE003, lr  }
0x1b: {  	s9 =	sadd.s32 $0xFFFFFEF7, lr;
	s5 =	simm.s32 $0xFFFFFFFF;
	p2 =	slt.u32 s8, $0xFFFFF086  }
0x1c: {  	p1 =	slt.u32 s9, $0xF7A;
	s5 =	simm.s32 @!p2 $0x0  }
0x1d: {  	s5 =	simm.s32 @p1 $0x1;
	p0 =	seq.s32 s7, s2  }
0x1e: {  	s7 =	smul.u32 @!p0 $0xF7A, s2;
	p2 =	seq.s32 @!p0 s5, $0x0  }
0x1f: {  	s9 =	smul.u32 $0xF7A, s1;
	s8 =	simm.s32 @!p0 $0x1BF5;
	p2 =	por !p2, p0  }
0x20: {  	[sflag:s8] =	ssyncset.s32 @!p0 $0xFFFFF086;
	s6 =	sadd.s32 @!p0 s3, s7;
	s7 =	simm.s32 @!p0 $0x108  }
0x21: {  	s3 =	sadd.s32 s3, s9;
	s6 =	sadd.s32 @!p0 $0x88, s6;
	s7 =	simm.s32 @p2 $0x1082  }
0x22: {  	[simem:s7], [sflag:s8] =	dma.local @!p0 [hbm:s6], $0xF7A  }
0x23: {  	s9 =	sor.u32 $0xD0000000, s2;
	s6 =	simm.s32 $0x108;
	_ =	swait.ge @!p0 [sflag:s8], $0x0  }
0x24: {  	s3 =	sadd.s32 $0x88, s3;
	s6 =	simm.s32 @!p1 $0x1082;
	[sflag:s4] =	ssyncset.s32 $0xFFFFF086  }
0x25: {  	[simem:s6], [sflag:s4] =	dma.local [hbm:s3], $0xF7A  }
0x26: {  	[smem:$0x3F97] =	sst s1;
	(tag) =	ssettag s2;
	_ =	strace s9  }
0x27: {  	s1 =	sld [smem:$0x3FA7]  }
0x28: {  	s2 =	sld [smem:$0x3FA8]  }
0x29: {  	s4 =	sld [smem:$0x3FAA]  }
0x2a: {  	p0 =	seq.s32 s5, $0x0;
	s5 =	sld [smem:$0x3FAB]  }
0x2b: {  	s6 =	sld [smem:$0x3FAC]  }
0x2c: {  	s7 =	sld [smem:$0x3FAD]  }
0x2d: {  	s3 =	simm.s32 $0x108;
	s8 =	sld [smem:$0x3FAE]  }
0x2e: {  	s3 =	simm.s32 @!p0 $0x1082;
	s9 =	sld [smem:$0x3FAF]  }
0x2f: {  	lr =	sadd.s32 s0, s3;
	s0 =	sld [smem:$0x3FA6]  }
0x30: {  	s3 =	sld [smem:$0x3FA9]  }
0x31: {  	[smem:$0x3FB2] =	sst s10  }
0x32: {  	s10 =	sld [smem:$0x3FB0];
	_ =	sdelay $0x3  }
0x33: {  	p0 =	seq.s32 s10, $0x1;
	s10 =	sld [smem:$0x3FB2];
	_ =	sdelay $0x3  }
0x34: {  	[smem:$0x3FB2] =	sst s10  }
0x35: {  	s10 =	sld [smem:$0x3FB1];
	_ =	sdelay $0x3  }
0x36: {  	p1 =	seq.s32 s10, $0x1;
	s10 =	sld [smem:$0x3FB2];
	_ =	sdelay $0x3  }
0x37: {  	[smem:$0x3FB2] =	sst s10  }
0x38: {  	s10 =	sld [smem:$0x3FB3]  }
0x39: {  	_ = 	snop;
	(pc) =	sbr.ind lr, $3  }
0x3a: {  	_ = 	snop  }
0x3b: {  	_ = 	snop  }
0x3c: {  	p2 =	seq.s32 s10, $0x1;
	s10 =	sld [smem:$0x3FB2]  }
0x3d: {  	_ =	shalt  }
0x3e: {  	_ =	shalt  }
0x3f: {  	_ =	shalt  }
0x40: {  	_ =	shalt  }
0x41: {  	_ =	shalt  }
0x42: {  	_ =	shalt  }
0x43: {  	_ =	shalt  }
0x44: {  	_ =	shalt  }
0x45: {  	_ =	shalt  }
0x46: {  	_ =	shalt  }
0x47: {  	_ =	shalt  }
0x48: {  	_ =	shalt  }
0x49: {  	_ =	shalt  }
0x4a: {  	_ =	shalt  }
0x4b: {  	_ =	shalt  }
0x4c: {  	_ =	shalt  }
0x4d: {  	_ =	shalt  }
0x4e: {  	_ =	shalt  }
0x4f: {  	_ =	shalt  }
0x50: {  	_ =	shalt  }
0x51: {  	_ =	shalt  }
0x52: {  	_ =	shalt  }
0x53: {  	_ =	shalt  }
0x54: {  	_ =	shalt  }
0x55: {  	_ =	shalt  }
0x56: {  	_ =	shalt  }
0x57: {  	_ =	shalt  }
0x58: {  	_ =	shalt  }
0x59: {  	_ =	shalt  }
0x5a: {  	_ =	shalt  }
0x5b: {  	_ =	shalt  }
0x5c: {  	_ =	shalt  }
0x5d: {  	_ =	shalt  }
0x5e: {  	_ =	shalt  }
0x5f: {  	_ =	shalt  }
0x60: {  	_ =	shalt  }
0x61: {  	_ =	shalt  }
0x62: {  	_ =	shalt  }
0x63: {  	_ =	shalt  }
0x64: {  	_ =	shalt  }
0x65: {  	_ =	shalt  }
0x66: {  	_ =	shalt  }
0x67: {  	_ =	shalt  }
0x68: {  	_ =	shalt  }
0x69: {  	_ =	shalt  }
0x6a: {  	_ =	shalt  }
0x6b: {  	_ =	shalt  }
0x6c: {  	_ =	shalt  }
0x6d: {  	_ =	shalt  }
0x6e: {  	_ =	shalt  }
0x6f: {  	_ =	shalt  }
0x70: {  	_ =	shalt  }
0x71: {  	_ =	shalt  }
0x72: {  	_ =	shalt  }
0x73: {  	_ =	shalt  }
0x74: {  	_ =	shalt  }
0x75: {  	_ =	shalt  }
0x76: {  	_ =	shalt  }
0x77: {  	_ =	shalt  }
0x78: {  	_ =	shalt  }
0x79: {  	_ =	shalt  }
0x7a: {  	_ =	shalt  }
0x7b: {  	_ =	shalt  }
0x7c: {  	_ =	shalt  }
0x7d: {  	_ =	shalt  }
0x7e: {  	_ =	shalt  }
0x7f: {  	_ =	shalt  }
0x80: {  	_ =	shalt  }
0x81: {  	_ =	shalt  }
0x82: {  	_ =	shalt  }
0x83: {  	_ =	shalt  }
0x84: {  	_ =	shalt  }
0x85: {  	_ =	shalt  }
0x86: {  	_ =	shalt  }
0x87: {  	_ =	shalt  }
.Lfunc_end0:
.L_simem_size_0:
called_computation.1_lowered:
.L_overlay_start_0:
0x88: {  	s2 =	sld [smem:$0x3FD9]  }
0x89: {  	s3 =	sld [smem:$0x3FFE];
	_ =	sdelay $0x1  }
0x8a: {  	s1 =	srdreg.scid  }
0x8b: {  	s0 =	sand.u32 $0x1, s1  }
0x8c: {  	s16 =	sshll.u32 s0, $0xA;
	s2 =	sadd.s32 s3, s2  }
0x8d: {  	s2 =	sadd.s32 s2, s16  }
0x8e: {  	[smem:$0x3FBE] =	sst s2  }
0x8f: {  	_ = 	snop  }
0x90: {  	(tm) =	ssettm $0x1  }
0x91: {  	s17 =	sld [smem:$0x3FFB];
	_ =	sdelay $0x3  }
0x92: {  	_ =	strace s17  }
0x93: {  	s2 =	sld [smem:$0x3FFC];
	_ =	sdelay $0x3  }
0x94: {  	_ =	strace s2  }
0x95: {  	s2 =	sld [smem:$0x3FFD];
	_ =	sdelay $0x3  }
0x96: {  	_ =	strace s2  }
0x97: {  	_ =	strace $0x8FFFFFFF  }
0x98: {  	s18 =	sld [smem:$0x3FDB];
	_ =	sdelay $0x1  }
0x99: {  	s19 =	simm.s32 $_scs_section_size  }
0x9a: {  	s4 =	simm.s32 $_size__tile_overlayer_lowered;
	s5 =	simm.s32 $_tile_overlayer_lowered  }
0x9b: {  	s22 =	simm.s32 $0x1BFF;
	s21 =	sshll.u32 s5, $0x1;
	s2 =	sadd.s32 s19, s18  }
0x9c: {  	s6 =	simm.s32 $0x0;
	s20 =	sshll.u32 s4, $0x1;
	s4 =	sadd.s32 s21, s2  }
0x9d: {  	[timem:s6], [sflag:s22] =	dma.local [hbm:s4], s20  }
0x9e: {  	_ =	swait.ge [sflag:s22], s20  }
0x9f: {  	s3 =	ssub.s32 $0x0, s20;
	[sflag:s22] =	ssyncset.done $0x0  }
0xa0: {  	[sflag:s22] =	ssyncadd.s32 s3;
	_ =	sdelay $0x1  }
0xa1: {  	s23 =	simm.s32 $0x1B8B  }
0xa2: {  	_ =	swait.ge [sflag:s23], $0x1  }
0xa3: {  	[sflag:s23] =	ssyncset.done $0x0  }
0xa4: {  	s25 =	simm.s32 $0x1B8E;
	s24 =	sld [smem:$0x3FFE];
	[sflag:s23] =	ssyncadd.s32 $0xFFFFFFFF  }
0xa5: {  	s26 =	simm.s32 $execute0_lowered;
	[smem:$0x3FD2] =	sst s25  }
0xa6: {  	s4 =	sshll.u32 s26, $0x1;
	_ =	strace $0x80000049;
	[dreg:$0x1] =	wrdreg $0xFFFFFFFF  }
0xa7: {  	s28 =	simm.s32 $_size_execute0_lowered;
	s2 =	sadd.s32 s2, s4;
	[dreg:$0x0] =	wrdreg $0x0  }
0xa8: {  	s4 =	sshll.u32 s28, $0x1;
	[dreg:$0x2] =	wrdreg s2  }
0xa9: {  	[dreg:$0x3] =	wrdreg s4  }
0xaa: {  	[dreg:$0x4] =	wrdreg $0xC0  }
0xab: {  	_ =	task [dreg:s6], $0x5FFFF  }
0xac: {  	[dreg:$0x1] =	wrdreg $0xFFFFFFFF  }
0xad: {  	[dreg:$0x0] =	wrdreg $0x60  }
0xae: {  	[dreg:$0x2] =	wrdreg s24  }
0xaf: {  	[dreg:$0x3] =	wrdreg $0x120000  }
0xb0: {  	[dreg:$0x4] =	wrdreg $0x9  }
0xb1: {  	_ =	task.clear_ibuf [dreg:s6], $0x5FFFF;
	_ =	strace $0x90000049  }
0xb2: {  	s29 =	simm.s32 $0x9;
	_ =	strace $0x8000004B  }
0xb3: {  	_ =	swait.ge [sflag:s29], $0x1  }
0xb4: {  	[sflag:s29] =	ssyncadd.s32 $0xFFFFFFFF  }
0xb5: {  	_ =	strace $0x9000004B  }
0xb6: {  	_ =	sfence  }
0xb7: {  	s30 =	sld [smem:$0x0];
	_ =	sdelay $0x2  }
0xb8: {  	s31 =	sshll.u32 s1, $0xD;
	s1 =	sshrl.u32 s1, $0x2  }
0xb9: {  	s3 =	sand.u32 $0x4000, s31;
	s1 =	sadd.s32 s1, s30  }
0xba: {  	s0 =	sor.u32 s3, s0;
	s1 =	sshll.u32 s1, $0x11  }
0xbb: {  	s0 =	sor.u32 s1, s0  }
0xbc: {  	s0 =	sadd.s32 $0x8F2B, s0  }
0xbd: {  	[sflag:s0] =	ssyncadd.remote.s32 $0x1  }
0xbe: {  	_ =	sfence.sel $0xFFFF  }
0xbf: {  	[dreg:$0x0] =	wrdreg $0xFFFFFFFF;
	(pc) =	sbr.abs _section_cstart, $3  }
0xc0: {  	[dreg:$0x1] =	wrdreg $0xFFFFFFFF  }
0xc1: {  	_ =	task.clear_ibuf [dreg:s6], $0x2FFFF;
	_ =	strace $0x9FFFFFFF  }
0xc2: {  	(tm) =	ssettm $0x7FFFFFFF  }
0xc3: {  	_ =	shalt  }
tec
execute0_lowered:
.L_overlay_start_1:
0x0: {  	(tag) =	ssettag $0x1  }
0x1: {  	s1 =	srdreg.scid;
	s6 =	rddreg [dreg:$0x0]  }
0x2: {  	s0 =	stileid.u32;
	s2 =	rddreg [dreg:$0x1]  }
0x3: {  	s3 =	simm.s32 $0x0;
	s21 =	simm.s32 $0x5000;
	s22 =	simm.s32 $0x80  }
0x4: {  	s23 =	simm.s32 $0xE000;
	s24 =	simm.s32 $0x1;
	s5 =	smul.u32 $0x5000, s0  }
0x5: {  	s25 =	simm.s32 $0x2;
	s26 =	simm.s32 $0x0;
	s15 =	smul.u32 $0x140, s0  }
0x6: {  	s7 =	sand.u32 $0x1, s1;
	s1 =	rddreg [dreg:$0x2];
	s11 =	smul.u32 $0x28000, s0  }
0x7: {  	[smem:$0x7FF] =	sst s3;
	s17 =	sadd.s32 $0x84600, s6;
	s4 =	smul.u32 $0x50000, s7  }
0x8: {  	_ =	strace $0x8000004A;
	s9 =	ssub.s32 $0x2, s7;
	s20 =	smul.u32 $0x2800, s7  }
0x9: {  	s10 =	sshrl.u32 s9, $0x1;
	s28 =	sshrl.u32 s11, $0x2;
	s16 =	sadd.s32 $0x80, s15  }
0xa: {  	s19 =	sadd.s32 $0x100, s15;
	s4 =	sadd.s32 s5, s4;
	s5 =	sshrl.u32 s5, $0x3  }
0xb: {  	s18 =	ssub.s32 s9, s10;
	s29 =	sshll.u32 s16, $0x7;
	s30 =	sshll.u32 s19, $0x7  }
0xc: {  	s7 =	sadd.s32 s28, s2;
	s31 =	sadd.s32 s15, s20;
	s12 =	sadd.s32 s20, s16  }
0xd: {  	s13 =	sadd.s32 s20, s19;
	s20 =	sadd.s32 $0x13C0, s20;
	s8 =	sshrl.u32 s4, $0x3  }
0xe: {  	s4 =	sadd.s32 $0x36400, s6;
	s14 =	sadd.s32 s5, s6;
	s5 =	sadd.s32 $0x3800, s6  }
0xf: {  	s9 =	sadd.s32 s30, s2;
	s11 =	sshll.u32 s31, $0x4;
	s12 =	sshll.u32 s12, $0x4  }
0x10: {  	s13 =	sshll.u32 s13, $0x4;
	s15 =	sadd.s32 s15, s20;
	s16 =	sadd.s32 s16, s20  }
0x11: {  	s19 =	sadd.s32 s19, s20;
	s18 =	smax.u32 s18, $0x1;
	s20 =	simm.s32 $0xA000  }
0x12: {  	s8 =	sadd.s32 s8, s6;
	s10 =	sadd.s32 $0xE400, s14;
	s11 =	sadd.s32 s17, s11  }
0x13: {  	s12 =	sadd.s32 s17, s12;
	s13 =	sadd.s32 s17, s13;
	s14 =	sadd.s32 $0x18400, s14  }
0x14: {  	s15 =	sshll.u32 s15, $0x4;
	s16 =	sshll.u32 s16, $0x4;
	s19 =	sshll.u32 s19, $0x4  }
0x15: {  	s6 =	sadd.s32 $0x22400, s8;
	s8 =	sadd.s32 s29, s2;
	s15 =	sadd.s32 s17, s15  }
0x16: {  	s16 =	sadd.s32 s17, s16;
	s17 =	sadd.s32 s17, s19;
	s19 =	simm.s32 $0x3  }
.LBB2_1:
0x17: {  	[tilespmem:s3], [sflag:$0x3] =	stream.linear.gather [hbm4b:s6+s3], $0x4F00, $0x38;
	[tilespmem:$0x1C000] =	vst v63  }
0x18: {  	_ =	swait.ge [sflag:s19], $0x4F00  }
0x19: {  	[sflag:s19] =	ssyncset.done $0x0  }
0x1a: {  	[sflag:s19] =	ssyncadd.s32 $0xFFFFB100  }
0x1b: {  	[tilespmem:s20], [sflag:$0x3] =	stream.linear.gather [hbm4b:s5+s3], $0x4000, $0x38;
	[tilespmem:$0x1C000] =	vst v63  }
0x1c: {  	_ =	swait.ge [sflag:s19], $0x4000  }
0x1d: {  	[sflag:s19] =	ssyncset.done $0x0  }
0x1e: {  	[sflag:s19] =	ssyncadd.s32 $0xFFFFC000  }
0x1f: {  	[spmem:s7] =	stream.linear.scatter [tilespmem:s20], [sflag:$0x3], $0x4000, $0x38;
	[tilespmem:$0x1C000] =	vst v63  }
0x20: {  	_ =	swait.ge [sflag:s19], $0x4000  }
0x21: {  	[sflag:s19] =	ssyncset.done $0x0  }
0x22: {  	[sflag:s19] =	ssyncadd.s32 $0xFFFFC000  }
0x23: {  	[spmem:s8] =	stream.linear.scatter [tilespmem:s20], [sflag:$0x3], $0x4000, $0x38;
	[tilespmem:$0x1C000] =	vst v63  }
0x24: {  	_ =	swait.ge [sflag:s19], $0x4000  }
0x25: {  	[sflag:s19] =	ssyncset.done $0x0  }
0x26: {  	[sflag:s19] =	ssyncadd.s32 $0xFFFFC000  }
0x27: {  	[spmem:s9] =	stream.linear.scatter [tilespmem:s20], [sflag:$0x3], $0x2000, $0x38;
	[tilespmem:$0x1C000] =	vst v63  }
0x28: {  	_ =	swait.ge [sflag:s19], $0x2000  }
0x29: {  	[sflag:s19] =	ssyncset.done $0x0  }
0x2a: {  	[sflag:s19] =	ssyncadd.s32 $0xFFFFE000  }
0x2b: {  	[tilespmem:s21], [sflag:$0x3] =	stream.linear.gather [hbm4b:s10+s3], $0x4F00, $0x38;
	[tilespmem:$0x1C000] =	vst v63  }
0x2c: {  	_ =	swait.ge [sflag:s19], $0x4F00  }
0x2d: {  	[sflag:s19] =	ssyncset.done $0x0  }
0x2e: {  	[sflag:s19] =	ssyncadd.s32 $0xFFFFB100  }
0x2f: {  	s28 =	simm.s32 $0x0;
	[bflag:$0x0] =	sbarrier.arrive $0xFFFF  }
0x30: {  	[tilespmem:s20], [sflag:$0x1] =	stream.indirect.gather [hbm4b:s4+s22], $0x80, s28, s22, $0xb8;
	[tilespmem:$0x1C000] =	vst v63  }
0x31: {  	s28 =	simm.s32 $0x80  }
0x32: {  	[tilespmem:s23], [sflag:$0x2] =	stream.indirect.gather [hbm4b:s4+s22], $0x80, s28, s22, $0xb8;
	[tilespmem:$0x1C000] =	vst v63  }
0x33: {  	_ =	swait.ge [sflag:s24], $0x4000  }
0x34: {  	[sflag:s24] =	ssyncset.done $0x0  }
0x35: {  	s28 =	simm.s32 $0x5000;
	[sflag:s24] =	ssyncadd.s32 $0xFFFFC000  }
0x36: {  	[spmem:s2] =	stream.indirect.scatter.add.f32 [tilespmem:s20], [sflag:$0x3], $0x80, s28, s22, $0xb8;
	[tilespmem:$0x1C000] =	vst v63  }
0x37: {  	_ =	swait.ge [sflag:s19], $0x4000  }
0x38: {  	[sflag:s19] =	ssyncset.done $0x0  }
0x39: {  	[sflag:s19] =	ssyncadd.s32 $0xFFFFC000  }
0x3a: {  	_ =	swait.ge [sflag:s25], $0x4000  }
0x3b: {  	[sflag:s25] =	ssyncset.done $0x0  }
0x3c: {  	s28 =	simm.s32 $0x5080;
	[sflag:s25] =	ssyncadd.s32 $0xFFFFC000  }
0x3d: {  	[spmem:s2] =	stream.indirect.scatter.add.f32 [tilespmem:s23], [sflag:$0x3], $0x80, s28, s22, $0xb8;
	[tilespmem:$0x1C000] =	vst v63  }
0x3e: {  	_ =	swait.ge [sflag:s19], $0x4000  }
0x3f: {  	s29 =	simm.s32 $0x800;
	s28 =	simm.s32 $0x400;
	[sflag:s19] =	ssyncset.done $0x0  }
.LBB2_2:
0x40: {  	s30 =	sshra.s32 s28, $0x2  }
0x41: {  	[sflag:s19] =	ssyncadd.s32 $0xFFFFC000;
	s28 =	smov.u32 s29;
	s31 =	sadd.s32 $0x400, s29  }
0x42: {  	[tilespmem:s20], [sflag:$0x1] =	stream.indirect.gather [hbm4b:s4+s22], $0x80, s30, s22, $0xb8;
	[tilespmem:$0x1C000] =	vst v63  }
0x43: {  	p0 =	sne.s32 s29, $0x13800;
	s29 =	sadd.s32 $0x80, s30  }
0x44: {  	[tilespmem:s23], [sflag:$0x2] =	stream.indirect.gather [hbm4b:s4+s22], $0x80, s29, s22, $0xb8;
	[tilespmem:$0x1C000] =	vst v63  }
0x45: {  	_ =	swait.ge [sflag:s24], $0x4000  }
0x46: {  	[sflag:s24] =	ssyncset.done $0x0  }
0x47: {  	s29 =	sadd.s32 $0x5000, s30;
	[sflag:s24] =	ssyncadd.s32 $0xFFFFC000  }
0x48: {  	[spmem:s2] =	stream.indirect.scatter.add.f32 [tilespmem:s20], [sflag:$0x3], $0x80, s29, s22, $0xb8;
	[tilespmem:$0x1C000] =	vst v63  }
0x49: {  	_ =	swait.ge [sflag:s19], $0x4000  }
0x4a: {  	[sflag:s19] =	ssyncset.done $0x0  }
0x4b: {  	[sflag:s19] =	ssyncadd.s32 $0xFFFFC000  }
0x4c: {  	_ =	swait.ge [sflag:s25], $0x4000  }
.Ltmp0:
0x4d: {  	[sflag:s25] =	ssyncset.done $0x0;
	(pc) =	sbr.rel @p0 .LBB2_2-.Ltmp0, $4  }
0x4e: {  	s29 =	sadd.s32 $0x5080, s30;
	[sflag:s25] =	ssyncadd.s32 $0xFFFFC000  }
0x4f: {  	[spmem:s2] =	stream.indirect.scatter.add.f32 [tilespmem:s23], [sflag:$0x3], $0x80, s29, s22, $0xb8;
	[tilespmem:$0x1C000] =	vst v63  }
0x50: {  	_ =	swait.ge [sflag:s19], $0x4000  }
0x51: {  	s29 =	smov.u32 s31;
	[sflag:s19] =	ssyncset.done $0x0  }
0x52: {  	s28 =	sshra.s32 s28, $0x2;
	[sflag:s19] =	ssyncadd.s32 $0xFFFFC000  }
0x53: {  	[tilespmem:s20], [sflag:$0x1] =	stream.indirect.gather [hbm4b:s4+s22], $0x80, s28, s22, $0xb8;
	[tilespmem:$0x1C000] =	vst v63  }
0x54: {  	s29 =	sadd.s32 $0x80, s28  }
0x55: {  	[tilespmem:s23], [sflag:$0x2] =	stream.indirect.gather [hbm4b:s4+s22], $0x80, s29, s22, $0xb8;
	[tilespmem:$0x1C000] =	vst v63  }
0x56: {  	_ =	swait.ge [sflag:s24], $0x4000  }
0x57: {  	[sflag:s24] =	ssyncset.done $0x0  }
0x58: {  	s29 =	sadd.s32 $0x5000, s28;
	[sflag:s24] =	ssyncadd.s32 $0xFFFFC000  }
0x59: {  	[spmem:s2] =	stream.indirect.scatter.add.f32 [tilespmem:s20], [sflag:$0x3], $0x80, s29, s22, $0xb8;
	[tilespmem:$0x1C000] =	vst v63  }
0x5a: {  	_ =	swait.ge [sflag:s19], $0x4000  }
0x5b: {  	[sflag:s19] =	ssyncset.done $0x0  }
0x5c: {  	[sflag:s19] =	ssyncadd.s32 $0xFFFFC000  }
0x5d: {  	_ =	swait.ge [sflag:s25], $0x4000  }
0x5e: {  	[sflag:s25] =	ssyncset.done $0x0  }
0x5f: {  	s28 =	sadd.s32 $0x5080, s28;
	[sflag:s25] =	ssyncadd.s32 $0xFFFFC000  }
0x60: {  	[spmem:s2] =	stream.indirect.scatter.add.f32 [tilespmem:s23], [sflag:$0x3], $0x80, s28, s22, $0xb8;
	[tilespmem:$0x1C000] =	vst v63  }
0x61: {  	_ =	swait.ge [sflag:s19], $0x4000  }
0x62: {  	[sflag:s19] =	ssyncset.done $0x0  }
0x63: {  	[sflag:s19] =	ssyncadd.s32 $0xFFFFC000  }
0x64: {  	[bflag:$0x0] =	sbarrier.arrive $0xFFFF  }
0x65: {  	[tilespmem:s20], [sflag:$0x3] =	stream.linear.gather [spmem:s7], $0x4000, $0x38;
	[tilespmem:$0x1C000] =	vst v63  }
0x66: {  	_ =	swait.ge [sflag:s19], $0x4000  }
0x67: {  	[sflag:s19] =	ssyncset.done $0x0  }
0x68: {  	s28 =	simm.s32 $0x0;
	[sflag:s19] =	ssyncadd.s32 $0xFFFFC000  }
0x69: {  	[hbm4b:s11+s28] =	stream.linear.scatter [tilespmem:s20], [sflag:$0x3], $0x4000, $0x38;
	[tilespmem:$0x1C000] =	vst v63  }
0x6a: {  	_ =	swait.ge [sflag:s19], $0x4000  }
0x6b: {  	[sflag:s19] =	ssyncset.done $0x0  }
0x6c: {  	[sflag:s19] =	ssyncadd.s32 $0xFFFFC000  }
0x6d: {  	[tilespmem:s20], [sflag:$0x3] =	stream.linear.gather [spmem:s8], $0x4000, $0x38;
	[tilespmem:$0x1C000] =	vst v63  }
0x6e: {  	_ =	swait.ge [sflag:s19], $0x4000  }
0x6f: {  	[sflag:s19] =	ssyncset.done $0x0  }
0x70: {  	[sflag:s19] =	ssyncadd.s32 $0xFFFFC000  }
0x71: {  	[hbm4b:s12+s28] =	stream.linear.scatter [tilespmem:s20], [sflag:$0x3], $0x4000, $0x38;
	[tilespmem:$0x1C000] =	vst v63  }
0x72: {  	_ =	swait.ge [sflag:s19], $0x4000  }
0x73: {  	[sflag:s19] =	ssyncset.done $0x0  }
0x74: {  	[sflag:s19] =	ssyncadd.s32 $0xFFFFC000  }
0x75: {  	[tilespmem:s20], [sflag:$0x3] =	stream.linear.gather [spmem:s9], $0x2000, $0x38;
	[tilespmem:$0x1C000] =	vst v63  }
0x76: {  	_ =	swait.ge [sflag:s19], $0x2000  }
0x77: {  	[sflag:s19] =	ssyncset.done $0x0  }
0x78: {  	[sflag:s19] =	ssyncadd.s32 $0xFFFFE000  }
0x79: {  	[hbm4b:s13+s28] =	stream.linear.scatter [tilespmem:s20], [sflag:$0x3], $0x2000, $0x38;
	[tilespmem:$0x1C000] =	vst v63  }
0x7a: {  	_ =	swait.ge [sflag:s19], $0x2000  }
0x7b: {  	[sflag:s19] =	ssyncset.done $0x0  }
0x7c: {  	[sflag:s19] =	ssyncadd.s32 $0xFFFFE000  }
0x7d: {  	[tilespmem:s20], [sflag:$0x3] =	stream.linear.gather [hbm4b:s5+s28], $0x4000, $0x38;
	[tilespmem:$0x1C000] =	vst v63  }
0x7e: {  	_ =	swait.ge [sflag:s19], $0x4000  }
0x7f: {  	[sflag:s19] =	ssyncset.done $0x0  }
0x80: {  	[sflag:s19] =	ssyncadd.s32 $0xFFFFC000  }
0x81: {  	[spmem:s7] =	stream.linear.scatter [tilespmem:s20], [sflag:$0x3], $0x4000, $0x38;
	[tilespmem:$0x1C000] =	vst v63  }
0x82: {  	_ =	swait.ge [sflag:s19], $0x4000  }
0x83: {  	[sflag:s19] =	ssyncset.done $0x0  }
0x84: {  	[sflag:s19] =	ssyncadd.s32 $0xFFFFC000  }
0x85: {  	[spmem:s8] =	stream.linear.scatter [tilespmem:s20], [sflag:$0x3], $0x4000, $0x38;
	[tilespmem:$0x1C000] =	vst v63  }
0x86: {  	_ =	swait.ge [sflag:s19], $0x4000  }
0x87: {  	[sflag:s19] =	ssyncset.done $0x0  }
0x88: {  	[sflag:s19] =	ssyncadd.s32 $0xFFFFC000  }
0x89: {  	[spmem:s9] =	stream.linear.scatter [tilespmem:s20], [sflag:$0x3], $0x2000, $0x38;
	[tilespmem:$0x1C000] =	vst v63  }
0x8a: {  	_ =	swait.ge [sflag:s19], $0x2000  }
0x8b: {  	[sflag:s19] =	ssyncset.done $0x0  }
0x8c: {  	[sflag:s19] =	ssyncadd.s32 $0xFFFFE000  }
0x8d: {  	[tilespmem:s21], [sflag:$0x3] =	stream.linear.gather [hbm4b:s14+s28], $0x4F00, $0x38;
	[tilespmem:$0x1C000] =	vst v63  }
0x8e: {  	_ =	swait.ge [sflag:s19], $0x4F00  }
0x8f: {  	[sflag:s19] =	ssyncset.done $0x0  }
0x90: {  	[sflag:s19] =	ssyncadd.s32 $0xFFFFB100  }
0x91: {  	s28 =	simm.s32 $0x0;
	[bflag:$0x0] =	sbarrier.arrive $0xFFFF  }
0x92: {  	[tilespmem:s20], [sflag:$0x1] =	stream.indirect.gather [hbm4b:s4+s22], $0x80, s28, s22, $0xb8;
	[tilespmem:$0x1C000] =	vst v63  }
0x93: {  	s28 =	simm.s32 $0x80  }
0x94: {  	[tilespmem:s23], [sflag:$0x2] =	stream.indirect.gather [hbm4b:s4+s22], $0x80, s28, s22, $0xb8;
	[tilespmem:$0x1C000] =	vst v63  }
0x95: {  	_ =	swait.ge [sflag:s24], $0x4000  }
0x96: {  	[sflag:s24] =	ssyncset.done $0x0  }
0x97: {  	s28 =	simm.s32 $0x5000;
	[sflag:s24] =	ssyncadd.s32 $0xFFFFC000  }
0x98: {  	[spmem:s2] =	stream.indirect.scatter.add.f32 [tilespmem:s20], [sflag:$0x3], $0x80, s28, s22, $0xb8;
	[tilespmem:$0x1C000] =	vst v63  }
0x99: {  	_ =	swait.ge [sflag:s19], $0x4000  }
0x9a: {  	[sflag:s19] =	ssyncset.done $0x0  }
0x9b: {  	[sflag:s19] =	ssyncadd.s32 $0xFFFFC000  }
0x9c: {  	_ =	swait.ge [sflag:s25], $0x4000  }
0x9d: {  	[sflag:s25] =	ssyncset.done $0x0  }
0x9e: {  	s28 =	simm.s32 $0x5080;
	[sflag:s25] =	ssyncadd.s32 $0xFFFFC000  }
0x9f: {  	[spmem:s2] =	stream.indirect.scatter.add.f32 [tilespmem:s23], [sflag:$0x3], $0x80, s28, s22, $0xb8;
	[tilespmem:$0x1C000] =	vst v63  }
0xa0: {  	_ =	swait.ge [sflag:s19], $0x4000  }
0xa1: {  	s29 =	simm.s32 $0x800;
	s28 =	simm.s32 $0x400;
	[sflag:s19] =	ssyncset.done $0x0  }
.LBB2_4:
0xa2: {  	s30 =	sshra.s32 s28, $0x2  }
0xa3: {  	[sflag:s19] =	ssyncadd.s32 $0xFFFFC000;
	s28 =	smov.u32 s29;
	s31 =	sadd.s32 $0x400, s29  }
0xa4: {  	[tilespmem:s20], [sflag:$0x1] =	stream.indirect.gather [hbm4b:s4+s22], $0x80, s30, s22, $0xb8;
	[tilespmem:$0x1C000] =	vst v63  }
0xa5: {  	p0 =	sne.s32 s29, $0x13800;
	s29 =	sadd.s32 $0x80, s30  }
0xa6: {  	[tilespmem:s23], [sflag:$0x2] =	stream.indirect.gather [hbm4b:s4+s22], $0x80, s29, s22, $0xb8;
	[tilespmem:$0x1C000] =	vst v63  }
0xa7: {  	_ =	swait.ge [sflag:s24], $0x4000  }
0xa8: {  	[sflag:s24] =	ssyncset.done $0x0  }
0xa9: {  	s29 =	sadd.s32 $0x5000, s30;
	[sflag:s24] =	ssyncadd.s32 $0xFFFFC000  }
0xaa: {  	[spmem:s2] =	stream.indirect.scatter.add.f32 [tilespmem:s20], [sflag:$0x3], $0x80, s29, s22, $0xb8;
	[tilespmem:$0x1C000] =	vst v63  }
0xab: {  	_ =	swait.ge [sflag:s19], $0x4000  }
0xac: {  	[sflag:s19] =	ssyncset.done $0x0  }
0xad: {  	[sflag:s19] =	ssyncadd.s32 $0xFFFFC000  }
0xae: {  	_ =	swait.ge [sflag:s25], $0x4000  }
.Ltmp1:
0xaf: {  	[sflag:s25] =	ssyncset.done $0x0;
	(pc) =	sbr.rel @p0 .LBB2_4-.Ltmp1, $4  }
0xb0: {  	s29 =	sadd.s32 $0x5080, s30;
	[sflag:s25] =	ssyncadd.s32 $0xFFFFC000  }
0xb1: {  	[spmem:s2] =	stream.indirect.scatter.add.f32 [tilespmem:s23], [sflag:$0x3], $0x80, s29, s22, $0xb8;
	[tilespmem:$0x1C000] =	vst v63  }
0xb2: {  	_ =	swait.ge [sflag:s19], $0x4000  }
0xb3: {  	s29 =	smov.u32 s31;
	[sflag:s19] =	ssyncset.done $0x0  }
0xb4: {  	s28 =	sshra.s32 s28, $0x2;
	[sflag:s19] =	ssyncadd.s32 $0xFFFFC000  }
0xb5: {  	[tilespmem:s20], [sflag:$0x1] =	stream.indirect.gather [hbm4b:s4+s22], $0x80, s28, s22, $0xb8;
	[tilespmem:$0x1C000] =	vst v63  }
0xb6: {  	s29 =	sadd.s32 $0x80, s28  }
0xb7: {  	[tilespmem:s23], [sflag:$0x2] =	stream.indirect.gather [hbm4b:s4+s22], $0x80, s29, s22, $0xb8;
	[tilespmem:$0x1C000] =	vst v63  }
0xb8: {  	_ =	swait.ge [sflag:s24], $0x4000  }
0xb9: {  	[sflag:s24] =	ssyncset.done $0x0  }
0xba: {  	s31 =	sadd.s32 $0x5000, s28;
	[sflag:s24] =	ssyncadd.s32 $0xFFFFC000  }
0xbb: {  	[spmem:s2] =	stream.indirect.scatter.add.f32 [tilespmem:s20], [sflag:$0x3], $0x80, s31, s22, $0xb8;
	[tilespmem:$0x1C000] =	vst v63  }
0xbc: {  	_ =	swait.ge [sflag:s19], $0x4000  }
0xbd: {  	[sflag:s19] =	ssyncset.done $0x0  }
0xbe: {  	[sflag:s19] =	ssyncadd.s32 $0xFFFFC000  }
0xbf: {  	_ =	swait.ge [sflag:s25], $0x4000  }
0xc0: {  	[sflag:s25] =	ssyncset.done $0x0  }
0xc1: {  	s28 =	sadd.s32 $0x5080, s28;
	[sflag:s25] =	ssyncadd.s32 $0xFFFFC000  }
0xc2: {  	[spmem:s2] =	stream.indirect.scatter.add.f32 [tilespmem:s23], [sflag:$0x3], $0x80, s28, s22, $0xb8;
	[tilespmem:$0x1C000] =	vst v63  }
0xc3: {  	_ =	swait.ge [sflag:s19], $0x4000  }
0xc4: {  	[sflag:s19] =	ssyncset.done $0x0  }
0xc5: {  	[sflag:s19] =	ssyncadd.s32 $0xFFFFC000  }
0xc6: {  	[bflag:$0x0] =	sbarrier.arrive $0xFFFF  }
0xc7: {  	[tilespmem:s20], [sflag:$0x3] =	stream.linear.gather [spmem:s7], $0x4000, $0x38;
	[tilespmem:$0x1C000] =	vst v63  }
0xc8: {  	_ =	swait.ge [sflag:s19], $0x4000  }
0xc9: {  	[sflag:s19] =	ssyncset.done $0x0  }
0xca: {  	[sflag:s19] =	ssyncadd.s32 $0xFFFFC000  }
0xcb: {  	[hbm4b:s15+s3] =	stream.linear.scatter [tilespmem:s20], [sflag:$0x3], $0x4000, $0x38;
	[tilespmem:$0x1C000] =	vst v63  }
0xcc: {  	_ =	swait.ge [sflag:s19], $0x4000  }
0xcd: {  	[sflag:s19] =	ssyncset.done $0x0  }
0xce: {  	[sflag:s19] =	ssyncadd.s32 $0xFFFFC000  }
0xcf: {  	[tilespmem:s20], [sflag:$0x3] =	stream.linear.gather [spmem:s8], $0x4000, $0x38;
	[tilespmem:$0x1C000] =	vst v63  }
0xd0: {  	_ =	swait.ge [sflag:s19], $0x4000  }
0xd1: {  	[sflag:s19] =	ssyncset.done $0x0  }
0xd2: {  	[sflag:s19] =	ssyncadd.s32 $0xFFFFC000  }
0xd3: {  	[hbm4b:s16+s3] =	stream.linear.scatter [tilespmem:s20], [sflag:$0x3], $0x4000, $0x38;
	[tilespmem:$0x1C000] =	vst v63  }
0xd4: {  	_ =	swait.ge [sflag:s19], $0x4000  }
0xd5: {  	[sflag:s19] =	ssyncset.done $0x0  }
0xd6: {  	[sflag:s19] =	ssyncadd.s32 $0xFFFFC000  }
0xd7: {  	[tilespmem:s20], [sflag:$0x3] =	stream.linear.gather [spmem:s9], $0x2000, $0x38;
	[tilespmem:$0x1C000] =	vst v63  }
0xd8: {  	s26 =	sadd.s32 $0x1, s26;
	_ =	swait.ge [sflag:s19], $0x2000  }
0xd9: {  	p0 =	sne.s32 s26, s18;
	[sflag:s19] =	ssyncset.done $0x0  }
.Ltmp2:
0xda: {  	[sflag:s19] =	ssyncadd.s32 $0xFFFFE000;
	(pc) =	sbr.rel @p0 .LBB2_1-.Ltmp2, $4  }
0xdb: {  	[hbm4b:s17+s3] =	stream.linear.scatter [tilespmem:s20], [sflag:$0x3], $0x2000, $0x38;
	[tilespmem:$0x1C000] =	vst v63  }
0xdc: {  	_ =	swait.ge [sflag:s19], $0x2000  }
0xdd: {  	[sflag:s19] =	ssyncset.done $0x0  }
0xde: {  	[sflag:s19] =	ssyncadd.s32 $0xFFFFE000  }
0xdf: {  	_ =	sfence.sel $0x180000  }
0xe0: {  	[bflag:$0x0] =	sbarrier.arrive $0xFFFF  }
0xe1: {  	p0 =	sne.s32 s0, $0x0;
	_ =	strace $0x9000004A  }
0xe2: {  	s0 =	sadd.s32 @!p0 $0x100000, s1;
	[bflag:$0x2] =	sbarrier.arrive $0xFFFF  }
0xe3: {  	[sflag:s0] =	ssyncadd.tile.s32 @!p0 $0x1;
	_ =	shalt  }
.Lfunc_end2:
_tile_overlayer_lowered:
.L_overlay_start_2:
0xe4: {  	(tag) =	ssettag $0x2  }
0xe5: {  	s0 =	rddreg [dreg:$0x0];
	s2 =	stileid.u32  }
0xe6: {  	s1 =	rddreg [dreg:$0x1];
	p0 =	sne.s32 s2, $0x0  }
0xe7: {  	s3 =	rddreg [dreg:$0x2];
	[bflag:$0x3] =	sbarrier.arrive $0xFFFF;
	s2 =	simm.s32 @!p0 $0x1C03  }
0xe8: {  	[timem:s3], [sflag:s2] =	dma.local @!p0 [hbm:s0], s1  }
0xe9: {  	s0 =	simm.s32 @!p0 $0x3  }
0xea: {  	_ =	swait.ge @!p0 [sflag:s0], s1  }
0xeb: {  	s1 =	ssub.s32 @!p0 $0x0, s1;
	[sflag:s0] =	ssyncset.done @!p0 $0x0  }
0xec: {  	[sflag:s0] =	ssyncadd.s32 @!p0 s1  }
0xed: {  	[bflag:$0x3] =	sbarrier.arrive $0xFFFF  }
0xee: {  	_ =	shalt  }

// kernel: kernel.16.cloned.1.call-start
scs
__scs_entry_jumppad:
0x0: {  	(pc) =	sbr.rel $0x88, $3  }
0x1: {  	(tag) =	ssettag $0x0;
	lr =	simm.s32 $0x1  }
0x2: {  	[smem:$0x3F97] =	sst lr;
	_ =	strace $0xD0000000  }
0x3: {  	_ = 	snop  }
0x4: {  	_ = 	snop  }
0x5: {  	_ = 	snop  }
0x6: {  	_ = 	snop  }
0x7: {  	_ = 	snop  }
__scs_overlays_trampoline_lowered:
0x8: {  	[smem:$0x3FA6] =	sst s0  }
0x9: {  	[smem:$0x3FA7] =	sst s1  }
0xa: {  	[smem:$0x3FA8] =	sst s2  }
0xb: {  	[smem:$0x3FA9] =	sst s3  }
0xc: {  	[smem:$0x3FAA] =	sst s4  }
0xd: {  	[smem:$0x3FAB] =	sst s5  }
0xe: {  	[smem:$0x3FAC] =	sst s6  }
0xf: {  	[smem:$0x3FAD] =	sst s7  }
0x10: {  	[smem:$0x3FAE] =	sst s8  }
0x11: {  	[smem:$0x3FAF] =	sst s9;
	s0 =	simm.s32 @!p0 $0x0  }
0x12: {  	s1 =	sld [smem:$0x3F95];
	s0 =	simm.s32 @p0 $0x1  }
0x13: {  	[smem:$0x3FB0] =	sst s0;
	s0 =	simm.s32 @!p1 $0x0  }
0x14: {  	s2 =	sld [smem:$0x3F94];
	s0 =	simm.s32 @p1 $0x1  }
0x15: {  	[smem:$0x3FB1] =	sst s0;
	s0 =	simm.s32 @!p2 $0x0  }
0x16: {  	s3 =	sld [smem:$0x3FDB];
	s0 =	simm.s32 @p2 $0x1  }
0x17: {  	s4 =	simm.s32 $0x1BF5;
	[smem:$0x3FB3] =	sst s0  }
0x18: {  	s0 =	sld [smem:$0x3F96];
	_ =	swait.ge [sflag:s4], $0x0  }
0x19: {  	s7 =	sld [smem:$0x3F97]  }
0x1a: {  	s8 =	sadd.s32 $0xFFFFE003, lr  }
0x1b: {  	s9 =	sadd.s32 $0xFFFFFEF7, lr;
	s5 =	simm.s32 $0xFFFFFFFF;
	p2 =	slt.u32 s8, $0xFFFFF086  }
0x1c: {  	p1 =	slt.u32 s9, $0xF7A;
	s5 =	simm.s32 @!p2 $0x0  }
0x1d: {  	s5 =	simm.s32 @p1 $0x1;
	p0 =	seq.s32 s7, s2  }
0x1e: {  	s7 =	smul.u32 @!p0 $0xF7A, s2;
	p2 =	seq.s32 @!p0 s5, $0x0  }
0x1f: {  	s9 =	smul.u32 $0xF7A, s1;
	s8 =	simm.s32 @!p0 $0x1BF5;
	p2 =	por !p2, p0  }
0x20: {  	[sflag:s8] =	ssyncset.s32 @!p0 $0xFFFFF086;
	s6 =	sadd.s32 @!p0 s3, s7;
	s7 =	simm.s32 @!p0 $0x108  }
0x21: {  	s3 =	sadd.s32 s3, s9;
	s6 =	sadd.s32 @!p0 $0x88, s6;
	s7 =	simm.s32 @p2 $0x1082  }
0x22: {  	[simem:s7], [sflag:s8] =	dma.local @!p0 [hbm:s6], $0xF7A  }
0x23: {  	s9 =	sor.u32 $0xD0000000, s2;
	s6 =	simm.s32 $0x108;
	_ =	swait.ge @!p0 [sflag:s8], $0x0  }
0x24: {  	s3 =	sadd.s32 $0x88, s3;
	s6 =	simm.s32 @!p1 $0x1082;
	[sflag:s4] =	ssyncset.s32 $0xFFFFF086  }
0x25: {  	[simem:s6], [sflag:s4] =	dma.local [hbm:s3], $0xF7A  }
0x26: {  	[smem:$0x3F97] =	sst s1;
	(tag) =	ssettag s2;
	_ =	strace s9  }
0x27: {  	s1 =	sld [smem:$0x3FA7]  }
0x28: {  	s2 =	sld [smem:$0x3FA8]  }
0x29: {  	s4 =	sld [smem:$0x3FAA]  }
0x2a: {  	p0 =	seq.s32 s5, $0x0;
	s5 =	sld [smem:$0x3FAB]  }
0x2b: {  	s6 =	sld [smem:$0x3FAC]  }
0x2c: {  	s7 =	sld [smem:$0x3FAD]  }
0x2d: {  	s3 =	simm.s32 $0x108;
	s8 =	sld [smem:$0x3FAE]  }
0x2e: {  	s3 =	simm.s32 @!p0 $0x1082;
	s9 =	sld [smem:$0x3FAF]  }
0x2f: {  	lr =	sadd.s32 s0, s3;
	s0 =	sld [smem:$0x3FA6]  }
0x30: {  	s3 =	sld [smem:$0x3FA9]  }
0x31: {  	[smem:$0x3FB2] =	sst s10  }
0x32: {  	s10 =	sld [smem:$0x3FB0];
	_ =	sdelay $0x3  }
0x33: {  	p0 =	seq.s32 s10, $0x1;
	s10 =	sld [smem:$0x3FB2];
	_ =	sdelay $0x3  }
0x34: {  	[smem:$0x3FB2] =	sst s10  }
0x35: {  	s10 =	sld [smem:$0x3FB1];
	_ =	sdelay $0x3  }
0x36: {  	p1 =	seq.s32 s10, $0x1;
	s10 =	sld [smem:$0x3FB2];
	_ =	sdelay $0x3  }
0x37: {  	[smem:$0x3FB2] =	sst s10  }
0x38: {  	s10 =	sld [smem:$0x3FB3]  }
0x39: {  	_ = 	snop;
	(pc) =	sbr.ind lr, $3  }
0x3a: {  	_ = 	snop  }
0x3b: {  	_ = 	snop  }
0x3c: {  	p2 =	seq.s32 s10, $0x1;
	s10 =	sld [smem:$0x3FB2]  }
0x3d: {  	_ =	shalt  }
0x3e: {  	_ =	shalt  }
0x3f: {  	_ =	shalt  }
0x40: {  	_ =	shalt  }
0x41: {  	_ =	shalt  }
0x42: {  	_ =	shalt  }
0x43: {  	_ =	shalt  }
0x44: {  	_ =	shalt  }
0x45: {  	_ =	shalt  }
0x46: {  	_ =	shalt  }
0x47: {  	_ =	shalt  }
0x48: {  	_ =	shalt  }
0x49: {  	_ =	shalt  }
0x4a: {  	_ =	shalt  }
0x4b: {  	_ =	shalt  }
0x4c: {  	_ =	shalt  }
0x4d: {  	_ =	shalt  }
0x4e: {  	_ =	shalt  }
0x4f: {  	_ =	shalt  }
0x50: {  	_ =	shalt  }
0x51: {  	_ =	shalt  }
0x52: {  	_ =	shalt  }
0x53: {  	_ =	shalt  }
0x54: {  	_ =	shalt  }
0x55: {  	_ =	shalt  }
0x56: {  	_ =	shalt  }
0x57: {  	_ =	shalt  }
0x58: {  	_ =	shalt  }
0x59: {  	_ =	shalt  }
0x5a: {  	_ =	shalt  }
0x5b: {  	_ =	shalt  }
0x5c: {  	_ =	shalt  }
0x5d: {  	_ =	shalt  }
0x5e: {  	_ =	shalt  }
0x5f: {  	_ =	shalt  }
0x60: {  	_ =	shalt  }
0x61: {  	_ =	shalt  }
0x62: {  	_ =	shalt  }
0x63: {  	_ =	shalt  }
0x64: {  	_ =	shalt  }
0x65: {  	_ =	shalt  }
0x66: {  	_ =	shalt  }
0x67: {  	_ =	shalt  }
0x68: {  	_ =	shalt  }
0x69: {  	_ =	shalt  }
0x6a: {  	_ =	shalt  }
0x6b: {  	_ =	shalt  }
0x6c: {  	_ =	shalt  }
0x6d: {  	_ =	shalt  }
0x6e: {  	_ =	shalt  }
0x6f: {  	_ =	shalt  }
0x70: {  	_ =	shalt  }
0x71: {  	_ =	shalt  }
0x72: {  	_ =	shalt  }
0x73: {  	_ =	shalt  }
0x74: {  	_ =	shalt  }
0x75: {  	_ =	shalt  }
0x76: {  	_ =	shalt  }
0x77: {  	_ =	shalt  }
0x78: {  	_ =	shalt  }
0x79: {  	_ =	shalt  }
0x7a: {  	_ =	shalt  }
0x7b: {  	_ =	shalt  }
0x7c: {  	_ =	shalt  }
0x7d: {  	_ =	shalt  }
0x7e: {  	_ =	shalt  }
0x7f: {  	_ =	shalt  }
0x80: {  	_ =	shalt  }
0x81: {  	_ =	shalt  }
0x82: {  	_ =	shalt  }
0x83: {  	_ =	shalt  }
0x84: {  	_ =	shalt  }
0x85: {  	_ =	shalt  }
0x86: {  	_ =	shalt  }
0x87: {  	_ =	shalt  }
.Lfunc_end0:
.L_simem_size_0:
called_computation.2_lowered:
.L_overlay_start_0:
0x88: {  	s2 =	sld [smem:$0x3FD9]  }
0x89: {  	s3 =	sld [smem:$0x3FFE];
	_ =	sdelay $0x1  }
0x8a: {  	s1 =	srdreg.scid  }
0x8b: {  	s0 =	sand.u32 $0x1, s1  }
0x8c: {  	s16 =	sshll.u32 s0, $0xA;
	s2 =	sadd.s32 s3, s2  }
0x8d: {  	s2 =	sadd.s32 s2, s16  }
0x8e: {  	[smem:$0x3FBE] =	sst s2  }
0x8f: {  	_ = 	snop  }
0x90: {  	(tm) =	ssettm $0x1  }
0x91: {  	s17 =	sld [smem:$0x3FFB];
	_ =	sdelay $0x3  }
0x92: {  	_ =	strace s17  }
0x93: {  	s2 =	sld [smem:$0x3FFC];
	_ =	sdelay $0x3  }
0x94: {  	_ =	strace s2  }
0x95: {  	s2 =	sld [smem:$0x3FFD];
	_ =	sdelay $0x3  }
0x96: {  	_ =	strace s2  }
0x97: {  	_ =	strace $0x8FFFFFFF  }
0x98: {  	s18 =	sld [smem:$0x3FDB];
	_ =	sdelay $0x1  }
0x99: {  	s19 =	simm.s32 $_scs_section_size  }
0x9a: {  	s4 =	simm.s32 $_size__tile_overlayer_lowered;
	s5 =	simm.s32 $_tile_overlayer_lowered  }
0x9b: {  	s22 =	simm.s32 $0x1BFF;
	s21 =	sshll.u32 s5, $0x1;
	s2 =	sadd.s32 s19, s18  }
0x9c: {  	s6 =	simm.s32 $0x0;
	s20 =	sshll.u32 s4, $0x1;
	s4 =	sadd.s32 s21, s2  }
0x9d: {  	[timem:s6], [sflag:s22] =	dma.local [hbm:s4], s20  }
0x9e: {  	_ =	swait.ge [sflag:s22], s20  }
0x9f: {  	s3 =	ssub.s32 $0x0, s20;
	[sflag:s22] =	ssyncset.done $0x0  }
0xa0: {  	[sflag:s22] =	ssyncadd.s32 s3;
	_ =	sdelay $0x1  }
0xa1: {  	s23 =	simm.s32 $0x1B8B  }
0xa2: {  	_ =	swait.ge [sflag:s23], $0x1  }
0xa3: {  	[sflag:s23] =	ssyncset.done $0x0  }
0xa4: {  	s25 =	simm.s32 $0x1B8E;
	s24 =	sld [smem:$0x3FFE];
	[sflag:s23] =	ssyncadd.s32 $0xFFFFFFFF  }
0xa5: {  	s26 =	simm.s32 $execute0_lowered;
	[smem:$0x3FD2] =	sst s25  }
0xa6: {  	s4 =	sshll.u32 s26, $0x1;
	_ =	strace $0x8000004C;
	[dreg:$0x1] =	wrdreg $0xFFFFFFFF  }
0xa7: {  	s28 =	simm.s32 $_size_execute0_lowered;
	s2 =	sadd.s32 s2, s4;
	[dreg:$0x0] =	wrdreg $0x0  }
0xa8: {  	s4 =	sshll.u32 s28, $0x1;
	[dreg:$0x2] =	wrdreg s2  }
0xa9: {  	[dreg:$0x3] =	wrdreg s4  }
0xaa: {  	[dreg:$0x4] =	wrdreg $0xC0  }
0xab: {  	_ =	task [dreg:s6], $0x5FFFF  }
0xac: {  	[dreg:$0x1] =	wrdreg $0xFFFFFFFF  }
0xad: {  	[dreg:$0x0] =	wrdreg $0x60  }
0xae: {  	[dreg:$0x2] =	wrdreg s24  }
0xaf: {  	[dreg:$0x3] =	wrdreg $0x120000  }
0xb0: {  	[dreg:$0x4] =	wrdreg $0x9  }
0xb1: {  	_ =	task.clear_ibuf [dreg:s6], $0x5FFFF;
	_ =	strace $0x9000004C  }
0xb2: {  	s29 =	simm.s32 $0x9;
	_ =	strace $0x8000004E  }
0xb3: {  	_ =	swait.ge [sflag:s29], $0x1  }
0xb4: {  	[sflag:s29] =	ssyncadd.s32 $0xFFFFFFFF  }
0xb5: {  	_ =	strace $0x9000004E  }
0xb6: {  	_ =	sfence  }
0xb7: {  	s30 =	sld [smem:$0x0];
	_ =	sdelay $0x2  }
0xb8: {  	s31 =	sshll.u32 s1, $0xD;
	s1 =	sshrl.u32 s1, $0x2  }
0xb9: {  	s3 =	sand.u32 $0x4000, s31;
	s1 =	sadd.s32 s1, s30  }
0xba: {  	s0 =	sor.u32 s3, s0;
	s1 =	sshll.u32 s1, $0x11  }
0xbb: {  	s0 =	sor.u32 s1, s0  }
0xbc: {  	s0 =	sadd.s32 $0x8F2B, s0  }
0xbd: {  	[sflag:s0] =	ssyncadd.remote.s32 $0x1  }
0xbe: {  	_ =	sfence.sel $0xFFFF  }
0xbf: {  	[dreg:$0x0] =	wrdreg $0xFFFFFFFF;
	(pc) =	sbr.abs _section_cstart, $3  }
0xc0: {  	[dreg:$0x1] =	wrdreg $0xFFFFFFFF  }
0xc1: {  	_ =	task.clear_ibuf [dreg:s6], $0x2FFFF;
	_ =	strace $0x9FFFFFFF  }
0xc2: {  	(tm) =	ssettm $0x7FFFFFFF  }
0xc3: {  	_ =	shalt  }
tec
execute0_lowered:
.L_overlay_start_1:
0x0: {  	(tag) =	ssettag $0x1  }
0x1: {  	s1 =	srdreg.scid;
	s6 =	rddreg [dreg:$0x0]  }
0x2: {  	s0 =	stileid.u32;
	s2 =	rddreg [dreg:$0x1]  }
0x3: {  	s3 =	simm.s32 $0x0;
	s21 =	simm.s32 $0x5000;
	s22 =	simm.s32 $0x80  }
0x4: {  	s23 =	simm.s32 $0xE000;
	s24 =	simm.s32 $0x1;
	s5 =	smul.u32 $0x5000, s0  }
0x5: {  	s25 =	simm.s32 $0x2;
	s26 =	simm.s32 $0x0;
	s15 =	smul.u32 $0x140, s0  }
0x6: {  	s7 =	sand.u32 $0x1, s1;
	s1 =	rddreg [dreg:$0x2];
	s11 =	smul.u32 $0x28000, s0  }
0x7: {  	[smem:$0x7FF] =	sst s3;
	s17 =	sadd.s32 $0x84600, s6;
	s4 =	smul.u32 $0x50000, s7  }
0x8: {  	_ =	strace $0x8000004D;
	s9 =	ssub.s32 $0x2, s7;
	s20 =	smul.u32 $0x2800, s7  }
0x9: {  	s10 =	sshrl.u32 s9, $0x1;
	s28 =	sshrl.u32 s11, $0x2;
	s16 =	sadd.s32 $0x80, s15  }
0xa: {  	s19 =	sadd.s32 $0x100, s15;
	s4 =	sadd.s32 s5, s4;
	s5 =	sshrl.u32 s5, $0x3  }
0xb: {  	s18 =	ssub.s32 s9, s10;
	s29 =	sshll.u32 s16, $0x7;
	s30 =	sshll.u32 s19, $0x7  }
0xc: {  	s7 =	sadd.s32 s28, s2;
	s31 =	sadd.s32 s15, s20;
	s12 =	sadd.s32 s20, s16  }
0xd: {  	s13 =	sadd.s32 s20, s19;
	s20 =	sadd.s32 $0x13C0, s20;
	s8 =	sshrl.u32 s4, $0x3  }
0xe: {  	s4 =	sadd.s32 $0x36400, s6;
	s14 =	sadd.s32 s5, s6;
	s5 =	sadd.s32 $0x3800, s6  }
0xf: {  	s9 =	sadd.s32 s30, s2;
	s11 =	sshll.u32 s31, $0x4;
	s12 =	sshll.u32 s12, $0x4  }
0x10: {  	s13 =	sshll.u32 s13, $0x4;
	s15 =	sadd.s32 s15, s20;
	s16 =	sadd.s32 s16, s20  }
0x11: {  	s19 =	sadd.s32 s19, s20;
	s18 =	smax.u32 s18, $0x1;
	s20 =	simm.s32 $0xA000  }
0x12: {  	s8 =	sadd.s32 s8, s6;
	s10 =	sadd.s32 $0xE400, s14;
	s11 =	sadd.s32 s17, s11  }
0x13: {  	s12 =	sadd.s32 s17, s12;
	s13 =	sadd.s32 s17, s13;
	s14 =	sadd.s32 $0x18400, s14  }
0x14: {  	s15 =	sshll.u32 s15, $0x4;
	s16 =	sshll.u32 s16, $0x4;
	s19 =	sshll.u32 s19, $0x4  }
0x15: {  	s6 =	sadd.s32 $0x22400, s8;
	s8 =	sadd.s32 s29, s2;
	s15 =	sadd.s32 s17, s15  }
0x16: {  	s16 =	sadd.s32 s17, s16;
	s17 =	sadd.s32 s17, s19;
	s19 =	simm.s32 $0x3  }
.LBB2_1:
0x17: {  	[tilespmem:s3], [sflag:$0x3] =	stream.linear.gather [hbm4b:s6+s3], $0x4F00, $0x38;
	[tilespmem:$0x1C000] =	vst v63  }
0x18: {  	_ =	swait.ge [sflag:s19], $0x4F00  }
0x19: {  	[sflag:s19] =	ssyncset.done $0x0  }
0x1a: {  	[sflag:s19] =	ssyncadd.s32 $0xFFFFB100  }
0x1b: {  	[tilespmem:s20], [sflag:$0x3] =	stream.linear.gather [hbm4b:s5+s3], $0x4000, $0x38;
	[tilespmem:$0x1C000] =	vst v63  }
0x1c: {  	_ =	swait.ge [sflag:s19], $0x4000  }
0x1d: {  	[sflag:s19] =	ssyncset.done $0x0  }
0x1e: {  	[sflag:s19] =	ssyncadd.s32 $0xFFFFC000  }
0x1f: {  	[spmem:s7] =	stream.linear.scatter [tilespmem:s20], [sflag:$0x3], $0x4000, $0x38;
	[tilespmem:$0x1C000] =	vst v63  }
0x20: {  	_ =	swait.ge [sflag:s19], $0x4000  }
0x21: {  	[sflag:s19] =	ssyncset.done $0x0  }
0x22: {  	[sflag:s19] =	ssyncadd.s32 $0xFFFFC000  }
0x23: {  	[spmem:s8] =	stream.linear.scatter [tilespmem:s20], [sflag:$0x3], $0x4000, $0x38;
	[tilespmem:$0x1C000] =	vst v63  }
0x24: {  	_ =	swait.ge [sflag:s19], $0x4000  }
0x25: {  	[sflag:s19] =	ssyncset.done $0x0  }
0x26: {  	[sflag:s19] =	ssyncadd.s32 $0xFFFFC000  }
0x27: {  	[spmem:s9] =	stream.linear.scatter [tilespmem:s20], [sflag:$0x3], $0x2000, $0x38;
	[tilespmem:$0x1C000] =	vst v63  }
0x28: {  	_ =	swait.ge [sflag:s19], $0x2000  }
0x29: {  	[sflag:s19] =	ssyncset.done $0x0  }
0x2a: {  	[sflag:s19] =	ssyncadd.s32 $0xFFFFE000  }
0x2b: {  	[tilespmem:s21], [sflag:$0x3] =	stream.linear.gather [hbm4b:s10+s3], $0x4F00, $0x38;
	[tilespmem:$0x1C000] =	vst v63  }
0x2c: {  	_ =	swait.ge [sflag:s19], $0x4F00  }
0x2d: {  	[sflag:s19] =	ssyncset.done $0x0  }
0x2e: {  	[sflag:s19] =	ssyncadd.s32 $0xFFFFB100  }
0x2f: {  	s28 =	simm.s32 $0x0;
	[bflag:$0x0] =	sbarrier.arrive $0xFFFF  }
0x30: {  	[tilespmem:s20], [sflag:$0x1] =	stream.indirect.gather [hbm4b:s4+s22], $0x80, s28, s22, $0xb8;
	[tilespmem:$0x1C000] =	vst v63  }
0x31: {  	s28 =	simm.s32 $0x80  }
0x32: {  	[tilespmem:s23], [sflag:$0x2] =	stream.indirect.gather [hbm4b:s4+s22], $0x80, s28, s22, $0xb8;
	[tilespmem:$0x1C000] =	vst v63  }
0x33: {  	_ =	swait.ge [sflag:s24], $0x4000  }
0x34: {  	[sflag:s24] =	ssyncset.done $0x0  }
0x35: {  	s28 =	simm.s32 $0x5000;
	[sflag:s24] =	ssyncadd.s32 $0xFFFFC000  }
0x36: {  	[spmem:s2] =	stream.indirect.scatter.add.f32 [tilespmem:s20], [sflag:$0x3], $0x80, s28, s22, $0xb8;
	[tilespmem:$0x1C000] =	vst v63  }
0x37: {  	_ =	swait.ge [sflag:s19], $0x4000  }
0x38: {  	[sflag:s19] =	ssyncset.done $0x0  }
0x39: {  	[sflag:s19] =	ssyncadd.s32 $0xFFFFC000  }
0x3a: {  	_ =	swait.ge [sflag:s25], $0x4000  }
0x3b: {  	[sflag:s25] =	ssyncset.done $0x0  }
0x3c: {  	s28 =	simm.s32 $0x5080;
	[sflag:s25] =	ssyncadd.s32 $0xFFFFC000  }
0x3d: {  	[spmem:s2] =	stream.indirect.scatter.add.f32 [tilespmem:s23], [sflag:$0x3], $0x80, s28, s22, $0xb8;
	[tilespmem:$0x1C000] =	vst v63  }
0x3e: {  	_ =	swait.ge [sflag:s19], $0x4000  }
0x3f: {  	s29 =	simm.s32 $0x800;
	s28 =	simm.s32 $0x400;
	[sflag:s19] =	ssyncset.done $0x0  }
.LBB2_2:
0x40: {  	s30 =	sshra.s32 s28, $0x2  }
0x41: {  	[sflag:s19] =	ssyncadd.s32 $0xFFFFC000;
	s28 =	smov.u32 s29;
	s31 =	sadd.s32 $0x400, s29  }
0x42: {  	[tilespmem:s20], [sflag:$0x1] =	stream.indirect.gather [hbm4b:s4+s22], $0x80, s30, s22, $0xb8;
	[tilespmem:$0x1C000] =	vst v63  }
0x43: {  	p0 =	sne.s32 s29, $0x13800;
	s29 =	sadd.s32 $0x80, s30  }
0x44: {  	[tilespmem:s23], [sflag:$0x2] =	stream.indirect.gather [hbm4b:s4+s22], $0x80, s29, s22, $0xb8;
	[tilespmem:$0x1C000] =	vst v63  }
0x45: {  	_ =	swait.ge [sflag:s24], $0x4000  }
0x46: {  	[sflag:s24] =	ssyncset.done $0x0  }
0x47: {  	s29 =	sadd.s32 $0x5000, s30;
	[sflag:s24] =	ssyncadd.s32 $0xFFFFC000  }
0x48: {  	[spmem:s2] =	stream.indirect.scatter.add.f32 [tilespmem:s20], [sflag:$0x3], $0x80, s29, s22, $0xb8;
	[tilespmem:$0x1C000] =	vst v63  }
0x49: {  	_ =	swait.ge [sflag:s19], $0x4000  }
0x4a: {  	[sflag:s19] =	ssyncset.done $0x0  }
0x4b: {  	[sflag:s19] =	ssyncadd.s32 $0xFFFFC000  }
0x4c: {  	_ =	swait.ge [sflag:s25], $0x4000  }
.Ltmp0:
0x4d: {  	[sflag:s25] =	ssyncset.done $0x0;
	(pc) =	sbr.rel @p0 .LBB2_2-.Ltmp0, $4  }
0x4e: {  	s29 =	sadd.s32 $0x5080, s30;
	[sflag:s25] =	ssyncadd.s32 $0xFFFFC000  }
0x4f: {  	[spmem:s2] =	stream.indirect.scatter.add.f32 [tilespmem:s23], [sflag:$0x3], $0x80, s29, s22, $0xb8;
	[tilespmem:$0x1C000] =	vst v63  }
0x50: {  	_ =	swait.ge [sflag:s19], $0x4000  }
0x51: {  	s29 =	smov.u32 s31;
	[sflag:s19] =	ssyncset.done $0x0  }
0x52: {  	s28 =	sshra.s32 s28, $0x2;
	[sflag:s19] =	ssyncadd.s32 $0xFFFFC000  }
0x53: {  	[tilespmem:s20], [sflag:$0x1] =	stream.indirect.gather [hbm4b:s4+s22], $0x80, s28, s22, $0xb8;
	[tilespmem:$0x1C000] =	vst v63  }
0x54: {  	s29 =	sadd.s32 $0x80, s28  }
0x55: {  	[tilespmem:s23], [sflag:$0x2] =	stream.indirect.gather [hbm4b:s4+s22], $0x80, s29, s22, $0xb8;
	[tilespmem:$0x1C000] =	vst v63  }
0x56: {  	_ =	swait.ge [sflag:s24], $0x4000  }
0x57: {  	[sflag:s24] =	ssyncset.done $0x0  }
0x58: {  	s29 =	sadd.s32 $0x5000, s28;
	[sflag:s24] =	ssyncadd.s32 $0xFFFFC000  }
0x59: {  	[spmem:s2] =	stream.indirect.scatter.add.f32 [tilespmem:s20], [sflag:$0x3], $0x80, s29, s22, $0xb8;
	[tilespmem:$0x1C000] =	vst v63  }
0x5a: {  	_ =	swait.ge [sflag:s19], $0x4000  }
0x5b: {  	[sflag:s19] =	ssyncset.done $0x0  }
0x5c: {  	[sflag:s19] =	ssyncadd.s32 $0xFFFFC000  }
0x5d: {  	_ =	swait.ge [sflag:s25], $0x4000  }
0x5e: {  	[sflag:s25] =	ssyncset.done $0x0  }
0x5f: {  	s28 =	sadd.s32 $0x5080, s28;
	[sflag:s25] =	ssyncadd.s32 $0xFFFFC000  }
0x60: {  	[spmem:s2] =	stream.indirect.scatter.add.f32 [tilespmem:s23], [sflag:$0x3], $0x80, s28, s22, $0xb8;
	[tilespmem:$0x1C000] =	vst v63  }
0x61: {  	_ =	swait.ge [sflag:s19], $0x4000  }
0x62: {  	[sflag:s19] =	ssyncset.done $0x0  }
0x63: {  	[sflag:s19] =	ssyncadd.s32 $0xFFFFC000  }
0x64: {  	[bflag:$0x0] =	sbarrier.arrive $0xFFFF  }
0x65: {  	[tilespmem:s20], [sflag:$0x3] =	stream.linear.gather [spmem:s7], $0x4000, $0x38;
	[tilespmem:$0x1C000] =	vst v63  }
0x66: {  	_ =	swait.ge [sflag:s19], $0x4000  }
0x67: {  	[sflag:s19] =	ssyncset.done $0x0  }
0x68: {  	s28 =	simm.s32 $0x0;
	[sflag:s19] =	ssyncadd.s32 $0xFFFFC000  }
0x69: {  	[hbm4b:s11+s28] =	stream.linear.scatter [tilespmem:s20], [sflag:$0x3], $0x4000, $0x38;
	[tilespmem:$0x1C000] =	vst v63  }
0x6a: {  	_ =	swait.ge [sflag:s19], $0x4000  }
0x6b: {  	[sflag:s19] =	ssyncset.done $0x0  }
0x6c: {  	[sflag:s19] =	ssyncadd.s32 $0xFFFFC000  }
0x6d: {  	[tilespmem:s20], [sflag:$0x3] =	stream.linear.gather [spmem:s8], $0x4000, $0x38;
	[tilespmem:$0x1C000] =	vst v63  }
0x6e: {  	_ =	swait.ge [sflag:s19], $0x4000  }
0x6f: {  	[sflag:s19] =	ssyncset.done $0x0  }
0x70: {  	[sflag:s19] =	ssyncadd.s32 $0xFFFFC000  }
0x71: {  	[hbm4b:s12+s28] =	stream.linear.scatter [tilespmem:s20], [sflag:$0x3], $0x4000, $0x38;
	[tilespmem:$0x1C000] =	vst v63  }
0x72: {  	_ =	swait.ge [sflag:s19], $0x4000  }
0x73: {  	[sflag:s19] =	ssyncset.done $0x0  }
0x74: {  	[sflag:s19] =	ssyncadd.s32 $0xFFFFC000  }
0x75: {  	[tilespmem:s20], [sflag:$0x3] =	stream.linear.gather [spmem:s9], $0x2000, $0x38;
	[tilespmem:$0x1C000] =	vst v63  }
0x76: {  	_ =	swait.ge [sflag:s19], $0x2000  }
0x77: {  	[sflag:s19] =	ssyncset.done $0x0  }
0x78: {  	[sflag:s19] =	ssyncadd.s32 $0xFFFFE000  }
0x79: {  	[hbm4b:s13+s28] =	stream.linear.scatter [tilespmem:s20], [sflag:$0x3], $0x2000, $0x38;
	[tilespmem:$0x1C000] =	vst v63  }
0x7a: {  	_ =	swait.ge [sflag:s19], $0x2000  }
0x7b: {  	[sflag:s19] =	ssyncset.done $0x0  }
0x7c: {  	[sflag:s19] =	ssyncadd.s32 $0xFFFFE000  }
0x7d: {  	[tilespmem:s20], [sflag:$0x3] =	stream.linear.gather [hbm4b:s5+s28], $0x4000, $0x38;
	[tilespmem:$0x1C000] =	vst v63  }
0x7e: {  	_ =	swait.ge [sflag:s19], $0x4000  }
0x7f: {  	[sflag:s19] =	ssyncset.done $0x0  }
0x80: {  	[sflag:s19] =	ssyncadd.s32 $0xFFFFC000  }
0x81: {  	[spmem:s7] =	stream.linear.scatter [tilespmem:s20], [sflag:$0x3], $0x4000, $0x38;
	[tilespmem:$0x1C000] =	vst v63  }
0x82: {  	_ =	swait.ge [sflag:s19], $0x4000  }
0x83: {  	[sflag:s19] =	ssyncset.done $0x0  }
0x84: {  	[sflag:s19] =	ssyncadd.s32 $0xFFFFC000  }
0x85: {  	[spmem:s8] =	stream.linear.scatter [tilespmem:s20], [sflag:$0x3], $0x4000, $0x38;
	[tilespmem:$0x1C000] =	vst v63  }
0x86: {  	_ =	swait.ge [sflag:s19], $0x4000  }
0x87: {  	[sflag:s19] =	ssyncset.done $0x0  }
0x88: {  	[sflag:s19] =	ssyncadd.s32 $0xFFFFC000  }
0x89: {  	[spmem:s9] =	stream.linear.scatter [tilespmem:s20], [sflag:$0x3], $0x2000, $0x38;
	[tilespmem:$0x1C000] =	vst v63  }
0x8a: {  	_ =	swait.ge [sflag:s19], $0x2000  }
0x8b: {  	[sflag:s19] =	ssyncset.done $0x0  }
0x8c: {  	[sflag:s19] =	ssyncadd.s32 $0xFFFFE000  }
0x8d: {  	[tilespmem:s21], [sflag:$0x3] =	stream.linear.gather [hbm4b:s14+s28], $0x4F00, $0x38;
	[tilespmem:$0x1C000] =	vst v63  }
0x8e: {  	_ =	swait.ge [sflag:s19], $0x4F00  }
0x8f: {  	[sflag:s19] =	ssyncset.done $0x0  }
0x90: {  	[sflag:s19] =	ssyncadd.s32 $0xFFFFB100  }
0x91: {  	s28 =	simm.s32 $0x0;
	[bflag:$0x0] =	sbarrier.arrive $0xFFFF  }
0x92: {  	[tilespmem:s20], [sflag:$0x1] =	stream.indirect.gather [hbm4b:s4+s22], $0x80, s28, s22, $0xb8;
	[tilespmem:$0x1C000] =	vst v63  }
0x93: {  	s28 =	simm.s32 $0x80  }
0x94: {  	[tilespmem:s23], [sflag:$0x2] =	stream.indirect.gather [hbm4b:s4+s22], $0x80, s28, s22, $0xb8;
	[tilespmem:$0x1C000] =	vst v63  }
0x95: {  	_ =	swait.ge [sflag:s24], $0x4000  }
0x96: {  	[sflag:s24] =	ssyncset.done $0x0  }
0x97: {  	s28 =	simm.s32 $0x5000;
	[sflag:s24] =	ssyncadd.s32 $0xFFFFC000  }
0x98: {  	[spmem:s2] =	stream.indirect.scatter.add.f32 [tilespmem:s20], [sflag:$0x3], $0x80, s28, s22, $0xb8;
	[tilespmem:$0x1C000] =	vst v63  }
0x99: {  	_ =	swait.ge [sflag:s19], $0x4000  }
0x9a: {  	[sflag:s19] =	ssyncset.done $0x0  }
0x9b: {  	[sflag:s19] =	ssyncadd.s32 $0xFFFFC000  }
0x9c: {  	_ =	swait.ge [sflag:s25], $0x4000  }
0x9d: {  	[sflag:s25] =	ssyncset.done $0x0  }
0x9e: {  	s28 =	simm.s32 $0x5080;
	[sflag:s25] =	ssyncadd.s32 $0xFFFFC000  }
0x9f: {  	[spmem:s2] =	stream.indirect.scatter.add.f32 [tilespmem:s23], [sflag:$0x3], $0x80, s28, s22, $0xb8;
	[tilespmem:$0x1C000] =	vst v63  }
0xa0: {  	_ =	swait.ge [sflag:s19], $0x4000  }
0xa1: {  	s29 =	simm.s32 $0x800;
	s28 =	simm.s32 $0x400;
	[sflag:s19] =	ssyncset.done $0x0  }
.LBB2_4:
0xa2: {  	s30 =	sshra.s32 s28, $0x2  }
0xa3: {  	[sflag:s19] =	ssyncadd.s32 $0xFFFFC000;
	s28 =	smov.u32 s29;
	s31 =	sadd.s32 $0x400, s29  }
0xa4: {  	[tilespmem:s20], [sflag:$0x1] =	stream.indirect.gather [hbm4b:s4+s22], $0x80, s30, s22, $0xb8;
	[tilespmem:$0x1C000] =	vst v63  }
0xa5: {  	p0 =	sne.s32 s29, $0x13800;
	s29 =	sadd.s32 $0x80, s30  }
0xa6: {  	[tilespmem:s23], [sflag:$0x2] =	stream.indirect.gather [hbm4b:s4+s22], $0x80, s29, s22, $0xb8;
	[tilespmem:$0x1C000] =	vst v63  }
0xa7: {  	_ =	swait.ge [sflag:s24], $0x4000  }
0xa8: {  	[sflag:s24] =	ssyncset.done $0x0  }
0xa9: {  	s29 =	sadd.s32 $0x5000, s30;
	[sflag:s24] =	ssyncadd.s32 $0xFFFFC000  }
0xaa: {  	[spmem:s2] =	stream.indirect.scatter.add.f32 [tilespmem:s20], [sflag:$0x3], $0x80, s29, s22, $0xb8;
	[tilespmem:$0x1C000] =	vst v63  }
0xab: {  	_ =	swait.ge [sflag:s19], $0x4000  }
0xac: {  	[sflag:s19] =	ssyncset.done $0x0  }
0xad: {  	[sflag:s19] =	ssyncadd.s32 $0xFFFFC000  }
0xae: {  	_ =	swait.ge [sflag:s25], $0x4000  }
.Ltmp1:
0xaf: {  	[sflag:s25] =	ssyncset.done $0x0;
	(pc) =	sbr.rel @p0 .LBB2_4-.Ltmp1, $4  }
0xb0: {  	s29 =	sadd.s32 $0x5080, s30;
	[sflag:s25] =	ssyncadd.s32 $0xFFFFC000  }
0xb1: {  	[spmem:s2] =	stream.indirect.scatter.add.f32 [tilespmem:s23], [sflag:$0x3], $0x80, s29, s22, $0xb8;
	[tilespmem:$0x1C000] =	vst v63  }
0xb2: {  	_ =	swait.ge [sflag:s19], $0x4000  }
0xb3: {  	s29 =	smov.u32 s31;
	[sflag:s19] =	ssyncset.done $0x0  }
0xb4: {  	s28 =	sshra.s32 s28, $0x2;
	[sflag:s19] =	ssyncadd.s32 $0xFFFFC000  }
0xb5: {  	[tilespmem:s20], [sflag:$0x1] =	stream.indirect.gather [hbm4b:s4+s22], $0x80, s28, s22, $0xb8;
	[tilespmem:$0x1C000] =	vst v63  }
0xb6: {  	s29 =	sadd.s32 $0x80, s28  }
0xb7: {  	[tilespmem:s23], [sflag:$0x2] =	stream.indirect.gather [hbm4b:s4+s22], $0x80, s29, s22, $0xb8;
	[tilespmem:$0x1C000] =	vst v63  }
0xb8: {  	_ =	swait.ge [sflag:s24], $0x4000  }
0xb9: {  	[sflag:s24] =	ssyncset.done $0x0  }
0xba: {  	s31 =	sadd.s32 $0x5000, s28;
	[sflag:s24] =	ssyncadd.s32 $0xFFFFC000  }
0xbb: {  	[spmem:s2] =	stream.indirect.scatter.add.f32 [tilespmem:s20], [sflag:$0x3], $0x80, s31, s22, $0xb8;
	[tilespmem:$0x1C000] =	vst v63  }
0xbc: {  	_ =	swait.ge [sflag:s19], $0x4000  }
0xbd: {  	[sflag:s19] =	ssyncset.done $0x0  }
0xbe: {  	[sflag:s19] =	ssyncadd.s32 $0xFFFFC000  }
0xbf: {  	_ =	swait.ge [sflag:s25], $0x4000  }
0xc0: {  	[sflag:s25] =	ssyncset.done $0x0  }
0xc1: {  	s28 =	sadd.s32 $0x5080, s28;
	[sflag:s25] =	ssyncadd.s32 $0xFFFFC000  }
0xc2: {  	[spmem:s2] =	stream.indirect.scatter.add.f32 [tilespmem:s23], [sflag:$0x3], $0x80, s28, s22, $0xb8;
	[tilespmem:$0x1C000] =	vst v63  }
0xc3: {  	_ =	swait.ge [sflag:s19], $0x4000  }
0xc4: {  	[sflag:s19] =	ssyncset.done $0x0  }
0xc5: {  	[sflag:s19] =	ssyncadd.s32 $0xFFFFC000  }
0xc6: {  	[bflag:$0x0] =	sbarrier.arrive $0xFFFF  }
0xc7: {  	[tilespmem:s20], [sflag:$0x3] =	stream.linear.gather [spmem:s7], $0x4000, $0x38;
	[tilespmem:$0x1C000] =	vst v63  }
0xc8: {  	_ =	swait.ge [sflag:s19], $0x4000  }
0xc9: {  	[sflag:s19] =	ssyncset.done $0x0  }
0xca: {  	[sflag:s19] =	ssyncadd.s32 $0xFFFFC000  }
0xcb: {  	[hbm4b:s15+s3] =	stream.linear.scatter [tilespmem:s20], [sflag:$0x3], $0x4000, $0x38;
	[tilespmem:$0x1C000] =	vst v63  }
0xcc: {  	_ =	swait.ge [sflag:s19], $0x4000  }
0xcd: {  	[sflag:s19] =	ssyncset.done $0x0  }
0xce: {  	[sflag:s19] =	ssyncadd.s32 $0xFFFFC000  }
0xcf: {  	[tilespmem:s20], [sflag:$0x3] =	stream.linear.gather [spmem:s8], $0x4000, $0x38;
	[tilespmem:$0x1C000] =	vst v63  }
0xd0: {  	_ =	swait.ge [sflag:s19], $0x4000  }
0xd1: {  	[sflag:s19] =	ssyncset.done $0x0  }
0xd2: {  	[sflag:s19] =	ssyncadd.s32 $0xFFFFC000  }
0xd3: {  	[hbm4b:s16+s3] =	stream.linear.scatter [tilespmem:s20], [sflag:$0x3], $0x4000, $0x38;
	[tilespmem:$0x1C000] =	vst v63  }
0xd4: {  	_ =	swait.ge [sflag:s19], $0x4000  }
0xd5: {  	[sflag:s19] =	ssyncset.done $0x0  }
0xd6: {  	[sflag:s19] =	ssyncadd.s32 $0xFFFFC000  }
0xd7: {  	[tilespmem:s20], [sflag:$0x3] =	stream.linear.gather [spmem:s9], $0x2000, $0x38;
	[tilespmem:$0x1C000] =	vst v63  }
0xd8: {  	s26 =	sadd.s32 $0x1, s26;
	_ =	swait.ge [sflag:s19], $0x2000  }
0xd9: {  	p0 =	sne.s32 s26, s18;
	[sflag:s19] =	ssyncset.done $0x0  }
.Ltmp2:
0xda: {  	[sflag:s19] =	ssyncadd.s32 $0xFFFFE000;
	(pc) =	sbr.rel @p0 .LBB2_1-.Ltmp2, $4  }
0xdb: {  	[hbm4b:s17+s3] =	stream.linear.scatter [tilespmem:s20], [sflag:$0x3], $0x2000, $0x38;
	[tilespmem:$0x1C000] =	vst v63  }
0xdc: {  	_ =	swait.ge [sflag:s19], $0x2000  }
0xdd: {  	[sflag:s19] =	ssyncset.done $0x0  }
0xde: {  	[sflag:s19] =	ssyncadd.s32 $0xFFFFE000  }
0xdf: {  	_ =	sfence.sel $0x180000  }
0xe0: {  	[bflag:$0x0] =	sbarrier.arrive $0xFFFF  }
0xe1: {  	p0 =	sne.s32 s0, $0x0;
	_ =	strace $0x9000004D  }
0xe2: {  	s0 =	sadd.s32 @!p0 $0x100000, s1;
	[bflag:$0x2] =	sbarrier.arrive $0xFFFF  }
0xe3: {  	[sflag:s0] =	ssyncadd.tile.s32 @!p0 $0x1;
	_ =	shalt  }
.Lfunc_end2:
_tile_overlayer_lowered:
.L_overlay_start_2:
0xe4: {  	(tag) =	ssettag $0x2  }
0xe5: {  	s0 =	rddreg [dreg:$0x0];
	s2 =	stileid.u32  }
0xe6: {  	s1 =	rddreg [dreg:$0x1];
	p0 =	sne.s32 s2, $0x0  }
0xe7: {  	s3 =	rddreg [dreg:$0x2];
	[bflag:$0x3] =	sbarrier.arrive $0xFFFF;
	s2 =	simm.s32 @!p0 $0x1C03  }
0xe8: {  	[timem:s3], [sflag:s2] =	dma.local @!p0 [hbm:s0], s1  }
0xe9: {  	s0 =	simm.s32 @!p0 $0x3  }
0xea: {  	_ =	swait.ge @!p0 [sflag:s0], s1  }
0xeb: {  	s1 =	ssub.s32 @!p0 $0x0, s1;
	[sflag:s0] =	ssyncset.done @!p0 $0x0  }
0xec: {  	[sflag:s0] =	ssyncadd.s32 @!p0 s1  }
0xed: {  	[bflag:$0x3] =	sbarrier.arrive $0xFFFF  }
0xee: {  	_ =	shalt  }

// kernel: kernel.19.cloned.1.call-start
scs
__scs_entry_jumppad:
0x0: {  	(pc) =	sbr.rel $0x88, $3  }
0x1: {  	(tag) =	ssettag $0x0;
	lr =	simm.s32 $0x1  }
0x2: {  	[smem:$0x3F97] =	sst lr;
	_ =	strace $0xD0000000  }
0x3: {  	_ = 	snop  }
0x4: {  	_ = 	snop  }
0x5: {  	_ = 	snop  }
0x6: {  	_ = 	snop  }
0x7: {  	_ = 	snop  }
__scs_overlays_trampoline_lowered:
0x8: {  	[smem:$0x3FA6] =	sst s0  }
0x9: {  	[smem:$0x3FA7] =	sst s1  }
0xa: {  	[smem:$0x3FA8] =	sst s2  }
0xb: {  	[smem:$0x3FA9] =	sst s3  }
0xc: {  	[smem:$0x3FAA] =	sst s4  }
0xd: {  	[smem:$0x3FAB] =	sst s5  }
0xe: {  	[smem:$0x3FAC] =	sst s6  }
0xf: {  	[smem:$0x3FAD] =	sst s7  }
0x10: {  	[smem:$0x3FAE] =	sst s8  }
0x11: {  	[smem:$0x3FAF] =	sst s9;
	s0 =	simm.s32 @!p0 $0x0  }
0x12: {  	s1 =	sld [smem:$0x3F95];
	s0 =	simm.s32 @p0 $0x1  }
0x13: {  	[smem:$0x3FB0] =	sst s0;
	s0 =	simm.s32 @!p1 $0x0  }
0x14: {  	s2 =	sld [smem:$0x3F94];
	s0 =	simm.s32 @p1 $0x1  }
0x15: {  	[smem:$0x3FB1] =	sst s0;
	s0 =	simm.s32 @!p2 $0x0  }
0x16: {  	s3 =	sld [smem:$0x3FDB];
	s0 =	simm.s32 @p2 $0x1  }
0x17: {  	s4 =	simm.s32 $0x1BF5;
	[smem:$0x3FB3] =	sst s0  }
0x18: {  	s0 =	sld [smem:$0x3F96];
	_ =	swait.ge [sflag:s4], $0x0  }
0x19: {  	s7 =	sld [smem:$0x3F97]  }
0x1a: {  	s8 =	sadd.s32 $0xFFFFE003, lr  }
0x1b: {  	s9 =	sadd.s32 $0xFFFFFEF7, lr;
	s5 =	simm.s32 $0xFFFFFFFF;
	p2 =	slt.u32 s8, $0xFFFFF086  }
0x1c: {  	p1 =	slt.u32 s9, $0xF7A;
	s5 =	simm.s32 @!p2 $0x0  }
0x1d: {  	s5 =	simm.s32 @p1 $0x1;
	p0 =	seq.s32 s7, s2  }
0x1e: {  	s7 =	smul.u32 @!p0 $0xF7A, s2;
	p2 =	seq.s32 @!p0 s5, $0x0  }
0x1f: {  	s9 =	smul.u32 $0xF7A, s1;
	s8 =	simm.s32 @!p0 $0x1BF5;
	p2 =	por !p2, p0  }
0x20: {  	[sflag:s8] =	ssyncset.s32 @!p0 $0xFFFFF086;
	s6 =	sadd.s32 @!p0 s3, s7;
	s7 =	simm.s32 @!p0 $0x108  }
0x21: {  	s3 =	sadd.s32 s3, s9;
	s6 =	sadd.s32 @!p0 $0x88, s6;
	s7 =	simm.s32 @p2 $0x1082  }
0x22: {  	[simem:s7], [sflag:s8] =	dma.local @!p0 [hbm:s6], $0xF7A  }
0x23: {  	s9 =	sor.u32 $0xD0000000, s2;
	s6 =	simm.s32 $0x108;
	_ =	swait.ge @!p0 [sflag:s8], $0x0  }
0x24: {  	s3 =	sadd.s32 $0x88, s3;
	s6 =	simm.s32 @!p1 $0x1082;
	[sflag:s4] =	ssyncset.s32 $0xFFFFF086  }
0x25: {  	[simem:s6], [sflag:s4] =	dma.local [hbm:s3], $0xF7A  }
0x26: {  	[smem:$0x3F97] =	sst s1;
	(tag) =	ssettag s2;
	_ =	strace s9  }
0x27: {  	s1 =	sld [smem:$0x3FA7]  }
0x28: {  	s2 =	sld [smem:$0x3FA8]  }
0x29: {  	s4 =	sld [smem:$0x3FAA]  }
0x2a: {  	p0 =	seq.s32 s5, $0x0;
	s5 =	sld [smem:$0x3FAB]  }
0x2b: {  	s6 =	sld [smem:$0x3FAC]  }
0x2c: {  	s7 =	sld [smem:$0x3FAD]  }
0x2d: {  	s3 =	simm.s32 $0x108;
	s8 =	sld [smem:$0x3FAE]  }
0x2e: {  	s3 =	simm.s32 @!p0 $0x1082;
	s9 =	sld [smem:$0x3FAF]  }
0x2f: {  	lr =	sadd.s32 s0, s3;
	s0 =	sld [smem:$0x3FA6]  }
0x30: {  	s3 =	sld [smem:$0x3FA9]  }
0x31: {  	[smem:$0x3FB2] =	sst s10  }
0x32: {  	s10 =	sld [smem:$0x3FB0];
	_ =	sdelay $0x3  }
0x33: {  	p0 =	seq.s32 s10, $0x1;
	s10 =	sld [smem:$0x3FB2];
	_ =	sdelay $0x3  }
0x34: {  	[smem:$0x3FB2] =	sst s10  }
0x35: {  	s10 =	sld [smem:$0x3FB1];
	_ =	sdelay $0x3  }
0x36: {  	p1 =	seq.s32 s10, $0x1;
	s10 =	sld [smem:$0x3FB2];
	_ =	sdelay $0x3  }
0x37: {  	[smem:$0x3FB2] =	sst s10  }
0x38: {  	s10 =	sld [smem:$0x3FB3]  }
0x39: {  	_ = 	snop;
	(pc) =	sbr.ind lr, $3  }
0x3a: {  	_ = 	snop  }
0x3b: {  	_ = 	snop  }
0x3c: {  	p2 =	seq.s32 s10, $0x1;
	s10 =	sld [smem:$0x3FB2]  }
0x3d: {  	_ =	shalt  }
0x3e: {  	_ =	shalt  }
0x3f: {  	_ =	shalt  }
0x40: {  	_ =	shalt  }
0x41: {  	_ =	shalt  }
0x42: {  	_ =	shalt  }
0x43: {  	_ =	shalt  }
0x44: {  	_ =	shalt  }
0x45: {  	_ =	shalt  }
0x46: {  	_ =	shalt  }
0x47: {  	_ =	shalt  }
0x48: {  	_ =	shalt  }
0x49: {  	_ =	shalt  }
0x4a: {  	_ =	shalt  }
0x4b: {  	_ =	shalt  }
0x4c: {  	_ =	shalt  }
0x4d: {  	_ =	shalt  }
0x4e: {  	_ =	shalt  }
0x4f: {  	_ =	shalt  }
0x50: {  	_ =	shalt  }
0x51: {  	_ =	shalt  }
0x52: {  	_ =	shalt  }
0x53: {  	_ =	shalt  }
0x54: {  	_ =	shalt  }
0x55: {  	_ =	shalt  }
0x56: {  	_ =	shalt  }
0x57: {  	_ =	shalt  }
0x58: {  	_ =	shalt  }
0x59: {  	_ =	shalt  }
0x5a: {  	_ =	shalt  }
0x5b: {  	_ =	shalt  }
0x5c: {  	_ =	shalt  }
0x5d: {  	_ =	shalt  }
0x5e: {  	_ =	shalt  }
0x5f: {  	_ =	shalt  }
0x60: {  	_ =	shalt  }
0x61: {  	_ =	shalt  }
0x62: {  	_ =	shalt  }
0x63: {  	_ =	shalt  }
0x64: {  	_ =	shalt  }
0x65: {  	_ =	shalt  }
0x66: {  	_ =	shalt  }
0x67: {  	_ =	shalt  }
0x68: {  	_ =	shalt  }
0x69: {  	_ =	shalt  }
0x6a: {  	_ =	shalt  }
0x6b: {  	_ =	shalt  }
0x6c: {  	_ =	shalt  }
0x6d: {  	_ =	shalt  }
0x6e: {  	_ =	shalt  }
0x6f: {  	_ =	shalt  }
0x70: {  	_ =	shalt  }
0x71: {  	_ =	shalt  }
0x72: {  	_ =	shalt  }
0x73: {  	_ =	shalt  }
0x74: {  	_ =	shalt  }
0x75: {  	_ =	shalt  }
0x76: {  	_ =	shalt  }
0x77: {  	_ =	shalt  }
0x78: {  	_ =	shalt  }
0x79: {  	_ =	shalt  }
0x7a: {  	_ =	shalt  }
0x7b: {  	_ =	shalt  }
0x7c: {  	_ =	shalt  }
0x7d: {  	_ =	shalt  }
0x7e: {  	_ =	shalt  }
0x7f: {  	_ =	shalt  }
0x80: {  	_ =	shalt  }
0x81: {  	_ =	shalt  }
0x82: {  	_ =	shalt  }
0x83: {  	_ =	shalt  }
0x84: {  	_ =	shalt  }
0x85: {  	_ =	shalt  }
0x86: {  	_ =	shalt  }
0x87: {  	_ =	shalt  }
.Lfunc_end0:
.L_simem_size_0:
called_computation.3_lowered:
.L_overlay_start_0:
0x88: {  	s2 =	sld [smem:$0x3FD9]  }
0x89: {  	s3 =	sld [smem:$0x3FFE];
	_ =	sdelay $0x1  }
0x8a: {  	s1 =	srdreg.scid  }
0x8b: {  	s0 =	sand.u32 $0x1, s1  }
0x8c: {  	s16 =	sshll.u32 s0, $0xA;
	s2 =	sadd.s32 s3, s2  }
0x8d: {  	s2 =	sadd.s32 s2, s16  }
0x8e: {  	[smem:$0x3FBE] =	sst s2  }
0x8f: {  	_ = 	snop  }
0x90: {  	(tm) =	ssettm $0x1  }
0x91: {  	s17 =	sld [smem:$0x3FFB];
	_ =	sdelay $0x3  }
0x92: {  	_ =	strace s17  }
0x93: {  	s2 =	sld [smem:$0x3FFC];
	_ =	sdelay $0x3  }
0x94: {  	_ =	strace s2  }
0x95: {  	s2 =	sld [smem:$0x3FFD];
	_ =	sdelay $0x3  }
0x96: {  	_ =	strace s2  }
0x97: {  	_ =	strace $0x8FFFFFFF  }
0x98: {  	s18 =	sld [smem:$0x3FDB];
	_ =	sdelay $0x1  }
0x99: {  	s19 =	simm.s32 $_scs_section_size  }
0x9a: {  	s4 =	simm.s32 $_size__tile_overlayer_lowered;
	s5 =	simm.s32 $_tile_overlayer_lowered  }
0x9b: {  	s22 =	simm.s32 $0x1BFF;
	s21 =	sshll.u32 s5, $0x1;
	s2 =	sadd.s32 s19, s18  }
0x9c: {  	s6 =	simm.s32 $0x0;
	s20 =	sshll.u32 s4, $0x1;
	s4 =	sadd.s32 s21, s2  }
0x9d: {  	[timem:s6], [sflag:s22] =	dma.local [hbm:s4], s20  }
0x9e: {  	_ =	swait.ge [sflag:s22], s20  }
0x9f: {  	s3 =	ssub.s32 $0x0, s20;
	[sflag:s22] =	ssyncset.done $0x0  }
0xa0: {  	[sflag:s22] =	ssyncadd.s32 s3;
	_ =	sdelay $0x1  }
0xa1: {  	s23 =	simm.s32 $0x1B8B  }
0xa2: {  	_ =	swait.ge [sflag:s23], $0x1  }
0xa3: {  	[sflag:s23] =	ssyncset.done $0x0  }
0xa4: {  	s25 =	simm.s32 $0x1B8E;
	s24 =	sld [smem:$0x3FFE];
	[sflag:s23] =	ssyncadd.s32 $0xFFFFFFFF  }
0xa5: {  	s26 =	simm.s32 $execute0_lowered;
	[smem:$0x3FD2] =	sst s25  }
0xa6: {  	s4 =	sshll.u32 s26, $0x1;
	_ =	strace $0x8000004F;
	[dreg:$0x1] =	wrdreg $0xFFFFFFFF  }
0xa7: {  	s28 =	simm.s32 $_size_execute0_lowered;
	s2 =	sadd.s32 s2, s4;
	[dreg:$0x0] =	wrdreg $0x0  }
0xa8: {  	s4 =	sshll.u32 s28, $0x1;
	[dreg:$0x2] =	wrdreg s2  }
0xa9: {  	[dreg:$0x3] =	wrdreg s4  }
0xaa: {  	[dreg:$0x4] =	wrdreg $0xC0  }
0xab: {  	_ =	task [dreg:s6], $0x5FFFF  }
0xac: {  	[dreg:$0x1] =	wrdreg $0xFFFFFFFF  }
0xad: {  	[dreg:$0x0] =	wrdreg $0x60  }
0xae: {  	[dreg:$0x2] =	wrdreg s24  }
0xaf: {  	[dreg:$0x3] =	wrdreg $0x120000  }
0xb0: {  	[dreg:$0x4] =	wrdreg $0x9  }
0xb1: {  	_ =	task.clear_ibuf [dreg:s6], $0x5FFFF;
	_ =	strace $0x9000004F  }
0xb2: {  	s29 =	simm.s32 $0x9;
	_ =	strace $0x80000051  }
0xb3: {  	_ =	swait.ge [sflag:s29], $0x1  }
0xb4: {  	[sflag:s29] =	ssyncadd.s32 $0xFFFFFFFF  }
0xb5: {  	_ =	strace $0x90000051  }
0xb6: {  	_ =	sfence  }
0xb7: {  	s30 =	sld [smem:$0x0];
	_ =	sdelay $0x2  }
0xb8: {  	s31 =	sshll.u32 s1, $0xD;
	s1 =	sshrl.u32 s1, $0x2  }
0xb9: {  	s3 =	sand.u32 $0x4000, s31;
	s1 =	sadd.s32 s1, s30  }
0xba: {  	s0 =	sor.u32 s3, s0;
	s1 =	sshll.u32 s1, $0x11  }
0xbb: {  	s0 =	sor.u32 s1, s0  }
0xbc: {  	s0 =	sadd.s32 $0x8F2B, s0  }
0xbd: {  	[sflag:s0] =	ssyncadd.remote.s32 $0x1  }
0xbe: {  	_ =	sfence.sel $0xFFFF  }
0xbf: {  	[dreg:$0x0] =	wrdreg $0xFFFFFFFF;
	(pc) =	sbr.abs _section_cstart, $3  }
0xc0: {  	[dreg:$0x1] =	wrdreg $0xFFFFFFFF  }
0xc1: {  	_ =	task.clear_ibuf [dreg:s6], $0x2FFFF;
	_ =	strace $0x9FFFFFFF  }
0xc2: {  	(tm) =	ssettm $0x7FFFFFFF  }
0xc3: {  	_ =	shalt  }
tec
execute0_lowered:
.L_overlay_start_1:
0x0: {  	(tag) =	ssettag $0x1  }
0x1: {  	s1 =	srdreg.scid;
	s6 =	rddreg [dreg:$0x0]  }
0x2: {  	s0 =	stileid.u32;
	s2 =	rddreg [dreg:$0x1]  }
0x3: {  	s3 =	simm.s32 $0x0;
	s21 =	simm.s32 $0x5000;
	s22 =	simm.s32 $0x80  }
0x4: {  	s23 =	simm.s32 $0xE000;
	s24 =	simm.s32 $0x1;
	s5 =	smul.u32 $0x5000, s0  }
0x5: {  	s25 =	simm.s32 $0x2;
	s26 =	simm.s32 $0x0;
	s15 =	smul.u32 $0x140, s0  }
0x6: {  	s7 =	sand.u32 $0x1, s1;
	s1 =	rddreg [dreg:$0x2];
	s11 =	smul.u32 $0x28000, s0  }
0x7: {  	[smem:$0x7FF] =	sst s3;
	s17 =	sadd.s32 $0x84600, s6;
	s4 =	smul.u32 $0x50000, s7  }
0x8: {  	_ =	strace $0x80000050;
	s9 =	ssub.s32 $0x2, s7;
	s20 =	smul.u32 $0x2800, s7  }
0x9: {  	s10 =	sshrl.u32 s9, $0x1;
	s28 =	sshrl.u32 s11, $0x2;
	s16 =	sadd.s32 $0x80, s15  }
0xa: {  	s19 =	sadd.s32 $0x100, s15;
	s4 =	sadd.s32 s5, s4;
	s5 =	sshrl.u32 s5, $0x3  }
0xb: {  	s18 =	ssub.s32 s9, s10;
	s29 =	sshll.u32 s16, $0x7;
	s30 =	sshll.u32 s19, $0x7  }
0xc: {  	s7 =	sadd.s32 s28, s2;
	s31 =	sadd.s32 s15, s20;
	s12 =	sadd.s32 s20, s16  }
0xd: {  	s13 =	sadd.s32 s20, s19;
	s20 =	sadd.s32 $0x13C0, s20;
	s8 =	sshrl.u32 s4, $0x3  }
0xe: {  	s4 =	sadd.s32 $0x36400, s6;
	s14 =	sadd.s32 s5, s6;
	s5 =	sadd.s32 $0x3800, s6  }
0xf: {  	s9 =	sadd.s32 s30, s2;
	s11 =	sshll.u32 s31, $0x4;
	s12 =	sshll.u32 s12, $0x4  }
0x10: {  	s13 =	sshll.u32 s13, $0x4;
	s15 =	sadd.s32 s15, s20;
	s16 =	sadd.s32 s16, s20  }
0x11: {  	s19 =	sadd.s32 s19, s20;
	s18 =	smax.u32 s18, $0x1;
	s20 =	simm.s32 $0xA000  }
0x12: {  	s8 =	sadd.s32 s8, s6;
	s10 =	sadd.s32 $0xE400, s14;
	s11 =	sadd.s32 s17, s11  }
0x13: {  	s12 =	sadd.s32 s17, s12;
	s13 =	sadd.s32 s17, s13;
	s14 =	sadd.s32 $0x18400, s14  }
0x14: {  	s15 =	sshll.u32 s15, $0x4;
	s16 =	sshll.u32 s16, $0x4;
	s19 =	sshll.u32 s19, $0x4  }
0x15: {  	s6 =	sadd.s32 $0x22400, s8;
	s8 =	sadd.s32 s29, s2;
	s15 =	sadd.s32 s17, s15  }
0x16: {  	s16 =	sadd.s32 s17, s16;
	s17 =	sadd.s32 s17, s19;
	s19 =	simm.s32 $0x3  }
.LBB2_1:
0x17: {  	[tilespmem:s3], [sflag:$0x3] =	stream.linear.gather [hbm4b:s6+s3], $0x4F00, $0x38;
	[tilespmem:$0x1C000] =	vst v63  }
0x18: {  	_ =	swait.ge [sflag:s19], $0x4F00  }
0x19: {  	[sflag:s19] =	ssyncset.done $0x0  }
0x1a: {  	[sflag:s19] =	ssyncadd.s32 $0xFFFFB100  }
0x1b: {  	[tilespmem:s20], [sflag:$0x3] =	stream.linear.gather [hbm4b:s5+s3], $0x4000, $0x38;
	[tilespmem:$0x1C000] =	vst v63  }
0x1c: {  	_ =	swait.ge [sflag:s19], $0x4000  }
0x1d: {  	[sflag:s19] =	ssyncset.done $0x0  }
0x1e: {  	[sflag:s19] =	ssyncadd.s32 $0xFFFFC000  }
0x1f: {  	[spmem:s7] =	stream.linear.scatter [tilespmem:s20], [sflag:$0x3], $0x4000, $0x38;
	[tilespmem:$0x1C000] =	vst v63  }
0x20: {  	_ =	swait.ge [sflag:s19], $0x4000  }
0x21: {  	[sflag:s19] =	ssyncset.done $0x0  }
0x22: {  	[sflag:s19] =	ssyncadd.s32 $0xFFFFC000  }
0x23: {  	[spmem:s8] =	stream.linear.scatter [tilespmem:s20], [sflag:$0x3], $0x4000, $0x38;
	[tilespmem:$0x1C000] =	vst v63  }
0x24: {  	_ =	swait.ge [sflag:s19], $0x4000  }
0x25: {  	[sflag:s19] =	ssyncset.done $0x0  }
0x26: {  	[sflag:s19] =	ssyncadd.s32 $0xFFFFC000  }
0x27: {  	[spmem:s9] =	stream.linear.scatter [tilespmem:s20], [sflag:$0x3], $0x2000, $0x38;
	[tilespmem:$0x1C000] =	vst v63  }
0x28: {  	_ =	swait.ge [sflag:s19], $0x2000  }
0x29: {  	[sflag:s19] =	ssyncset.done $0x0  }
0x2a: {  	[sflag:s19] =	ssyncadd.s32 $0xFFFFE000  }
0x2b: {  	[tilespmem:s21], [sflag:$0x3] =	stream.linear.gather [hbm4b:s10+s3], $0x4F00, $0x38;
	[tilespmem:$0x1C000] =	vst v63  }
0x2c: {  	_ =	swait.ge [sflag:s19], $0x4F00  }
0x2d: {  	[sflag:s19] =	ssyncset.done $0x0  }
0x2e: {  	[sflag:s19] =	ssyncadd.s32 $0xFFFFB100  }
0x2f: {  	s28 =	simm.s32 $0x0;
	[bflag:$0x0] =	sbarrier.arrive $0xFFFF  }
0x30: {  	[tilespmem:s20], [sflag:$0x1] =	stream.indirect.gather [hbm4b:s4+s22], $0x80, s28, s22, $0xb8;
	[tilespmem:$0x1C000] =	vst v63  }
0x31: {  	s28 =	simm.s32 $0x80  }
0x32: {  	[tilespmem:s23], [sflag:$0x2] =	stream.indirect.gather [hbm4b:s4+s22], $0x80, s28, s22, $0xb8;
	[tilespmem:$0x1C000] =	vst v63  }
0x33: {  	_ =	swait.ge [sflag:s24], $0x4000  }
0x34: {  	[sflag:s24] =	ssyncset.done $0x0  }
0x35: {  	s28 =	simm.s32 $0x5000;
	[sflag:s24] =	ssyncadd.s32 $0xFFFFC000  }
0x36: {  	[spmem:s2] =	stream.indirect.scatter.add.f32 [tilespmem:s20], [sflag:$0x3], $0x80, s28, s22, $0xb8;
	[tilespmem:$0x1C000] =	vst v63  }
0x37: {  	_ =	swait.ge [sflag:s19], $0x4000  }
0x38: {  	[sflag:s19] =	ssyncset.done $0x0  }
0x39: {  	[sflag:s19] =	ssyncadd.s32 $0xFFFFC000  }
0x3a: {  	_ =	swait.ge [sflag:s25], $0x4000  }
0x3b: {  	[sflag:s25] =	ssyncset.done $0x0  }
0x3c: {  	s28 =	simm.s32 $0x5080;
	[sflag:s25] =	ssyncadd.s32 $0xFFFFC000  }
0x3d: {  	[spmem:s2] =	stream.indirect.scatter.add.f32 [tilespmem:s23], [sflag:$0x3], $0x80, s28, s22, $0xb8;
	[tilespmem:$0x1C000] =	vst v63  }
0x3e: {  	_ =	swait.ge [sflag:s19], $0x4000  }
0x3f: {  	s29 =	simm.s32 $0x800;
	s28 =	simm.s32 $0x400;
	[sflag:s19] =	ssyncset.done $0x0  }
.LBB2_2:
0x40: {  	s30 =	sshra.s32 s28, $0x2  }
0x41: {  	[sflag:s19] =	ssyncadd.s32 $0xFFFFC000;
	s28 =	smov.u32 s29;
	s31 =	sadd.s32 $0x400, s29  }
0x42: {  	[tilespmem:s20], [sflag:$0x1] =	stream.indirect.gather [hbm4b:s4+s22], $0x80, s30, s22, $0xb8;
	[tilespmem:$0x1C000] =	vst v63  }
0x43: {  	p0 =	sne.s32 s29, $0x13800;
	s29 =	sadd.s32 $0x80, s30  }
0x44: {  	[tilespmem:s23], [sflag:$0x2] =	stream.indirect.gather [hbm4b:s4+s22], $0x80, s29, s22, $0xb8;
	[tilespmem:$0x1C000] =	vst v63  }
0x45: {  	_ =	swait.ge [sflag:s24], $0x4000  }
0x46: {  	[sflag:s24] =	ssyncset.done $0x0  }
0x47: {  	s29 =	sadd.s32 $0x5000, s30;
	[sflag:s24] =	ssyncadd.s32 $0xFFFFC000  }
0x48: {  	[spmem:s2] =	stream.indirect.scatter.add.f32 [tilespmem:s20], [sflag:$0x3], $0x80, s29, s22, $0xb8;
	[tilespmem:$0x1C000] =	vst v63  }
0x49: {  	_ =	swait.ge [sflag:s19], $0x4000  }
0x4a: {  	[sflag:s19] =	ssyncset.done $0x0  }
0x4b: {  	[sflag:s19] =	ssyncadd.s32 $0xFFFFC000  }
0x4c: {  	_ =	swait.ge [sflag:s25], $0x4000  }
.Ltmp0:
0x4d: {  	[sflag:s25] =	ssyncset.done $0x0;
	(pc) =	sbr.rel @p0 .LBB2_2-.Ltmp0, $4  }
0x4e: {  	s29 =	sadd.s32 $0x5080, s30;
	[sflag:s25] =	ssyncadd.s32 $0xFFFFC000  }
0x4f: {  	[spmem:s2] =	stream.indirect.scatter.add.f32 [tilespmem:s23], [sflag:$0x3], $0x80, s29, s22, $0xb8;
	[tilespmem:$0x1C000] =	vst v63  }
0x50: {  	_ =	swait.ge [sflag:s19], $0x4000  }
0x51: {  	s29 =	smov.u32 s31;
	[sflag:s19] =	ssyncset.done $0x0  }
0x52: {  	s28 =	sshra.s32 s28, $0x2;
	[sflag:s19] =	ssyncadd.s32 $0xFFFFC000  }
0x53: {  	[tilespmem:s20], [sflag:$0x1] =	stream.indirect.gather [hbm4b:s4+s22], $0x80, s28, s22, $0xb8;
	[tilespmem:$0x1C000] =	vst v63  }
0x54: {  	s29 =	sadd.s32 $0x80, s28  }
0x55: {  	[tilespmem:s23], [sflag:$0x2] =	stream.indirect.gather [hbm4b:s4+s22], $0x80, s29, s22, $0xb8;
	[tilespmem:$0x1C000] =	vst v63  }
0x56: {  	_ =	swait.ge [sflag:s24], $0x4000  }
0x57: {  	[sflag:s24] =	ssyncset.done $0x0  }
0x58: {  	s29 =	sadd.s32 $0x5000, s28;
	[sflag:s24] =	ssyncadd.s32 $0xFFFFC000  }
0x59: {  	[spmem:s2] =	stream.indirect.scatter.add.f32 [tilespmem:s20], [sflag:$0x3], $0x80, s29, s22, $0xb8;
	[tilespmem:$0x1C000] =	vst v63  }
0x5a: {  	_ =	swait.ge [sflag:s19], $0x4000  }
0x5b: {  	[sflag:s19] =	ssyncset.done $0x0  }
0x5c: {  	[sflag:s19] =	ssyncadd.s32 $0xFFFFC000  }
0x5d: {  	_ =	swait.ge [sflag:s25], $0x4000  }
0x5e: {  	[sflag:s25] =	ssyncset.done $0x0  }
0x5f: {  	s28 =	sadd.s32 $0x5080, s28;
	[sflag:s25] =	ssyncadd.s32 $0xFFFFC000  }
0x60: {  	[spmem:s2] =	stream.indirect.scatter.add.f32 [tilespmem:s23], [sflag:$0x3], $0x80, s28, s22, $0xb8;
	[tilespmem:$0x1C000] =	vst v63  }
0x61: {  	_ =	swait.ge [sflag:s19], $0x4000  }
0x62: {  	[sflag:s19] =	ssyncset.done $0x0  }
0x63: {  	[sflag:s19] =	ssyncadd.s32 $0xFFFFC000  }
0x64: {  	[bflag:$0x0] =	sbarrier.arrive $0xFFFF  }
0x65: {  	[tilespmem:s20], [sflag:$0x3] =	stream.linear.gather [spmem:s7], $0x4000, $0x38;
	[tilespmem:$0x1C000] =	vst v63  }
0x66: {  	_ =	swait.ge [sflag:s19], $0x4000  }
0x67: {  	[sflag:s19] =	ssyncset.done $0x0  }
0x68: {  	s28 =	simm.s32 $0x0;
	[sflag:s19] =	ssyncadd.s32 $0xFFFFC000  }
0x69: {  	[hbm4b:s11+s28] =	stream.linear.scatter [tilespmem:s20], [sflag:$0x3], $0x4000, $0x38;
	[tilespmem:$0x1C000] =	vst v63  }
0x6a: {  	_ =	swait.ge [sflag:s19], $0x4000  }
0x6b: {  	[sflag:s19] =	ssyncset.done $0x0  }
0x6c: {  	[sflag:s19] =	ssyncadd.s32 $0xFFFFC000  }
0x6d: {  	[tilespmem:s20], [sflag:$0x3] =	stream.linear.gather [spmem:s8], $0x4000, $0x38;
	[tilespmem:$0x1C000] =	vst v63  }
0x6e: {  	_ =	swait.ge [sflag:s19], $0x4000  }
0x6f: {  	[sflag:s19] =	ssyncset.done $0x0  }
0x70: {  	[sflag:s19] =	ssyncadd.s32 $0xFFFFC000  }
0x71: {  	[hbm4b:s12+s28] =	stream.linear.scatter [tilespmem:s20], [sflag:$0x3], $0x4000, $0x38;
	[tilespmem:$0x1C000] =	vst v63  }
0x72: {  	_ =	swait.ge [sflag:s19], $0x4000  }
0x73: {  	[sflag:s19] =	ssyncset.done $0x0  }
0x74: {  	[sflag:s19] =	ssyncadd.s32 $0xFFFFC000  }
0x75: {  	[tilespmem:s20], [sflag:$0x3] =	stream.linear.gather [spmem:s9], $0x2000, $0x38;
	[tilespmem:$0x1C000] =	vst v63  }
0x76: {  	_ =	swait.ge [sflag:s19], $0x2000  }
0x77: {  	[sflag:s19] =	ssyncset.done $0x0  }
0x78: {  	[sflag:s19] =	ssyncadd.s32 $0xFFFFE000  }
0x79: {  	[hbm4b:s13+s28] =	stream.linear.scatter [tilespmem:s20], [sflag:$0x3], $0x2000, $0x38;
	[tilespmem:$0x1C000] =	vst v63  }
0x7a: {  	_ =	swait.ge [sflag:s19], $0x2000  }
0x7b: {  	[sflag:s19] =	ssyncset.done $0x0  }
0x7c: {  	[sflag:s19] =	ssyncadd.s32 $0xFFFFE000  }
0x7d: {  	[tilespmem:s20], [sflag:$0x3] =	stream.linear.gather [hbm4b:s5+s28], $0x4000, $0x38;
	[tilespmem:$0x1C000] =	vst v63  }
0x7e: {  	_ =	swait.ge [sflag:s19], $0x4000  }
0x7f: {  	[sflag:s19] =	ssyncset.done $0x0  }
0x80: {  	[sflag:s19] =	ssyncadd.s32 $0xFFFFC000  }
0x81: {  	[spmem:s7] =	stream.linear.scatter [tilespmem:s20], [sflag:$0x3], $0x4000, $0x38;
	[tilespmem:$0x1C000] =	vst v63  }
0x82: {  	_ =	swait.ge [sflag:s19], $0x4000  }
0x83: {  	[sflag:s19] =	ssyncset.done $0x0  }
0x84: {  	[sflag:s19] =	ssyncadd.s32 $0xFFFFC000  }
0x85: {  	[spmem:s8] =	stream.linear.scatter [tilespmem:s20], [sflag:$0x3], $0x4000, $0x38;
	[tilespmem:$0x1C000] =	vst v63  }
0x86: {  	_ =	swait.ge [sflag:s19], $0x4000  }
0x87: {  	[sflag:s19] =	ssyncset.done $0x0  }
0x88: {  	[sflag:s19] =	ssyncadd.s32 $0xFFFFC000  }
0x89: {  	[spmem:s9] =	stream.linear.scatter [tilespmem:s20], [sflag:$0x3], $0x2000, $0x38;
	[tilespmem:$0x1C000] =	vst v63  }
0x8a: {  	_ =	swait.ge [sflag:s19], $0x2000  }
0x8b: {  	[sflag:s19] =	ssyncset.done $0x0  }
0x8c: {  	[sflag:s19] =	ssyncadd.s32 $0xFFFFE000  }
0x8d: {  	[tilespmem:s21], [sflag:$0x3] =	stream.linear.gather [hbm4b:s14+s28], $0x4F00, $0x38;
	[tilespmem:$0x1C000] =	vst v63  }
0x8e: {  	_ =	swait.ge [sflag:s19], $0x4F00  }
0x8f: {  	[sflag:s19] =	ssyncset.done $0x0  }
0x90: {  	[sflag:s19] =	ssyncadd.s32 $0xFFFFB100  }
0x91: {  	s28 =	simm.s32 $0x0;
	[bflag:$0x0] =	sbarrier.arrive $0xFFFF  }
0x92: {  	[tilespmem:s20], [sflag:$0x1] =	stream.indirect.gather [hbm4b:s4+s22], $0x80, s28, s22, $0xb8;
	[tilespmem:$0x1C000] =	vst v63  }
0x93: {  	s28 =	simm.s32 $0x80  }
0x94: {  	[tilespmem:s23], [sflag:$0x2] =	stream.indirect.gather [hbm4b:s4+s22], $0x80, s28, s22, $0xb8;
	[tilespmem:$0x1C000] =	vst v63  }
0x95: {  	_ =	swait.ge [sflag:s24], $0x4000  }
0x96: {  	[sflag:s24] =	ssyncset.done $0x0  }
0x97: {  	s28 =	simm.s32 $0x5000;
	[sflag:s24] =	ssyncadd.s32 $0xFFFFC000  }
0x98: {  	[spmem:s2] =	stream.indirect.scatter.add.f32 [tilespmem:s20], [sflag:$0x3], $0x80, s28, s22, $0xb8;
	[tilespmem:$0x1C000] =	vst v63  }
0x99: {  	_ =	swait.ge [sflag:s19], $0x4000  }
0x9a: {  	[sflag:s19] =	ssyncset.done $0x0  }
0x9b: {  	[sflag:s19] =	ssyncadd.s32 $0xFFFFC000  }
0x9c: {  	_ =	swait.ge [sflag:s25], $0x4000  }
0x9d: {  	[sflag:s25] =	ssyncset.done $0x0  }
0x9e: {  	s28 =	simm.s32 $0x5080;
	[sflag:s25] =	ssyncadd.s32 $0xFFFFC000  }
0x9f: {  	[spmem:s2] =	stream.indirect.scatter.add.f32 [tilespmem:s23], [sflag:$0x3], $0x80, s28, s22, $0xb8;
	[tilespmem:$0x1C000] =	vst v63  }
0xa0: {  	_ =	swait.ge [sflag:s19], $0x4000  }
0xa1: {  	s29 =	simm.s32 $0x800;
	s28 =	simm.s32 $0x400;
	[sflag:s19] =	ssyncset.done $0x0  }
.LBB2_4:
0xa2: {  	s30 =	sshra.s32 s28, $0x2  }
0xa3: {  	[sflag:s19] =	ssyncadd.s32 $0xFFFFC000;
	s28 =	smov.u32 s29;
	s31 =	sadd.s32 $0x400, s29  }
0xa4: {  	[tilespmem:s20], [sflag:$0x1] =	stream.indirect.gather [hbm4b:s4+s22], $0x80, s30, s22, $0xb8;
	[tilespmem:$0x1C000] =	vst v63  }
0xa5: {  	p0 =	sne.s32 s29, $0x13800;
	s29 =	sadd.s32 $0x80, s30  }
0xa6: {  	[tilespmem:s23], [sflag:$0x2] =	stream.indirect.gather [hbm4b:s4+s22], $0x80, s29, s22, $0xb8;
	[tilespmem:$0x1C000] =	vst v63  }
0xa7: {  	_ =	swait.ge [sflag:s24], $0x4000  }
0xa8: {  	[sflag:s24] =	ssyncset.done $0x0  }
0xa9: {  	s29 =	sadd.s32 $0x5000, s30;
	[sflag:s24] =	ssyncadd.s32 $0xFFFFC000  }
0xaa: {  	[spmem:s2] =	stream.indirect.scatter.add.f32 [tilespmem:s20], [sflag:$0x3], $0x80, s29, s22, $0xb8;
	[tilespmem:$0x1C000] =	vst v63  }
0xab: {  	_ =	swait.ge [sflag:s19], $0x4000  }
0xac: {  	[sflag:s19] =	ssyncset.done $0x0  }
0xad: {  	[sflag:s19] =	ssyncadd.s32 $0xFFFFC000  }
0xae: {  	_ =	swait.ge [sflag:s25], $0x4000  }
.Ltmp1:
0xaf: {  	[sflag:s25] =	ssyncset.done $0x0;
	(pc) =	sbr.rel @p0 .LBB2_4-.Ltmp1, $4  }
0xb0: {  	s29 =	sadd.s32 $0x5080, s30;
	[sflag:s25] =	ssyncadd.s32 $0xFFFFC000  }
0xb1: {  	[spmem:s2] =	stream.indirect.scatter.add.f32 [tilespmem:s23], [sflag:$0x3], $0x80, s29, s22, $0xb8;
	[tilespmem:$0x1C000] =	vst v63  }
0xb2: {  	_ =	swait.ge [sflag:s19], $0x4000  }
0xb3: {  	s29 =	smov.u32 s31;
	[sflag:s19] =	ssyncset.done $0x0  }
0xb4: {  	s28 =	sshra.s32 s28, $0x2;
	[sflag:s19] =	ssyncadd.s32 $0xFFFFC000  }
0xb5: {  	[tilespmem:s20], [sflag:$0x1] =	stream.indirect.gather [hbm4b:s4+s22], $0x80, s28, s22, $0xb8;
	[tilespmem:$0x1C000] =	vst v63  }
0xb6: {  	s29 =	sadd.s32 $0x80, s28  }
0xb7: {  	[tilespmem:s23], [sflag:$0x2] =	stream.indirect.gather [hbm4b:s4+s22], $0x80, s29, s22, $0xb8;
	[tilespmem:$0x1C000] =	vst v63  }
0xb8: {  	_ =	swait.ge [sflag:s24], $0x4000  }
0xb9: {  	[sflag:s24] =	ssyncset.done $0x0  }
0xba: {  	s31 =	sadd.s32 $0x5000, s28;
	[sflag:s24] =	ssyncadd.s32 $0xFFFFC000  }
0xbb: {  	[spmem:s2] =	stream.indirect.scatter.add.f32 [tilespmem:s20], [sflag:$0x3], $0x80, s31, s22, $0xb8;
	[tilespmem:$0x1C000] =	vst v63  }
0xbc: {  	_ =	swait.ge [sflag:s19], $0x4000  }
0xbd: {  	[sflag:s19] =	ssyncset.done $0x0  }
0xbe: {  	[sflag:s19] =	ssyncadd.s32 $0xFFFFC000  }
0xbf: {  	_ =	swait.ge [sflag:s25], $0x4000  }
0xc0: {  	[sflag:s25] =	ssyncset.done $0x0  }
0xc1: {  	s28 =	sadd.s32 $0x5080, s28;
	[sflag:s25] =	ssyncadd.s32 $0xFFFFC000  }
0xc2: {  	[spmem:s2] =	stream.indirect.scatter.add.f32 [tilespmem:s23], [sflag:$0x3], $0x80, s28, s22, $0xb8;
	[tilespmem:$0x1C000] =	vst v63  }
0xc3: {  	_ =	swait.ge [sflag:s19], $0x4000  }
0xc4: {  	[sflag:s19] =	ssyncset.done $0x0  }
0xc5: {  	[sflag:s19] =	ssyncadd.s32 $0xFFFFC000  }
0xc6: {  	[bflag:$0x0] =	sbarrier.arrive $0xFFFF  }
0xc7: {  	[tilespmem:s20], [sflag:$0x3] =	stream.linear.gather [spmem:s7], $0x4000, $0x38;
	[tilespmem:$0x1C000] =	vst v63  }
0xc8: {  	_ =	swait.ge [sflag:s19], $0x4000  }
0xc9: {  	[sflag:s19] =	ssyncset.done $0x0  }
0xca: {  	[sflag:s19] =	ssyncadd.s32 $0xFFFFC000  }
0xcb: {  	[hbm4b:s15+s3] =	stream.linear.scatter [tilespmem:s20], [sflag:$0x3], $0x4000, $0x38;
	[tilespmem:$0x1C000] =	vst v63  }
0xcc: {  	_ =	swait.ge [sflag:s19], $0x4000  }
0xcd: {  	[sflag:s19] =	ssyncset.done $0x0  }
0xce: {  	[sflag:s19] =	ssyncadd.s32 $0xFFFFC000  }
0xcf: {  	[tilespmem:s20], [sflag:$0x3] =	stream.linear.gather [spmem:s8], $0x4000, $0x38;
	[tilespmem:$0x1C000] =	vst v63  }
0xd0: {  	_ =	swait.ge [sflag:s19], $0x4000  }
0xd1: {  	[sflag:s19] =	ssyncset.done $0x0  }
0xd2: {  	[sflag:s19] =	ssyncadd.s32 $0xFFFFC000  }
0xd3: {  	[hbm4b:s16+s3] =	stream.linear.scatter [tilespmem:s20], [sflag:$0x3], $0x4000, $0x38;
	[tilespmem:$0x1C000] =	vst v63  }
0xd4: {  	_ =	swait.ge [sflag:s19], $0x4000  }
0xd5: {  	[sflag:s19] =	ssyncset.done $0x0  }
0xd6: {  	[sflag:s19] =	ssyncadd.s32 $0xFFFFC000  }
0xd7: {  	[tilespmem:s20], [sflag:$0x3] =	stream.linear.gather [spmem:s9], $0x2000, $0x38;
	[tilespmem:$0x1C000] =	vst v63  }
0xd8: {  	s26 =	sadd.s32 $0x1, s26;
	_ =	swait.ge [sflag:s19], $0x2000  }
0xd9: {  	p0 =	sne.s32 s26, s18;
	[sflag:s19] =	ssyncset.done $0x0  }
.Ltmp2:
0xda: {  	[sflag:s19] =	ssyncadd.s32 $0xFFFFE000;
	(pc) =	sbr.rel @p0 .LBB2_1-.Ltmp2, $4  }
0xdb: {  	[hbm4b:s17+s3] =	stream.linear.scatter [tilespmem:s20], [sflag:$0x3], $0x2000, $0x38;
	[tilespmem:$0x1C000] =	vst v63  }
0xdc: {  	_ =	swait.ge [sflag:s19], $0x2000  }
0xdd: {  	[sflag:s19] =	ssyncset.done $0x0  }
0xde: {  	[sflag:s19] =	ssyncadd.s32 $0xFFFFE000  }
0xdf: {  	_ =	sfence.sel $0x180000  }
0xe0: {  	[bflag:$0x0] =	sbarrier.arrive $0xFFFF  }
0xe1: {  	p0 =	sne.s32 s0, $0x0;
	_ =	strace $0x90000050  }
0xe2: {  	s0 =	sadd.s32 @!p0 $0x100000, s1;
	[bflag:$0x2] =	sbarrier.arrive $0xFFFF  }
0xe3: {  	[sflag:s0] =	ssyncadd.tile.s32 @!p0 $0x1;
	_ =	shalt  }
.Lfunc_end2:
_tile_overlayer_lowered:
.L_overlay_start_2:
0xe4: {  	(tag) =	ssettag $0x2  }
0xe5: {  	s0 =	rddreg [dreg:$0x0];
	s2 =	stileid.u32  }
0xe6: {  	s1 =	rddreg [dreg:$0x1];
	p0 =	sne.s32 s2, $0x0  }
0xe7: {  	s3 =	rddreg [dreg:$0x2];
	[bflag:$0x3] =	sbarrier.arrive $0xFFFF;
	s2 =	simm.s32 @!p0 $0x1C03  }
0xe8: {  	[timem:s3], [sflag:s2] =	dma.local @!p0 [hbm:s0], s1  }
0xe9: {  	s0 =	simm.s32 @!p0 $0x3  }
0xea: {  	_ =	swait.ge @!p0 [sflag:s0], s1  }
0xeb: {  	s1 =	ssub.s32 @!p0 $0x0, s1;
	[sflag:s0] =	ssyncset.done @!p0 $0x0  }
0xec: {  	[sflag:s0] =	ssyncadd.s32 @!p0 s1  }
0xed: {  	[bflag:$0x3] =	sbarrier.arrive $0xFFFF  }
0xee: {  	_ =	shalt  }

</sc_bundles>
